<compile_context>
chip_gen: v7x
topology: tpu7x:2x2x1
jax: 0.10.2.dev20260603
libtpu: 0.0.44.dev20260713+nightly
codegen_flags: <defaults>
</compile_context>

<pallas_src>
import functools
import math

import jax
import jax.numpy as jnp
from jax import lax
from jax.experimental import pallas as pl
from jax.experimental.pallas import tpu as pltpu
from jax.experimental.pallas import tpu_sc as plsc

_N = 10000
_S = 32
_H = 128



@functools.cache
def _make_sc_gather(T: int, D: int, dirs: int = 2, C: int = 40,
                    dtype=jnp.int32):
    M = dirs * _S * _N
    info = plsc.get_sparse_core_info()
    nc, ns = info.num_cores, info.num_subcores
    nw = nc * ns
    per_w = M // nw
    nch = per_w // C
    nch_s = _N // C
    assert per_w == dirs * _N and _N % C == 0 and C % 8 == 0
    assert nch % 2 == 0 and nch >= 8
    mesh = plsc.VectorSubcoreMesh(core_axis_name="c", subcore_axis_name="s")

    @functools.partial(
        pl.kernel,
        mesh=mesh,
        out_type=jax.ShapeDtypeStruct((dirs * _S, _N, D), dtype),
        scratch_types=[
            pltpu.VMEM((per_w,), jnp.int32),
        ] + [pltpu.VMEM((C, D), dtype) for _ in range(4)]
          + [pltpu.SemaphoreType.DMA for _ in range(8)],
    )
    def gather_k(table_hbm, idx_hbm, out_hbm, idx_v,
                 r0, r1, r2, r3, g0, g1, g2, g3, w0, w1, w2, w3):
        wid = lax.axis_index("s") * nc + lax.axis_index("c")
        base = pl.multiple_of(wid * per_w, 8)
        rows = [r0, r1, r2, r3]
        sg = [g0, g1, g2, g3]
        sw = [w0, w1, w2, w3]
        pltpu.sync_copy(idx_hbm.at[pl.ds(base, per_w)], idx_v)

        def g_desc(jj, b):
            off = pl.multiple_of(jj * C, 8)
            return pltpu.make_async_copy(
                table_hbm.at[idx_v.at[pl.ds(off, C)]], rows[b], sg[b])

        def w_desc(jj, b):
            s_idx = dirs * wid + jj // nch_s
            n_off = pl.multiple_of((jj % nch_s) * C, 8)
            return pltpu.make_async_copy(
                rows[b], out_hbm.at[s_idx, pl.ds(n_off, C)], sw[b])

        g_desc(0, 0).start()
        g_desc(1, 1).start()
        ngrp = nch // 4
        rem = nch - 4 * ngrp

        def body(j, carry):
            for b in range(4):
                jj = 4 * j + b

                @pl.when(jj >= 2)
                def _():
                    w_desc(jj - 2, (b + 2) % 4).wait()

                if rem == 0:
                    @pl.when(jj + 2 < nch)
                    def _():
                        g_desc(jj + 2, (b + 2) % 4).start()
                else:
                    g_desc(jj + 2, (b + 2) % 4).start()
                g_desc(jj, b).wait()
                w_desc(jj, b).start()
            return carry

        lax.fori_loop(0, ngrp, body, 0)
        for jj in range(4 * ngrp, nch):
            b = jj % 4
            w_desc(jj - 2, (b + 2) % 4).wait()
            if jj + 2 < nch:
                g_desc(jj + 2, (b + 2) % 4).start()
            g_desc(jj, b).wait()
            w_desc(jj, b).start()
        w_desc(nch - 2, (nch - 2) % 4).wait()
        w_desc(nch - 1, (nch - 1) % 4).wait()

    return gather_k



_HIMASK = -65536


def _unpack2(gi):
    ga = jax.lax.bitcast_convert_type(gi << 16, jnp.float32)
    gb = jax.lax.bitcast_convert_type(gi & _HIMASK, jnp.float32)
    return ga, gb


def _pack2(ha, hb):
    ua = jax.lax.bitcast_convert_type(ha, jnp.int32)
    ub = jax.lax.bitcast_convert_type(hb, jnp.int32)
    ua = ua + 0x7FFF + ((ua >> 16) & 1)
    ub = ub + 0x7FFF + ((ub >> 16) & 1)
    return jax.lax.shift_right_logical(ua, 16) | (ub & _HIMASK)


def _attn_math(self_ref, g_ref, w_ref, *, d, hh, inv, packed):
    wm = w_ref[0]
    sh = self_ref[...]
    q = jnp.dot(sh, wm[:, :d], preferred_element_type=jnp.float32)
    sp = jnp.dot(sh, wm[:, d:d + hh], preferred_element_type=jnp.float32)

    if packed:
        d2 = d // 2
        halves = lambda s: _unpack2(g_ref[s])
        qparts = (q[:, :d2], q[:, d2:])
    else:
        halves = lambda s: (g_ref[s],)
        qparts = (q,)

    cols = []
    for s in range(_S):
        gs = halves(s)
        acc = qparts[0] * gs[0]
        for qp, gp in zip(qparts[1:], gs[1:]):
            acc = acc + qp * gp
        cols.append(jnp.sum(acc, axis=1, keepdims=True))
    sc = jnp.concatenate(cols, axis=1) * inv
    m = jnp.max(sc, axis=1, keepdims=True)
    e = jnp.exp(sc - m)
    a = e / jnp.sum(e, axis=1, keepdims=True)

    aggs = [a[:, 0:1] * gp for gp in halves(0)]
    for s in range(1, _S):
        gs = halves(s)
        for k in range(len(aggs)):
            aggs[k] = aggs[k] + a[:, s:s + 1] * gs[k]
    agg = aggs[0] if len(aggs) == 1 else jnp.concatenate(aggs, axis=1)
    np_ = jnp.dot(agg, wm[:, d + hh:], preferred_element_type=jnp.float32)
    return jnp.maximum(jnp.concatenate([sp, np_], axis=1), 0.0)


def _attn0_dir(x, g_sm, w, bn: int = 400):
    d, hh = _H, _H

    def body(self_ref, g_ref, w_ref, out_ref, outp_ref):
        h = _attn_math(self_ref, g_ref, w_ref, d=d, hh=hh,
                       inv=1.0 / math.sqrt(float(d)), packed=False)
        out_ref[...] = h
        outp_ref[...] = _pack2(h[:, :hh], h[:, hh:])

    return pl.pallas_call(
        body,
        grid=(_N // bn,),
        in_specs=[
            pl.BlockSpec((bn, d), lambda i: (i, 0)),
            pl.BlockSpec((_S, bn, d), lambda i: (0, i, 0)),
            pl.BlockSpec((1, d, d + 2 * hh), lambda i: (0, 0, 0)),
        ],
        out_specs=[
            pl.BlockSpec((bn, 2 * hh), lambda i: (i, 0)),
            pl.BlockSpec((bn, hh), lambda i: (i, 0)),
        ],
        out_shape=[jax.ShapeDtypeStruct((_N, 2 * hh), jnp.float32),
                   jax.ShapeDtypeStruct((_N, hh), jnp.int32)],
    )(x, g_sm, w)


def _attn1_dir(t1, g_sm, w, bn: int = 400):
    d, hh = 2 * _H, _H

    def body(self_ref, g_ref, w_ref, out_ref):
        h = _attn_math(self_ref, g_ref, w_ref, d=d, hh=hh,
                       inv=1.0 / math.sqrt(float(d)), packed=True)
        out_ref[...] = h

    return pl.pallas_call(
        body,
        grid=(_N // bn,),
        in_specs=[
            pl.BlockSpec((bn, d), lambda i: (i, 0)),
            pl.BlockSpec((_S, bn, d // 2), lambda i: (0, i, 0)),
            pl.BlockSpec((1, d, d + 2 * hh), lambda i: (0, 0, 0)),
        ],
        out_specs=pl.BlockSpec((bn, 2 * hh), lambda i: (i, 0)),
        out_shape=jax.ShapeDtypeStruct((_N, 2 * hh), jnp.float32),
    )(t1, g_sm, w)



def kernel(x, fw_adj, bw_adj, fw_W0, fw_W1, bw_W0, bw_W1):
    fw_nb = fw_adj[:_N, :_S].astype(jnp.int32)
    bw_nb = bw_adj[:_N, :_S].astype(jnp.int32)
    fw_idx = fw_nb.T.reshape(-1)
    bw_idx = bw_nb.T.reshape(-1)

    gather0 = _make_sc_gather(_N, _H, dirs=1, dtype=jnp.float32)
    gather1 = _make_sc_gather(_N, _H, dirs=1, dtype=jnp.int32)

    g0f = gather0(x, fw_idx)
    g0b = gather0(x, bw_idx)
    t1f, t1fpk = _attn0_dir(x, g0f, fw_W0[None])
    g1f = gather1(t1fpk, fw_idx)
    t1b, t1bpk = _attn0_dir(x, g0b, bw_W0[None])
    g1b = gather1(t1bpk, bw_idx)
    h1f = _attn1_dir(t1f, g1f, fw_W1[None])
    h1b = _attn1_dir(t1b, g1b, bw_W1[None])
    return jnp.concatenate([h1f, h1b], axis=-1)

# --- scband reference (transcript-rebuilt; emitter-appended) ---
"""Pipeline reference for scband-graph2-seq-35699768164476 (READ-ONLY COPY).

The authoritative reference and input builder live on the scoring server;
editing this copy changes nothing except your own understanding.
"""

import jax, jax.numpy as jnp
import numpy as np

N = 10000
H = 128
S = 32


def setup_inputs(seed: int = 0) -> dict:
    key = jax.random.key(seed)
    ks = jax.random.split(key, 8)
    x = jax.random.normal(ks[0], (N, H), dtype=jnp.float32)
    fw_adj = jax.random.randint(ks[1], (N + 1, S), 0, N).astype(jnp.int64)
    bw_adj = jax.random.randint(ks[2], (N + 1, S), 0, N).astype(jnp.int64)
    sc = 0.05
    # packed aggregator weights: W = [Wq (in,in) | Ws (in,H) | Wn (in,H)]
    fw_W0 = jax.random.normal(ks[3], (H, 3 * H), dtype=jnp.float32) * sc
    fw_W1 = jax.random.normal(ks[4], (2 * H, 4 * H), dtype=jnp.float32) * sc
    bw_W0 = jax.random.normal(ks[5], (H, 3 * H), dtype=jnp.float32) * sc
    bw_W1 = jax.random.normal(ks[6], (2 * H, 4 * H), dtype=jnp.float32) * sc
    return {"x": x, "fw_adj": fw_adj, "bw_adj": bw_adj,
            "fw_W0": fw_W0, "fw_W1": fw_W1, "bw_W0": bw_W0, "bw_W1": bw_W1}


def _aggregate(self_h, neigh_h, W):
    # GatedAttnAggregator: attention over sampled neighbors, gated concat output
    ind = self_h.shape[1]
    h = (W.shape[1] - ind) // 2
    q = self_h @ W[:, :ind]
    scores = jnp.einsum('nd,nsd->ns', q, neigh_h) / jnp.sqrt(jnp.float32(ind))
    attn = jax.nn.softmax(scores, axis=-1)
    agg = jnp.einsum('ns,nsd->nd', attn, neigh_h)
    s = self_h @ W[:, ind:ind + h]
    n = agg @ W[:, ind + h:]
    return jax.nn.relu(jnp.concatenate([s, n], axis=-1))


def reference(x, fw_adj, bw_adj, fw_W0, fw_W1, bw_W0, bw_W1):
    fw_nb = fw_adj[:-1, :S]
    bw_nb = bw_adj[:-1, :S]
    # embedded_node_rep with zero padding row at index N
    rep = jnp.concatenate([x, jnp.zeros((1, H), x.dtype)], axis=0)
    fw_hidden = x
    bw_hidden = x
    # layer 0: gather raw node reps (F.embedding(fw_sampled_neighbors, embedded_node_rep))
    fw_hidden = _aggregate(fw_hidden, jnp.take(rep, fw_nb, axis=0), fw_W0)
    bw_hidden = _aggregate(bw_hidden, jnp.take(rep, bw_nb, axis=0), bw_W0)
    # layer 1: gather layer-0 hiddens (dim 2H) with zero padding row
    fw_rep = jnp.concatenate([fw_hidden, jnp.zeros((1, 2 * H), x.dtype)], axis=0)
    bw_rep = jnp.concatenate([bw_hidden, jnp.zeros((1, 2 * H), x.dtype)], axis=0)
    fw_hidden = _aggregate(fw_hidden, jnp.take(fw_rep, fw_nb, axis=0), fw_W1)
    bw_hidden = _aggregate(bw_hidden, jnp.take(bw_rep, bw_nb, axis=0), bw_W1)
    # bi-directional graph encoding: concat fw/bw node states
    return jnp.concatenate([fw_hidden, bw_hidden], axis=-1)

if __name__ == "__main__":
    import jax
    _d = setup_inputs()
    print(jax.jit(kernel)(*tuple(_d.values())))

</pallas_src>

<mosaic_0001>
#map = affine_map<(d0, d1) -> (0, 0)>
#map1 = affine_map<(d0, d1) -> (0)>
#map2 = affine_map<(d0, d1) -> (0, 0, 0)>
module attributes {stable_mosaic.version = 14 : i64} {
  func.func @gather_k(%arg0: i32, %arg1: i32, %arg2: memref<10000x128xf32, #tpu.memory_space<hbm>>, %arg3: memref<320000xi32, #tpu.memory_space<hbm>>, %arg4: memref<32x10000x128xf32, #tpu.memory_space<hbm>>, %arg5: memref<10000xi32, #tpu.memory_space<vmem>>, %arg6: memref<40x128xf32, #tpu.memory_space<vmem>>, %arg7: memref<40x128xf32, #tpu.memory_space<vmem>>, %arg8: memref<40x128xf32, #tpu.memory_space<vmem>>, %arg9: memref<40x128xf32, #tpu.memory_space<vmem>>, %arg10: memref<!tpu.dma_semaphore, #tpu.memory_space<semaphore_mem>>, %arg11: memref<!tpu.dma_semaphore, #tpu.memory_space<semaphore_mem>>, %arg12: memref<!tpu.dma_semaphore, #tpu.memory_space<semaphore_mem>>, %arg13: memref<!tpu.dma_semaphore, #tpu.memory_space<semaphore_mem>>, %arg14: memref<!tpu.dma_semaphore, #tpu.memory_space<semaphore_mem>>, %arg15: memref<!tpu.dma_semaphore, #tpu.memory_space<semaphore_mem>>, %arg16: memref<!tpu.dma_semaphore, #tpu.memory_space<semaphore_mem>>, %arg17: memref<!tpu.dma_semaphore, #tpu.memory_space<semaphore_mem>>) attributes {dimension_semantics = [#tpu.dimension_semantics<core_parallel>, #tpu.dimension_semantics<subcore_parallel>], iteration_bounds = array<i64: 2, 16>, scalar_prefetch = 0 : i64, scratch_operands = 13 : i64, tpu.core_type = #tpu.core_type<sc_vector_subcore>, window_params = [{transform_indices = #map}, {transform_indices = #map1}, {transform_indices = #map2}]} {
    %mul3A = arith.constant 2 : i32
    %mul3A_0 = arith.muli %arg1, %mul3A : i32
    %add3A = arith.addi %mul3A_0, %arg0 : i32
    %mul3A_1 = arith.constant 10000 : i32
    %mul3A_2 = arith.muli %add3A, %mul3A_1 : i32
    %multiple_of3A = tpu.assume_multiple %mul3A_2, 8 : i32
    "tpu.region"() ({
      %run_scoped3A = tpu.sem_alloc : memref<!tpu.dma_semaphore, #tpu.memory_space<semaphore_mem>>
      %dma_start3A_102 = tpu.memref_slice %arg3[%multiple_of3A] : memref<320000xi32, #tpu.memory_space<hbm>> -> memref<10000xi32, #tpu.memory_space<hbm>>
      %dma_start3A_103 = tpu.memref_slice %arg3[%multiple_of3A] : memref<320000xi32, #tpu.memory_space<hbm>> -> memref<10000xi32, #tpu.memory_space<hbm>>
      tpu.enqueue_dma source(%dma_start3A_103 : memref<10000xi32, #tpu.memory_space<hbm>>) target(%arg5 : memref<10000xi32, #tpu.memory_space<vmem>>) target_semaphore(%run_scoped3A : memref<!tpu.dma_semaphore, #tpu.memory_space<semaphore_mem>>)
      %dma_wait3A_104 = tpu.memref_slice %arg3[%multiple_of3A] : memref<320000xi32, #tpu.memory_space<hbm>> -> memref<10000xi32, #tpu.memory_space<hbm>>
      %dma_wait3A_105 = tpu.memref_slice %arg3[%multiple_of3A] : memref<320000xi32, #tpu.memory_space<hbm>> -> memref<10000xi32, #tpu.memory_space<hbm>>
      tpu.wait_dma2 semaphore(%run_scoped3A : memref<!tpu.dma_semaphore, #tpu.memory_space<semaphore_mem>>) src(%dma_wait3A_105 : memref<10000xi32, #tpu.memory_space<hbm>>) dst(%arg5 : memref<10000xi32, #tpu.memory_space<vmem>>)
      tpu.yield
    }) : () -> ()
    %multiple_of3A_3 = arith.constant 0 : i32
    %multiple_of3A_4 = tpu.assume_multiple %multiple_of3A_3, 8 : i32
    %dma_start3A = tpu.memref_slice %arg5[%multiple_of3A_4] : memref<10000xi32, #tpu.memory_space<vmem>> -> memref<40xi32, #tpu.memory_space<vmem>>
    %dma_start3A_5 = arith.constant 0 : i32
    %dma_start3A_6 = arith.constant 0 : i32
    %dma_start3A_7 = tpu.memref_slice %arg2[%dma_start3A_5, %dma_start3A_6] : memref<10000x128xf32, #tpu.memory_space<hbm>> -> memref<10000x128xf32, #tpu.memory_space<hbm>>
    tpu.enqueue_indirect_dma source(%dma_start3A_7 : memref<10000x128xf32, #tpu.memory_space<hbm>>) target(%arg6 : memref<40x128xf32, #tpu.memory_space<vmem>>) offsets(%dma_start3A : memref<40xi32, #tpu.memory_space<vmem>>) semaphore(%arg10 : memref<!tpu.dma_semaphore, #tpu.memory_space<semaphore_mem>>)
    %multiple_of3A_8 = arith.constant 40 : i32
    %multiple_of3A_9 = tpu.assume_multiple %multiple_of3A_8, 8 : i32
    %dma_start3A_10 = tpu.memref_slice %arg5[%multiple_of3A_9] : memref<10000xi32, #tpu.memory_space<vmem>> -> memref<40xi32, #tpu.memory_space<vmem>>
    %dma_start3A_11 = arith.constant 0 : i32
    %dma_start3A_12 = arith.constant 0 : i32
    %dma_start3A_13 = tpu.memref_slice %arg2[%dma_start3A_11, %dma_start3A_12] : memref<10000x128xf32, #tpu.memory_space<hbm>> -> memref<10000x128xf32, #tpu.memory_space<hbm>>
    tpu.enqueue_indirect_dma source(%dma_start3A_13 : memref<10000x128xf32, #tpu.memory_space<hbm>>) target(%arg7 : memref<40x128xf32, #tpu.memory_space<vmem>>) offsets(%dma_start3A_10 : memref<40xi32, #tpu.memory_space<vmem>>) semaphore(%arg11 : memref<!tpu.dma_semaphore, #tpu.memory_space<semaphore_mem>>)
    %scan3A = arith.constant 0 : i32
    %scan3A_14 = arith.constant 0 : i32
    %scan3A_15 = arith.constant 62 : i32
    %scan3A_16 = arith.addi %scan3A_14, %scan3A_15 : i32
    %scan3A_17 = arith.constant 1 : i32
    scf.for %scan3A_102 = %scan3A_14 to %scan3A_16 step %scan3A_17  : i32 {
      %mul3A_103 = arith.constant 4 : i32
      %mul3A_104 = arith.muli %mul3A_103, %scan3A_102 : i32
      %add3A_105 = arith.constant 0 : i32
      %add3A_106 = arith.addi %mul3A_104, %add3A_105 : i32
      %ge3A = arith.constant 2 : i32
      %ge3A_107 = arith.cmpi sge, %add3A_106, %ge3A : i32
      %convert_element_type3A = arith.extui %ge3A_107 : i1 to i32
      %cond3A = arith.constant 0 : i32
      %cond3A_108 = arith.cmpi ne, %convert_element_type3A, %cond3A : i32
      scf.if %cond3A_108 {
        %sub3A_398 = arith.constant 2 : i32
        %sub3A_399 = arith.subi %add3A_106, %sub3A_398 : i32
        %mul3A_400 = arith.constant 1 : i32
        %mul3A_401 = arith.muli %mul3A_400, %add3A : i32
        %jit3A_402 = arith.constant 250 : i32
        %div3A_403 = arith.divsi %sub3A_399, %jit3A_402 : i32
        %sign3A_404 = arith.constant 0 : i32
        %sign3A_405 = arith.cmpi sgt, %sub3A_399, %sign3A_404 : i32
        %sign3A_406 = arith.extui %sign3A_405 : i1 to i32
        %sign3A_407 = arith.constant 0 : i32
        %sign3A_408 = arith.cmpi slt, %sub3A_399, %sign3A_407 : i32
        %sign3A_409 = arith.extui %sign3A_408 : i1 to i32
        %sign3A_410 = arith.subi %sign3A_406, %sign3A_409 : i32
        %sign3A_411 = arith.constant 0 : i32
        %sign3A_412 = arith.cmpi sgt, %jit3A_402, %sign3A_411 : i32
        %sign3A_413 = arith.extui %sign3A_412 : i1 to i32
        %sign3A_414 = arith.constant 0 : i32
        %sign3A_415 = arith.cmpi slt, %jit3A_402, %sign3A_414 : i32
        %sign3A_416 = arith.extui %sign3A_415 : i1 to i32
        %sign3A_417 = arith.subi %sign3A_413, %sign3A_416 : i32
        %ne3A_418 = arith.cmpi ne, %sign3A_410, %sign3A_417 : i32
        %rem3A_419 = arith.remsi %sub3A_399, %jit3A_402 : i32
        %ne3A_420 = arith.constant 0 : i32
        %ne3A_421 = arith.cmpi ne, %rem3A_419, %ne3A_420 : i32
        %and3A_422 = arith.andi %ne3A_418, %ne3A_421 : i1
        %sub3A_423 = arith.constant 1 : i32
        %sub3A_424 = arith.subi %div3A_403, %sub3A_423 : i32
        %select_n3A_425 = arith.select %and3A_422, %sub3A_424, %div3A_403 : i32
        %add3A_426 = arith.addi %mul3A_401, %select_n3A_425 : i32
        %jit3A_427 = arith.constant 250 : i32
        %eq3A_428 = arith.constant 0 : i32
        %eq3A_429 = arith.cmpi eq, %jit3A_427, %eq3A_428 : i32
        %jit3A_430 = arith.constant 1 : i32
        %select_n3A_431 = arith.select %eq3A_429, %jit3A_430, %jit3A_427 : i32
        %rem3A_432 = arith.remsi %sub3A_399, %select_n3A_431 : i32
        %ne3A_433 = arith.constant 0 : i32
        %ne3A_434 = arith.cmpi ne, %rem3A_432, %ne3A_433 : i32
        %lt3A_435 = arith.constant 0 : i32
        %lt3A_436 = arith.cmpi slt, %rem3A_432, %lt3A_435 : i32
        %lt3A_437 = arith.constant 0 : i32
        %lt3A_438 = arith.cmpi slt, %select_n3A_431, %lt3A_437 : i32
        %ne3A_439 = arith.xori %lt3A_436, %lt3A_438 : i1
        %and3A_440 = arith.andi %ne3A_439, %ne3A_434 : i1
        %add3A_441 = arith.addi %rem3A_432, %select_n3A_431 : i32
        %select_n3A_442 = arith.select %and3A_440, %add3A_441, %rem3A_432 : i32
        %mul3A_443 = arith.constant 40 : i32
        %mul3A_444 = arith.muli %select_n3A_442, %mul3A_443 : i32
        %multiple_of3A_445 = tpu.assume_multiple %mul3A_444, 8 : i32
        %dma_wait3A_446 = arith.constant 0 : i32
        %dma_wait3A_447 = tpu.memref_slice %arg4[%add3A_426, %multiple_of3A_445, %dma_wait3A_446] : memref<32x10000x128xf32, #tpu.memory_space<hbm>> -> memref<1x40x128xf32, #tpu.memory_space<hbm>>
        %dma_wait3A_448 = tpu.memref_squeeze %dma_wait3A_447 : memref<1x40x128xf32, #tpu.memory_space<hbm>> -> memref<40x128xf32, #tpu.memory_space<hbm>>
        %dma_wait3A_449 = arith.constant 0 : i32
        %dma_wait3A_450 = tpu.memref_slice %arg4[%add3A_426, %multiple_of3A_445, %dma_wait3A_449] : memref<32x10000x128xf32, #tpu.memory_space<hbm>> -> memref<1x40x128xf32, #tpu.memory_space<hbm>>
        %dma_wait3A_451 = tpu.memref_squeeze %dma_wait3A_450 : memref<1x40x128xf32, #tpu.memory_space<hbm>> -> memref<40x128xf32, #tpu.memory_space<hbm>>
        tpu.wait_dma2 semaphore(%arg16 : memref<!tpu.dma_semaphore, #tpu.memory_space<semaphore_mem>>) src(%arg8 : memref<40x128xf32, #tpu.memory_space<vmem>>) dst(%dma_wait3A_451 : memref<40x128xf32, #tpu.memory_space<hbm>>)
      } else {
      }
      %add3A_109 = arith.constant 2 : i32
      %add3A_110 = arith.addi %add3A_106, %add3A_109 : i32
      %mul3A_111 = arith.constant 40 : i32
      %mul3A_112 = arith.muli %add3A_110, %mul3A_111 : i32
      %multiple_of3A_113 = tpu.assume_multiple %mul3A_112, 8 : i32
      %dma_start3A_114 = tpu.memref_slice %arg5[%multiple_of3A_113] : memref<10000xi32, #tpu.memory_space<vmem>> -> memref<40xi32, #tpu.memory_space<vmem>>
      %dma_start3A_115 = arith.constant 0 : i32
      %dma_start3A_116 = arith.constant 0 : i32
      %dma_start3A_117 = tpu.memref_slice %arg2[%dma_start3A_115, %dma_start3A_116] : memref<10000x128xf32, #tpu.memory_space<hbm>> -> memref<10000x128xf32, #tpu.memory_space<hbm>>
      tpu.enqueue_indirect_dma source(%dma_start3A_117 : memref<10000x128xf32, #tpu.memory_space<hbm>>) target(%arg8 : memref<40x128xf32, #tpu.memory_space<vmem>>) offsets(%dma_start3A_114 : memref<40xi32, #tpu.memory_space<vmem>>) semaphore(%arg12 : memref<!tpu.dma_semaphore, #tpu.memory_space<semaphore_mem>>)
      %mul3A_118 = arith.constant 40 : i32
      %mul3A_119 = arith.muli %add3A_106, %mul3A_118 : i32
      %multiple_of3A_120 = tpu.assume_multiple %mul3A_119, 8 : i32
      %dma_wait3A_121 = tpu.memref_slice %arg5[%multiple_of3A_120] : memref<10000xi32, #tpu.memory_space<vmem>> -> memref<40xi32, #tpu.memory_space<vmem>>
      %dma_wait3A_122 = arith.constant 0 : i32
      %dma_wait3A_123 = arith.constant 0 : i32
      %dma_wait3A_124 = tpu.memref_slice %arg2[%dma_wait3A_122, %dma_wait3A_123] : memref<10000x128xf32, #tpu.memory_space<hbm>> -> memref<10000x128xf32, #tpu.memory_space<hbm>>
      tpu.wait_indirect_dma semaphore(%arg10 : memref<!tpu.dma_semaphore, #tpu.memory_space<semaphore_mem>>) src(%dma_wait3A_124 : memref<10000x128xf32, #tpu.memory_space<hbm>>) dst(%arg6 : memref<40x128xf32, #tpu.memory_space<vmem>>)
      %mul3A_125 = arith.constant 1 : i32
      %mul3A_126 = arith.muli %mul3A_125, %add3A : i32
      %jit3A = arith.constant 250 : i32
      %div3A = arith.divsi %add3A_106, %jit3A : i32
      %sign3A = arith.constant 0 : i32
      %sign3A_127 = arith.cmpi sgt, %add3A_106, %sign3A : i32
      %sign3A_128 = arith.extui %sign3A_127 : i1 to i32
      %sign3A_129 = arith.constant 0 : i32
      %sign3A_130 = arith.cmpi slt, %add3A_106, %sign3A_129 : i32
      %sign3A_131 = arith.extui %sign3A_130 : i1 to i32
      %sign3A_132 = arith.subi %sign3A_128, %sign3A_131 : i32
      %sign3A_133 = arith.constant 0 : i32
      %sign3A_134 = arith.cmpi sgt, %jit3A, %sign3A_133 : i32
      %sign3A_135 = arith.extui %sign3A_134 : i1 to i32
      %sign3A_136 = arith.constant 0 : i32
      %sign3A_137 = arith.cmpi slt, %jit3A, %sign3A_136 : i32
      %sign3A_138 = arith.extui %sign3A_137 : i1 to i32
      %sign3A_139 = arith.subi %sign3A_135, %sign3A_138 : i32
      %ne3A = arith.cmpi ne, %sign3A_132, %sign3A_139 : i32
      %rem3A = arith.remsi %add3A_106, %jit3A : i32
      %ne3A_140 = arith.constant 0 : i32
      %ne3A_141 = arith.cmpi ne, %rem3A, %ne3A_140 : i32
      %and3A = arith.andi %ne3A, %ne3A_141 : i1
      %sub3A = arith.constant 1 : i32
      %sub3A_142 = arith.subi %div3A, %sub3A : i32
      %select_n3A = arith.select %and3A, %sub3A_142, %div3A : i32
      %add3A_143 = arith.addi %mul3A_126, %select_n3A : i32
      %jit3A_144 = arith.constant 250 : i32
      %eq3A = arith.constant 0 : i32
      %eq3A_145 = arith.cmpi eq, %jit3A_144, %eq3A : i32
      %jit3A_146 = arith.constant 1 : i32
      %select_n3A_147 = arith.select %eq3A_145, %jit3A_146, %jit3A_144 : i32
      %rem3A_148 = arith.remsi %add3A_106, %select_n3A_147 : i32
      %ne3A_149 = arith.constant 0 : i32
      %ne3A_150 = arith.cmpi ne, %rem3A_148, %ne3A_149 : i32
      %lt3A = arith.constant 0 : i32
      %lt3A_151 = arith.cmpi slt, %rem3A_148, %lt3A : i32
      %lt3A_152 = arith.constant 0 : i32
      %lt3A_153 = arith.cmpi slt, %select_n3A_147, %lt3A_152 : i32
      %ne3A_154 = arith.xori %lt3A_151, %lt3A_153 : i1
      %and3A_155 = arith.andi %ne3A_154, %ne3A_150 : i1
      %add3A_156 = arith.addi %rem3A_148, %select_n3A_147 : i32
      %select_n3A_157 = arith.select %and3A_155, %add3A_156, %rem3A_148 : i32
      %mul3A_158 = arith.constant 40 : i32
      %mul3A_159 = arith.muli %select_n3A_157, %mul3A_158 : i32
      %multiple_of3A_160 = tpu.assume_multiple %mul3A_159, 8 : i32
      %dma_start3A_161 = arith.constant 0 : i32
      %dma_start3A_162 = tpu.memref_slice %arg4[%add3A_143, %multiple_of3A_160, %dma_start3A_161] : memref<32x10000x128xf32, #tpu.memory_space<hbm>> -> memref<1x40x128xf32, #tpu.memory_space<hbm>>
      %dma_start3A_163 = tpu.memref_squeeze %dma_start3A_162 : memref<1x40x128xf32, #tpu.memory_space<hbm>> -> memref<40x128xf32, #tpu.memory_space<hbm>>
      %dma_start3A_164 = arith.constant 0 : i32
      %dma_start3A_165 = tpu.memref_slice %arg4[%add3A_143, %multiple_of3A_160, %dma_start3A_164] : memref<32x10000x128xf32, #tpu.memory_space<hbm>> -> memref<1x40x128xf32, #tpu.memory_space<hbm>>
      %dma_start3A_166 = tpu.memref_squeeze %dma_start3A_165 : memref<1x40x128xf32, #tpu.memory_space<hbm>> -> memref<40x128xf32, #tpu.memory_space<hbm>>
      tpu.enqueue_dma source(%arg6 : memref<40x128xf32, #tpu.memory_space<vmem>>) target(%dma_start3A_166 : memref<40x128xf32, #tpu.memory_space<hbm>>) target_semaphore(%arg14 : memref<!tpu.dma_semaphore, #tpu.memory_space<semaphore_mem>>)
      %mul3A_167 = arith.constant 4 : i32
      %mul3A_168 = arith.muli %mul3A_167, %scan3A_102 : i32
      %add3A_169 = arith.constant 1 : i32
      %add3A_170 = arith.addi %mul3A_168, %add3A_169 : i32
      %ge3A_171 = arith.constant 2 : i32
      %ge3A_172 = arith.cmpi sge, %add3A_170, %ge3A_171 : i32
      %convert_element_type3A_173 = arith.extui %ge3A_172 : i1 to i32
      %cond3A_174 = arith.constant 0 : i32
      %cond3A_175 = arith.cmpi ne, %convert_element_type3A_173, %cond3A_174 : i32
      scf.if %cond3A_175 {
        %sub3A_398 = arith.constant 2 : i32
        %sub3A_399 = arith.subi %add3A_170, %sub3A_398 : i32
        %mul3A_400 = arith.constant 1 : i32
        %mul3A_401 = arith.muli %mul3A_400, %add3A : i32
        %jit3A_402 = arith.constant 250 : i32
        %div3A_403 = arith.divsi %sub3A_399, %jit3A_402 : i32
        %sign3A_404 = arith.constant 0 : i32
        %sign3A_405 = arith.cmpi sgt, %sub3A_399, %sign3A_404 : i32
        %sign3A_406 = arith.extui %sign3A_405 : i1 to i32
        %sign3A_407 = arith.constant 0 : i32
        %sign3A_408 = arith.cmpi slt, %sub3A_399, %sign3A_407 : i32
        %sign3A_409 = arith.extui %sign3A_408 : i1 to i32
        %sign3A_410 = arith.subi %sign3A_406, %sign3A_409 : i32
        %sign3A_411 = arith.constant 0 : i32
        %sign3A_412 = arith.cmpi sgt, %jit3A_402, %sign3A_411 : i32
        %sign3A_413 = arith.extui %sign3A_412 : i1 to i32
        %sign3A_414 = arith.constant 0 : i32
        %sign3A_415 = arith.cmpi slt, %jit3A_402, %sign3A_414 : i32
        %sign3A_416 = arith.extui %sign3A_415 : i1 to i32
        %sign3A_417 = arith.subi %sign3A_413, %sign3A_416 : i32
        %ne3A_418 = arith.cmpi ne, %sign3A_410, %sign3A_417 : i32
        %rem3A_419 = arith.remsi %sub3A_399, %jit3A_402 : i32
        %ne3A_420 = arith.constant 0 : i32
        %ne3A_421 = arith.cmpi ne, %rem3A_419, %ne3A_420 : i32
        %and3A_422 = arith.andi %ne3A_418, %ne3A_421 : i1
        %sub3A_423 = arith.constant 1 : i32
        %sub3A_424 = arith.subi %div3A_403, %sub3A_423 : i32
        %select_n3A_425 = arith.select %and3A_422, %sub3A_424, %div3A_403 : i32
        %add3A_426 = arith.addi %mul3A_401, %select_n3A_425 : i32
        %jit3A_427 = arith.constant 250 : i32
        %eq3A_428 = arith.constant 0 : i32
        %eq3A_429 = arith.cmpi eq, %jit3A_427, %eq3A_428 : i32
        %jit3A_430 = arith.constant 1 : i32
        %select_n3A_431 = arith.select %eq3A_429, %jit3A_430, %jit3A_427 : i32
        %rem3A_432 = arith.remsi %sub3A_399, %select_n3A_431 : i32
        %ne3A_433 = arith.constant 0 : i32
        %ne3A_434 = arith.cmpi ne, %rem3A_432, %ne3A_433 : i32
        %lt3A_435 = arith.constant 0 : i32
        %lt3A_436 = arith.cmpi slt, %rem3A_432, %lt3A_435 : i32
        %lt3A_437 = arith.constant 0 : i32
        %lt3A_438 = arith.cmpi slt, %select_n3A_431, %lt3A_437 : i32
        %ne3A_439 = arith.xori %lt3A_436, %lt3A_438 : i1
        %and3A_440 = arith.andi %ne3A_439, %ne3A_434 : i1
        %add3A_441 = arith.addi %rem3A_432, %select_n3A_431 : i32
        %select_n3A_442 = arith.select %and3A_440, %add3A_441, %rem3A_432 : i32
        %mul3A_443 = arith.constant 40 : i32
        %mul3A_444 = arith.muli %select_n3A_442, %mul3A_443 : i32
        %multiple_of3A_445 = tpu.assume_multiple %mul3A_444, 8 : i32
        %dma_wait3A_446 = arith.constant 0 : i32
        %dma_wait3A_447 = tpu.memref_slice %arg4[%add3A_426, %multiple_of3A_445, %dma_wait3A_446] : memref<32x10000x128xf32, #tpu.memory_space<hbm>> -> memref<1x40x128xf32, #tpu.memory_space<hbm>>
        %dma_wait3A_448 = tpu.memref_squeeze %dma_wait3A_447 : memref<1x40x128xf32, #tpu.memory_space<hbm>> -> memref<40x128xf32, #tpu.memory_space<hbm>>
        %dma_wait3A_449 = arith.constant 0 : i32
        %dma_wait3A_450 = tpu.memref_slice %arg4[%add3A_426, %multiple_of3A_445, %dma_wait3A_449] : memref<32x10000x128xf32, #tpu.memory_space<hbm>> -> memref<1x40x128xf32, #tpu.memory_space<hbm>>
        %dma_wait3A_451 = tpu.memref_squeeze %dma_wait3A_450 : memref<1x40x128xf32, #tpu.memory_space<hbm>> -> memref<40x128xf32, #tpu.memory_space<hbm>>
        tpu.wait_dma2 semaphore(%arg17 : memref<!tpu.dma_semaphore, #tpu.memory_space<semaphore_mem>>) src(%arg9 : memref<40x128xf32, #tpu.memory_space<vmem>>) dst(%dma_wait3A_451 : memref<40x128xf32, #tpu.memory_space<hbm>>)
      } else {
      }
      %add3A_176 = arith.constant 2 : i32
      %add3A_177 = arith.addi %add3A_170, %add3A_176 : i32
      %mul3A_178 = arith.constant 40 : i32
      %mul3A_179 = arith.muli %add3A_177, %mul3A_178 : i32
      %multiple_of3A_180 = tpu.assume_multiple %mul3A_179, 8 : i32
      %dma_start3A_181 = tpu.memref_slice %arg5[%multiple_of3A_180] : memref<10000xi32, #tpu.memory_space<vmem>> -> memref<40xi32, #tpu.memory_space<vmem>>
      %dma_start3A_182 = arith.constant 0 : i32
      %dma_start3A_183 = arith.constant 0 : i32
      %dma_start3A_184 = tpu.memref_slice %arg2[%dma_start3A_182, %dma_start3A_183] : memref<10000x128xf32, #tpu.memory_space<hbm>> -> memref<10000x128xf32, #tpu.memory_space<hbm>>
      tpu.enqueue_indirect_dma source(%dma_start3A_184 : memref<10000x128xf32, #tpu.memory_space<hbm>>) target(%arg9 : memref<40x128xf32, #tpu.memory_space<vmem>>) offsets(%dma_start3A_181 : memref<40xi32, #tpu.memory_space<vmem>>) semaphore(%arg13 : memref<!tpu.dma_semaphore, #tpu.memory_space<semaphore_mem>>)
      %mul3A_185 = arith.constant 40 : i32
      %mul3A_186 = arith.muli %add3A_170, %mul3A_185 : i32
      %multiple_of3A_187 = tpu.assume_multiple %mul3A_186, 8 : i32
      %dma_wait3A_188 = tpu.memref_slice %arg5[%multiple_of3A_187] : memref<10000xi32, #tpu.memory_space<vmem>> -> memref<40xi32, #tpu.memory_space<vmem>>
      %dma_wait3A_189 = arith.constant 0 : i32
      %dma_wait3A_190 = arith.constant 0 : i32
      %dma_wait3A_191 = tpu.memref_slice %arg2[%dma_wait3A_189, %dma_wait3A_190] : memref<10000x128xf32, #tpu.memory_space<hbm>> -> memref<10000x128xf32, #tpu.memory_space<hbm>>
      tpu.wait_indirect_dma semaphore(%arg11 : memref<!tpu.dma_semaphore, #tpu.memory_space<semaphore_mem>>) src(%dma_wait3A_191 : memref<10000x128xf32, #tpu.memory_space<hbm>>) dst(%arg7 : memref<40x128xf32, #tpu.memory_space<vmem>>)
      %mul3A_192 = arith.constant 1 : i32
      %mul3A_193 = arith.muli %mul3A_192, %add3A : i32
      %jit3A_194 = arith.constant 250 : i32
      %div3A_195 = arith.divsi %add3A_170, %jit3A_194 : i32
      %sign3A_196 = arith.constant 0 : i32
      %sign3A_197 = arith.cmpi sgt, %add3A_170, %sign3A_196 : i32
      %sign3A_198 = arith.extui %sign3A_197 : i1 to i32
      %sign3A_199 = arith.constant 0 : i32
      %sign3A_200 = arith.cmpi slt, %add3A_170, %sign3A_199 : i32
      %sign3A_201 = arith.extui %sign3A_200 : i1 to i32
      %sign3A_202 = arith.subi %sign3A_198, %sign3A_201 : i32
      %sign3A_203 = arith.constant 0 : i32
      %sign3A_204 = arith.cmpi sgt, %jit3A_194, %sign3A_203 : i32
      %sign3A_205 = arith.extui %sign3A_204 : i1 to i32
      %sign3A_206 = arith.constant 0 : i32
      %sign3A_207 = arith.cmpi slt, %jit3A_194, %sign3A_206 : i32
      %sign3A_208 = arith.extui %sign3A_207 : i1 to i32
      %sign3A_209 = arith.subi %sign3A_205, %sign3A_208 : i32
      %ne3A_210 = arith.cmpi ne, %sign3A_202, %sign3A_209 : i32
      %rem3A_211 = arith.remsi %add3A_170, %jit3A_194 : i32
      %ne3A_212 = arith.constant 0 : i32
      %ne3A_213 = arith.cmpi ne, %rem3A_211, %ne3A_212 : i32
      %and3A_214 = arith.andi %ne3A_210, %ne3A_213 : i1
      %sub3A_215 = arith.constant 1 : i32
      %sub3A_216 = arith.subi %div3A_195, %sub3A_215 : i32
      %select_n3A_217 = arith.select %and3A_214, %sub3A_216, %div3A_195 : i32
      %add3A_218 = arith.addi %mul3A_193, %select_n3A_217 : i32
      %jit3A_219 = arith.constant 250 : i32
      %eq3A_220 = arith.constant 0 : i32
      %eq3A_221 = arith.cmpi eq, %jit3A_219, %eq3A_220 : i32
      %jit3A_222 = arith.constant 1 : i32
      %select_n3A_223 = arith.select %eq3A_221, %jit3A_222, %jit3A_219 : i32
      %rem3A_224 = arith.remsi %add3A_170, %select_n3A_223 : i32
      %ne3A_225 = arith.constant 0 : i32
      %ne3A_226 = arith.cmpi ne, %rem3A_224, %ne3A_225 : i32
      %lt3A_227 = arith.constant 0 : i32
      %lt3A_228 = arith.cmpi slt, %rem3A_224, %lt3A_227 : i32
      %lt3A_229 = arith.constant 0 : i32
      %lt3A_230 = arith.cmpi slt, %select_n3A_223, %lt3A_229 : i32
      %ne3A_231 = arith.xori %lt3A_228, %lt3A_230 : i1
      %and3A_232 = arith.andi %ne3A_231, %ne3A_226 : i1
      %add3A_233 = arith.addi %rem3A_224, %select_n3A_223 : i32
      %select_n3A_234 = arith.select %and3A_232, %add3A_233, %rem3A_224 : i32
      %mul3A_235 = arith.constant 40 : i32
      %mul3A_236 = arith.muli %select_n3A_234, %mul3A_235 : i32
      %multiple_of3A_237 = tpu.assume_multiple %mul3A_236, 8 : i32
      %dma_start3A_238 = arith.constant 0 : i32
      %dma_start3A_239 = tpu.memref_slice %arg4[%add3A_218, %multiple_of3A_237, %dma_start3A_238] : memref<32x10000x128xf32, #tpu.memory_space<hbm>> -> memref<1x40x128xf32, #tpu.memory_space<hbm>>
      %dma_start3A_240 = tpu.memref_squeeze %dma_start3A_239 : memref<1x40x128xf32, #tpu.memory_space<hbm>> -> memref<40x128xf32, #tpu.memory_space<hbm>>
      %dma_start3A_241 = arith.constant 0 : i32
      %dma_start3A_242 = tpu.memref_slice %arg4[%add3A_218, %multiple_of3A_237, %dma_start3A_241] : memref<32x10000x128xf32, #tpu.memory_space<hbm>> -> memref<1x40x128xf32, #tpu.memory_space<hbm>>
      %dma_start3A_243 = tpu.memref_squeeze %dma_start3A_242 : memref<1x40x128xf32, #tpu.memory_space<hbm>> -> memref<40x128xf32, #tpu.memory_space<hbm>>
      tpu.enqueue_dma source(%arg7 : memref<40x128xf32, #tpu.memory_space<vmem>>) target(%dma_start3A_243 : memref<40x128xf32, #tpu.memory_space<hbm>>) target_semaphore(%arg15 : memref<!tpu.dma_semaphore, #tpu.memory_space<semaphore_mem>>)
      %mul3A_244 = arith.constant 4 : i32
      %mul3A_245 = arith.muli %mul3A_244, %scan3A_102 : i32
      %add3A_246 = arith.constant 2 : i32
      %add3A_247 = arith.addi %mul3A_245, %add3A_246 : i32
      %ge3A_248 = arith.constant 2 : i32
      %ge3A_249 = arith.cmpi sge, %add3A_247, %ge3A_248 : i32
      %convert_element_type3A_250 = arith.extui %ge3A_249 : i1 to i32
      %cond3A_251 = arith.constant 0 : i32
      %cond3A_252 = arith.cmpi ne, %convert_element_type3A_250, %cond3A_251 : i32
      scf.if %cond3A_252 {
        %sub3A_398 = arith.constant 2 : i32
        %sub3A_399 = arith.subi %add3A_247, %sub3A_398 : i32
        %mul3A_400 = arith.constant 1 : i32
        %mul3A_401 = arith.muli %mul3A_400, %add3A : i32
        %jit3A_402 = arith.constant 250 : i32
        %div3A_403 = arith.divsi %sub3A_399, %jit3A_402 : i32
        %sign3A_404 = arith.constant 0 : i32
        %sign3A_405 = arith.cmpi sgt, %sub3A_399, %sign3A_404 : i32
        %sign3A_406 = arith.extui %sign3A_405 : i1 to i32
        %sign3A_407 = arith.constant 0 : i32
        %sign3A_408 = arith.cmpi slt, %sub3A_399, %sign3A_407 : i32
        %sign3A_409 = arith.extui %sign3A_408 : i1 to i32
        %sign3A_410 = arith.subi %sign3A_406, %sign3A_409 : i32
        %sign3A_411 = arith.constant 0 : i32
        %sign3A_412 = arith.cmpi sgt, %jit3A_402, %sign3A_411 : i32
        %sign3A_413 = arith.extui %sign3A_412 : i1 to i32
        %sign3A_414 = arith.constant 0 : i32
        %sign3A_415 = arith.cmpi slt, %jit3A_402, %sign3A_414 : i32
        %sign3A_416 = arith.extui %sign3A_415 : i1 to i32
        %sign3A_417 = arith.subi %sign3A_413, %sign3A_416 : i32
        %ne3A_418 = arith.cmpi ne, %sign3A_410, %sign3A_417 : i32
        %rem3A_419 = arith.remsi %sub3A_399, %jit3A_402 : i32
        %ne3A_420 = arith.constant 0 : i32
        %ne3A_421 = arith.cmpi ne, %rem3A_419, %ne3A_420 : i32
        %and3A_422 = arith.andi %ne3A_418, %ne3A_421 : i1
        %sub3A_423 = arith.constant 1 : i32
        %sub3A_424 = arith.subi %div3A_403, %sub3A_423 : i32
        %select_n3A_425 = arith.select %and3A_422, %sub3A_424, %div3A_403 : i32
        %add3A_426 = arith.addi %mul3A_401, %select_n3A_425 : i32
        %jit3A_427 = arith.constant 250 : i32
        %eq3A_428 = arith.constant 0 : i32
        %eq3A_429 = arith.cmpi eq, %jit3A_427, %eq3A_428 : i32
        %jit3A_430 = arith.constant 1 : i32
        %select_n3A_431 = arith.select %eq3A_429, %jit3A_430, %jit3A_427 : i32
        %rem3A_432 = arith.remsi %sub3A_399, %select_n3A_431 : i32
        %ne3A_433 = arith.constant 0 : i32
        %ne3A_434 = arith.cmpi ne, %rem3A_432, %ne3A_433 : i32
        %lt3A_435 = arith.constant 0 : i32
        %lt3A_436 = arith.cmpi slt, %rem3A_432, %lt3A_435 : i32
        %lt3A_437 = arith.constant 0 : i32
        %lt3A_438 = arith.cmpi slt, %select_n3A_431, %lt3A_437 : i32
        %ne3A_439 = arith.xori %lt3A_436, %lt3A_438 : i1
        %and3A_440 = arith.andi %ne3A_439, %ne3A_434 : i1
        %add3A_441 = arith.addi %rem3A_432, %select_n3A_431 : i32
        %select_n3A_442 = arith.select %and3A_440, %add3A_441, %rem3A_432 : i32
        %mul3A_443 = arith.constant 40 : i32
        %mul3A_444 = arith.muli %select_n3A_442, %mul3A_443 : i32
        %multiple_of3A_445 = tpu.assume_multiple %mul3A_444, 8 : i32
        %dma_wait3A_446 = arith.constant 0 : i32
        %dma_wait3A_447 = tpu.memref_slice %arg4[%add3A_426, %multiple_of3A_445, %dma_wait3A_446] : memref<32x10000x128xf32, #tpu.memory_space<hbm>> -> memref<1x40x128xf32, #tpu.memory_space<hbm>>
        %dma_wait3A_448 = tpu.memref_squeeze %dma_wait3A_447 : memref<1x40x128xf32, #tpu.memory_space<hbm>> -> memref<40x128xf32, #tpu.memory_space<hbm>>
        %dma_wait3A_449 = arith.constant 0 : i32
        %dma_wait3A_450 = tpu.memref_slice %arg4[%add3A_426, %multiple_of3A_445, %dma_wait3A_449] : memref<32x10000x128xf32, #tpu.memory_space<hbm>> -> memref<1x40x128xf32, #tpu.memory_space<hbm>>
        %dma_wait3A_451 = tpu.memref_squeeze %dma_wait3A_450 : memref<1x40x128xf32, #tpu.memory_space<hbm>> -> memref<40x128xf32, #tpu.memory_space<hbm>>
        tpu.wait_dma2 semaphore(%arg14 : memref<!tpu.dma_semaphore, #tpu.memory_space<semaphore_mem>>) src(%arg6 : memref<40x128xf32, #tpu.memory_space<vmem>>) dst(%dma_wait3A_451 : memref<40x128xf32, #tpu.memory_space<hbm>>)
      } else {
      }
      %add3A_253 = arith.constant 2 : i32
      %add3A_254 = arith.addi %add3A_247, %add3A_253 : i32
      %mul3A_255 = arith.constant 40 : i32
      %mul3A_256 = arith.muli %add3A_254, %mul3A_255 : i32
      %multiple_of3A_257 = tpu.assume_multiple %mul3A_256, 8 : i32
      %dma_start3A_258 = tpu.memref_slice %arg5[%multiple_of3A_257] : memref<10000xi32, #tpu.memory_space<vmem>> -> memref<40xi32, #tpu.memory_space<vmem>>
      %dma_start3A_259 = arith.constant 0 : i32
      %dma_start3A_260 = arith.constant 0 : i32
      %dma_start3A_261 = tpu.memref_slice %arg2[%dma_start3A_259, %dma_start3A_260] : memref<10000x128xf32, #tpu.memory_space<hbm>> -> memref<10000x128xf32, #tpu.memory_space<hbm>>
      tpu.enqueue_indirect_dma source(%dma_start3A_261 : memref<10000x128xf32, #tpu.memory_space<hbm>>) target(%arg6 : memref<40x128xf32, #tpu.memory_space<vmem>>) offsets(%dma_start3A_258 : memref<40xi32, #tpu.memory_space<vmem>>) semaphore(%arg10 : memref<!tpu.dma_semaphore, #tpu.memory_space<semaphore_mem>>)
      %mul3A_262 = arith.constant 40 : i32
      %mul3A_263 = arith.muli %add3A_247, %mul3A_262 : i32
      %multiple_of3A_264 = tpu.assume_multiple %mul3A_263, 8 : i32
      %dma_wait3A_265 = tpu.memref_slice %arg5[%multiple_of3A_264] : memref<10000xi32, #tpu.memory_space<vmem>> -> memref<40xi32, #tpu.memory_space<vmem>>
      %dma_wait3A_266 = arith.constant 0 : i32
      %dma_wait3A_267 = arith.constant 0 : i32
      %dma_wait3A_268 = tpu.memref_slice %arg2[%dma_wait3A_266, %dma_wait3A_267] : memref<10000x128xf32, #tpu.memory_space<hbm>> -> memref<10000x128xf32, #tpu.memory_space<hbm>>
      tpu.wait_indirect_dma semaphore(%arg12 : memref<!tpu.dma_semaphore, #tpu.memory_space<semaphore_mem>>) src(%dma_wait3A_268 : memref<10000x128xf32, #tpu.memory_space<hbm>>) dst(%arg8 : memref<40x128xf32, #tpu.memory_space<vmem>>)
      %mul3A_269 = arith.constant 1 : i32
      %mul3A_270 = arith.muli %mul3A_269, %add3A : i32
      %jit3A_271 = arith.constant 250 : i32
      %div3A_272 = arith.divsi %add3A_247, %jit3A_271 : i32
      %sign3A_273 = arith.constant 0 : i32
      %sign3A_274 = arith.cmpi sgt, %add3A_247, %sign3A_273 : i32
      %sign3A_275 = arith.extui %sign3A_274 : i1 to i32
      %sign3A_276 = arith.constant 0 : i32
      %sign3A_277 = arith.cmpi slt, %add3A_247, %sign3A_276 : i32
      %sign3A_278 = arith.extui %sign3A_277 : i1 to i32
      %sign3A_279 = arith.subi %sign3A_275, %sign3A_278 : i32
      %sign3A_280 = arith.constant 0 : i32
      %sign3A_281 = arith.cmpi sgt, %jit3A_271, %sign3A_280 : i32
      %sign3A_282 = arith.extui %sign3A_281 : i1 to i32
      %sign3A_283 = arith.constant 0 : i32
      %sign3A_284 = arith.cmpi slt, %jit3A_271, %sign3A_283 : i32
      %sign3A_285 = arith.extui %sign3A_284 : i1 to i32
      %sign3A_286 = arith.subi %sign3A_282, %sign3A_285 : i32
      %ne3A_287 = arith.cmpi ne, %sign3A_279, %sign3A_286 : i32
      %rem3A_288 = arith.remsi %add3A_247, %jit3A_271 : i32
      %ne3A_289 = arith.constant 0 : i32
      %ne3A_290 = arith.cmpi ne, %rem3A_288, %ne3A_289 : i32
      %and3A_291 = arith.andi %ne3A_287, %ne3A_290 : i1
      %sub3A_292 = arith.constant 1 : i32
      %sub3A_293 = arith.subi %div3A_272, %sub3A_292 : i32
      %select_n3A_294 = arith.select %and3A_291, %sub3A_293, %div3A_272 : i32
      %add3A_295 = arith.addi %mul3A_270, %select_n3A_294 : i32
      %jit3A_296 = arith.constant 250 : i32
      %eq3A_297 = arith.constant 0 : i32
      %eq3A_298 = arith.cmpi eq, %jit3A_296, %eq3A_297 : i32
      %jit3A_299 = arith.constant 1 : i32
      %select_n3A_300 = arith.select %eq3A_298, %jit3A_299, %jit3A_296 : i32
      %rem3A_301 = arith.remsi %add3A_247, %select_n3A_300 : i32
      %ne3A_302 = arith.constant 0 : i32
      %ne3A_303 = arith.cmpi ne, %rem3A_301, %ne3A_302 : i32
      %lt3A_304 = arith.constant 0 : i32
      %lt3A_305 = arith.cmpi slt, %rem3A_301, %lt3A_304 : i32
      %lt3A_306 = arith.constant 0 : i32
      %lt3A_307 = arith.cmpi slt, %select_n3A_300, %lt3A_306 : i32
      %ne3A_308 = arith.xori %lt3A_305, %lt3A_307 : i1
      %and3A_309 = arith.andi %ne3A_308, %ne3A_303 : i1
      %add3A_310 = arith.addi %rem3A_301, %select_n3A_300 : i32
      %select_n3A_311 = arith.select %and3A_309, %add3A_310, %rem3A_301 : i32
      %mul3A_312 = arith.constant 40 : i32
      %mul3A_313 = arith.muli %select_n3A_311, %mul3A_312 : i32
      %multiple_of3A_314 = tpu.assume_multiple %mul3A_313, 8 : i32
      %dma_start3A_315 = arith.constant 0 : i32
      %dma_start3A_316 = tpu.memref_slice %arg4[%add3A_295, %multiple_of3A_314, %dma_start3A_315] : memref<32x10000x128xf32, #tpu.memory_space<hbm>> -> memref<1x40x128xf32, #tpu.memory_space<hbm>>
      %dma_start3A_317 = tpu.memref_squeeze %dma_start3A_316 : memref<1x40x128xf32, #tpu.memory_space<hbm>> -> memref<40x128xf32, #tpu.memory_space<hbm>>
      %dma_start3A_318 = arith.constant 0 : i32
      %dma_start3A_319 = tpu.memref_slice %arg4[%add3A_295, %multiple_of3A_314, %dma_start3A_318] : memref<32x10000x128xf32, #tpu.memory_space<hbm>> -> memref<1x40x128xf32, #tpu.memory_space<hbm>>
      %dma_start3A_320 = tpu.memref_squeeze %dma_start3A_319 : memref<1x40x128xf32, #tpu.memory_space<hbm>> -> memref<40x128xf32, #tpu.memory_space<hbm>>
      tpu.enqueue_dma source(%arg8 : memref<40x128xf32, #tpu.memory_space<vmem>>) target(%dma_start3A_320 : memref<40x128xf32, #tpu.memory_space<hbm>>) target_semaphore(%arg16 : memref<!tpu.dma_semaphore, #tpu.memory_space<semaphore_mem>>)
      %mul3A_321 = arith.constant 4 : i32
      %mul3A_322 = arith.muli %mul3A_321, %scan3A_102 : i32
      %add3A_323 = arith.constant 3 : i32
      %add3A_324 = arith.addi %mul3A_322, %add3A_323 : i32
      %ge3A_325 = arith.constant 2 : i32
      %ge3A_326 = arith.cmpi sge, %add3A_324, %ge3A_325 : i32
      %convert_element_type3A_327 = arith.extui %ge3A_326 : i1 to i32
      %cond3A_328 = arith.constant 0 : i32
      %cond3A_329 = arith.cmpi ne, %convert_element_type3A_327, %cond3A_328 : i32
      scf.if %cond3A_329 {
        %sub3A_398 = arith.constant 2 : i32
        %sub3A_399 = arith.subi %add3A_324, %sub3A_398 : i32
        %mul3A_400 = arith.constant 1 : i32
        %mul3A_401 = arith.muli %mul3A_400, %add3A : i32
        %jit3A_402 = arith.constant 250 : i32
        %div3A_403 = arith.divsi %sub3A_399, %jit3A_402 : i32
        %sign3A_404 = arith.constant 0 : i32
        %sign3A_405 = arith.cmpi sgt, %sub3A_399, %sign3A_404 : i32
        %sign3A_406 = arith.extui %sign3A_405 : i1 to i32
        %sign3A_407 = arith.constant 0 : i32
        %sign3A_408 = arith.cmpi slt, %sub3A_399, %sign3A_407 : i32
        %sign3A_409 = arith.extui %sign3A_408 : i1 to i32
        %sign3A_410 = arith.subi %sign3A_406, %sign3A_409 : i32
        %sign3A_411 = arith.constant 0 : i32
        %sign3A_412 = arith.cmpi sgt, %jit3A_402, %sign3A_411 : i32
        %sign3A_413 = arith.extui %sign3A_412 : i1 to i32
        %sign3A_414 = arith.constant 0 : i32
        %sign3A_415 = arith.cmpi slt, %jit3A_402, %sign3A_414 : i32
        %sign3A_416 = arith.extui %sign3A_415 : i1 to i32
        %sign3A_417 = arith.subi %sign3A_413, %sign3A_416 : i32
        %ne3A_418 = arith.cmpi ne, %sign3A_410, %sign3A_417 : i32
        %rem3A_419 = arith.remsi %sub3A_399, %jit3A_402 : i32
        %ne3A_420 = arith.constant 0 : i32
        %ne3A_421 = arith.cmpi ne, %rem3A_419, %ne3A_420 : i32
        %and3A_422 = arith.andi %ne3A_418, %ne3A_421 : i1
        %sub3A_423 = arith.constant 1 : i32
        %sub3A_424 = arith.subi %div3A_403, %sub3A_423 : i32
        %select_n3A_425 = arith.select %and3A_422, %sub3A_424, %div3A_403 : i32
        %add3A_426 = arith.addi %mul3A_401, %select_n3A_425 : i32
        %jit3A_427 = arith.constant 250 : i32
        %eq3A_428 = arith.constant 0 : i32
        %eq3A_429 = arith.cmpi eq, %jit3A_427, %eq3A_428 : i32
        %jit3A_430 = arith.constant 1 : i32
        %select_n3A_431 = arith.select %eq3A_429, %jit3A_430, %jit3A_427 : i32
        %rem3A_432 = arith.remsi %sub3A_399, %select_n3A_431 : i32
        %ne3A_433 = arith.constant 0 : i32
        %ne3A_434 = arith.cmpi ne, %rem3A_432, %ne3A_433 : i32
        %lt3A_435 = arith.constant 0 : i32
        %lt3A_436 = arith.cmpi slt, %rem3A_432, %lt3A_435 : i32
        %lt3A_437 = arith.constant 0 : i32
        %lt3A_438 = arith.cmpi slt, %select_n3A_431, %lt3A_437 : i32
        %ne3A_439 = arith.xori %lt3A_436, %lt3A_438 : i1
        %and3A_440 = arith.andi %ne3A_439, %ne3A_434 : i1
        %add3A_441 = arith.addi %rem3A_432, %select_n3A_431 : i32
        %select_n3A_442 = arith.select %and3A_440, %add3A_441, %rem3A_432 : i32
        %mul3A_443 = arith.constant 40 : i32
        %mul3A_444 = arith.muli %select_n3A_442, %mul3A_443 : i32
        %multiple_of3A_445 = tpu.assume_multiple %mul3A_444, 8 : i32
        %dma_wait3A_446 = arith.constant 0 : i32
        %dma_wait3A_447 = tpu.memref_slice %arg4[%add3A_426, %multiple_of3A_445, %dma_wait3A_446] : memref<32x10000x128xf32, #tpu.memory_space<hbm>> -> memref<1x40x128xf32, #tpu.memory_space<hbm>>
        %dma_wait3A_448 = tpu.memref_squeeze %dma_wait3A_447 : memref<1x40x128xf32, #tpu.memory_space<hbm>> -> memref<40x128xf32, #tpu.memory_space<hbm>>
        %dma_wait3A_449 = arith.constant 0 : i32
        %dma_wait3A_450 = tpu.memref_slice %arg4[%add3A_426, %multiple_of3A_445, %dma_wait3A_449] : memref<32x10000x128xf32, #tpu.memory_space<hbm>> -> memref<1x40x128xf32, #tpu.memory_space<hbm>>
        %dma_wait3A_451 = tpu.memref_squeeze %dma_wait3A_450 : memref<1x40x128xf32, #tpu.memory_space<hbm>> -> memref<40x128xf32, #tpu.memory_space<hbm>>
        tpu.wait_dma2 semaphore(%arg15 : memref<!tpu.dma_semaphore, #tpu.memory_space<semaphore_mem>>) src(%arg7 : memref<40x128xf32, #tpu.memory_space<vmem>>) dst(%dma_wait3A_451 : memref<40x128xf32, #tpu.memory_space<hbm>>)
      } else {
      }
      %add3A_330 = arith.constant 2 : i32
      %add3A_331 = arith.addi %add3A_324, %add3A_330 : i32
      %mul3A_332 = arith.constant 40 : i32
      %mul3A_333 = arith.muli %add3A_331, %mul3A_332 : i32
      %multiple_of3A_334 = tpu.assume_multiple %mul3A_333, 8 : i32
      %dma_start3A_335 = tpu.memref_slice %arg5[%multiple_of3A_334] : memref<10000xi32, #tpu.memory_space<vmem>> -> memref<40xi32, #tpu.memory_space<vmem>>
      %dma_start3A_336 = arith.constant 0 : i32
      %dma_start3A_337 = arith.constant 0 : i32
      %dma_start3A_338 = tpu.memref_slice %arg2[%dma_start3A_336, %dma_start3A_337] : memref<10000x128xf32, #tpu.memory_space<hbm>> -> memref<10000x128xf32, #tpu.memory_space<hbm>>
      tpu.enqueue_indirect_dma source(%dma_start3A_338 : memref<10000x128xf32, #tpu.memory_space<hbm>>) target(%arg7 : memref<40x128xf32, #tpu.memory_space<vmem>>) offsets(%dma_start3A_335 : memref<40xi32, #tpu.memory_space<vmem>>) semaphore(%arg11 : memref<!tpu.dma_semaphore, #tpu.memory_space<semaphore_mem>>)
      %mul3A_339 = arith.constant 40 : i32
      %mul3A_340 = arith.muli %add3A_324, %mul3A_339 : i32
      %multiple_of3A_341 = tpu.assume_multiple %mul3A_340, 8 : i32
      %dma_wait3A_342 = tpu.memref_slice %arg5[%multiple_of3A_341] : memref<10000xi32, #tpu.memory_space<vmem>> -> memref<40xi32, #tpu.memory_space<vmem>>
      %dma_wait3A_343 = arith.constant 0 : i32
      %dma_wait3A_344 = arith.constant 0 : i32
      %dma_wait3A_345 = tpu.memref_slice %arg2[%dma_wait3A_343, %dma_wait3A_344] : memref<10000x128xf32, #tpu.memory_space<hbm>> -> memref<10000x128xf32, #tpu.memory_space<hbm>>
      tpu.wait_indirect_dma semaphore(%arg13 : memref<!tpu.dma_semaphore, #tpu.memory_space<semaphore_mem>>) src(%dma_wait3A_345 : memref<10000x128xf32, #tpu.memory_space<hbm>>) dst(%arg9 : memref<40x128xf32, #tpu.memory_space<vmem>>)
      %mul3A_346 = arith.constant 1 : i32
      %mul3A_347 = arith.muli %mul3A_346, %add3A : i32
      %jit3A_348 = arith.constant 250 : i32
      %div3A_349 = arith.divsi %add3A_324, %jit3A_348 : i32
      %sign3A_350 = arith.constant 0 : i32
      %sign3A_351 = arith.cmpi sgt, %add3A_324, %sign3A_350 : i32
      %sign3A_352 = arith.extui %sign3A_351 : i1 to i32
      %sign3A_353 = arith.constant 0 : i32
      %sign3A_354 = arith.cmpi slt, %add3A_324, %sign3A_353 : i32
      %sign3A_355 = arith.extui %sign3A_354 : i1 to i32
      %sign3A_356 = arith.subi %sign3A_352, %sign3A_355 : i32
      %sign3A_357 = arith.constant 0 : i32
      %sign3A_358 = arith.cmpi sgt, %jit3A_348, %sign3A_357 : i32
      %sign3A_359 = arith.extui %sign3A_358 : i1 to i32
      %sign3A_360 = arith.constant 0 : i32
      %sign3A_361 = arith.cmpi slt, %jit3A_348, %sign3A_360 : i32
      %sign3A_362 = arith.extui %sign3A_361 : i1 to i32
      %sign3A_363 = arith.subi %sign3A_359, %sign3A_362 : i32
      %ne3A_364 = arith.cmpi ne, %sign3A_356, %sign3A_363 : i32
      %rem3A_365 = arith.remsi %add3A_324, %jit3A_348 : i32
      %ne3A_366 = arith.constant 0 : i32
      %ne3A_367 = arith.cmpi ne, %rem3A_365, %ne3A_366 : i32
      %and3A_368 = arith.andi %ne3A_364, %ne3A_367 : i1
      %sub3A_369 = arith.constant 1 : i32
      %sub3A_370 = arith.subi %div3A_349, %sub3A_369 : i32
      %select_n3A_371 = arith.select %and3A_368, %sub3A_370, %div3A_349 : i32
      %add3A_372 = arith.addi %mul3A_347, %select_n3A_371 : i32
      %jit3A_373 = arith.constant 250 : i32
      %eq3A_374 = arith.constant 0 : i32
      %eq3A_375 = arith.cmpi eq, %jit3A_373, %eq3A_374 : i32
      %jit3A_376 = arith.constant 1 : i32
      %select_n3A_377 = arith.select %eq3A_375, %jit3A_376, %jit3A_373 : i32
      %rem3A_378 = arith.remsi %add3A_324, %select_n3A_377 : i32
      %ne3A_379 = arith.constant 0 : i32
      %ne3A_380 = arith.cmpi ne, %rem3A_378, %ne3A_379 : i32
      %lt3A_381 = arith.constant 0 : i32
      %lt3A_382 = arith.cmpi slt, %rem3A_378, %lt3A_381 : i32
      %lt3A_383 = arith.constant 0 : i32
      %lt3A_384 = arith.cmpi slt, %select_n3A_377, %lt3A_383 : i32
      %ne3A_385 = arith.xori %lt3A_382, %lt3A_384 : i1
      %and3A_386 = arith.andi %ne3A_385, %ne3A_380 : i1
      %add3A_387 = arith.addi %rem3A_378, %select_n3A_377 : i32
      %select_n3A_388 = arith.select %and3A_386, %add3A_387, %rem3A_378 : i32
      %mul3A_389 = arith.constant 40 : i32
      %mul3A_390 = arith.muli %select_n3A_388, %mul3A_389 : i32
      %multiple_of3A_391 = tpu.assume_multiple %mul3A_390, 8 : i32
      %dma_start3A_392 = arith.constant 0 : i32
      %dma_start3A_393 = tpu.memref_slice %arg4[%add3A_372, %multiple_of3A_391, %dma_start3A_392] : memref<32x10000x128xf32, #tpu.memory_space<hbm>> -> memref<1x40x128xf32, #tpu.memory_space<hbm>>
      %dma_start3A_394 = tpu.memref_squeeze %dma_start3A_393 : memref<1x40x128xf32, #tpu.memory_space<hbm>> -> memref<40x128xf32, #tpu.memory_space<hbm>>
      %dma_start3A_395 = arith.constant 0 : i32
      %dma_start3A_396 = tpu.memref_slice %arg4[%add3A_372, %multiple_of3A_391, %dma_start3A_395] : memref<32x10000x128xf32, #tpu.memory_space<hbm>> -> memref<1x40x128xf32, #tpu.memory_space<hbm>>
      %dma_start3A_397 = tpu.memref_squeeze %dma_start3A_396 : memref<1x40x128xf32, #tpu.memory_space<hbm>> -> memref<40x128xf32, #tpu.memory_space<hbm>>
      tpu.enqueue_dma source(%arg9 : memref<40x128xf32, #tpu.memory_space<vmem>>) target(%dma_start3A_397 : memref<40x128xf32, #tpu.memory_space<hbm>>) target_semaphore(%arg17 : memref<!tpu.dma_semaphore, #tpu.memory_space<semaphore_mem>>)
    }
    %scan3A_18 = arith.constant 62 : i32
    %mul3A_19 = arith.constant 1 : i32
    %mul3A_20 = arith.muli %mul3A_19, %add3A : i32
    %add3A_21 = arith.constant 0 : i32
    %add3A_22 = arith.addi %mul3A_20, %add3A_21 : i32
    %multiple_of3A_23 = arith.constant 9840 : i32
    %multiple_of3A_24 = tpu.assume_multiple %multiple_of3A_23, 8 : i32
    %dma_wait3A = arith.constant 0 : i32
    %dma_wait3A_25 = tpu.memref_slice %arg4[%add3A_22, %multiple_of3A_24, %dma_wait3A] : memref<32x10000x128xf32, #tpu.memory_space<hbm>> -> memref<1x40x128xf32, #tpu.memory_space<hbm>>
    %dma_wait3A_26 = tpu.memref_squeeze %dma_wait3A_25 : memref<1x40x128xf32, #tpu.memory_space<hbm>> -> memref<40x128xf32, #tpu.memory_space<hbm>>
    %dma_wait3A_27 = arith.constant 0 : i32
    %dma_wait3A_28 = tpu.memref_slice %arg4[%add3A_22, %multiple_of3A_24, %dma_wait3A_27] : memref<32x10000x128xf32, #tpu.memory_space<hbm>> -> memref<1x40x128xf32, #tpu.memory_space<hbm>>
    %dma_wait3A_29 = tpu.memref_squeeze %dma_wait3A_28 : memref<1x40x128xf32, #tpu.memory_space<hbm>> -> memref<40x128xf32, #tpu.memory_space<hbm>>
    tpu.wait_dma2 semaphore(%arg16 : memref<!tpu.dma_semaphore, #tpu.memory_space<semaphore_mem>>) src(%arg8 : memref<40x128xf32, #tpu.memory_space<vmem>>) dst(%dma_wait3A_29 : memref<40x128xf32, #tpu.memory_space<hbm>>)
    %multiple_of3A_30 = arith.constant 9920 : i32
    %multiple_of3A_31 = tpu.assume_multiple %multiple_of3A_30, 8 : i32
    %dma_wait3A_32 = tpu.memref_slice %arg5[%multiple_of3A_31] : memref<10000xi32, #tpu.memory_space<vmem>> -> memref<40xi32, #tpu.memory_space<vmem>>
    %dma_wait3A_33 = arith.constant 0 : i32
    %dma_wait3A_34 = arith.constant 0 : i32
    %dma_wait3A_35 = tpu.memref_slice %arg2[%dma_wait3A_33, %dma_wait3A_34] : memref<10000x128xf32, #tpu.memory_space<hbm>> -> memref<10000x128xf32, #tpu.memory_space<hbm>>
    tpu.wait_indirect_dma semaphore(%arg10 : memref<!tpu.dma_semaphore, #tpu.memory_space<semaphore_mem>>) src(%dma_wait3A_35 : memref<10000x128xf32, #tpu.memory_space<hbm>>) dst(%arg6 : memref<40x128xf32, #tpu.memory_space<vmem>>)
    %mul3A_36 = arith.constant 1 : i32
    %mul3A_37 = arith.muli %mul3A_36, %add3A : i32
    %add3A_38 = arith.constant 0 : i32
    %add3A_39 = arith.addi %mul3A_37, %add3A_38 : i32
    %multiple_of3A_40 = arith.constant 9920 : i32
    %multiple_of3A_41 = tpu.assume_multiple %multiple_of3A_40, 8 : i32
    %dma_start3A_42 = arith.constant 0 : i32
    %dma_start3A_43 = tpu.memref_slice %arg4[%add3A_39, %multiple_of3A_41, %dma_start3A_42] : memref<32x10000x128xf32, #tpu.memory_space<hbm>> -> memref<1x40x128xf32, #tpu.memory_space<hbm>>
    %dma_start3A_44 = tpu.memref_squeeze %dma_start3A_43 : memref<1x40x128xf32, #tpu.memory_space<hbm>> -> memref<40x128xf32, #tpu.memory_space<hbm>>
    %dma_start3A_45 = arith.constant 0 : i32
    %dma_start3A_46 = tpu.memref_slice %arg4[%add3A_39, %multiple_of3A_41, %dma_start3A_45] : memref<32x10000x128xf32, #tpu.memory_space<hbm>> -> memref<1x40x128xf32, #tpu.memory_space<hbm>>
    %dma_start3A_47 = tpu.memref_squeeze %dma_start3A_46 : memref<1x40x128xf32, #tpu.memory_space<hbm>> -> memref<40x128xf32, #tpu.memory_space<hbm>>
    tpu.enqueue_dma source(%arg6 : memref<40x128xf32, #tpu.memory_space<vmem>>) target(%dma_start3A_47 : memref<40x128xf32, #tpu.memory_space<hbm>>) target_semaphore(%arg14 : memref<!tpu.dma_semaphore, #tpu.memory_space<semaphore_mem>>)
    %mul3A_48 = arith.constant 1 : i32
    %mul3A_49 = arith.muli %mul3A_48, %add3A : i32
    %add3A_50 = arith.constant 0 : i32
    %add3A_51 = arith.addi %mul3A_49, %add3A_50 : i32
    %multiple_of3A_52 = arith.constant 9880 : i32
    %multiple_of3A_53 = tpu.assume_multiple %multiple_of3A_52, 8 : i32
    %dma_wait3A_54 = arith.constant 0 : i32
    %dma_wait3A_55 = tpu.memref_slice %arg4[%add3A_51, %multiple_of3A_53, %dma_wait3A_54] : memref<32x10000x128xf32, #tpu.memory_space<hbm>> -> memref<1x40x128xf32, #tpu.memory_space<hbm>>
    %dma_wait3A_56 = tpu.memref_squeeze %dma_wait3A_55 : memref<1x40x128xf32, #tpu.memory_space<hbm>> -> memref<40x128xf32, #tpu.memory_space<hbm>>
    %dma_wait3A_57 = arith.constant 0 : i32
    %dma_wait3A_58 = tpu.memref_slice %arg4[%add3A_51, %multiple_of3A_53, %dma_wait3A_57] : memref<32x10000x128xf32, #tpu.memory_space<hbm>> -> memref<1x40x128xf32, #tpu.memory_space<hbm>>
    %dma_wait3A_59 = tpu.memref_squeeze %dma_wait3A_58 : memref<1x40x128xf32, #tpu.memory_space<hbm>> -> memref<40x128xf32, #tpu.memory_space<hbm>>
    tpu.wait_dma2 semaphore(%arg17 : memref<!tpu.dma_semaphore, #tpu.memory_space<semaphore_mem>>) src(%arg9 : memref<40x128xf32, #tpu.memory_space<vmem>>) dst(%dma_wait3A_59 : memref<40x128xf32, #tpu.memory_space<hbm>>)
    %multiple_of3A_60 = arith.constant 9960 : i32
    %multiple_of3A_61 = tpu.assume_multiple %multiple_of3A_60, 8 : i32
    %dma_wait3A_62 = tpu.memref_slice %arg5[%multiple_of3A_61] : memref<10000xi32, #tpu.memory_space<vmem>> -> memref<40xi32, #tpu.memory_space<vmem>>
    %dma_wait3A_63 = arith.constant 0 : i32
    %dma_wait3A_64 = arith.constant 0 : i32
    %dma_wait3A_65 = tpu.memref_slice %arg2[%dma_wait3A_63, %dma_wait3A_64] : memref<10000x128xf32, #tpu.memory_space<hbm>> -> memref<10000x128xf32, #tpu.memory_space<hbm>>
    tpu.wait_indirect_dma semaphore(%arg11 : memref<!tpu.dma_semaphore, #tpu.memory_space<semaphore_mem>>) src(%dma_wait3A_65 : memref<10000x128xf32, #tpu.memory_space<hbm>>) dst(%arg7 : memref<40x128xf32, #tpu.memory_space<vmem>>)
    %mul3A_66 = arith.constant 1 : i32
    %mul3A_67 = arith.muli %mul3A_66, %add3A : i32
    %add3A_68 = arith.constant 0 : i32
    %add3A_69 = arith.addi %mul3A_67, %add3A_68 : i32
    %multiple_of3A_70 = arith.constant 9960 : i32
    %multiple_of3A_71 = tpu.assume_multiple %multiple_of3A_70, 8 : i32
    %dma_start3A_72 = arith.constant 0 : i32
    %dma_start3A_73 = tpu.memref_slice %arg4[%add3A_69, %multiple_of3A_71, %dma_start3A_72] : memref<32x10000x128xf32, #tpu.memory_space<hbm>> -> memref<1x40x128xf32, #tpu.memory_space<hbm>>
    %dma_start3A_74 = tpu.memref_squeeze %dma_start3A_73 : memref<1x40x128xf32, #tpu.memory_space<hbm>> -> memref<40x128xf32, #tpu.memory_space<hbm>>
    %dma_start3A_75 = arith.constant 0 : i32
    %dma_start3A_76 = tpu.memref_slice %arg4[%add3A_69, %multiple_of3A_71, %dma_start3A_75] : memref<32x10000x128xf32, #tpu.memory_space<hbm>> -> memref<1x40x128xf32, #tpu.memory_space<hbm>>
    %dma_start3A_77 = tpu.memref_squeeze %dma_start3A_76 : memref<1x40x128xf32, #tpu.memory_space<hbm>> -> memref<40x128xf32, #tpu.memory_space<hbm>>
    tpu.enqueue_dma source(%arg7 : memref<40x128xf32, #tpu.memory_space<vmem>>) target(%dma_start3A_77 : memref<40x128xf32, #tpu.memory_space<hbm>>) target_semaphore(%arg15 : memref<!tpu.dma_semaphore, #tpu.memory_space<semaphore_mem>>)
    %mul3A_78 = arith.constant 1 : i32
    %mul3A_79 = arith.muli %mul3A_78, %add3A : i32
    %add3A_80 = arith.constant 0 : i32
    %add3A_81 = arith.addi %mul3A_79, %add3A_80 : i32
    %multiple_of3A_82 = arith.constant 9920 : i32
    %multiple_of3A_83 = tpu.assume_multiple %multiple_of3A_82, 8 : i32
    %dma_wait3A_84 = arith.constant 0 : i32
    %dma_wait3A_85 = tpu.memref_slice %arg4[%add3A_81, %multiple_of3A_83, %dma_wait3A_84] : memref<32x10000x128xf32, #tpu.memory_space<hbm>> -> memref<1x40x128xf32, #tpu.memory_space<hbm>>
    %dma_wait3A_86 = tpu.memref_squeeze %dma_wait3A_85 : memref<1x40x128xf32, #tpu.memory_space<hbm>> -> memref<40x128xf32, #tpu.memory_space<hbm>>
    %dma_wait3A_87 = arith.constant 0 : i32
    %dma_wait3A_88 = tpu.memref_slice %arg4[%add3A_81, %multiple_of3A_83, %dma_wait3A_87] : memref<32x10000x128xf32, #tpu.memory_space<hbm>> -> memref<1x40x128xf32, #tpu.memory_space<hbm>>
    %dma_wait3A_89 = tpu.memref_squeeze %dma_wait3A_88 : memref<1x40x128xf32, #tpu.memory_space<hbm>> -> memref<40x128xf32, #tpu.memory_space<hbm>>
    tpu.wait_dma2 semaphore(%arg14 : memref<!tpu.dma_semaphore, #tpu.memory_space<semaphore_mem>>) src(%arg6 : memref<40x128xf32, #tpu.memory_space<vmem>>) dst(%dma_wait3A_89 : memref<40x128xf32, #tpu.memory_space<hbm>>)
    %mul3A_90 = arith.constant 1 : i32
    %mul3A_91 = arith.muli %mul3A_90, %add3A : i32
    %add3A_92 = arith.constant 0 : i32
    %add3A_93 = arith.addi %mul3A_91, %add3A_92 : i32
    %multiple_of3A_94 = arith.constant 9960 : i32
    %multiple_of3A_95 = tpu.assume_multiple %multiple_of3A_94, 8 : i32
    %dma_wait3A_96 = arith.constant 0 : i32
    %dma_wait3A_97 = tpu.memref_slice %arg4[%add3A_93, %multiple_of3A_95, %dma_wait3A_96] : memref<32x10000x128xf32, #tpu.memory_space<hbm>> -> memref<1x40x128xf32, #tpu.memory_space<hbm>>
    %dma_wait3A_98 = tpu.memref_squeeze %dma_wait3A_97 : memref<1x40x128xf32, #tpu.memory_space<hbm>> -> memref<40x128xf32, #tpu.memory_space<hbm>>
    %dma_wait3A_99 = arith.constant 0 : i32
    %dma_wait3A_100 = tpu.memref_slice %arg4[%add3A_93, %multiple_of3A_95, %dma_wait3A_99] : memref<32x10000x128xf32, #tpu.memory_space<hbm>> -> memref<1x40x128xf32, #tpu.memory_space<hbm>>
    %dma_wait3A_101 = tpu.memref_squeeze %dma_wait3A_100 : memref<1x40x128xf32, #tpu.memory_space<hbm>> -> memref<40x128xf32, #tpu.memory_space<hbm>>
    tpu.wait_dma2 semaphore(%arg15 : memref<!tpu.dma_semaphore, #tpu.memory_space<semaphore_mem>>) src(%arg7 : memref<40x128xf32, #tpu.memory_space<vmem>>) dst(%dma_wait3A_101 : memref<40x128xf32, #tpu.memory_space<hbm>>)
    return
  }
}

#map = affine_map<(d0, d1) -> (0, 0)>
#map1 = affine_map<(d0, d1) -> (0)>
#map2 = affine_map<(d0, d1) -> (0, 0, 0)>
module attributes {stable_mosaic.version = 14 : i64} {
  func.func @gather_k(%arg0: i32, %arg1: i32, %arg2: memref<10000x128xi32, #tpu.memory_space<hbm>>, %arg3: memref<320000xi32, #tpu.memory_space<hbm>>, %arg4: memref<32x10000x128xi32, #tpu.memory_space<hbm>>, %arg5: memref<10000xi32, #tpu.memory_space<vmem>>, %arg6: memref<40x128xi32, #tpu.memory_space<vmem>>, %arg7: memref<40x128xi32, #tpu.memory_space<vmem>>, %arg8: memref<40x128xi32, #tpu.memory_space<vmem>>, %arg9: memref<40x128xi32, #tpu.memory_space<vmem>>, %arg10: memref<!tpu.dma_semaphore, #tpu.memory_space<semaphore_mem>>, %arg11: memref<!tpu.dma_semaphore, #tpu.memory_space<semaphore_mem>>, %arg12: memref<!tpu.dma_semaphore, #tpu.memory_space<semaphore_mem>>, %arg13: memref<!tpu.dma_semaphore, #tpu.memory_space<semaphore_mem>>, %arg14: memref<!tpu.dma_semaphore, #tpu.memory_space<semaphore_mem>>, %arg15: memref<!tpu.dma_semaphore, #tpu.memory_space<semaphore_mem>>, %arg16: memref<!tpu.dma_semaphore, #tpu.memory_space<semaphore_mem>>, %arg17: memref<!tpu.dma_semaphore, #tpu.memory_space<semaphore_mem>>) attributes {dimension_semantics = [#tpu.dimension_semantics<core_parallel>, #tpu.dimension_semantics<subcore_parallel>], iteration_bounds = array<i64: 2, 16>, scalar_prefetch = 0 : i64, scratch_operands = 13 : i64, tpu.core_type = #tpu.core_type<sc_vector_subcore>, window_params = [{transform_indices = #map}, {transform_indices = #map1}, {transform_indices = #map2}]} {
    %mul3A = arith.constant 2 : i32
    %mul3A_0 = arith.muli %arg1, %mul3A : i32
    %add3A = arith.addi %mul3A_0, %arg0 : i32
    %mul3A_1 = arith.constant 10000 : i32
    %mul3A_2 = arith.muli %add3A, %mul3A_1 : i32
    %multiple_of3A = tpu.assume_multiple %mul3A_2, 8 : i32
    "tpu.region"() ({
      %run_scoped3A = tpu.sem_alloc : memref<!tpu.dma_semaphore, #tpu.memory_space<semaphore_mem>>
      %dma_start3A_102 = tpu.memref_slice %arg3[%multiple_of3A] : memref<320000xi32, #tpu.memory_space<hbm>> -> memref<10000xi32, #tpu.memory_space<hbm>>
      %dma_start3A_103 = tpu.memref_slice %arg3[%multiple_of3A] : memref<320000xi32, #tpu.memory_space<hbm>> -> memref<10000xi32, #tpu.memory_space<hbm>>
      tpu.enqueue_dma source(%dma_start3A_103 : memref<10000xi32, #tpu.memory_space<hbm>>) target(%arg5 : memref<10000xi32, #tpu.memory_space<vmem>>) target_semaphore(%run_scoped3A : memref<!tpu.dma_semaphore, #tpu.memory_space<semaphore_mem>>)
      %dma_wait3A_104 = tpu.memref_slice %arg3[%multiple_of3A] : memref<320000xi32, #tpu.memory_space<hbm>> -> memref<10000xi32, #tpu.memory_space<hbm>>
      %dma_wait3A_105 = tpu.memref_slice %arg3[%multiple_of3A] : memref<320000xi32, #tpu.memory_space<hbm>> -> memref<10000xi32, #tpu.memory_space<hbm>>
      tpu.wait_dma2 semaphore(%run_scoped3A : memref<!tpu.dma_semaphore, #tpu.memory_space<semaphore_mem>>) src(%dma_wait3A_105 : memref<10000xi32, #tpu.memory_space<hbm>>) dst(%arg5 : memref<10000xi32, #tpu.memory_space<vmem>>)
      tpu.yield
    }) : () -> ()
    %multiple_of3A_3 = arith.constant 0 : i32
    %multiple_of3A_4 = tpu.assume_multiple %multiple_of3A_3, 8 : i32
    %dma_start3A = tpu.memref_slice %arg5[%multiple_of3A_4] : memref<10000xi32, #tpu.memory_space<vmem>> -> memref<40xi32, #tpu.memory_space<vmem>>
    %dma_start3A_5 = arith.constant 0 : i32
    %dma_start3A_6 = arith.constant 0 : i32
    %dma_start3A_7 = tpu.memref_slice %arg2[%dma_start3A_5, %dma_start3A_6] : memref<10000x128xi32, #tpu.memory_space<hbm>> -> memref<10000x128xi32, #tpu.memory_space<hbm>>
    tpu.enqueue_indirect_dma source(%dma_start3A_7 : memref<10000x128xi32, #tpu.memory_space<hbm>>) target(%arg6 : memref<40x128xi32, #tpu.memory_space<vmem>>) offsets(%dma_start3A : memref<40xi32, #tpu.memory_space<vmem>>) semaphore(%arg10 : memref<!tpu.dma_semaphore, #tpu.memory_space<semaphore_mem>>)
    %multiple_of3A_8 = arith.constant 40 : i32
    %multiple_of3A_9 = tpu.assume_multiple %multiple_of3A_8, 8 : i32
    %dma_start3A_10 = tpu.memref_slice %arg5[%multiple_of3A_9] : memref<10000xi32, #tpu.memory_space<vmem>> -> memref<40xi32, #tpu.memory_space<vmem>>
    %dma_start3A_11 = arith.constant 0 : i32
    %dma_start3A_12 = arith.constant 0 : i32
    %dma_start3A_13 = tpu.memref_slice %arg2[%dma_start3A_11, %dma_start3A_12] : memref<10000x128xi32, #tpu.memory_space<hbm>> -> memref<10000x128xi32, #tpu.memory_space<hbm>>
    tpu.enqueue_indirect_dma source(%dma_start3A_13 : memref<10000x128xi32, #tpu.memory_space<hbm>>) target(%arg7 : memref<40x128xi32, #tpu.memory_space<vmem>>) offsets(%dma_start3A_10 : memref<40xi32, #tpu.memory_space<vmem>>) semaphore(%arg11 : memref<!tpu.dma_semaphore, #tpu.memory_space<semaphore_mem>>)
    %scan3A = arith.constant 0 : i32
    %scan3A_14 = arith.constant 0 : i32
    %scan3A_15 = arith.constant 62 : i32
    %scan3A_16 = arith.addi %scan3A_14, %scan3A_15 : i32
    %scan3A_17 = arith.constant 1 : i32
    scf.for %scan3A_102 = %scan3A_14 to %scan3A_16 step %scan3A_17  : i32 {
      %mul3A_103 = arith.constant 4 : i32
      %mul3A_104 = arith.muli %mul3A_103, %scan3A_102 : i32
      %add3A_105 = arith.constant 0 : i32
      %add3A_106 = arith.addi %mul3A_104, %add3A_105 : i32
      %ge3A = arith.constant 2 : i32
      %ge3A_107 = arith.cmpi sge, %add3A_106, %ge3A : i32
      %convert_element_type3A = arith.extui %ge3A_107 : i1 to i32
      %cond3A = arith.constant 0 : i32
      %cond3A_108 = arith.cmpi ne, %convert_element_type3A, %cond3A : i32
      scf.if %cond3A_108 {
        %sub3A_398 = arith.constant 2 : i32
        %sub3A_399 = arith.subi %add3A_106, %sub3A_398 : i32
        %mul3A_400 = arith.constant 1 : i32
        %mul3A_401 = arith.muli %mul3A_400, %add3A : i32
        %jit3A_402 = arith.constant 250 : i32
        %div3A_403 = arith.divsi %sub3A_399, %jit3A_402 : i32
        %sign3A_404 = arith.constant 0 : i32
        %sign3A_405 = arith.cmpi sgt, %sub3A_399, %sign3A_404 : i32
        %sign3A_406 = arith.extui %sign3A_405 : i1 to i32
        %sign3A_407 = arith.constant 0 : i32
        %sign3A_408 = arith.cmpi slt, %sub3A_399, %sign3A_407 : i32
        %sign3A_409 = arith.extui %sign3A_408 : i1 to i32
        %sign3A_410 = arith.subi %sign3A_406, %sign3A_409 : i32
        %sign3A_411 = arith.constant 0 : i32
        %sign3A_412 = arith.cmpi sgt, %jit3A_402, %sign3A_411 : i32
        %sign3A_413 = arith.extui %sign3A_412 : i1 to i32
        %sign3A_414 = arith.constant 0 : i32
        %sign3A_415 = arith.cmpi slt, %jit3A_402, %sign3A_414 : i32
        %sign3A_416 = arith.extui %sign3A_415 : i1 to i32
        %sign3A_417 = arith.subi %sign3A_413, %sign3A_416 : i32
        %ne3A_418 = arith.cmpi ne, %sign3A_410, %sign3A_417 : i32
        %rem3A_419 = arith.remsi %sub3A_399, %jit3A_402 : i32
        %ne3A_420 = arith.constant 0 : i32
        %ne3A_421 = arith.cmpi ne, %rem3A_419, %ne3A_420 : i32
        %and3A_422 = arith.andi %ne3A_418, %ne3A_421 : i1
        %sub3A_423 = arith.constant 1 : i32
        %sub3A_424 = arith.subi %div3A_403, %sub3A_423 : i32
        %select_n3A_425 = arith.select %and3A_422, %sub3A_424, %div3A_403 : i32
        %add3A_426 = arith.addi %mul3A_401, %select_n3A_425 : i32
        %jit3A_427 = arith.constant 250 : i32
        %eq3A_428 = arith.constant 0 : i32
        %eq3A_429 = arith.cmpi eq, %jit3A_427, %eq3A_428 : i32
        %jit3A_430 = arith.constant 1 : i32
        %select_n3A_431 = arith.select %eq3A_429, %jit3A_430, %jit3A_427 : i32
        %rem3A_432 = arith.remsi %sub3A_399, %select_n3A_431 : i32
        %ne3A_433 = arith.constant 0 : i32
        %ne3A_434 = arith.cmpi ne, %rem3A_432, %ne3A_433 : i32
        %lt3A_435 = arith.constant 0 : i32
        %lt3A_436 = arith.cmpi slt, %rem3A_432, %lt3A_435 : i32
        %lt3A_437 = arith.constant 0 : i32
        %lt3A_438 = arith.cmpi slt, %select_n3A_431, %lt3A_437 : i32
        %ne3A_439 = arith.xori %lt3A_436, %lt3A_438 : i1
        %and3A_440 = arith.andi %ne3A_439, %ne3A_434 : i1
        %add3A_441 = arith.addi %rem3A_432, %select_n3A_431 : i32
        %select_n3A_442 = arith.select %and3A_440, %add3A_441, %rem3A_432 : i32
        %mul3A_443 = arith.constant 40 : i32
        %mul3A_444 = arith.muli %select_n3A_442, %mul3A_443 : i32
        %multiple_of3A_445 = tpu.assume_multiple %mul3A_444, 8 : i32
        %dma_wait3A_446 = arith.constant 0 : i32
        %dma_wait3A_447 = tpu.memref_slice %arg4[%add3A_426, %multiple_of3A_445, %dma_wait3A_446] : memref<32x10000x128xi32, #tpu.memory_space<hbm>> -> memref<1x40x128xi32, #tpu.memory_space<hbm>>
        %dma_wait3A_448 = tpu.memref_squeeze %dma_wait3A_447 : memref<1x40x128xi32, #tpu.memory_space<hbm>> -> memref<40x128xi32, #tpu.memory_space<hbm>>
        %dma_wait3A_449 = arith.constant 0 : i32
        %dma_wait3A_450 = tpu.memref_slice %arg4[%add3A_426, %multiple_of3A_445, %dma_wait3A_449] : memref<32x10000x128xi32, #tpu.memory_space<hbm>> -> memref<1x40x128xi32, #tpu.memory_space<hbm>>
        %dma_wait3A_451 = tpu.memref_squeeze %dma_wait3A_450 : memref<1x40x128xi32, #tpu.memory_space<hbm>> -> memref<40x128xi32, #tpu.memory_space<hbm>>
        tpu.wait_dma2 semaphore(%arg16 : memref<!tpu.dma_semaphore, #tpu.memory_space<semaphore_mem>>) src(%arg8 : memref<40x128xi32, #tpu.memory_space<vmem>>) dst(%dma_wait3A_451 : memref<40x128xi32, #tpu.memory_space<hbm>>)
      } else {
      }
      %add3A_109 = arith.constant 2 : i32
      %add3A_110 = arith.addi %add3A_106, %add3A_109 : i32
      %mul3A_111 = arith.constant 40 : i32
      %mul3A_112 = arith.muli %add3A_110, %mul3A_111 : i32
      %multiple_of3A_113 = tpu.assume_multiple %mul3A_112, 8 : i32
      %dma_start3A_114 = tpu.memref_slice %arg5[%multiple_of3A_113] : memref<10000xi32, #tpu.memory_space<vmem>> -> memref<40xi32, #tpu.memory_space<vmem>>
      %dma_start3A_115 = arith.constant 0 : i32
      %dma_start3A_116 = arith.constant 0 : i32
      %dma_start3A_117 = tpu.memref_slice %arg2[%dma_start3A_115, %dma_start3A_116] : memref<10000x128xi32, #tpu.memory_space<hbm>> -> memref<10000x128xi32, #tpu.memory_space<hbm>>
      tpu.enqueue_indirect_dma source(%dma_start3A_117 : memref<10000x128xi32, #tpu.memory_space<hbm>>) target(%arg8 : memref<40x128xi32, #tpu.memory_space<vmem>>) offsets(%dma_start3A_114 : memref<40xi32, #tpu.memory_space<vmem>>) semaphore(%arg12 : memref<!tpu.dma_semaphore, #tpu.memory_space<semaphore_mem>>)
      %mul3A_118 = arith.constant 40 : i32
      %mul3A_119 = arith.muli %add3A_106, %mul3A_118 : i32
      %multiple_of3A_120 = tpu.assume_multiple %mul3A_119, 8 : i32
      %dma_wait3A_121 = tpu.memref_slice %arg5[%multiple_of3A_120] : memref<10000xi32, #tpu.memory_space<vmem>> -> memref<40xi32, #tpu.memory_space<vmem>>
      %dma_wait3A_122 = arith.constant 0 : i32
      %dma_wait3A_123 = arith.constant 0 : i32
      %dma_wait3A_124 = tpu.memref_slice %arg2[%dma_wait3A_122, %dma_wait3A_123] : memref<10000x128xi32, #tpu.memory_space<hbm>> -> memref<10000x128xi32, #tpu.memory_space<hbm>>
      tpu.wait_indirect_dma semaphore(%arg10 : memref<!tpu.dma_semaphore, #tpu.memory_space<semaphore_mem>>) src(%dma_wait3A_124 : memref<10000x128xi32, #tpu.memory_space<hbm>>) dst(%arg6 : memref<40x128xi32, #tpu.memory_space<vmem>>)
      %mul3A_125 = arith.constant 1 : i32
      %mul3A_126 = arith.muli %mul3A_125, %add3A : i32
      %jit3A = arith.constant 250 : i32
      %div3A = arith.divsi %add3A_106, %jit3A : i32
      %sign3A = arith.constant 0 : i32
      %sign3A_127 = arith.cmpi sgt, %add3A_106, %sign3A : i32
      %sign3A_128 = arith.extui %sign3A_127 : i1 to i32
      %sign3A_129 = arith.constant 0 : i32
      %sign3A_130 = arith.cmpi slt, %add3A_106, %sign3A_129 : i32
      %sign3A_131 = arith.extui %sign3A_130 : i1 to i32
      %sign3A_132 = arith.subi %sign3A_128, %sign3A_131 : i32
      %sign3A_133 = arith.constant 0 : i32
      %sign3A_134 = arith.cmpi sgt, %jit3A, %sign3A_133 : i32
      %sign3A_135 = arith.extui %sign3A_134 : i1 to i32
      %sign3A_136 = arith.constant 0 : i32
      %sign3A_137 = arith.cmpi slt, %jit3A, %sign3A_136 : i32
      %sign3A_138 = arith.extui %sign3A_137 : i1 to i32
      %sign3A_139 = arith.subi %sign3A_135, %sign3A_138 : i32
      %ne3A = arith.cmpi ne, %sign3A_132, %sign3A_139 : i32
      %rem3A = arith.remsi %add3A_106, %jit3A : i32
      %ne3A_140 = arith.constant 0 : i32
      %ne3A_141 = arith.cmpi ne, %rem3A, %ne3A_140 : i32
      %and3A = arith.andi %ne3A, %ne3A_141 : i1
      %sub3A = arith.constant 1 : i32
      %sub3A_142 = arith.subi %div3A, %sub3A : i32
      %select_n3A = arith.select %and3A, %sub3A_142, %div3A : i32
      %add3A_143 = arith.addi %mul3A_126, %select_n3A : i32
      %jit3A_144 = arith.constant 250 : i32
      %eq3A = arith.constant 0 : i32
      %eq3A_145 = arith.cmpi eq, %jit3A_144, %eq3A : i32
      %jit3A_146 = arith.constant 1 : i32
      %select_n3A_147 = arith.select %eq3A_145, %jit3A_146, %jit3A_144 : i32
      %rem3A_148 = arith.remsi %add3A_106, %select_n3A_147 : i32
      %ne3A_149 = arith.constant 0 : i32
      %ne3A_150 = arith.cmpi ne, %rem3A_148, %ne3A_149 : i32
      %lt3A = arith.constant 0 : i32
      %lt3A_151 = arith.cmpi slt, %rem3A_148, %lt3A : i32
      %lt3A_152 = arith.constant 0 : i32
      %lt3A_153 = arith.cmpi slt, %select_n3A_147, %lt3A_152 : i32
      %ne3A_154 = arith.xori %lt3A_151, %lt3A_153 : i1
      %and3A_155 = arith.andi %ne3A_154, %ne3A_150 : i1
      %add3A_156 = arith.addi %rem3A_148, %select_n3A_147 : i32
      %select_n3A_157 = arith.select %and3A_155, %add3A_156, %rem3A_148 : i32
      %mul3A_158 = arith.constant 40 : i32
      %mul3A_159 = arith.muli %select_n3A_157, %mul3A_158 : i32
      %multiple_of3A_160 = tpu.assume_multiple %mul3A_159, 8 : i32
      %dma_start3A_161 = arith.constant 0 : i32
      %dma_start3A_162 = tpu.memref_slice %arg4[%add3A_143, %multiple_of3A_160, %dma_start3A_161] : memref<32x10000x128xi32, #tpu.memory_space<hbm>> -> memref<1x40x128xi32, #tpu.memory_space<hbm>>
      %dma_start3A_163 = tpu.memref_squeeze %dma_start3A_162 : memref<1x40x128xi32, #tpu.memory_space<hbm>> -> memref<40x128xi32, #tpu.memory_space<hbm>>
      %dma_start3A_164 = arith.constant 0 : i32
      %dma_start3A_165 = tpu.memref_slice %arg4[%add3A_143, %multiple_of3A_160, %dma_start3A_164] : memref<32x10000x128xi32, #tpu.memory_space<hbm>> -> memref<1x40x128xi32, #tpu.memory_space<hbm>>
      %dma_start3A_166 = tpu.memref_squeeze %dma_start3A_165 : memref<1x40x128xi32, #tpu.memory_space<hbm>> -> memref<40x128xi32, #tpu.memory_space<hbm>>
      tpu.enqueue_dma source(%arg6 : memref<40x128xi32, #tpu.memory_space<vmem>>) target(%dma_start3A_166 : memref<40x128xi32, #tpu.memory_space<hbm>>) target_semaphore(%arg14 : memref<!tpu.dma_semaphore, #tpu.memory_space<semaphore_mem>>)
      %mul3A_167 = arith.constant 4 : i32
      %mul3A_168 = arith.muli %mul3A_167, %scan3A_102 : i32
      %add3A_169 = arith.constant 1 : i32
      %add3A_170 = arith.addi %mul3A_168, %add3A_169 : i32
      %ge3A_171 = arith.constant 2 : i32
      %ge3A_172 = arith.cmpi sge, %add3A_170, %ge3A_171 : i32
      %convert_element_type3A_173 = arith.extui %ge3A_172 : i1 to i32
      %cond3A_174 = arith.constant 0 : i32
      %cond3A_175 = arith.cmpi ne, %convert_element_type3A_173, %cond3A_174 : i32
      scf.if %cond3A_175 {
        %sub3A_398 = arith.constant 2 : i32
        %sub3A_399 = arith.subi %add3A_170, %sub3A_398 : i32
        %mul3A_400 = arith.constant 1 : i32
        %mul3A_401 = arith.muli %mul3A_400, %add3A : i32
        %jit3A_402 = arith.constant 250 : i32
        %div3A_403 = arith.divsi %sub3A_399, %jit3A_402 : i32
        %sign3A_404 = arith.constant 0 : i32
        %sign3A_405 = arith.cmpi sgt, %sub3A_399, %sign3A_404 : i32
        %sign3A_406 = arith.extui %sign3A_405 : i1 to i32
        %sign3A_407 = arith.constant 0 : i32
        %sign3A_408 = arith.cmpi slt, %sub3A_399, %sign3A_407 : i32
        %sign3A_409 = arith.extui %sign3A_408 : i1 to i32
        %sign3A_410 = arith.subi %sign3A_406, %sign3A_409 : i32
        %sign3A_411 = arith.constant 0 : i32
        %sign3A_412 = arith.cmpi sgt, %jit3A_402, %sign3A_411 : i32
        %sign3A_413 = arith.extui %sign3A_412 : i1 to i32
        %sign3A_414 = arith.constant 0 : i32
        %sign3A_415 = arith.cmpi slt, %jit3A_402, %sign3A_414 : i32
        %sign3A_416 = arith.extui %sign3A_415 : i1 to i32
        %sign3A_417 = arith.subi %sign3A_413, %sign3A_416 : i32
        %ne3A_418 = arith.cmpi ne, %sign3A_410, %sign3A_417 : i32
        %rem3A_419 = arith.remsi %sub3A_399, %jit3A_402 : i32
        %ne3A_420 = arith.constant 0 : i32
        %ne3A_421 = arith.cmpi ne, %rem3A_419, %ne3A_420 : i32
        %and3A_422 = arith.andi %ne3A_418, %ne3A_421 : i1
        %sub3A_423 = arith.constant 1 : i32
        %sub3A_424 = arith.subi %div3A_403, %sub3A_423 : i32
        %select_n3A_425 = arith.select %and3A_422, %sub3A_424, %div3A_403 : i32
        %add3A_426 = arith.addi %mul3A_401, %select_n3A_425 : i32
        %jit3A_427 = arith.constant 250 : i32
        %eq3A_428 = arith.constant 0 : i32
        %eq3A_429 = arith.cmpi eq, %jit3A_427, %eq3A_428 : i32
        %jit3A_430 = arith.constant 1 : i32
        %select_n3A_431 = arith.select %eq3A_429, %jit3A_430, %jit3A_427 : i32
        %rem3A_432 = arith.remsi %sub3A_399, %select_n3A_431 : i32
        %ne3A_433 = arith.constant 0 : i32
        %ne3A_434 = arith.cmpi ne, %rem3A_432, %ne3A_433 : i32
        %lt3A_435 = arith.constant 0 : i32
        %lt3A_436 = arith.cmpi slt, %rem3A_432, %lt3A_435 : i32
        %lt3A_437 = arith.constant 0 : i32
        %lt3A_438 = arith.cmpi slt, %select_n3A_431, %lt3A_437 : i32
        %ne3A_439 = arith.xori %lt3A_436, %lt3A_438 : i1
        %and3A_440 = arith.andi %ne3A_439, %ne3A_434 : i1
        %add3A_441 = arith.addi %rem3A_432, %select_n3A_431 : i32
        %select_n3A_442 = arith.select %and3A_440, %add3A_441, %rem3A_432 : i32
        %mul3A_443 = arith.constant 40 : i32
        %mul3A_444 = arith.muli %select_n3A_442, %mul3A_443 : i32
        %multiple_of3A_445 = tpu.assume_multiple %mul3A_444, 8 : i32
        %dma_wait3A_446 = arith.constant 0 : i32
        %dma_wait3A_447 = tpu.memref_slice %arg4[%add3A_426, %multiple_of3A_445, %dma_wait3A_446] : memref<32x10000x128xi32, #tpu.memory_space<hbm>> -> memref<1x40x128xi32, #tpu.memory_space<hbm>>
        %dma_wait3A_448 = tpu.memref_squeeze %dma_wait3A_447 : memref<1x40x128xi32, #tpu.memory_space<hbm>> -> memref<40x128xi32, #tpu.memory_space<hbm>>
        %dma_wait3A_449 = arith.constant 0 : i32
        %dma_wait3A_450 = tpu.memref_slice %arg4[%add3A_426, %multiple_of3A_445, %dma_wait3A_449] : memref<32x10000x128xi32, #tpu.memory_space<hbm>> -> memref<1x40x128xi32, #tpu.memory_space<hbm>>
        %dma_wait3A_451 = tpu.memref_squeeze %dma_wait3A_450 : memref<1x40x128xi32, #tpu.memory_space<hbm>> -> memref<40x128xi32, #tpu.memory_space<hbm>>
        tpu.wait_dma2 semaphore(%arg17 : memref<!tpu.dma_semaphore, #tpu.memory_space<semaphore_mem>>) src(%arg9 : memref<40x128xi32, #tpu.memory_space<vmem>>) dst(%dma_wait3A_451 : memref<40x128xi32, #tpu.memory_space<hbm>>)
      } else {
      }
      %add3A_176 = arith.constant 2 : i32
      %add3A_177 = arith.addi %add3A_170, %add3A_176 : i32
      %mul3A_178 = arith.constant 40 : i32
      %mul3A_179 = arith.muli %add3A_177, %mul3A_178 : i32
      %multiple_of3A_180 = tpu.assume_multiple %mul3A_179, 8 : i32
      %dma_start3A_181 = tpu.memref_slice %arg5[%multiple_of3A_180] : memref<10000xi32, #tpu.memory_space<vmem>> -> memref<40xi32, #tpu.memory_space<vmem>>
      %dma_start3A_182 = arith.constant 0 : i32
      %dma_start3A_183 = arith.constant 0 : i32
      %dma_start3A_184 = tpu.memref_slice %arg2[%dma_start3A_182, %dma_start3A_183] : memref<10000x128xi32, #tpu.memory_space<hbm>> -> memref<10000x128xi32, #tpu.memory_space<hbm>>
      tpu.enqueue_indirect_dma source(%dma_start3A_184 : memref<10000x128xi32, #tpu.memory_space<hbm>>) target(%arg9 : memref<40x128xi32, #tpu.memory_space<vmem>>) offsets(%dma_start3A_181 : memref<40xi32, #tpu.memory_space<vmem>>) semaphore(%arg13 : memref<!tpu.dma_semaphore, #tpu.memory_space<semaphore_mem>>)
      %mul3A_185 = arith.constant 40 : i32
      %mul3A_186 = arith.muli %add3A_170, %mul3A_185 : i32
      %multiple_of3A_187 = tpu.assume_multiple %mul3A_186, 8 : i32
      %dma_wait3A_188 = tpu.memref_slice %arg5[%multiple_of3A_187] : memref<10000xi32, #tpu.memory_space<vmem>> -> memref<40xi32, #tpu.memory_space<vmem>>
      %dma_wait3A_189 = arith.constant 0 : i32
      %dma_wait3A_190 = arith.constant 0 : i32
      %dma_wait3A_191 = tpu.memref_slice %arg2[%dma_wait3A_189, %dma_wait3A_190] : memref<10000x128xi32, #tpu.memory_space<hbm>> -> memref<10000x128xi32, #tpu.memory_space<hbm>>
      tpu.wait_indirect_dma semaphore(%arg11 : memref<!tpu.dma_semaphore, #tpu.memory_space<semaphore_mem>>) src(%dma_wait3A_191 : memref<10000x128xi32, #tpu.memory_space<hbm>>) dst(%arg7 : memref<40x128xi32, #tpu.memory_space<vmem>>)
      %mul3A_192 = arith.constant 1 : i32
      %mul3A_193 = arith.muli %mul3A_192, %add3A : i32
      %jit3A_194 = arith.constant 250 : i32
      %div3A_195 = arith.divsi %add3A_170, %jit3A_194 : i32
      %sign3A_196 = arith.constant 0 : i32
      %sign3A_197 = arith.cmpi sgt, %add3A_170, %sign3A_196 : i32
      %sign3A_198 = arith.extui %sign3A_197 : i1 to i32
      %sign3A_199 = arith.constant 0 : i32
      %sign3A_200 = arith.cmpi slt, %add3A_170, %sign3A_199 : i32
      %sign3A_201 = arith.extui %sign3A_200 : i1 to i32
      %sign3A_202 = arith.subi %sign3A_198, %sign3A_201 : i32
      %sign3A_203 = arith.constant 0 : i32
      %sign3A_204 = arith.cmpi sgt, %jit3A_194, %sign3A_203 : i32
      %sign3A_205 = arith.extui %sign3A_204 : i1 to i32
      %sign3A_206 = arith.constant 0 : i32
      %sign3A_207 = arith.cmpi slt, %jit3A_194, %sign3A_206 : i32
      %sign3A_208 = arith.extui %sign3A_207 : i1 to i32
      %sign3A_209 = arith.subi %sign3A_205, %sign3A_208 : i32
      %ne3A_210 = arith.cmpi ne, %sign3A_202, %sign3A_209 : i32
      %rem3A_211 = arith.remsi %add3A_170, %jit3A_194 : i32
      %ne3A_212 = arith.constant 0 : i32
      %ne3A_213 = arith.cmpi ne, %rem3A_211, %ne3A_212 : i32
      %and3A_214 = arith.andi %ne3A_210, %ne3A_213 : i1
      %sub3A_215 = arith.constant 1 : i32
      %sub3A_216 = arith.subi %div3A_195, %sub3A_215 : i32
      %select_n3A_217 = arith.select %and3A_214, %sub3A_216, %div3A_195 : i32
      %add3A_218 = arith.addi %mul3A_193, %select_n3A_217 : i32
      %jit3A_219 = arith.constant 250 : i32
      %eq3A_220 = arith.constant 0 : i32
      %eq3A_221 = arith.cmpi eq, %jit3A_219, %eq3A_220 : i32
      %jit3A_222 = arith.constant 1 : i32
      %select_n3A_223 = arith.select %eq3A_221, %jit3A_222, %jit3A_219 : i32
      %rem3A_224 = arith.remsi %add3A_170, %select_n3A_223 : i32
      %ne3A_225 = arith.constant 0 : i32
      %ne3A_226 = arith.cmpi ne, %rem3A_224, %ne3A_225 : i32
      %lt3A_227 = arith.constant 0 : i32
      %lt3A_228 = arith.cmpi slt, %rem3A_224, %lt3A_227 : i32
      %lt3A_229 = arith.constant 0 : i32
      %lt3A_230 = arith.cmpi slt, %select_n3A_223, %lt3A_229 : i32
      %ne3A_231 = arith.xori %lt3A_228, %lt3A_230 : i1
      %and3A_232 = arith.andi %ne3A_231, %ne3A_226 : i1
      %add3A_233 = arith.addi %rem3A_224, %select_n3A_223 : i32
      %select_n3A_234 = arith.select %and3A_232, %add3A_233, %rem3A_224 : i32
      %mul3A_235 = arith.constant 40 : i32
      %mul3A_236 = arith.muli %select_n3A_234, %mul3A_235 : i32
      %multiple_of3A_237 = tpu.assume_multiple %mul3A_236, 8 : i32
      %dma_start3A_238 = arith.constant 0 : i32
      %dma_start3A_239 = tpu.memref_slice %arg4[%add3A_218, %multiple_of3A_237, %dma_start3A_238] : memref<32x10000x128xi32, #tpu.memory_space<hbm>> -> memref<1x40x128xi32, #tpu.memory_space<hbm>>
      %dma_start3A_240 = tpu.memref_squeeze %dma_start3A_239 : memref<1x40x128xi32, #tpu.memory_space<hbm>> -> memref<40x128xi32, #tpu.memory_space<hbm>>
      %dma_start3A_241 = arith.constant 0 : i32
      %dma_start3A_242 = tpu.memref_slice %arg4[%add3A_218, %multiple_of3A_237, %dma_start3A_241] : memref<32x10000x128xi32, #tpu.memory_space<hbm>> -> memref<1x40x128xi32, #tpu.memory_space<hbm>>
      %dma_start3A_243 = tpu.memref_squeeze %dma_start3A_242 : memref<1x40x128xi32, #tpu.memory_space<hbm>> -> memref<40x128xi32, #tpu.memory_space<hbm>>
      tpu.enqueue_dma source(%arg7 : memref<40x128xi32, #tpu.memory_space<vmem>>) target(%dma_start3A_243 : memref<40x128xi32, #tpu.memory_space<hbm>>) target_semaphore(%arg15 : memref<!tpu.dma_semaphore, #tpu.memory_space<semaphore_mem>>)
      %mul3A_244 = arith.constant 4 : i32
      %mul3A_245 = arith.muli %mul3A_244, %scan3A_102 : i32
      %add3A_246 = arith.constant 2 : i32
      %add3A_247 = arith.addi %mul3A_245, %add3A_246 : i32
      %ge3A_248 = arith.constant 2 : i32
      %ge3A_249 = arith.cmpi sge, %add3A_247, %ge3A_248 : i32
      %convert_element_type3A_250 = arith.extui %ge3A_249 : i1 to i32
      %cond3A_251 = arith.constant 0 : i32
      %cond3A_252 = arith.cmpi ne, %convert_element_type3A_250, %cond3A_251 : i32
      scf.if %cond3A_252 {
        %sub3A_398 = arith.constant 2 : i32
        %sub3A_399 = arith.subi %add3A_247, %sub3A_398 : i32
        %mul3A_400 = arith.constant 1 : i32
        %mul3A_401 = arith.muli %mul3A_400, %add3A : i32
        %jit3A_402 = arith.constant 250 : i32
        %div3A_403 = arith.divsi %sub3A_399, %jit3A_402 : i32
        %sign3A_404 = arith.constant 0 : i32
        %sign3A_405 = arith.cmpi sgt, %sub3A_399, %sign3A_404 : i32
        %sign3A_406 = arith.extui %sign3A_405 : i1 to i32
        %sign3A_407 = arith.constant 0 : i32
        %sign3A_408 = arith.cmpi slt, %sub3A_399, %sign3A_407 : i32
        %sign3A_409 = arith.extui %sign3A_408 : i1 to i32
        %sign3A_410 = arith.subi %sign3A_406, %sign3A_409 : i32
        %sign3A_411 = arith.constant 0 : i32
        %sign3A_412 = arith.cmpi sgt, %jit3A_402, %sign3A_411 : i32
        %sign3A_413 = arith.extui %sign3A_412 : i1 to i32
        %sign3A_414 = arith.constant 0 : i32
        %sign3A_415 = arith.cmpi slt, %jit3A_402, %sign3A_414 : i32
        %sign3A_416 = arith.extui %sign3A_415 : i1 to i32
        %sign3A_417 = arith.subi %sign3A_413, %sign3A_416 : i32
        %ne3A_418 = arith.cmpi ne, %sign3A_410, %sign3A_417 : i32
        %rem3A_419 = arith.remsi %sub3A_399, %jit3A_402 : i32
        %ne3A_420 = arith.constant 0 : i32
        %ne3A_421 = arith.cmpi ne, %rem3A_419, %ne3A_420 : i32
        %and3A_422 = arith.andi %ne3A_418, %ne3A_421 : i1
        %sub3A_423 = arith.constant 1 : i32
        %sub3A_424 = arith.subi %div3A_403, %sub3A_423 : i32
        %select_n3A_425 = arith.select %and3A_422, %sub3A_424, %div3A_403 : i32
        %add3A_426 = arith.addi %mul3A_401, %select_n3A_425 : i32
        %jit3A_427 = arith.constant 250 : i32
        %eq3A_428 = arith.constant 0 : i32
        %eq3A_429 = arith.cmpi eq, %jit3A_427, %eq3A_428 : i32
        %jit3A_430 = arith.constant 1 : i32
        %select_n3A_431 = arith.select %eq3A_429, %jit3A_430, %jit3A_427 : i32
        %rem3A_432 = arith.remsi %sub3A_399, %select_n3A_431 : i32
        %ne3A_433 = arith.constant 0 : i32
        %ne3A_434 = arith.cmpi ne, %rem3A_432, %ne3A_433 : i32
        %lt3A_435 = arith.constant 0 : i32
        %lt3A_436 = arith.cmpi slt, %rem3A_432, %lt3A_435 : i32
        %lt3A_437 = arith.constant 0 : i32
        %lt3A_438 = arith.cmpi slt, %select_n3A_431, %lt3A_437 : i32
        %ne3A_439 = arith.xori %lt3A_436, %lt3A_438 : i1
        %and3A_440 = arith.andi %ne3A_439, %ne3A_434 : i1
        %add3A_441 = arith.addi %rem3A_432, %select_n3A_431 : i32
        %select_n3A_442 = arith.select %and3A_440, %add3A_441, %rem3A_432 : i32
        %mul3A_443 = arith.constant 40 : i32
        %mul3A_444 = arith.muli %select_n3A_442, %mul3A_443 : i32
        %multiple_of3A_445 = tpu.assume_multiple %mul3A_444, 8 : i32
        %dma_wait3A_446 = arith.constant 0 : i32
        %dma_wait3A_447 = tpu.memref_slice %arg4[%add3A_426, %multiple_of3A_445, %dma_wait3A_446] : memref<32x10000x128xi32, #tpu.memory_space<hbm>> -> memref<1x40x128xi32, #tpu.memory_space<hbm>>
        %dma_wait3A_448 = tpu.memref_squeeze %dma_wait3A_447 : memref<1x40x128xi32, #tpu.memory_space<hbm>> -> memref<40x128xi32, #tpu.memory_space<hbm>>
        %dma_wait3A_449 = arith.constant 0 : i32
        %dma_wait3A_450 = tpu.memref_slice %arg4[%add3A_426, %multiple_of3A_445, %dma_wait3A_449] : memref<32x10000x128xi32, #tpu.memory_space<hbm>> -> memref<1x40x128xi32, #tpu.memory_space<hbm>>
        %dma_wait3A_451 = tpu.memref_squeeze %dma_wait3A_450 : memref<1x40x128xi32, #tpu.memory_space<hbm>> -> memref<40x128xi32, #tpu.memory_space<hbm>>
        tpu.wait_dma2 semaphore(%arg14 : memref<!tpu.dma_semaphore, #tpu.memory_space<semaphore_mem>>) src(%arg6 : memref<40x128xi32, #tpu.memory_space<vmem>>) dst(%dma_wait3A_451 : memref<40x128xi32, #tpu.memory_space<hbm>>)
      } else {
      }
      %add3A_253 = arith.constant 2 : i32
      %add3A_254 = arith.addi %add3A_247, %add3A_253 : i32
      %mul3A_255 = arith.constant 40 : i32
      %mul3A_256 = arith.muli %add3A_254, %mul3A_255 : i32
      %multiple_of3A_257 = tpu.assume_multiple %mul3A_256, 8 : i32
      %dma_start3A_258 = tpu.memref_slice %arg5[%multiple_of3A_257] : memref<10000xi32, #tpu.memory_space<vmem>> -> memref<40xi32, #tpu.memory_space<vmem>>
      %dma_start3A_259 = arith.constant 0 : i32
      %dma_start3A_260 = arith.constant 0 : i32
      %dma_start3A_261 = tpu.memref_slice %arg2[%dma_start3A_259, %dma_start3A_260] : memref<10000x128xi32, #tpu.memory_space<hbm>> -> memref<10000x128xi32, #tpu.memory_space<hbm>>
      tpu.enqueue_indirect_dma source(%dma_start3A_261 : memref<10000x128xi32, #tpu.memory_space<hbm>>) target(%arg6 : memref<40x128xi32, #tpu.memory_space<vmem>>) offsets(%dma_start3A_258 : memref<40xi32, #tpu.memory_space<vmem>>) semaphore(%arg10 : memref<!tpu.dma_semaphore, #tpu.memory_space<semaphore_mem>>)
      %mul3A_262 = arith.constant 40 : i32
      %mul3A_263 = arith.muli %add3A_247, %mul3A_262 : i32
      %multiple_of3A_264 = tpu.assume_multiple %mul3A_263, 8 : i32
      %dma_wait3A_265 = tpu.memref_slice %arg5[%multiple_of3A_264] : memref<10000xi32, #tpu.memory_space<vmem>> -> memref<40xi32, #tpu.memory_space<vmem>>
      %dma_wait3A_266 = arith.constant 0 : i32
      %dma_wait3A_267 = arith.constant 0 : i32
      %dma_wait3A_268 = tpu.memref_slice %arg2[%dma_wait3A_266, %dma_wait3A_267] : memref<10000x128xi32, #tpu.memory_space<hbm>> -> memref<10000x128xi32, #tpu.memory_space<hbm>>
      tpu.wait_indirect_dma semaphore(%arg12 : memref<!tpu.dma_semaphore, #tpu.memory_space<semaphore_mem>>) src(%dma_wait3A_268 : memref<10000x128xi32, #tpu.memory_space<hbm>>) dst(%arg8 : memref<40x128xi32, #tpu.memory_space<vmem>>)
      %mul3A_269 = arith.constant 1 : i32
      %mul3A_270 = arith.muli %mul3A_269, %add3A : i32
      %jit3A_271 = arith.constant 250 : i32
      %div3A_272 = arith.divsi %add3A_247, %jit3A_271 : i32
      %sign3A_273 = arith.constant 0 : i32
      %sign3A_274 = arith.cmpi sgt, %add3A_247, %sign3A_273 : i32
      %sign3A_275 = arith.extui %sign3A_274 : i1 to i32
      %sign3A_276 = arith.constant 0 : i32
      %sign3A_277 = arith.cmpi slt, %add3A_247, %sign3A_276 : i32
      %sign3A_278 = arith.extui %sign3A_277 : i1 to i32
      %sign3A_279 = arith.subi %sign3A_275, %sign3A_278 : i32
      %sign3A_280 = arith.constant 0 : i32
      %sign3A_281 = arith.cmpi sgt, %jit3A_271, %sign3A_280 : i32
      %sign3A_282 = arith.extui %sign3A_281 : i1 to i32
      %sign3A_283 = arith.constant 0 : i32
      %sign3A_284 = arith.cmpi slt, %jit3A_271, %sign3A_283 : i32
      %sign3A_285 = arith.extui %sign3A_284 : i1 to i32
      %sign3A_286 = arith.subi %sign3A_282, %sign3A_285 : i32
      %ne3A_287 = arith.cmpi ne, %sign3A_279, %sign3A_286 : i32
      %rem3A_288 = arith.remsi %add3A_247, %jit3A_271 : i32
      %ne3A_289 = arith.constant 0 : i32
      %ne3A_290 = arith.cmpi ne, %rem3A_288, %ne3A_289 : i32
      %and3A_291 = arith.andi %ne3A_287, %ne3A_290 : i1
      %sub3A_292 = arith.constant 1 : i32
      %sub3A_293 = arith.subi %div3A_272, %sub3A_292 : i32
      %select_n3A_294 = arith.select %and3A_291, %sub3A_293, %div3A_272 : i32
      %add3A_295 = arith.addi %mul3A_270, %select_n3A_294 : i32
      %jit3A_296 = arith.constant 250 : i32
      %eq3A_297 = arith.constant 0 : i32
      %eq3A_298 = arith.cmpi eq, %jit3A_296, %eq3A_297 : i32
      %jit3A_299 = arith.constant 1 : i32
      %select_n3A_300 = arith.select %eq3A_298, %jit3A_299, %jit3A_296 : i32
      %rem3A_301 = arith.remsi %add3A_247, %select_n3A_300 : i32
      %ne3A_302 = arith.constant 0 : i32
      %ne3A_303 = arith.cmpi ne, %rem3A_301, %ne3A_302 : i32
      %lt3A_304 = arith.constant 0 : i32
      %lt3A_305 = arith.cmpi slt, %rem3A_301, %lt3A_304 : i32
      %lt3A_306 = arith.constant 0 : i32
      %lt3A_307 = arith.cmpi slt, %select_n3A_300, %lt3A_306 : i32
      %ne3A_308 = arith.xori %lt3A_305, %lt3A_307 : i1
      %and3A_309 = arith.andi %ne3A_308, %ne3A_303 : i1
      %add3A_310 = arith.addi %rem3A_301, %select_n3A_300 : i32
      %select_n3A_311 = arith.select %and3A_309, %add3A_310, %rem3A_301 : i32
      %mul3A_312 = arith.constant 40 : i32
      %mul3A_313 = arith.muli %select_n3A_311, %mul3A_312 : i32
      %multiple_of3A_314 = tpu.assume_multiple %mul3A_313, 8 : i32
      %dma_start3A_315 = arith.constant 0 : i32
      %dma_start3A_316 = tpu.memref_slice %arg4[%add3A_295, %multiple_of3A_314, %dma_start3A_315] : memref<32x10000x128xi32, #tpu.memory_space<hbm>> -> memref<1x40x128xi32, #tpu.memory_space<hbm>>
      %dma_start3A_317 = tpu.memref_squeeze %dma_start3A_316 : memref<1x40x128xi32, #tpu.memory_space<hbm>> -> memref<40x128xi32, #tpu.memory_space<hbm>>
      %dma_start3A_318 = arith.constant 0 : i32
      %dma_start3A_319 = tpu.memref_slice %arg4[%add3A_295, %multiple_of3A_314, %dma_start3A_318] : memref<32x10000x128xi32, #tpu.memory_space<hbm>> -> memref<1x40x128xi32, #tpu.memory_space<hbm>>
      %dma_start3A_320 = tpu.memref_squeeze %dma_start3A_319 : memref<1x40x128xi32, #tpu.memory_space<hbm>> -> memref<40x128xi32, #tpu.memory_space<hbm>>
      tpu.enqueue_dma source(%arg8 : memref<40x128xi32, #tpu.memory_space<vmem>>) target(%dma_start3A_320 : memref<40x128xi32, #tpu.memory_space<hbm>>) target_semaphore(%arg16 : memref<!tpu.dma_semaphore, #tpu.memory_space<semaphore_mem>>)
      %mul3A_321 = arith.constant 4 : i32
      %mul3A_322 = arith.muli %mul3A_321, %scan3A_102 : i32
      %add3A_323 = arith.constant 3 : i32
      %add3A_324 = arith.addi %mul3A_322, %add3A_323 : i32
      %ge3A_325 = arith.constant 2 : i32
      %ge3A_326 = arith.cmpi sge, %add3A_324, %ge3A_325 : i32
      %convert_element_type3A_327 = arith.extui %ge3A_326 : i1 to i32
      %cond3A_328 = arith.constant 0 : i32
      %cond3A_329 = arith.cmpi ne, %convert_element_type3A_327, %cond3A_328 : i32
      scf.if %cond3A_329 {
        %sub3A_398 = arith.constant 2 : i32
        %sub3A_399 = arith.subi %add3A_324, %sub3A_398 : i32
        %mul3A_400 = arith.constant 1 : i32
        %mul3A_401 = arith.muli %mul3A_400, %add3A : i32
        %jit3A_402 = arith.constant 250 : i32
        %div3A_403 = arith.divsi %sub3A_399, %jit3A_402 : i32
        %sign3A_404 = arith.constant 0 : i32
        %sign3A_405 = arith.cmpi sgt, %sub3A_399, %sign3A_404 : i32
        %sign3A_406 = arith.extui %sign3A_405 : i1 to i32
        %sign3A_407 = arith.constant 0 : i32
        %sign3A_408 = arith.cmpi slt, %sub3A_399, %sign3A_407 : i32
        %sign3A_409 = arith.extui %sign3A_408 : i1 to i32
        %sign3A_410 = arith.subi %sign3A_406, %sign3A_409 : i32
        %sign3A_411 = arith.constant 0 : i32
        %sign3A_412 = arith.cmpi sgt, %jit3A_402, %sign3A_411 : i32
        %sign3A_413 = arith.extui %sign3A_412 : i1 to i32
        %sign3A_414 = arith.constant 0 : i32
        %sign3A_415 = arith.cmpi slt, %jit3A_402, %sign3A_414 : i32
        %sign3A_416 = arith.extui %sign3A_415 : i1 to i32
        %sign3A_417 = arith.subi %sign3A_413, %sign3A_416 : i32
        %ne3A_418 = arith.cmpi ne, %sign3A_410, %sign3A_417 : i32
        %rem3A_419 = arith.remsi %sub3A_399, %jit3A_402 : i32
        %ne3A_420 = arith.constant 0 : i32
        %ne3A_421 = arith.cmpi ne, %rem3A_419, %ne3A_420 : i32
        %and3A_422 = arith.andi %ne3A_418, %ne3A_421 : i1
        %sub3A_423 = arith.constant 1 : i32
        %sub3A_424 = arith.subi %div3A_403, %sub3A_423 : i32
        %select_n3A_425 = arith.select %and3A_422, %sub3A_424, %div3A_403 : i32
        %add3A_426 = arith.addi %mul3A_401, %select_n3A_425 : i32
        %jit3A_427 = arith.constant 250 : i32
        %eq3A_428 = arith.constant 0 : i32
        %eq3A_429 = arith.cmpi eq, %jit3A_427, %eq3A_428 : i32
        %jit3A_430 = arith.constant 1 : i32
        %select_n3A_431 = arith.select %eq3A_429, %jit3A_430, %jit3A_427 : i32
        %rem3A_432 = arith.remsi %sub3A_399, %select_n3A_431 : i32
        %ne3A_433 = arith.constant 0 : i32
        %ne3A_434 = arith.cmpi ne, %rem3A_432, %ne3A_433 : i32
        %lt3A_435 = arith.constant 0 : i32
        %lt3A_436 = arith.cmpi slt, %rem3A_432, %lt3A_435 : i32
        %lt3A_437 = arith.constant 0 : i32
        %lt3A_438 = arith.cmpi slt, %select_n3A_431, %lt3A_437 : i32
        %ne3A_439 = arith.xori %lt3A_436, %lt3A_438 : i1
        %and3A_440 = arith.andi %ne3A_439, %ne3A_434 : i1
        %add3A_441 = arith.addi %rem3A_432, %select_n3A_431 : i32
        %select_n3A_442 = arith.select %and3A_440, %add3A_441, %rem3A_432 : i32
        %mul3A_443 = arith.constant 40 : i32
        %mul3A_444 = arith.muli %select_n3A_442, %mul3A_443 : i32
        %multiple_of3A_445 = tpu.assume_multiple %mul3A_444, 8 : i32
        %dma_wait3A_446 = arith.constant 0 : i32
        %dma_wait3A_447 = tpu.memref_slice %arg4[%add3A_426, %multiple_of3A_445, %dma_wait3A_446] : memref<32x10000x128xi32, #tpu.memory_space<hbm>> -> memref<1x40x128xi32, #tpu.memory_space<hbm>>
        %dma_wait3A_448 = tpu.memref_squeeze %dma_wait3A_447 : memref<1x40x128xi32, #tpu.memory_space<hbm>> -> memref<40x128xi32, #tpu.memory_space<hbm>>
        %dma_wait3A_449 = arith.constant 0 : i32
        %dma_wait3A_450 = tpu.memref_slice %arg4[%add3A_426, %multiple_of3A_445, %dma_wait3A_449] : memref<32x10000x128xi32, #tpu.memory_space<hbm>> -> memref<1x40x128xi32, #tpu.memory_space<hbm>>
        %dma_wait3A_451 = tpu.memref_squeeze %dma_wait3A_450 : memref<1x40x128xi32, #tpu.memory_space<hbm>> -> memref<40x128xi32, #tpu.memory_space<hbm>>
        tpu.wait_dma2 semaphore(%arg15 : memref<!tpu.dma_semaphore, #tpu.memory_space<semaphore_mem>>) src(%arg7 : memref<40x128xi32, #tpu.memory_space<vmem>>) dst(%dma_wait3A_451 : memref<40x128xi32, #tpu.memory_space<hbm>>)
      } else {
      }
      %add3A_330 = arith.constant 2 : i32
      %add3A_331 = arith.addi %add3A_324, %add3A_330 : i32
      %mul3A_332 = arith.constant 40 : i32
      %mul3A_333 = arith.muli %add3A_331, %mul3A_332 : i32
      %multiple_of3A_334 = tpu.assume_multiple %mul3A_333, 8 : i32
      %dma_start3A_335 = tpu.memref_slice %arg5[%multiple_of3A_334] : memref<10000xi32, #tpu.memory_space<vmem>> -> memref<40xi32, #tpu.memory_space<vmem>>
      %dma_start3A_336 = arith.constant 0 : i32
      %dma_start3A_337 = arith.constant 0 : i32
      %dma_start3A_338 = tpu.memref_slice %arg2[%dma_start3A_336, %dma_start3A_337] : memref<10000x128xi32, #tpu.memory_space<hbm>> -> memref<10000x128xi32, #tpu.memory_space<hbm>>
      tpu.enqueue_indirect_dma source(%dma_start3A_338 : memref<10000x128xi32, #tpu.memory_space<hbm>>) target(%arg7 : memref<40x128xi32, #tpu.memory_space<vmem>>) offsets(%dma_start3A_335 : memref<40xi32, #tpu.memory_space<vmem>>) semaphore(%arg11 : memref<!tpu.dma_semaphore, #tpu.memory_space<semaphore_mem>>)
      %mul3A_339 = arith.constant 40 : i32
      %mul3A_340 = arith.muli %add3A_324, %mul3A_339 : i32
      %multiple_of3A_341 = tpu.assume_multiple %mul3A_340, 8 : i32
      %dma_wait3A_342 = tpu.memref_slice %arg5[%multiple_of3A_341] : memref<10000xi32, #tpu.memory_space<vmem>> -> memref<40xi32, #tpu.memory_space<vmem>>
      %dma_wait3A_343 = arith.constant 0 : i32
      %dma_wait3A_344 = arith.constant 0 : i32
      %dma_wait3A_345 = tpu.memref_slice %arg2[%dma_wait3A_343, %dma_wait3A_344] : memref<10000x128xi32, #tpu.memory_space<hbm>> -> memref<10000x128xi32, #tpu.memory_space<hbm>>
      tpu.wait_indirect_dma semaphore(%arg13 : memref<!tpu.dma_semaphore, #tpu.memory_space<semaphore_mem>>) src(%dma_wait3A_345 : memref<10000x128xi32, #tpu.memory_space<hbm>>) dst(%arg9 : memref<40x128xi32, #tpu.memory_space<vmem>>)
      %mul3A_346 = arith.constant 1 : i32
      %mul3A_347 = arith.muli %mul3A_346, %add3A : i32
      %jit3A_348 = arith.constant 250 : i32
      %div3A_349 = arith.divsi %add3A_324, %jit3A_348 : i32
      %sign3A_350 = arith.constant 0 : i32
      %sign3A_351 = arith.cmpi sgt, %add3A_324, %sign3A_350 : i32
      %sign3A_352 = arith.extui %sign3A_351 : i1 to i32
      %sign3A_353 = arith.constant 0 : i32
      %sign3A_354 = arith.cmpi slt, %add3A_324, %sign3A_353 : i32
      %sign3A_355 = arith.extui %sign3A_354 : i1 to i32
      %sign3A_356 = arith.subi %sign3A_352, %sign3A_355 : i32
      %sign3A_357 = arith.constant 0 : i32
      %sign3A_358 = arith.cmpi sgt, %jit3A_348, %sign3A_357 : i32
      %sign3A_359 = arith.extui %sign3A_358 : i1 to i32
      %sign3A_360 = arith.constant 0 : i32
      %sign3A_361 = arith.cmpi slt, %jit3A_348, %sign3A_360 : i32
      %sign3A_362 = arith.extui %sign3A_361 : i1 to i32
      %sign3A_363 = arith.subi %sign3A_359, %sign3A_362 : i32
      %ne3A_364 = arith.cmpi ne, %sign3A_356, %sign3A_363 : i32
      %rem3A_365 = arith.remsi %add3A_324, %jit3A_348 : i32
      %ne3A_366 = arith.constant 0 : i32
      %ne3A_367 = arith.cmpi ne, %rem3A_365, %ne3A_366 : i32
      %and3A_368 = arith.andi %ne3A_364, %ne3A_367 : i1
      %sub3A_369 = arith.constant 1 : i32
      %sub3A_370 = arith.subi %div3A_349, %sub3A_369 : i32
      %select_n3A_371 = arith.select %and3A_368, %sub3A_370, %div3A_349 : i32
      %add3A_372 = arith.addi %mul3A_347, %select_n3A_371 : i32
      %jit3A_373 = arith.constant 250 : i32
      %eq3A_374 = arith.constant 0 : i32
      %eq3A_375 = arith.cmpi eq, %jit3A_373, %eq3A_374 : i32
      %jit3A_376 = arith.constant 1 : i32
      %select_n3A_377 = arith.select %eq3A_375, %jit3A_376, %jit3A_373 : i32
      %rem3A_378 = arith.remsi %add3A_324, %select_n3A_377 : i32
      %ne3A_379 = arith.constant 0 : i32
      %ne3A_380 = arith.cmpi ne, %rem3A_378, %ne3A_379 : i32
      %lt3A_381 = arith.constant 0 : i32
      %lt3A_382 = arith.cmpi slt, %rem3A_378, %lt3A_381 : i32
      %lt3A_383 = arith.constant 0 : i32
      %lt3A_384 = arith.cmpi slt, %select_n3A_377, %lt3A_383 : i32
      %ne3A_385 = arith.xori %lt3A_382, %lt3A_384 : i1
      %and3A_386 = arith.andi %ne3A_385, %ne3A_380 : i1
      %add3A_387 = arith.addi %rem3A_378, %select_n3A_377 : i32
      %select_n3A_388 = arith.select %and3A_386, %add3A_387, %rem3A_378 : i32
      %mul3A_389 = arith.constant 40 : i32
      %mul3A_390 = arith.muli %select_n3A_388, %mul3A_389 : i32
      %multiple_of3A_391 = tpu.assume_multiple %mul3A_390, 8 : i32
      %dma_start3A_392 = arith.constant 0 : i32
      %dma_start3A_393 = tpu.memref_slice %arg4[%add3A_372, %multiple_of3A_391, %dma_start3A_392] : memref<32x10000x128xi32, #tpu.memory_space<hbm>> -> memref<1x40x128xi32, #tpu.memory_space<hbm>>
      %dma_start3A_394 = tpu.memref_squeeze %dma_start3A_393 : memref<1x40x128xi32, #tpu.memory_space<hbm>> -> memref<40x128xi32, #tpu.memory_space<hbm>>
      %dma_start3A_395 = arith.constant 0 : i32
      %dma_start3A_396 = tpu.memref_slice %arg4[%add3A_372, %multiple_of3A_391, %dma_start3A_395] : memref<32x10000x128xi32, #tpu.memory_space<hbm>> -> memref<1x40x128xi32, #tpu.memory_space<hbm>>
      %dma_start3A_397 = tpu.memref_squeeze %dma_start3A_396 : memref<1x40x128xi32, #tpu.memory_space<hbm>> -> memref<40x128xi32, #tpu.memory_space<hbm>>
      tpu.enqueue_dma source(%arg9 : memref<40x128xi32, #tpu.memory_space<vmem>>) target(%dma_start3A_397 : memref<40x128xi32, #tpu.memory_space<hbm>>) target_semaphore(%arg17 : memref<!tpu.dma_semaphore, #tpu.memory_space<semaphore_mem>>)
    }
    %scan3A_18 = arith.constant 62 : i32
    %mul3A_19 = arith.constant 1 : i32
    %mul3A_20 = arith.muli %mul3A_19, %add3A : i32
    %add3A_21 = arith.constant 0 : i32
    %add3A_22 = arith.addi %mul3A_20, %add3A_21 : i32
    %multiple_of3A_23 = arith.constant 9840 : i32
    %multiple_of3A_24 = tpu.assume_multiple %multiple_of3A_23, 8 : i32
    %dma_wait3A = arith.constant 0 : i32
    %dma_wait3A_25 = tpu.memref_slice %arg4[%add3A_22, %multiple_of3A_24, %dma_wait3A] : memref<32x10000x128xi32, #tpu.memory_space<hbm>> -> memref<1x40x128xi32, #tpu.memory_space<hbm>>
    %dma_wait3A_26 = tpu.memref_squeeze %dma_wait3A_25 : memref<1x40x128xi32, #tpu.memory_space<hbm>> -> memref<40x128xi32, #tpu.memory_space<hbm>>
    %dma_wait3A_27 = arith.constant 0 : i32
    %dma_wait3A_28 = tpu.memref_slice %arg4[%add3A_22, %multiple_of3A_24, %dma_wait3A_27] : memref<32x10000x128xi32, #tpu.memory_space<hbm>> -> memref<1x40x128xi32, #tpu.memory_space<hbm>>
    %dma_wait3A_29 = tpu.memref_squeeze %dma_wait3A_28 : memref<1x40x128xi32, #tpu.memory_space<hbm>> -> memref<40x128xi32, #tpu.memory_space<hbm>>
    tpu.wait_dma2 semaphore(%arg16 : memref<!tpu.dma_semaphore, #tpu.memory_space<semaphore_mem>>) src(%arg8 : memref<40x128xi32, #tpu.memory_space<vmem>>) dst(%dma_wait3A_29 : memref<40x128xi32, #tpu.memory_space<hbm>>)
    %multiple_of3A_30 = arith.constant 9920 : i32
    %multiple_of3A_31 = tpu.assume_multiple %multiple_of3A_30, 8 : i32
    %dma_wait3A_32 = tpu.memref_slice %arg5[%multiple_of3A_31] : memref<10000xi32, #tpu.memory_space<vmem>> -> memref<40xi32, #tpu.memory_space<vmem>>
    %dma_wait3A_33 = arith.constant 0 : i32
    %dma_wait3A_34 = arith.constant 0 : i32
    %dma_wait3A_35 = tpu.memref_slice %arg2[%dma_wait3A_33, %dma_wait3A_34] : memref<10000x128xi32, #tpu.memory_space<hbm>> -> memref<10000x128xi32, #tpu.memory_space<hbm>>
    tpu.wait_indirect_dma semaphore(%arg10 : memref<!tpu.dma_semaphore, #tpu.memory_space<semaphore_mem>>) src(%dma_wait3A_35 : memref<10000x128xi32, #tpu.memory_space<hbm>>) dst(%arg6 : memref<40x128xi32, #tpu.memory_space<vmem>>)
    %mul3A_36 = arith.constant 1 : i32
    %mul3A_37 = arith.muli %mul3A_36, %add3A : i32
    %add3A_38 = arith.constant 0 : i32
    %add3A_39 = arith.addi %mul3A_37, %add3A_38 : i32
    %multiple_of3A_40 = arith.constant 9920 : i32
    %multiple_of3A_41 = tpu.assume_multiple %multiple_of3A_40, 8 : i32
    %dma_start3A_42 = arith.constant 0 : i32
    %dma_start3A_43 = tpu.memref_slice %arg4[%add3A_39, %multiple_of3A_41, %dma_start3A_42] : memref<32x10000x128xi32, #tpu.memory_space<hbm>> -> memref<1x40x128xi32, #tpu.memory_space<hbm>>
    %dma_start3A_44 = tpu.memref_squeeze %dma_start3A_43 : memref<1x40x128xi32, #tpu.memory_space<hbm>> -> memref<40x128xi32, #tpu.memory_space<hbm>>
    %dma_start3A_45 = arith.constant 0 : i32
    %dma_start3A_46 = tpu.memref_slice %arg4[%add3A_39, %multiple_of3A_41, %dma_start3A_45] : memref<32x10000x128xi32, #tpu.memory_space<hbm>> -> memref<1x40x128xi32, #tpu.memory_space<hbm>>
    %dma_start3A_47 = tpu.memref_squeeze %dma_start3A_46 : memref<1x40x128xi32, #tpu.memory_space<hbm>> -> memref<40x128xi32, #tpu.memory_space<hbm>>
    tpu.enqueue_dma source(%arg6 : memref<40x128xi32, #tpu.memory_space<vmem>>) target(%dma_start3A_47 : memref<40x128xi32, #tpu.memory_space<hbm>>) target_semaphore(%arg14 : memref<!tpu.dma_semaphore, #tpu.memory_space<semaphore_mem>>)
    %mul3A_48 = arith.constant 1 : i32
    %mul3A_49 = arith.muli %mul3A_48, %add3A : i32
    %add3A_50 = arith.constant 0 : i32
    %add3A_51 = arith.addi %mul3A_49, %add3A_50 : i32
    %multiple_of3A_52 = arith.constant 9880 : i32
    %multiple_of3A_53 = tpu.assume_multiple %multiple_of3A_52, 8 : i32
    %dma_wait3A_54 = arith.constant 0 : i32
    %dma_wait3A_55 = tpu.memref_slice %arg4[%add3A_51, %multiple_of3A_53, %dma_wait3A_54] : memref<32x10000x128xi32, #tpu.memory_space<hbm>> -> memref<1x40x128xi32, #tpu.memory_space<hbm>>
    %dma_wait3A_56 = tpu.memref_squeeze %dma_wait3A_55 : memref<1x40x128xi32, #tpu.memory_space<hbm>> -> memref<40x128xi32, #tpu.memory_space<hbm>>
    %dma_wait3A_57 = arith.constant 0 : i32
    %dma_wait3A_58 = tpu.memref_slice %arg4[%add3A_51, %multiple_of3A_53, %dma_wait3A_57] : memref<32x10000x128xi32, #tpu.memory_space<hbm>> -> memref<1x40x128xi32, #tpu.memory_space<hbm>>
    %dma_wait3A_59 = tpu.memref_squeeze %dma_wait3A_58 : memref<1x40x128xi32, #tpu.memory_space<hbm>> -> memref<40x128xi32, #tpu.memory_space<hbm>>
    tpu.wait_dma2 semaphore(%arg17 : memref<!tpu.dma_semaphore, #tpu.memory_space<semaphore_mem>>) src(%arg9 : memref<40x128xi32, #tpu.memory_space<vmem>>) dst(%dma_wait3A_59 : memref<40x128xi32, #tpu.memory_space<hbm>>)
    %multiple_of3A_60 = arith.constant 9960 : i32
    %multiple_of3A_61 = tpu.assume_multiple %multiple_of3A_60, 8 : i32
    %dma_wait3A_62 = tpu.memref_slice %arg5[%multiple_of3A_61] : memref<10000xi32, #tpu.memory_space<vmem>> -> memref<40xi32, #tpu.memory_space<vmem>>
    %dma_wait3A_63 = arith.constant 0 : i32
    %dma_wait3A_64 = arith.constant 0 : i32
    %dma_wait3A_65 = tpu.memref_slice %arg2[%dma_wait3A_63, %dma_wait3A_64] : memref<10000x128xi32, #tpu.memory_space<hbm>> -> memref<10000x128xi32, #tpu.memory_space<hbm>>
    tpu.wait_indirect_dma semaphore(%arg11 : memref<!tpu.dma_semaphore, #tpu.memory_space<semaphore_mem>>) src(%dma_wait3A_65 : memref<10000x128xi32, #tpu.memory_space<hbm>>) dst(%arg7 : memref<40x128xi32, #tpu.memory_space<vmem>>)
    %mul3A_66 = arith.constant 1 : i32
    %mul3A_67 = arith.muli %mul3A_66, %add3A : i32
    %add3A_68 = arith.constant 0 : i32
    %add3A_69 = arith.addi %mul3A_67, %add3A_68 : i32
    %multiple_of3A_70 = arith.constant 9960 : i32
    %multiple_of3A_71 = tpu.assume_multiple %multiple_of3A_70, 8 : i32
    %dma_start3A_72 = arith.constant 0 : i32
    %dma_start3A_73 = tpu.memref_slice %arg4[%add3A_69, %multiple_of3A_71, %dma_start3A_72] : memref<32x10000x128xi32, #tpu.memory_space<hbm>> -> memref<1x40x128xi32, #tpu.memory_space<hbm>>
    %dma_start3A_74 = tpu.memref_squeeze %dma_start3A_73 : memref<1x40x128xi32, #tpu.memory_space<hbm>> -> memref<40x128xi32, #tpu.memory_space<hbm>>
    %dma_start3A_75 = arith.constant 0 : i32
    %dma_start3A_76 = tpu.memref_slice %arg4[%add3A_69, %multiple_of3A_71, %dma_start3A_75] : memref<32x10000x128xi32, #tpu.memory_space<hbm>> -> memref<1x40x128xi32, #tpu.memory_space<hbm>>
    %dma_start3A_77 = tpu.memref_squeeze %dma_start3A_76 : memref<1x40x128xi32, #tpu.memory_space<hbm>> -> memref<40x128xi32, #tpu.memory_space<hbm>>
    tpu.enqueue_dma source(%arg7 : memref<40x128xi32, #tpu.memory_space<vmem>>) target(%dma_start3A_77 : memref<40x128xi32, #tpu.memory_space<hbm>>) target_semaphore(%arg15 : memref<!tpu.dma_semaphore, #tpu.memory_space<semaphore_mem>>)
    %mul3A_78 = arith.constant 1 : i32
    %mul3A_79 = arith.muli %mul3A_78, %add3A : i32
    %add3A_80 = arith.constant 0 : i32
    %add3A_81 = arith.addi %mul3A_79, %add3A_80 : i32
    %multiple_of3A_82 = arith.constant 9920 : i32
    %multiple_of3A_83 = tpu.assume_multiple %multiple_of3A_82, 8 : i32
    %dma_wait3A_84 = arith.constant 0 : i32
    %dma_wait3A_85 = tpu.memref_slice %arg4[%add3A_81, %multiple_of3A_83, %dma_wait3A_84] : memref<32x10000x128xi32, #tpu.memory_space<hbm>> -> memref<1x40x128xi32, #tpu.memory_space<hbm>>
    %dma_wait3A_86 = tpu.memref_squeeze %dma_wait3A_85 : memref<1x40x128xi32, #tpu.memory_space<hbm>> -> memref<40x128xi32, #tpu.memory_space<hbm>>
    %dma_wait3A_87 = arith.constant 0 : i32
    %dma_wait3A_88 = tpu.memref_slice %arg4[%add3A_81, %multiple_of3A_83, %dma_wait3A_87] : memref<32x10000x128xi32, #tpu.memory_space<hbm>> -> memref<1x40x128xi32, #tpu.memory_space<hbm>>
    %dma_wait3A_89 = tpu.memref_squeeze %dma_wait3A_88 : memref<1x40x128xi32, #tpu.memory_space<hbm>> -> memref<40x128xi32, #tpu.memory_space<hbm>>
    tpu.wait_dma2 semaphore(%arg14 : memref<!tpu.dma_semaphore, #tpu.memory_space<semaphore_mem>>) src(%arg6 : memref<40x128xi32, #tpu.memory_space<vmem>>) dst(%dma_wait3A_89 : memref<40x128xi32, #tpu.memory_space<hbm>>)
    %mul3A_90 = arith.constant 1 : i32
    %mul3A_91 = arith.muli %mul3A_90, %add3A : i32
    %add3A_92 = arith.constant 0 : i32
    %add3A_93 = arith.addi %mul3A_91, %add3A_92 : i32
    %multiple_of3A_94 = arith.constant 9960 : i32
    %multiple_of3A_95 = tpu.assume_multiple %multiple_of3A_94, 8 : i32
    %dma_wait3A_96 = arith.constant 0 : i32
    %dma_wait3A_97 = tpu.memref_slice %arg4[%add3A_93, %multiple_of3A_95, %dma_wait3A_96] : memref<32x10000x128xi32, #tpu.memory_space<hbm>> -> memref<1x40x128xi32, #tpu.memory_space<hbm>>
    %dma_wait3A_98 = tpu.memref_squeeze %dma_wait3A_97 : memref<1x40x128xi32, #tpu.memory_space<hbm>> -> memref<40x128xi32, #tpu.memory_space<hbm>>
    %dma_wait3A_99 = arith.constant 0 : i32
    %dma_wait3A_100 = tpu.memref_slice %arg4[%add3A_93, %multiple_of3A_95, %dma_wait3A_99] : memref<32x10000x128xi32, #tpu.memory_space<hbm>> -> memref<1x40x128xi32, #tpu.memory_space<hbm>>
    %dma_wait3A_101 = tpu.memref_squeeze %dma_wait3A_100 : memref<1x40x128xi32, #tpu.memory_space<hbm>> -> memref<40x128xi32, #tpu.memory_space<hbm>>
    tpu.wait_dma2 semaphore(%arg15 : memref<!tpu.dma_semaphore, #tpu.memory_space<semaphore_mem>>) src(%arg7 : memref<40x128xi32, #tpu.memory_space<vmem>>) dst(%dma_wait3A_101 : memref<40x128xi32, #tpu.memory_space<hbm>>)
    return
  }
}

#map = affine_map<(d0, d1) -> (0, 0)>
#map1 = affine_map<(d0, d1) -> (0)>
#map2 = affine_map<(d0, d1) -> (0, 0, 0)>
module attributes {stable_mosaic.version = 14 : i64} {
  func.func @gather_k(%arg0: i32, %arg1: i32, %arg2: memref<10000x128xf32, #tpu.memory_space<hbm>>, %arg3: memref<320000xi32, #tpu.memory_space<hbm>>, %arg4: memref<32x10000x128xf32, #tpu.memory_space<hbm>>, %arg5: memref<10000xi32, #tpu.memory_space<vmem>>, %arg6: memref<40x128xf32, #tpu.memory_space<vmem>>, %arg7: memref<40x128xf32, #tpu.memory_space<vmem>>, %arg8: memref<40x128xf32, #tpu.memory_space<vmem>>, %arg9: memref<40x128xf32, #tpu.memory_space<vmem>>, %arg10: memref<!tpu.dma_semaphore, #tpu.memory_space<semaphore_mem>>, %arg11: memref<!tpu.dma_semaphore, #tpu.memory_space<semaphore_mem>>, %arg12: memref<!tpu.dma_semaphore, #tpu.memory_space<semaphore_mem>>, %arg13: memref<!tpu.dma_semaphore, #tpu.memory_space<semaphore_mem>>, %arg14: memref<!tpu.dma_semaphore, #tpu.memory_space<semaphore_mem>>, %arg15: memref<!tpu.dma_semaphore, #tpu.memory_space<semaphore_mem>>, %arg16: memref<!tpu.dma_semaphore, #tpu.memory_space<semaphore_mem>>, %arg17: memref<!tpu.dma_semaphore, #tpu.memory_space<semaphore_mem>>) attributes {dimension_semantics = [#tpu.dimension_semantics<core_parallel>, #tpu.dimension_semantics<subcore_parallel>], iteration_bounds = array<i64: 2, 16>, scalar_prefetch = 0 : i64, scratch_operands = 13 : i64, tpu.core_type = #tpu.core_type<sc_vector_subcore>, window_params = [{transform_indices = #map}, {transform_indices = #map1}, {transform_indices = #map2}]} {
    %mul3A = arith.constant 2 : i32
    %mul3A_0 = arith.muli %arg1, %mul3A : i32
    %add3A = arith.addi %mul3A_0, %arg0 : i32
    %mul3A_1 = arith.constant 10000 : i32
    %mul3A_2 = arith.muli %add3A, %mul3A_1 : i32
    %multiple_of3A = tpu.assume_multiple %mul3A_2, 8 : i32
    "tpu.region"() ({
      %run_scoped3A = tpu.sem_alloc : memref<!tpu.dma_semaphore, #tpu.memory_space<semaphore_mem>>
      %dma_start3A_102 = tpu.memref_slice %arg3[%multiple_of3A] : memref<320000xi32, #tpu.memory_space<hbm>> -> memref<10000xi32, #tpu.memory_space<hbm>>
      %dma_start3A_103 = tpu.memref_slice %arg3[%multiple_of3A] : memref<320000xi32, #tpu.memory_space<hbm>> -> memref<10000xi32, #tpu.memory_space<hbm>>
      tpu.enqueue_dma source(%dma_start3A_103 : memref<10000xi32, #tpu.memory_space<hbm>>) target(%arg5 : memref<10000xi32, #tpu.memory_space<vmem>>) target_semaphore(%run_scoped3A : memref<!tpu.dma_semaphore, #tpu.memory_space<semaphore_mem>>)
      %dma_wait3A_104 = tpu.memref_slice %arg3[%multiple_of3A] : memref<320000xi32, #tpu.memory_space<hbm>> -> memref<10000xi32, #tpu.memory_space<hbm>>
      %dma_wait3A_105 = tpu.memref_slice %arg3[%multiple_of3A] : memref<320000xi32, #tpu.memory_space<hbm>> -> memref<10000xi32, #tpu.memory_space<hbm>>
      tpu.wait_dma2 semaphore(%run_scoped3A : memref<!tpu.dma_semaphore, #tpu.memory_space<semaphore_mem>>) src(%dma_wait3A_105 : memref<10000xi32, #tpu.memory_space<hbm>>) dst(%arg5 : memref<10000xi32, #tpu.memory_space<vmem>>)
      tpu.yield
    }) : () -> ()
    %multiple_of3A_3 = arith.constant 0 : i32
    %multiple_of3A_4 = tpu.assume_multiple %multiple_of3A_3, 8 : i32
    %dma_start3A = tpu.memref_slice %arg5[%multiple_of3A_4] : memref<10000xi32, #tpu.memory_space<vmem>> -> memref<40xi32, #tpu.memory_space<vmem>>
    %dma_start3A_5 = arith.constant 0 : i32
    %dma_start3A_6 = arith.constant 0 : i32
    %dma_start3A_7 = tpu.memref_slice %arg2[%dma_start3A_5, %dma_start3A_6] : memref<10000x128xf32, #tpu.memory_space<hbm>> -> memref<10000x128xf32, #tpu.memory_space<hbm>>
    tpu.enqueue_indirect_dma source(%dma_start3A_7 : memref<10000x128xf32, #tpu.memory_space<hbm>>) target(%arg6 : memref<40x128xf32, #tpu.memory_space<vmem>>) offsets(%dma_start3A : memref<40xi32, #tpu.memory_space<vmem>>) semaphore(%arg10 : memref<!tpu.dma_semaphore, #tpu.memory_space<semaphore_mem>>)
    %multiple_of3A_8 = arith.constant 40 : i32
    %multiple_of3A_9 = tpu.assume_multiple %multiple_of3A_8, 8 : i32
    %dma_start3A_10 = tpu.memref_slice %arg5[%multiple_of3A_9] : memref<10000xi32, #tpu.memory_space<vmem>> -> memref<40xi32, #tpu.memory_space<vmem>>
    %dma_start3A_11 = arith.constant 0 : i32
    %dma_start3A_12 = arith.constant 0 : i32
    %dma_start3A_13 = tpu.memref_slice %arg2[%dma_start3A_11, %dma_start3A_12] : memref<10000x128xf32, #tpu.memory_space<hbm>> -> memref<10000x128xf32, #tpu.memory_space<hbm>>
    tpu.enqueue_indirect_dma source(%dma_start3A_13 : memref<10000x128xf32, #tpu.memory_space<hbm>>) target(%arg7 : memref<40x128xf32, #tpu.memory_space<vmem>>) offsets(%dma_start3A_10 : memref<40xi32, #tpu.memory_space<vmem>>) semaphore(%arg11 : memref<!tpu.dma_semaphore, #tpu.memory_space<semaphore_mem>>)
    %scan3A = arith.constant 0 : i32
    %scan3A_14 = arith.constant 0 : i32
    %scan3A_15 = arith.constant 62 : i32
    %scan3A_16 = arith.addi %scan3A_14, %scan3A_15 : i32
    %scan3A_17 = arith.constant 1 : i32
    scf.for %scan3A_102 = %scan3A_14 to %scan3A_16 step %scan3A_17  : i32 {
      %mul3A_103 = arith.constant 4 : i32
      %mul3A_104 = arith.muli %mul3A_103, %scan3A_102 : i32
      %add3A_105 = arith.constant 0 : i32
      %add3A_106 = arith.addi %mul3A_104, %add3A_105 : i32
      %ge3A = arith.constant 2 : i32
      %ge3A_107 = arith.cmpi sge, %add3A_106, %ge3A : i32
      %convert_element_type3A = arith.extui %ge3A_107 : i1 to i32
      %cond3A = arith.constant 0 : i32
      %cond3A_108 = arith.cmpi ne, %convert_element_type3A, %cond3A : i32
      scf.if %cond3A_108 {
        %sub3A_398 = arith.constant 2 : i32
        %sub3A_399 = arith.subi %add3A_106, %sub3A_398 : i32
        %mul3A_400 = arith.constant 1 : i32
        %mul3A_401 = arith.muli %mul3A_400, %add3A : i32
        %jit3A_402 = arith.constant 250 : i32
        %div3A_403 = arith.divsi %sub3A_399, %jit3A_402 : i32
        %sign3A_404 = arith.constant 0 : i32
        %sign3A_405 = arith.cmpi sgt, %sub3A_399, %sign3A_404 : i32
        %sign3A_406 = arith.extui %sign3A_405 : i1 to i32
        %sign3A_407 = arith.constant 0 : i32
        %sign3A_408 = arith.cmpi slt, %sub3A_399, %sign3A_407 : i32
        %sign3A_409 = arith.extui %sign3A_408 : i1 to i32
        %sign3A_410 = arith.subi %sign3A_406, %sign3A_409 : i32
        %sign3A_411 = arith.constant 0 : i32
        %sign3A_412 = arith.cmpi sgt, %jit3A_402, %sign3A_411 : i32
        %sign3A_413 = arith.extui %sign3A_412 : i1 to i32
        %sign3A_414 = arith.constant 0 : i32
        %sign3A_415 = arith.cmpi slt, %jit3A_402, %sign3A_414 : i32
        %sign3A_416 = arith.extui %sign3A_415 : i1 to i32
        %sign3A_417 = arith.subi %sign3A_413, %sign3A_416 : i32
        %ne3A_418 = arith.cmpi ne, %sign3A_410, %sign3A_417 : i32
        %rem3A_419 = arith.remsi %sub3A_399, %jit3A_402 : i32
        %ne3A_420 = arith.constant 0 : i32
        %ne3A_421 = arith.cmpi ne, %rem3A_419, %ne3A_420 : i32
        %and3A_422 = arith.andi %ne3A_418, %ne3A_421 : i1
        %sub3A_423 = arith.constant 1 : i32
        %sub3A_424 = arith.subi %div3A_403, %sub3A_423 : i32
        %select_n3A_425 = arith.select %and3A_422, %sub3A_424, %div3A_403 : i32
        %add3A_426 = arith.addi %mul3A_401, %select_n3A_425 : i32
        %jit3A_427 = arith.constant 250 : i32
        %eq3A_428 = arith.constant 0 : i32
        %eq3A_429 = arith.cmpi eq, %jit3A_427, %eq3A_428 : i32
        %jit3A_430 = arith.constant 1 : i32
        %select_n3A_431 = arith.select %eq3A_429, %jit3A_430, %jit3A_427 : i32
        %rem3A_432 = arith.remsi %sub3A_399, %select_n3A_431 : i32
        %ne3A_433 = arith.constant 0 : i32
        %ne3A_434 = arith.cmpi ne, %rem3A_432, %ne3A_433 : i32
        %lt3A_435 = arith.constant 0 : i32
        %lt3A_436 = arith.cmpi slt, %rem3A_432, %lt3A_435 : i32
        %lt3A_437 = arith.constant 0 : i32
        %lt3A_438 = arith.cmpi slt, %select_n3A_431, %lt3A_437 : i32
        %ne3A_439 = arith.xori %lt3A_436, %lt3A_438 : i1
        %and3A_440 = arith.andi %ne3A_439, %ne3A_434 : i1
        %add3A_441 = arith.addi %rem3A_432, %select_n3A_431 : i32
        %select_n3A_442 = arith.select %and3A_440, %add3A_441, %rem3A_432 : i32
        %mul3A_443 = arith.constant 40 : i32
        %mul3A_444 = arith.muli %select_n3A_442, %mul3A_443 : i32
        %multiple_of3A_445 = tpu.assume_multiple %mul3A_444, 8 : i32
        %dma_wait3A_446 = arith.constant 0 : i32
        %dma_wait3A_447 = tpu.memref_slice %arg4[%add3A_426, %multiple_of3A_445, %dma_wait3A_446] : memref<32x10000x128xf32, #tpu.memory_space<hbm>> -> memref<1x40x128xf32, #tpu.memory_space<hbm>>
        %dma_wait3A_448 = tpu.memref_squeeze %dma_wait3A_447 : memref<1x40x128xf32, #tpu.memory_space<hbm>> -> memref<40x128xf32, #tpu.memory_space<hbm>>
        %dma_wait3A_449 = arith.constant 0 : i32
        %dma_wait3A_450 = tpu.memref_slice %arg4[%add3A_426, %multiple_of3A_445, %dma_wait3A_449] : memref<32x10000x128xf32, #tpu.memory_space<hbm>> -> memref<1x40x128xf32, #tpu.memory_space<hbm>>
        %dma_wait3A_451 = tpu.memref_squeeze %dma_wait3A_450 : memref<1x40x128xf32, #tpu.memory_space<hbm>> -> memref<40x128xf32, #tpu.memory_space<hbm>>
        tpu.wait_dma2 semaphore(%arg16 : memref<!tpu.dma_semaphore, #tpu.memory_space<semaphore_mem>>) src(%arg8 : memref<40x128xf32, #tpu.memory_space<vmem>>) dst(%dma_wait3A_451 : memref<40x128xf32, #tpu.memory_space<hbm>>)
      } else {
      }
      %add3A_109 = arith.constant 2 : i32
      %add3A_110 = arith.addi %add3A_106, %add3A_109 : i32
      %mul3A_111 = arith.constant 40 : i32
      %mul3A_112 = arith.muli %add3A_110, %mul3A_111 : i32
      %multiple_of3A_113 = tpu.assume_multiple %mul3A_112, 8 : i32
      %dma_start3A_114 = tpu.memref_slice %arg5[%multiple_of3A_113] : memref<10000xi32, #tpu.memory_space<vmem>> -> memref<40xi32, #tpu.memory_space<vmem>>
      %dma_start3A_115 = arith.constant 0 : i32
      %dma_start3A_116 = arith.constant 0 : i32
      %dma_start3A_117 = tpu.memref_slice %arg2[%dma_start3A_115, %dma_start3A_116] : memref<10000x128xf32, #tpu.memory_space<hbm>> -> memref<10000x128xf32, #tpu.memory_space<hbm>>
      tpu.enqueue_indirect_dma source(%dma_start3A_117 : memref<10000x128xf32, #tpu.memory_space<hbm>>) target(%arg8 : memref<40x128xf32, #tpu.memory_space<vmem>>) offsets(%dma_start3A_114 : memref<40xi32, #tpu.memory_space<vmem>>) semaphore(%arg12 : memref<!tpu.dma_semaphore, #tpu.memory_space<semaphore_mem>>)
      %mul3A_118 = arith.constant 40 : i32
      %mul3A_119 = arith.muli %add3A_106, %mul3A_118 : i32
      %multiple_of3A_120 = tpu.assume_multiple %mul3A_119, 8 : i32
      %dma_wait3A_121 = tpu.memref_slice %arg5[%multiple_of3A_120] : memref<10000xi32, #tpu.memory_space<vmem>> -> memref<40xi32, #tpu.memory_space<vmem>>
      %dma_wait3A_122 = arith.constant 0 : i32
      %dma_wait3A_123 = arith.constant 0 : i32
      %dma_wait3A_124 = tpu.memref_slice %arg2[%dma_wait3A_122, %dma_wait3A_123] : memref<10000x128xf32, #tpu.memory_space<hbm>> -> memref<10000x128xf32, #tpu.memory_space<hbm>>
      tpu.wait_indirect_dma semaphore(%arg10 : memref<!tpu.dma_semaphore, #tpu.memory_space<semaphore_mem>>) src(%dma_wait3A_124 : memref<10000x128xf32, #tpu.memory_space<hbm>>) dst(%arg6 : memref<40x128xf32, #tpu.memory_space<vmem>>)
      %mul3A_125 = arith.constant 1 : i32
      %mul3A_126 = arith.muli %mul3A_125, %add3A : i32
      %jit3A = arith.constant 250 : i32
      %div3A = arith.divsi %add3A_106, %jit3A : i32
      %sign3A = arith.constant 0 : i32
      %sign3A_127 = arith.cmpi sgt, %add3A_106, %sign3A : i32
      %sign3A_128 = arith.extui %sign3A_127 : i1 to i32
      %sign3A_129 = arith.constant 0 : i32
      %sign3A_130 = arith.cmpi slt, %add3A_106, %sign3A_129 : i32
      %sign3A_131 = arith.extui %sign3A_130 : i1 to i32
      %sign3A_132 = arith.subi %sign3A_128, %sign3A_131 : i32
      %sign3A_133 = arith.constant 0 : i32
      %sign3A_134 = arith.cmpi sgt, %jit3A, %sign3A_133 : i32
      %sign3A_135 = arith.extui %sign3A_134 : i1 to i32
      %sign3A_136 = arith.constant 0 : i32
      %sign3A_137 = arith.cmpi slt, %jit3A, %sign3A_136 : i32
      %sign3A_138 = arith.extui %sign3A_137 : i1 to i32
      %sign3A_139 = arith.subi %sign3A_135, %sign3A_138 : i32
      %ne3A = arith.cmpi ne, %sign3A_132, %sign3A_139 : i32
      %rem3A = arith.remsi %add3A_106, %jit3A : i32
      %ne3A_140 = arith.constant 0 : i32
      %ne3A_141 = arith.cmpi ne, %rem3A, %ne3A_140 : i32
      %and3A = arith.andi %ne3A, %ne3A_141 : i1
      %sub3A = arith.constant 1 : i32
      %sub3A_142 = arith.subi %div3A, %sub3A : i32
      %select_n3A = arith.select %and3A, %sub3A_142, %div3A : i32
      %add3A_143 = arith.addi %mul3A_126, %select_n3A : i32
      %jit3A_144 = arith.constant 250 : i32
      %eq3A = arith.constant 0 : i32
      %eq3A_145 = arith.cmpi eq, %jit3A_144, %eq3A : i32
      %jit3A_146 = arith.constant 1 : i32
      %select_n3A_147 = arith.select %eq3A_145, %jit3A_146, %jit3A_144 : i32
      %rem3A_148 = arith.remsi %add3A_106, %select_n3A_147 : i32
      %ne3A_149 = arith.constant 0 : i32
      %ne3A_150 = arith.cmpi ne, %rem3A_148, %ne3A_149 : i32
      %lt3A = arith.constant 0 : i32
      %lt3A_151 = arith.cmpi slt, %rem3A_148, %lt3A : i32
      %lt3A_152 = arith.constant 0 : i32
      %lt3A_153 = arith.cmpi slt, %select_n3A_147, %lt3A_152 : i32
      %ne3A_154 = arith.xori %lt3A_151, %lt3A_153 : i1
      %and3A_155 = arith.andi %ne3A_154, %ne3A_150 : i1
      %add3A_156 = arith.addi %rem3A_148, %select_n3A_147 : i32
      %select_n3A_157 = arith.select %and3A_155, %add3A_156, %rem3A_148 : i32
      %mul3A_158 = arith.constant 40 : i32
      %mul3A_159 = arith.muli %select_n3A_157, %mul3A_158 : i32
      %multiple_of3A_160 = tpu.assume_multiple %mul3A_159, 8 : i32
      %dma_start3A_161 = arith.constant 0 : i32
      %dma_start3A_162 = tpu.memref_slice %arg4[%add3A_143, %multiple_of3A_160, %dma_start3A_161] : memref<32x10000x128xf32, #tpu.memory_space<hbm>> -> memref<1x40x128xf32, #tpu.memory_space<hbm>>
      %dma_start3A_163 = tpu.memref_squeeze %dma_start3A_162 : memref<1x40x128xf32, #tpu.memory_space<hbm>> -> memref<40x128xf32, #tpu.memory_space<hbm>>
      %dma_start3A_164 = arith.constant 0 : i32
      %dma_start3A_165 = tpu.memref_slice %arg4[%add3A_143, %multiple_of3A_160, %dma_start3A_164] : memref<32x10000x128xf32, #tpu.memory_space<hbm>> -> memref<1x40x128xf32, #tpu.memory_space<hbm>>
      %dma_start3A_166 = tpu.memref_squeeze %dma_start3A_165 : memref<1x40x128xf32, #tpu.memory_space<hbm>> -> memref<40x128xf32, #tpu.memory_space<hbm>>
      tpu.enqueue_dma source(%arg6 : memref<40x128xf32, #tpu.memory_space<vmem>>) target(%dma_start3A_166 : memref<40x128xf32, #tpu.memory_space<hbm>>) target_semaphore(%arg14 : memref<!tpu.dma_semaphore, #tpu.memory_space<semaphore_mem>>)
      %mul3A_167 = arith.constant 4 : i32
      %mul3A_168 = arith.muli %mul3A_167, %scan3A_102 : i32
      %add3A_169 = arith.constant 1 : i32
      %add3A_170 = arith.addi %mul3A_168, %add3A_169 : i32
      %ge3A_171 = arith.constant 2 : i32
      %ge3A_172 = arith.cmpi sge, %add3A_170, %ge3A_171 : i32
      %convert_element_type3A_173 = arith.extui %ge3A_172 : i1 to i32
      %cond3A_174 = arith.constant 0 : i32
      %cond3A_175 = arith.cmpi ne, %convert_element_type3A_173, %cond3A_174 : i32
      scf.if %cond3A_175 {
        %sub3A_398 = arith.constant 2 : i32
        %sub3A_399 = arith.subi %add3A_170, %sub3A_398 : i32
        %mul3A_400 = arith.constant 1 : i32
        %mul3A_401 = arith.muli %mul3A_400, %add3A : i32
        %jit3A_402 = arith.constant 250 : i32
        %div3A_403 = arith.divsi %sub3A_399, %jit3A_402 : i32
        %sign3A_404 = arith.constant 0 : i32
        %sign3A_405 = arith.cmpi sgt, %sub3A_399, %sign3A_404 : i32
        %sign3A_406 = arith.extui %sign3A_405 : i1 to i32
        %sign3A_407 = arith.constant 0 : i32
        %sign3A_408 = arith.cmpi slt, %sub3A_399, %sign3A_407 : i32
        %sign3A_409 = arith.extui %sign3A_408 : i1 to i32
        %sign3A_410 = arith.subi %sign3A_406, %sign3A_409 : i32
        %sign3A_411 = arith.constant 0 : i32
        %sign3A_412 = arith.cmpi sgt, %jit3A_402, %sign3A_411 : i32
        %sign3A_413 = arith.extui %sign3A_412 : i1 to i32
        %sign3A_414 = arith.constant 0 : i32
        %sign3A_415 = arith.cmpi slt, %jit3A_402, %sign3A_414 : i32
        %sign3A_416 = arith.extui %sign3A_415 : i1 to i32
        %sign3A_417 = arith.subi %sign3A_413, %sign3A_416 : i32
        %ne3A_418 = arith.cmpi ne, %sign3A_410, %sign3A_417 : i32
        %rem3A_419 = arith.remsi %sub3A_399, %jit3A_402 : i32
        %ne3A_420 = arith.constant 0 : i32
        %ne3A_421 = arith.cmpi ne, %rem3A_419, %ne3A_420 : i32
        %and3A_422 = arith.andi %ne3A_418, %ne3A_421 : i1
        %sub3A_423 = arith.constant 1 : i32
        %sub3A_424 = arith.subi %div3A_403, %sub3A_423 : i32
        %select_n3A_425 = arith.select %and3A_422, %sub3A_424, %div3A_403 : i32
        %add3A_426 = arith.addi %mul3A_401, %select_n3A_425 : i32
        %jit3A_427 = arith.constant 250 : i32
        %eq3A_428 = arith.constant 0 : i32
        %eq3A_429 = arith.cmpi eq, %jit3A_427, %eq3A_428 : i32
        %jit3A_430 = arith.constant 1 : i32
        %select_n3A_431 = arith.select %eq3A_429, %jit3A_430, %jit3A_427 : i32
        %rem3A_432 = arith.remsi %sub3A_399, %select_n3A_431 : i32
        %ne3A_433 = arith.constant 0 : i32
        %ne3A_434 = arith.cmpi ne, %rem3A_432, %ne3A_433 : i32
        %lt3A_435 = arith.constant 0 : i32
        %lt3A_436 = arith.cmpi slt, %rem3A_432, %lt3A_435 : i32
        %lt3A_437 = arith.constant 0 : i32
        %lt3A_438 = arith.cmpi slt, %select_n3A_431, %lt3A_437 : i32
        %ne3A_439 = arith.xori %lt3A_436, %lt3A_438 : i1
        %and3A_440 = arith.andi %ne3A_439, %ne3A_434 : i1
        %add3A_441 = arith.addi %rem3A_432, %select_n3A_431 : i32
        %select_n3A_442 = arith.select %and3A_440, %add3A_441, %rem3A_432 : i32
        %mul3A_443 = arith.constant 40 : i32
        %mul3A_444 = arith.muli %select_n3A_442, %mul3A_443 : i32
        %multiple_of3A_445 = tpu.assume_multiple %mul3A_444, 8 : i32
        %dma_wait3A_446 = arith.constant 0 : i32
        %dma_wait3A_447 = tpu.memref_slice %arg4[%add3A_426, %multiple_of3A_445, %dma_wait3A_446] : memref<32x10000x128xf32, #tpu.memory_space<hbm>> -> memref<1x40x128xf32, #tpu.memory_space<hbm>>
        %dma_wait3A_448 = tpu.memref_squeeze %dma_wait3A_447 : memref<1x40x128xf32, #tpu.memory_space<hbm>> -> memref<40x128xf32, #tpu.memory_space<hbm>>
        %dma_wait3A_449 = arith.constant 0 : i32
        %dma_wait3A_450 = tpu.memref_slice %arg4[%add3A_426, %multiple_of3A_445, %dma_wait3A_449] : memref<32x10000x128xf32, #tpu.memory_space<hbm>> -> memref<1x40x128xf32, #tpu.memory_space<hbm>>
        %dma_wait3A_451 = tpu.memref_squeeze %dma_wait3A_450 : memref<1x40x128xf32, #tpu.memory_space<hbm>> -> memref<40x128xf32, #tpu.memory_space<hbm>>
        tpu.wait_dma2 semaphore(%arg17 : memref<!tpu.dma_semaphore, #tpu.memory_space<semaphore_mem>>) src(%arg9 : memref<40x128xf32, #tpu.memory_space<vmem>>) dst(%dma_wait3A_451 : memref<40x128xf32, #tpu.memory_space<hbm>>)
      } else {
      }
      %add3A_176 = arith.constant 2 : i32
      %add3A_177 = arith.addi %add3A_170, %add3A_176 : i32
      %mul3A_178 = arith.constant 40 : i32
      %mul3A_179 = arith.muli %add3A_177, %mul3A_178 : i32
      %multiple_of3A_180 = tpu.assume_multiple %mul3A_179, 8 : i32
      %dma_start3A_181 = tpu.memref_slice %arg5[%multiple_of3A_180] : memref<10000xi32, #tpu.memory_space<vmem>> -> memref<40xi32, #tpu.memory_space<vmem>>
      %dma_start3A_182 = arith.constant 0 : i32
      %dma_start3A_183 = arith.constant 0 : i32
      %dma_start3A_184 = tpu.memref_slice %arg2[%dma_start3A_182, %dma_start3A_183] : memref<10000x128xf32, #tpu.memory_space<hbm>> -> memref<10000x128xf32, #tpu.memory_space<hbm>>
      tpu.enqueue_indirect_dma source(%dma_start3A_184 : memref<10000x128xf32, #tpu.memory_space<hbm>>) target(%arg9 : memref<40x128xf32, #tpu.memory_space<vmem>>) offsets(%dma_start3A_181 : memref<40xi32, #tpu.memory_space<vmem>>) semaphore(%arg13 : memref<!tpu.dma_semaphore, #tpu.memory_space<semaphore_mem>>)
      %mul3A_185 = arith.constant 40 : i32
      %mul3A_186 = arith.muli %add3A_170, %mul3A_185 : i32
      %multiple_of3A_187 = tpu.assume_multiple %mul3A_186, 8 : i32
      %dma_wait3A_188 = tpu.memref_slice %arg5[%multiple_of3A_187] : memref<10000xi32, #tpu.memory_space<vmem>> -> memref<40xi32, #tpu.memory_space<vmem>>
      %dma_wait3A_189 = arith.constant 0 : i32
      %dma_wait3A_190 = arith.constant 0 : i32
      %dma_wait3A_191 = tpu.memref_slice %arg2[%dma_wait3A_189, %dma_wait3A_190] : memref<10000x128xf32, #tpu.memory_space<hbm>> -> memref<10000x128xf32, #tpu.memory_space<hbm>>
      tpu.wait_indirect_dma semaphore(%arg11 : memref<!tpu.dma_semaphore, #tpu.memory_space<semaphore_mem>>) src(%dma_wait3A_191 : memref<10000x128xf32, #tpu.memory_space<hbm>>) dst(%arg7 : memref<40x128xf32, #tpu.memory_space<vmem>>)
      %mul3A_192 = arith.constant 1 : i32
      %mul3A_193 = arith.muli %mul3A_192, %add3A : i32
      %jit3A_194 = arith.constant 250 : i32
      %div3A_195 = arith.divsi %add3A_170, %jit3A_194 : i32
      %sign3A_196 = arith.constant 0 : i32
      %sign3A_197 = arith.cmpi sgt, %add3A_170, %sign3A_196 : i32
      %sign3A_198 = arith.extui %sign3A_197 : i1 to i32
      %sign3A_199 = arith.constant 0 : i32
      %sign3A_200 = arith.cmpi slt, %add3A_170, %sign3A_199 : i32
      %sign3A_201 = arith.extui %sign3A_200 : i1 to i32
      %sign3A_202 = arith.subi %sign3A_198, %sign3A_201 : i32
      %sign3A_203 = arith.constant 0 : i32
      %sign3A_204 = arith.cmpi sgt, %jit3A_194, %sign3A_203 : i32
      %sign3A_205 = arith.extui %sign3A_204 : i1 to i32
      %sign3A_206 = arith.constant 0 : i32
      %sign3A_207 = arith.cmpi slt, %jit3A_194, %sign3A_206 : i32
      %sign3A_208 = arith.extui %sign3A_207 : i1 to i32
      %sign3A_209 = arith.subi %sign3A_205, %sign3A_208 : i32
      %ne3A_210 = arith.cmpi ne, %sign3A_202, %sign3A_209 : i32
      %rem3A_211 = arith.remsi %add3A_170, %jit3A_194 : i32
      %ne3A_212 = arith.constant 0 : i32
      %ne3A_213 = arith.cmpi ne, %rem3A_211, %ne3A_212 : i32
      %and3A_214 = arith.andi %ne3A_210, %ne3A_213 : i1
      %sub3A_215 = arith.constant 1 : i32
      %sub3A_216 = arith.subi %div3A_195, %sub3A_215 : i32
      %select_n3A_217 = arith.select %and3A_214, %sub3A_216, %div3A_195 : i32
      %add3A_218 = arith.addi %mul3A_193, %select_n3A_217 : i32
      %jit3A_219 = arith.constant 250 : i32
      %eq3A_220 = arith.constant 0 : i32
      %eq3A_221 = arith.cmpi eq, %jit3A_219, %eq3A_220 : i32
      %jit3A_222 = arith.constant 1 : i32
      %select_n3A_223 = arith.select %eq3A_221, %jit3A_222, %jit3A_219 : i32
      %rem3A_224 = arith.remsi %add3A_170, %select_n3A_223 : i32
      %ne3A_225 = arith.constant 0 : i32
      %ne3A_226 = arith.cmpi ne, %rem3A_224, %ne3A_225 : i32
      %lt3A_227 = arith.constant 0 : i32
      %lt3A_228 = arith.cmpi slt, %rem3A_224, %lt3A_227 : i32
      %lt3A_229 = arith.constant 0 : i32
      %lt3A_230 = arith.cmpi slt, %select_n3A_223, %lt3A_229 : i32
      %ne3A_231 = arith.xori %lt3A_228, %lt3A_230 : i1
      %and3A_232 = arith.andi %ne3A_231, %ne3A_226 : i1
      %add3A_233 = arith.addi %rem3A_224, %select_n3A_223 : i32
      %select_n3A_234 = arith.select %and3A_232, %add3A_233, %rem3A_224 : i32
      %mul3A_235 = arith.constant 40 : i32
      %mul3A_236 = arith.muli %select_n3A_234, %mul3A_235 : i32
      %multiple_of3A_237 = tpu.assume_multiple %mul3A_236, 8 : i32
      %dma_start3A_238 = arith.constant 0 : i32
      %dma_start3A_239 = tpu.memref_slice %arg4[%add3A_218, %multiple_of3A_237, %dma_start3A_238] : memref<32x10000x128xf32, #tpu.memory_space<hbm>> -> memref<1x40x128xf32, #tpu.memory_space<hbm>>
      %dma_start3A_240 = tpu.memref_squeeze %dma_start3A_239 : memref<1x40x128xf32, #tpu.memory_space<hbm>> -> memref<40x128xf32, #tpu.memory_space<hbm>>
      %dma_start3A_241 = arith.constant 0 : i32
      %dma_start3A_242 = tpu.memref_slice %arg4[%add3A_218, %multiple_of3A_237, %dma_start3A_241] : memref<32x10000x128xf32, #tpu.memory_space<hbm>> -> memref<1x40x128xf32, #tpu.memory_space<hbm>>
      %dma_start3A_243 = tpu.memref_squeeze %dma_start3A_242 : memref<1x40x128xf32, #tpu.memory_space<hbm>> -> memref<40x128xf32, #tpu.memory_space<hbm>>
      tpu.enqueue_dma source(%arg7 : memref<40x128xf32, #tpu.memory_space<vmem>>) target(%dma_start3A_243 : memref<40x128xf32, #tpu.memory_space<hbm>>) target_semaphore(%arg15 : memref<!tpu.dma_semaphore, #tpu.memory_space<semaphore_mem>>)
      %mul3A_244 = arith.constant 4 : i32
      %mul3A_245 = arith.muli %mul3A_244, %scan3A_102 : i32
      %add3A_246 = arith.constant 2 : i32
      %add3A_247 = arith.addi %mul3A_245, %add3A_246 : i32
      %ge3A_248 = arith.constant 2 : i32
      %ge3A_249 = arith.cmpi sge, %add3A_247, %ge3A_248 : i32
      %convert_element_type3A_250 = arith.extui %ge3A_249 : i1 to i32
      %cond3A_251 = arith.constant 0 : i32
      %cond3A_252 = arith.cmpi ne, %convert_element_type3A_250, %cond3A_251 : i32
      scf.if %cond3A_252 {
        %sub3A_398 = arith.constant 2 : i32
        %sub3A_399 = arith.subi %add3A_247, %sub3A_398 : i32
        %mul3A_400 = arith.constant 1 : i32
        %mul3A_401 = arith.muli %mul3A_400, %add3A : i32
        %jit3A_402 = arith.constant 250 : i32
        %div3A_403 = arith.divsi %sub3A_399, %jit3A_402 : i32
        %sign3A_404 = arith.constant 0 : i32
        %sign3A_405 = arith.cmpi sgt, %sub3A_399, %sign3A_404 : i32
        %sign3A_406 = arith.extui %sign3A_405 : i1 to i32
        %sign3A_407 = arith.constant 0 : i32
        %sign3A_408 = arith.cmpi slt, %sub3A_399, %sign3A_407 : i32
        %sign3A_409 = arith.extui %sign3A_408 : i1 to i32
        %sign3A_410 = arith.subi %sign3A_406, %sign3A_409 : i32
        %sign3A_411 = arith.constant 0 : i32
        %sign3A_412 = arith.cmpi sgt, %jit3A_402, %sign3A_411 : i32
        %sign3A_413 = arith.extui %sign3A_412 : i1 to i32
        %sign3A_414 = arith.constant 0 : i32
        %sign3A_415 = arith.cmpi slt, %jit3A_402, %sign3A_414 : i32
        %sign3A_416 = arith.extui %sign3A_415 : i1 to i32
        %sign3A_417 = arith.subi %sign3A_413, %sign3A_416 : i32
        %ne3A_418 = arith.cmpi ne, %sign3A_410, %sign3A_417 : i32
        %rem3A_419 = arith.remsi %sub3A_399, %jit3A_402 : i32
        %ne3A_420 = arith.constant 0 : i32
        %ne3A_421 = arith.cmpi ne, %rem3A_419, %ne3A_420 : i32
        %and3A_422 = arith.andi %ne3A_418, %ne3A_421 : i1
        %sub3A_423 = arith.constant 1 : i32
        %sub3A_424 = arith.subi %div3A_403, %sub3A_423 : i32
        %select_n3A_425 = arith.select %and3A_422, %sub3A_424, %div3A_403 : i32
        %add3A_426 = arith.addi %mul3A_401, %select_n3A_425 : i32
        %jit3A_427 = arith.constant 250 : i32
        %eq3A_428 = arith.constant 0 : i32
        %eq3A_429 = arith.cmpi eq, %jit3A_427, %eq3A_428 : i32
        %jit3A_430 = arith.constant 1 : i32
        %select_n3A_431 = arith.select %eq3A_429, %jit3A_430, %jit3A_427 : i32
        %rem3A_432 = arith.remsi %sub3A_399, %select_n3A_431 : i32
        %ne3A_433 = arith.constant 0 : i32
        %ne3A_434 = arith.cmpi ne, %rem3A_432, %ne3A_433 : i32
        %lt3A_435 = arith.constant 0 : i32
        %lt3A_436 = arith.cmpi slt, %rem3A_432, %lt3A_435 : i32
        %lt3A_437 = arith.constant 0 : i32
        %lt3A_438 = arith.cmpi slt, %select_n3A_431, %lt3A_437 : i32
        %ne3A_439 = arith.xori %lt3A_436, %lt3A_438 : i1
        %and3A_440 = arith.andi %ne3A_439, %ne3A_434 : i1
        %add3A_441 = arith.addi %rem3A_432, %select_n3A_431 : i32
        %select_n3A_442 = arith.select %and3A_440, %add3A_441, %rem3A_432 : i32
        %mul3A_443 = arith.constant 40 : i32
        %mul3A_444 = arith.muli %select_n3A_442, %mul3A_443 : i32
        %multiple_of3A_445 = tpu.assume_multiple %mul3A_444, 8 : i32
        %dma_wait3A_446 = arith.constant 0 : i32
        %dma_wait3A_447 = tpu.memref_slice %arg4[%add3A_426, %multiple_of3A_445, %dma_wait3A_446] : memref<32x10000x128xf32, #tpu.memory_space<hbm>> -> memref<1x40x128xf32, #tpu.memory_space<hbm>>
        %dma_wait3A_448 = tpu.memref_squeeze %dma_wait3A_447 : memref<1x40x128xf32, #tpu.memory_space<hbm>> -> memref<40x128xf32, #tpu.memory_space<hbm>>
        %dma_wait3A_449 = arith.constant 0 : i32
        %dma_wait3A_450 = tpu.memref_slice %arg4[%add3A_426, %multiple_of3A_445, %dma_wait3A_449] : memref<32x10000x128xf32, #tpu.memory_space<hbm>> -> memref<1x40x128xf32, #tpu.memory_space<hbm>>
        %dma_wait3A_451 = tpu.memref_squeeze %dma_wait3A_450 : memref<1x40x128xf32, #tpu.memory_space<hbm>> -> memref<40x128xf32, #tpu.memory_space<hbm>>
        tpu.wait_dma2 semaphore(%arg14 : memref<!tpu.dma_semaphore, #tpu.memory_space<semaphore_mem>>) src(%arg6 : memref<40x128xf32, #tpu.memory_space<vmem>>) dst(%dma_wait3A_451 : memref<40x128xf32, #tpu.memory_space<hbm>>)
      } else {
      }
      %add3A_253 = arith.constant 2 : i32
      %add3A_254 = arith.addi %add3A_247, %add3A_253 : i32
      %mul3A_255 = arith.constant 40 : i32
      %mul3A_256 = arith.muli %add3A_254, %mul3A_255 : i32
      %multiple_of3A_257 = tpu.assume_multiple %mul3A_256, 8 : i32
      %dma_start3A_258 = tpu.memref_slice %arg5[%multiple_of3A_257] : memref<10000xi32, #tpu.memory_space<vmem>> -> memref<40xi32, #tpu.memory_space<vmem>>
      %dma_start3A_259 = arith.constant 0 : i32
      %dma_start3A_260 = arith.constant 0 : i32
      %dma_start3A_261 = tpu.memref_slice %arg2[%dma_start3A_259, %dma_start3A_260] : memref<10000x128xf32, #tpu.memory_space<hbm>> -> memref<10000x128xf32, #tpu.memory_space<hbm>>
      tpu.enqueue_indirect_dma source(%dma_start3A_261 : memref<10000x128xf32, #tpu.memory_space<hbm>>) target(%arg6 : memref<40x128xf32, #tpu.memory_space<vmem>>) offsets(%dma_start3A_258 : memref<40xi32, #tpu.memory_space<vmem>>) semaphore(%arg10 : memref<!tpu.dma_semaphore, #tpu.memory_space<semaphore_mem>>)
      %mul3A_262 = arith.constant 40 : i32
      %mul3A_263 = arith.muli %add3A_247, %mul3A_262 : i32
      %multiple_of3A_264 = tpu.assume_multiple %mul3A_263, 8 : i32
      %dma_wait3A_265 = tpu.memref_slice %arg5[%multiple_of3A_264] : memref<10000xi32, #tpu.memory_space<vmem>> -> memref<40xi32, #tpu.memory_space<vmem>>
      %dma_wait3A_266 = arith.constant 0 : i32
      %dma_wait3A_267 = arith.constant 0 : i32
      %dma_wait3A_268 = tpu.memref_slice %arg2[%dma_wait3A_266, %dma_wait3A_267] : memref<10000x128xf32, #tpu.memory_space<hbm>> -> memref<10000x128xf32, #tpu.memory_space<hbm>>
      tpu.wait_indirect_dma semaphore(%arg12 : memref<!tpu.dma_semaphore, #tpu.memory_space<semaphore_mem>>) src(%dma_wait3A_268 : memref<10000x128xf32, #tpu.memory_space<hbm>>) dst(%arg8 : memref<40x128xf32, #tpu.memory_space<vmem>>)
      %mul3A_269 = arith.constant 1 : i32
      %mul3A_270 = arith.muli %mul3A_269, %add3A : i32
      %jit3A_271 = arith.constant 250 : i32
      %div3A_272 = arith.divsi %add3A_247, %jit3A_271 : i32
      %sign3A_273 = arith.constant 0 : i32
      %sign3A_274 = arith.cmpi sgt, %add3A_247, %sign3A_273 : i32
      %sign3A_275 = arith.extui %sign3A_274 : i1 to i32
      %sign3A_276 = arith.constant 0 : i32
      %sign3A_277 = arith.cmpi slt, %add3A_247, %sign3A_276 : i32
      %sign3A_278 = arith.extui %sign3A_277 : i1 to i32
      %sign3A_279 = arith.subi %sign3A_275, %sign3A_278 : i32
      %sign3A_280 = arith.constant 0 : i32
      %sign3A_281 = arith.cmpi sgt, %jit3A_271, %sign3A_280 : i32
      %sign3A_282 = arith.extui %sign3A_281 : i1 to i32
      %sign3A_283 = arith.constant 0 : i32
      %sign3A_284 = arith.cmpi slt, %jit3A_271, %sign3A_283 : i32
      %sign3A_285 = arith.extui %sign3A_284 : i1 to i32
      %sign3A_286 = arith.subi %sign3A_282, %sign3A_285 : i32
      %ne3A_287 = arith.cmpi ne, %sign3A_279, %sign3A_286 : i32
      %rem3A_288 = arith.remsi %add3A_247, %jit3A_271 : i32
      %ne3A_289 = arith.constant 0 : i32
      %ne3A_290 = arith.cmpi ne, %rem3A_288, %ne3A_289 : i32
      %and3A_291 = arith.andi %ne3A_287, %ne3A_290 : i1
      %sub3A_292 = arith.constant 1 : i32
      %sub3A_293 = arith.subi %div3A_272, %sub3A_292 : i32
      %select_n3A_294 = arith.select %and3A_291, %sub3A_293, %div3A_272 : i32
      %add3A_295 = arith.addi %mul3A_270, %select_n3A_294 : i32
      %jit3A_296 = arith.constant 250 : i32
      %eq3A_297 = arith.constant 0 : i32
      %eq3A_298 = arith.cmpi eq, %jit3A_296, %eq3A_297 : i32
      %jit3A_299 = arith.constant 1 : i32
      %select_n3A_300 = arith.select %eq3A_298, %jit3A_299, %jit3A_296 : i32
      %rem3A_301 = arith.remsi %add3A_247, %select_n3A_300 : i32
      %ne3A_302 = arith.constant 0 : i32
      %ne3A_303 = arith.cmpi ne, %rem3A_301, %ne3A_302 : i32
      %lt3A_304 = arith.constant 0 : i32
      %lt3A_305 = arith.cmpi slt, %rem3A_301, %lt3A_304 : i32
      %lt3A_306 = arith.constant 0 : i32
      %lt3A_307 = arith.cmpi slt, %select_n3A_300, %lt3A_306 : i32
      %ne3A_308 = arith.xori %lt3A_305, %lt3A_307 : i1
      %and3A_309 = arith.andi %ne3A_308, %ne3A_303 : i1
      %add3A_310 = arith.addi %rem3A_301, %select_n3A_300 : i32
      %select_n3A_311 = arith.select %and3A_309, %add3A_310, %rem3A_301 : i32
      %mul3A_312 = arith.constant 40 : i32
      %mul3A_313 = arith.muli %select_n3A_311, %mul3A_312 : i32
      %multiple_of3A_314 = tpu.assume_multiple %mul3A_313, 8 : i32
      %dma_start3A_315 = arith.constant 0 : i32
      %dma_start3A_316 = tpu.memref_slice %arg4[%add3A_295, %multiple_of3A_314, %dma_start3A_315] : memref<32x10000x128xf32, #tpu.memory_space<hbm>> -> memref<1x40x128xf32, #tpu.memory_space<hbm>>
      %dma_start3A_317 = tpu.memref_squeeze %dma_start3A_316 : memref<1x40x128xf32, #tpu.memory_space<hbm>> -> memref<40x128xf32, #tpu.memory_space<hbm>>
      %dma_start3A_318 = arith.constant 0 : i32
      %dma_start3A_319 = tpu.memref_slice %arg4[%add3A_295, %multiple_of3A_314, %dma_start3A_318] : memref<32x10000x128xf32, #tpu.memory_space<hbm>> -> memref<1x40x128xf32, #tpu.memory_space<hbm>>
      %dma_start3A_320 = tpu.memref_squeeze %dma_start3A_319 : memref<1x40x128xf32, #tpu.memory_space<hbm>> -> memref<40x128xf32, #tpu.memory_space<hbm>>
      tpu.enqueue_dma source(%arg8 : memref<40x128xf32, #tpu.memory_space<vmem>>) target(%dma_start3A_320 : memref<40x128xf32, #tpu.memory_space<hbm>>) target_semaphore(%arg16 : memref<!tpu.dma_semaphore, #tpu.memory_space<semaphore_mem>>)
      %mul3A_321 = arith.constant 4 : i32
      %mul3A_322 = arith.muli %mul3A_321, %scan3A_102 : i32
      %add3A_323 = arith.constant 3 : i32
      %add3A_324 = arith.addi %mul3A_322, %add3A_323 : i32
      %ge3A_325 = arith.constant 2 : i32
      %ge3A_326 = arith.cmpi sge, %add3A_324, %ge3A_325 : i32
      %convert_element_type3A_327 = arith.extui %ge3A_326 : i1 to i32
      %cond3A_328 = arith.constant 0 : i32
      %cond3A_329 = arith.cmpi ne, %convert_element_type3A_327, %cond3A_328 : i32
      scf.if %cond3A_329 {
        %sub3A_398 = arith.constant 2 : i32
        %sub3A_399 = arith.subi %add3A_324, %sub3A_398 : i32
        %mul3A_400 = arith.constant 1 : i32
        %mul3A_401 = arith.muli %mul3A_400, %add3A : i32
        %jit3A_402 = arith.constant 250 : i32
        %div3A_403 = arith.divsi %sub3A_399, %jit3A_402 : i32
        %sign3A_404 = arith.constant 0 : i32
        %sign3A_405 = arith.cmpi sgt, %sub3A_399, %sign3A_404 : i32
        %sign3A_406 = arith.extui %sign3A_405 : i1 to i32
        %sign3A_407 = arith.constant 0 : i32
        %sign3A_408 = arith.cmpi slt, %sub3A_399, %sign3A_407 : i32
        %sign3A_409 = arith.extui %sign3A_408 : i1 to i32
        %sign3A_410 = arith.subi %sign3A_406, %sign3A_409 : i32
        %sign3A_411 = arith.constant 0 : i32
        %sign3A_412 = arith.cmpi sgt, %jit3A_402, %sign3A_411 : i32
        %sign3A_413 = arith.extui %sign3A_412 : i1 to i32
        %sign3A_414 = arith.constant 0 : i32
        %sign3A_415 = arith.cmpi slt, %jit3A_402, %sign3A_414 : i32
        %sign3A_416 = arith.extui %sign3A_415 : i1 to i32
        %sign3A_417 = arith.subi %sign3A_413, %sign3A_416 : i32
        %ne3A_418 = arith.cmpi ne, %sign3A_410, %sign3A_417 : i32
        %rem3A_419 = arith.remsi %sub3A_399, %jit3A_402 : i32
        %ne3A_420 = arith.constant 0 : i32
        %ne3A_421 = arith.cmpi ne, %rem3A_419, %ne3A_420 : i32
        %and3A_422 = arith.andi %ne3A_418, %ne3A_421 : i1
        %sub3A_423 = arith.constant 1 : i32
        %sub3A_424 = arith.subi %div3A_403, %sub3A_423 : i32
        %select_n3A_425 = arith.select %and3A_422, %sub3A_424, %div3A_403 : i32
        %add3A_426 = arith.addi %mul3A_401, %select_n3A_425 : i32
        %jit3A_427 = arith.constant 250 : i32
        %eq3A_428 = arith.constant 0 : i32
        %eq3A_429 = arith.cmpi eq, %jit3A_427, %eq3A_428 : i32
        %jit3A_430 = arith.constant 1 : i32
        %select_n3A_431 = arith.select %eq3A_429, %jit3A_430, %jit3A_427 : i32
        %rem3A_432 = arith.remsi %sub3A_399, %select_n3A_431 : i32
        %ne3A_433 = arith.constant 0 : i32
        %ne3A_434 = arith.cmpi ne, %rem3A_432, %ne3A_433 : i32
        %lt3A_435 = arith.constant 0 : i32
        %lt3A_436 = arith.cmpi slt, %rem3A_432, %lt3A_435 : i32
        %lt3A_437 = arith.constant 0 : i32
        %lt3A_438 = arith.cmpi slt, %select_n3A_431, %lt3A_437 : i32
        %ne3A_439 = arith.xori %lt3A_436, %lt3A_438 : i1
        %and3A_440 = arith.andi %ne3A_439, %ne3A_434 : i1
        %add3A_441 = arith.addi %rem3A_432, %select_n3A_431 : i32
        %select_n3A_442 = arith.select %and3A_440, %add3A_441, %rem3A_432 : i32
        %mul3A_443 = arith.constant 40 : i32
        %mul3A_444 = arith.muli %select_n3A_442, %mul3A_443 : i32
        %multiple_of3A_445 = tpu.assume_multiple %mul3A_444, 8 : i32
        %dma_wait3A_446 = arith.constant 0 : i32
        %dma_wait3A_447 = tpu.memref_slice %arg4[%add3A_426, %multiple_of3A_445, %dma_wait3A_446] : memref<32x10000x128xf32, #tpu.memory_space<hbm>> -> memref<1x40x128xf32, #tpu.memory_space<hbm>>
        %dma_wait3A_448 = tpu.memref_squeeze %dma_wait3A_447 : memref<1x40x128xf32, #tpu.memory_space<hbm>> -> memref<40x128xf32, #tpu.memory_space<hbm>>
        %dma_wait3A_449 = arith.constant 0 : i32
        %dma_wait3A_450 = tpu.memref_slice %arg4[%add3A_426, %multiple_of3A_445, %dma_wait3A_449] : memref<32x10000x128xf32, #tpu.memory_space<hbm>> -> memref<1x40x128xf32, #tpu.memory_space<hbm>>
        %dma_wait3A_451 = tpu.memref_squeeze %dma_wait3A_450 : memref<1x40x128xf32, #tpu.memory_space<hbm>> -> memref<40x128xf32, #tpu.memory_space<hbm>>
        tpu.wait_dma2 semaphore(%arg15 : memref<!tpu.dma_semaphore, #tpu.memory_space<semaphore_mem>>) src(%arg7 : memref<40x128xf32, #tpu.memory_space<vmem>>) dst(%dma_wait3A_451 : memref<40x128xf32, #tpu.memory_space<hbm>>)
      } else {
      }
      %add3A_330 = arith.constant 2 : i32
      %add3A_331 = arith.addi %add3A_324, %add3A_330 : i32
      %mul3A_332 = arith.constant 40 : i32
      %mul3A_333 = arith.muli %add3A_331, %mul3A_332 : i32
      %multiple_of3A_334 = tpu.assume_multiple %mul3A_333, 8 : i32
      %dma_start3A_335 = tpu.memref_slice %arg5[%multiple_of3A_334] : memref<10000xi32, #tpu.memory_space<vmem>> -> memref<40xi32, #tpu.memory_space<vmem>>
      %dma_start3A_336 = arith.constant 0 : i32
      %dma_start3A_337 = arith.constant 0 : i32
      %dma_start3A_338 = tpu.memref_slice %arg2[%dma_start3A_336, %dma_start3A_337] : memref<10000x128xf32, #tpu.memory_space<hbm>> -> memref<10000x128xf32, #tpu.memory_space<hbm>>
      tpu.enqueue_indirect_dma source(%dma_start3A_338 : memref<10000x128xf32, #tpu.memory_space<hbm>>) target(%arg7 : memref<40x128xf32, #tpu.memory_space<vmem>>) offsets(%dma_start3A_335 : memref<40xi32, #tpu.memory_space<vmem>>) semaphore(%arg11 : memref<!tpu.dma_semaphore, #tpu.memory_space<semaphore_mem>>)
      %mul3A_339 = arith.constant 40 : i32
      %mul3A_340 = arith.muli %add3A_324, %mul3A_339 : i32
      %multiple_of3A_341 = tpu.assume_multiple %mul3A_340, 8 : i32
      %dma_wait3A_342 = tpu.memref_slice %arg5[%multiple_of3A_341] : memref<10000xi32, #tpu.memory_space<vmem>> -> memref<40xi32, #tpu.memory_space<vmem>>
      %dma_wait3A_343 = arith.constant 0 : i32
      %dma_wait3A_344 = arith.constant 0 : i32
      %dma_wait3A_345 = tpu.memref_slice %arg2[%dma_wait3A_343, %dma_wait3A_344] : memref<10000x128xf32, #tpu.memory_space<hbm>> -> memref<10000x128xf32, #tpu.memory_space<hbm>>
      tpu.wait_indirect_dma semaphore(%arg13 : memref<!tpu.dma_semaphore, #tpu.memory_space<semaphore_mem>>) src(%dma_wait3A_345 : memref<10000x128xf32, #tpu.memory_space<hbm>>) dst(%arg9 : memref<40x128xf32, #tpu.memory_space<vmem>>)
      %mul3A_346 = arith.constant 1 : i32
      %mul3A_347 = arith.muli %mul3A_346, %add3A : i32
      %jit3A_348 = arith.constant 250 : i32
      %div3A_349 = arith.divsi %add3A_324, %jit3A_348 : i32
      %sign3A_350 = arith.constant 0 : i32
      %sign3A_351 = arith.cmpi sgt, %add3A_324, %sign3A_350 : i32
      %sign3A_352 = arith.extui %sign3A_351 : i1 to i32
      %sign3A_353 = arith.constant 0 : i32
      %sign3A_354 = arith.cmpi slt, %add3A_324, %sign3A_353 : i32
      %sign3A_355 = arith.extui %sign3A_354 : i1 to i32
      %sign3A_356 = arith.subi %sign3A_352, %sign3A_355 : i32
      %sign3A_357 = arith.constant 0 : i32
      %sign3A_358 = arith.cmpi sgt, %jit3A_348, %sign3A_357 : i32
      %sign3A_359 = arith.extui %sign3A_358 : i1 to i32
      %sign3A_360 = arith.constant 0 : i32
      %sign3A_361 = arith.cmpi slt, %jit3A_348, %sign3A_360 : i32
      %sign3A_362 = arith.extui %sign3A_361 : i1 to i32
      %sign3A_363 = arith.subi %sign3A_359, %sign3A_362 : i32
      %ne3A_364 = arith.cmpi ne, %sign3A_356, %sign3A_363 : i32
      %rem3A_365 = arith.remsi %add3A_324, %jit3A_348 : i32
      %ne3A_366 = arith.constant 0 : i32
      %ne3A_367 = arith.cmpi ne, %rem3A_365, %ne3A_366 : i32
      %and3A_368 = arith.andi %ne3A_364, %ne3A_367 : i1
      %sub3A_369 = arith.constant 1 : i32
      %sub3A_370 = arith.subi %div3A_349, %sub3A_369 : i32
      %select_n3A_371 = arith.select %and3A_368, %sub3A_370, %div3A_349 : i32
      %add3A_372 = arith.addi %mul3A_347, %select_n3A_371 : i32
      %jit3A_373 = arith.constant 250 : i32
      %eq3A_374 = arith.constant 0 : i32
      %eq3A_375 = arith.cmpi eq, %jit3A_373, %eq3A_374 : i32
      %jit3A_376 = arith.constant 1 : i32
      %select_n3A_377 = arith.select %eq3A_375, %jit3A_376, %jit3A_373 : i32
      %rem3A_378 = arith.remsi %add3A_324, %select_n3A_377 : i32
      %ne3A_379 = arith.constant 0 : i32
      %ne3A_380 = arith.cmpi ne, %rem3A_378, %ne3A_379 : i32
      %lt3A_381 = arith.constant 0 : i32
      %lt3A_382 = arith.cmpi slt, %rem3A_378, %lt3A_381 : i32
      %lt3A_383 = arith.constant 0 : i32
      %lt3A_384 = arith.cmpi slt, %select_n3A_377, %lt3A_383 : i32
      %ne3A_385 = arith.xori %lt3A_382, %lt3A_384 : i1
      %and3A_386 = arith.andi %ne3A_385, %ne3A_380 : i1
      %add3A_387 = arith.addi %rem3A_378, %select_n3A_377 : i32
      %select_n3A_388 = arith.select %and3A_386, %add3A_387, %rem3A_378 : i32
      %mul3A_389 = arith.constant 40 : i32
      %mul3A_390 = arith.muli %select_n3A_388, %mul3A_389 : i32
      %multiple_of3A_391 = tpu.assume_multiple %mul3A_390, 8 : i32
      %dma_start3A_392 = arith.constant 0 : i32
      %dma_start3A_393 = tpu.memref_slice %arg4[%add3A_372, %multiple_of3A_391, %dma_start3A_392] : memref<32x10000x128xf32, #tpu.memory_space<hbm>> -> memref<1x40x128xf32, #tpu.memory_space<hbm>>
      %dma_start3A_394 = tpu.memref_squeeze %dma_start3A_393 : memref<1x40x128xf32, #tpu.memory_space<hbm>> -> memref<40x128xf32, #tpu.memory_space<hbm>>
      %dma_start3A_395 = arith.constant 0 : i32
      %dma_start3A_396 = tpu.memref_slice %arg4[%add3A_372, %multiple_of3A_391, %dma_start3A_395] : memref<32x10000x128xf32, #tpu.memory_space<hbm>> -> memref<1x40x128xf32, #tpu.memory_space<hbm>>
      %dma_start3A_397 = tpu.memref_squeeze %dma_start3A_396 : memref<1x40x128xf32, #tpu.memory_space<hbm>> -> memref<40x128xf32, #tpu.memory_space<hbm>>
      tpu.enqueue_dma source(%arg9 : memref<40x128xf32, #tpu.memory_space<vmem>>) target(%dma_start3A_397 : memref<40x128xf32, #tpu.memory_space<hbm>>) target_semaphore(%arg17 : memref<!tpu.dma_semaphore, #tpu.memory_space<semaphore_mem>>)
    }
    %scan3A_18 = arith.constant 62 : i32
    %mul3A_19 = arith.constant 1 : i32
    %mul3A_20 = arith.muli %mul3A_19, %add3A : i32
    %add3A_21 = arith.constant 0 : i32
    %add3A_22 = arith.addi %mul3A_20, %add3A_21 : i32
    %multiple_of3A_23 = arith.constant 9840 : i32
    %multiple_of3A_24 = tpu.assume_multiple %multiple_of3A_23, 8 : i32
    %dma_wait3A = arith.constant 0 : i32
    %dma_wait3A_25 = tpu.memref_slice %arg4[%add3A_22, %multiple_of3A_24, %dma_wait3A] : memref<32x10000x128xf32, #tpu.memory_space<hbm>> -> memref<1x40x128xf32, #tpu.memory_space<hbm>>
    %dma_wait3A_26 = tpu.memref_squeeze %dma_wait3A_25 : memref<1x40x128xf32, #tpu.memory_space<hbm>> -> memref<40x128xf32, #tpu.memory_space<hbm>>
    %dma_wait3A_27 = arith.constant 0 : i32
    %dma_wait3A_28 = tpu.memref_slice %arg4[%add3A_22, %multiple_of3A_24, %dma_wait3A_27] : memref<32x10000x128xf32, #tpu.memory_space<hbm>> -> memref<1x40x128xf32, #tpu.memory_space<hbm>>
    %dma_wait3A_29 = tpu.memref_squeeze %dma_wait3A_28 : memref<1x40x128xf32, #tpu.memory_space<hbm>> -> memref<40x128xf32, #tpu.memory_space<hbm>>
    tpu.wait_dma2 semaphore(%arg16 : memref<!tpu.dma_semaphore, #tpu.memory_space<semaphore_mem>>) src(%arg8 : memref<40x128xf32, #tpu.memory_space<vmem>>) dst(%dma_wait3A_29 : memref<40x128xf32, #tpu.memory_space<hbm>>)
    %multiple_of3A_30 = arith.constant 9920 : i32
    %multiple_of3A_31 = tpu.assume_multiple %multiple_of3A_30, 8 : i32
    %dma_wait3A_32 = tpu.memref_slice %arg5[%multiple_of3A_31] : memref<10000xi32, #tpu.memory_space<vmem>> -> memref<40xi32, #tpu.memory_space<vmem>>
    %dma_wait3A_33 = arith.constant 0 : i32
    %dma_wait3A_34 = arith.constant 0 : i32
    %dma_wait3A_35 = tpu.memref_slice %arg2[%dma_wait3A_33, %dma_wait3A_34] : memref<10000x128xf32, #tpu.memory_space<hbm>> -> memref<10000x128xf32, #tpu.memory_space<hbm>>
    tpu.wait_indirect_dma semaphore(%arg10 : memref<!tpu.dma_semaphore, #tpu.memory_space<semaphore_mem>>) src(%dma_wait3A_35 : memref<10000x128xf32, #tpu.memory_space<hbm>>) dst(%arg6 : memref<40x128xf32, #tpu.memory_space<vmem>>)
    %mul3A_36 = arith.constant 1 : i32
    %mul3A_37 = arith.muli %mul3A_36, %add3A : i32
    %add3A_38 = arith.constant 0 : i32
    %add3A_39 = arith.addi %mul3A_37, %add3A_38 : i32
    %multiple_of3A_40 = arith.constant 9920 : i32
    %multiple_of3A_41 = tpu.assume_multiple %multiple_of3A_40, 8 : i32
    %dma_start3A_42 = arith.constant 0 : i32
    %dma_start3A_43 = tpu.memref_slice %arg4[%add3A_39, %multiple_of3A_41, %dma_start3A_42] : memref<32x10000x128xf32, #tpu.memory_space<hbm>> -> memref<1x40x128xf32, #tpu.memory_space<hbm>>
    %dma_start3A_44 = tpu.memref_squeeze %dma_start3A_43 : memref<1x40x128xf32, #tpu.memory_space<hbm>> -> memref<40x128xf32, #tpu.memory_space<hbm>>
    %dma_start3A_45 = arith.constant 0 : i32
    %dma_start3A_46 = tpu.memref_slice %arg4[%add3A_39, %multiple_of3A_41, %dma_start3A_45] : memref<32x10000x128xf32, #tpu.memory_space<hbm>> -> memref<1x40x128xf32, #tpu.memory_space<hbm>>
    %dma_start3A_47 = tpu.memref_squeeze %dma_start3A_46 : memref<1x40x128xf32, #tpu.memory_space<hbm>> -> memref<40x128xf32, #tpu.memory_space<hbm>>
    tpu.enqueue_dma source(%arg6 : memref<40x128xf32, #tpu.memory_space<vmem>>) target(%dma_start3A_47 : memref<40x128xf32, #tpu.memory_space<hbm>>) target_semaphore(%arg14 : memref<!tpu.dma_semaphore, #tpu.memory_space<semaphore_mem>>)
    %mul3A_48 = arith.constant 1 : i32
    %mul3A_49 = arith.muli %mul3A_48, %add3A : i32
    %add3A_50 = arith.constant 0 : i32
    %add3A_51 = arith.addi %mul3A_49, %add3A_50 : i32
    %multiple_of3A_52 = arith.constant 9880 : i32
    %multiple_of3A_53 = tpu.assume_multiple %multiple_of3A_52, 8 : i32
    %dma_wait3A_54 = arith.constant 0 : i32
    %dma_wait3A_55 = tpu.memref_slice %arg4[%add3A_51, %multiple_of3A_53, %dma_wait3A_54] : memref<32x10000x128xf32, #tpu.memory_space<hbm>> -> memref<1x40x128xf32, #tpu.memory_space<hbm>>
    %dma_wait3A_56 = tpu.memref_squeeze %dma_wait3A_55 : memref<1x40x128xf32, #tpu.memory_space<hbm>> -> memref<40x128xf32, #tpu.memory_space<hbm>>
    %dma_wait3A_57 = arith.constant 0 : i32
    %dma_wait3A_58 = tpu.memref_slice %arg4[%add3A_51, %multiple_of3A_53, %dma_wait3A_57] : memref<32x10000x128xf32, #tpu.memory_space<hbm>> -> memref<1x40x128xf32, #tpu.memory_space<hbm>>
    %dma_wait3A_59 = tpu.memref_squeeze %dma_wait3A_58 : memref<1x40x128xf32, #tpu.memory_space<hbm>> -> memref<40x128xf32, #tpu.memory_space<hbm>>
    tpu.wait_dma2 semaphore(%arg17 : memref<!tpu.dma_semaphore, #tpu.memory_space<semaphore_mem>>) src(%arg9 : memref<40x128xf32, #tpu.memory_space<vmem>>) dst(%dma_wait3A_59 : memref<40x128xf32, #tpu.memory_space<hbm>>)
    %multiple_of3A_60 = arith.constant 9960 : i32
    %multiple_of3A_61 = tpu.assume_multiple %multiple_of3A_60, 8 : i32
    %dma_wait3A_62 = tpu.memref_slice %arg5[%multiple_of3A_61] : memref<10000xi32, #tpu.memory_space<vmem>> -> memref<40xi32, #tpu.memory_space<vmem>>
    %dma_wait3A_63 = arith.constant 0 : i32
    %dma_wait3A_64 = arith.constant 0 : i32
    %dma_wait3A_65 = tpu.memref_slice %arg2[%dma_wait3A_63, %dma_wait3A_64] : memref<10000x128xf32, #tpu.memory_space<hbm>> -> memref<10000x128xf32, #tpu.memory_space<hbm>>
    tpu.wait_indirect_dma semaphore(%arg11 : memref<!tpu.dma_semaphore, #tpu.memory_space<semaphore_mem>>) src(%dma_wait3A_65 : memref<10000x128xf32, #tpu.memory_space<hbm>>) dst(%arg7 : memref<40x128xf32, #tpu.memory_space<vmem>>)
    %mul3A_66 = arith.constant 1 : i32
    %mul3A_67 = arith.muli %mul3A_66, %add3A : i32
    %add3A_68 = arith.constant 0 : i32
    %add3A_69 = arith.addi %mul3A_67, %add3A_68 : i32
    %multiple_of3A_70 = arith.constant 9960 : i32
    %multiple_of3A_71 = tpu.assume_multiple %multiple_of3A_70, 8 : i32
    %dma_start3A_72 = arith.constant 0 : i32
    %dma_start3A_73 = tpu.memref_slice %arg4[%add3A_69, %multiple_of3A_71, %dma_start3A_72] : memref<32x10000x128xf32, #tpu.memory_space<hbm>> -> memref<1x40x128xf32, #tpu.memory_space<hbm>>
    %dma_start3A_74 = tpu.memref_squeeze %dma_start3A_73 : memref<1x40x128xf32, #tpu.memory_space<hbm>> -> memref<40x128xf32, #tpu.memory_space<hbm>>
    %dma_start3A_75 = arith.constant 0 : i32
    %dma_start3A_76 = tpu.memref_slice %arg4[%add3A_69, %multiple_of3A_71, %dma_start3A_75] : memref<32x10000x128xf32, #tpu.memory_space<hbm>> -> memref<1x40x128xf32, #tpu.memory_space<hbm>>
    %dma_start3A_77 = tpu.memref_squeeze %dma_start3A_76 : memref<1x40x128xf32, #tpu.memory_space<hbm>> -> memref<40x128xf32, #tpu.memory_space<hbm>>
    tpu.enqueue_dma source(%arg7 : memref<40x128xf32, #tpu.memory_space<vmem>>) target(%dma_start3A_77 : memref<40x128xf32, #tpu.memory_space<hbm>>) target_semaphore(%arg15 : memref<!tpu.dma_semaphore, #tpu.memory_space<semaphore_mem>>)
    %mul3A_78 = arith.constant 1 : i32
    %mul3A_79 = arith.muli %mul3A_78, %add3A : i32
    %add3A_80 = arith.constant 0 : i32
    %add3A_81 = arith.addi %mul3A_79, %add3A_80 : i32
    %multiple_of3A_82 = arith.constant 9920 : i32
    %multiple_of3A_83 = tpu.assume_multiple %multiple_of3A_82, 8 : i32
    %dma_wait3A_84 = arith.constant 0 : i32
    %dma_wait3A_85 = tpu.memref_slice %arg4[%add3A_81, %multiple_of3A_83, %dma_wait3A_84] : memref<32x10000x128xf32, #tpu.memory_space<hbm>> -> memref<1x40x128xf32, #tpu.memory_space<hbm>>
    %dma_wait3A_86 = tpu.memref_squeeze %dma_wait3A_85 : memref<1x40x128xf32, #tpu.memory_space<hbm>> -> memref<40x128xf32, #tpu.memory_space<hbm>>
    %dma_wait3A_87 = arith.constant 0 : i32
    %dma_wait3A_88 = tpu.memref_slice %arg4[%add3A_81, %multiple_of3A_83, %dma_wait3A_87] : memref<32x10000x128xf32, #tpu.memory_space<hbm>> -> memref<1x40x128xf32, #tpu.memory_space<hbm>>
    %dma_wait3A_89 = tpu.memref_squeeze %dma_wait3A_88 : memref<1x40x128xf32, #tpu.memory_space<hbm>> -> memref<40x128xf32, #tpu.memory_space<hbm>>
    tpu.wait_dma2 semaphore(%arg14 : memref<!tpu.dma_semaphore, #tpu.memory_space<semaphore_mem>>) src(%arg6 : memref<40x128xf32, #tpu.memory_space<vmem>>) dst(%dma_wait3A_89 : memref<40x128xf32, #tpu.memory_space<hbm>>)
    %mul3A_90 = arith.constant 1 : i32
    %mul3A_91 = arith.muli %mul3A_90, %add3A : i32
    %add3A_92 = arith.constant 0 : i32
    %add3A_93 = arith.addi %mul3A_91, %add3A_92 : i32
    %multiple_of3A_94 = arith.constant 9960 : i32
    %multiple_of3A_95 = tpu.assume_multiple %multiple_of3A_94, 8 : i32
    %dma_wait3A_96 = arith.constant 0 : i32
    %dma_wait3A_97 = tpu.memref_slice %arg4[%add3A_93, %multiple_of3A_95, %dma_wait3A_96] : memref<32x10000x128xf32, #tpu.memory_space<hbm>> -> memref<1x40x128xf32, #tpu.memory_space<hbm>>
    %dma_wait3A_98 = tpu.memref_squeeze %dma_wait3A_97 : memref<1x40x128xf32, #tpu.memory_space<hbm>> -> memref<40x128xf32, #tpu.memory_space<hbm>>
    %dma_wait3A_99 = arith.constant 0 : i32
    %dma_wait3A_100 = tpu.memref_slice %arg4[%add3A_93, %multiple_of3A_95, %dma_wait3A_99] : memref<32x10000x128xf32, #tpu.memory_space<hbm>> -> memref<1x40x128xf32, #tpu.memory_space<hbm>>
    %dma_wait3A_101 = tpu.memref_squeeze %dma_wait3A_100 : memref<1x40x128xf32, #tpu.memory_space<hbm>> -> memref<40x128xf32, #tpu.memory_space<hbm>>
    tpu.wait_dma2 semaphore(%arg15 : memref<!tpu.dma_semaphore, #tpu.memory_space<semaphore_mem>>) src(%arg7 : memref<40x128xf32, #tpu.memory_space<vmem>>) dst(%dma_wait3A_101 : memref<40x128xf32, #tpu.memory_space<hbm>>)
    return
  }
}

#map = affine_map<(d0, d1) -> (0, 0)>
#map1 = affine_map<(d0, d1) -> (0)>
#map2 = affine_map<(d0, d1) -> (0, 0, 0)>
module attributes {stable_mosaic.version = 14 : i64} {
  func.func @gather_k(%arg0: i32, %arg1: i32, %arg2: memref<10000x128xi32, #tpu.memory_space<hbm>>, %arg3: memref<320000xi32, #tpu.memory_space<hbm>>, %arg4: memref<32x10000x128xi32, #tpu.memory_space<hbm>>, %arg5: memref<10000xi32, #tpu.memory_space<vmem>>, %arg6: memref<40x128xi32, #tpu.memory_space<vmem>>, %arg7: memref<40x128xi32, #tpu.memory_space<vmem>>, %arg8: memref<40x128xi32, #tpu.memory_space<vmem>>, %arg9: memref<40x128xi32, #tpu.memory_space<vmem>>, %arg10: memref<!tpu.dma_semaphore, #tpu.memory_space<semaphore_mem>>, %arg11: memref<!tpu.dma_semaphore, #tpu.memory_space<semaphore_mem>>, %arg12: memref<!tpu.dma_semaphore, #tpu.memory_space<semaphore_mem>>, %arg13: memref<!tpu.dma_semaphore, #tpu.memory_space<semaphore_mem>>, %arg14: memref<!tpu.dma_semaphore, #tpu.memory_space<semaphore_mem>>, %arg15: memref<!tpu.dma_semaphore, #tpu.memory_space<semaphore_mem>>, %arg16: memref<!tpu.dma_semaphore, #tpu.memory_space<semaphore_mem>>, %arg17: memref<!tpu.dma_semaphore, #tpu.memory_space<semaphore_mem>>) attributes {dimension_semantics = [#tpu.dimension_semantics<core_parallel>, #tpu.dimension_semantics<subcore_parallel>], iteration_bounds = array<i64: 2, 16>, scalar_prefetch = 0 : i64, scratch_operands = 13 : i64, tpu.core_type = #tpu.core_type<sc_vector_subcore>, window_params = [{transform_indices = #map}, {transform_indices = #map1}, {transform_indices = #map2}]} {
    %mul3A = arith.constant 2 : i32
    %mul3A_0 = arith.muli %arg1, %mul3A : i32
    %add3A = arith.addi %mul3A_0, %arg0 : i32
    %mul3A_1 = arith.constant 10000 : i32
    %mul3A_2 = arith.muli %add3A, %mul3A_1 : i32
    %multiple_of3A = tpu.assume_multiple %mul3A_2, 8 : i32
    "tpu.region"() ({
      %run_scoped3A = tpu.sem_alloc : memref<!tpu.dma_semaphore, #tpu.memory_space<semaphore_mem>>
      %dma_start3A_102 = tpu.memref_slice %arg3[%multiple_of3A] : memref<320000xi32, #tpu.memory_space<hbm>> -> memref<10000xi32, #tpu.memory_space<hbm>>
      %dma_start3A_103 = tpu.memref_slice %arg3[%multiple_of3A] : memref<320000xi32, #tpu.memory_space<hbm>> -> memref<10000xi32, #tpu.memory_space<hbm>>
      tpu.enqueue_dma source(%dma_start3A_103 : memref<10000xi32, #tpu.memory_space<hbm>>) target(%arg5 : memref<10000xi32, #tpu.memory_space<vmem>>) target_semaphore(%run_scoped3A : memref<!tpu.dma_semaphore, #tpu.memory_space<semaphore_mem>>)
      %dma_wait3A_104 = tpu.memref_slice %arg3[%multiple_of3A] : memref<320000xi32, #tpu.memory_space<hbm>> -> memref<10000xi32, #tpu.memory_space<hbm>>
      %dma_wait3A_105 = tpu.memref_slice %arg3[%multiple_of3A] : memref<320000xi32, #tpu.memory_space<hbm>> -> memref<10000xi32, #tpu.memory_space<hbm>>
      tpu.wait_dma2 semaphore(%run_scoped3A : memref<!tpu.dma_semaphore, #tpu.memory_space<semaphore_mem>>) src(%dma_wait3A_105 : memref<10000xi32, #tpu.memory_space<hbm>>) dst(%arg5 : memref<10000xi32, #tpu.memory_space<vmem>>)
      tpu.yield
    }) : () -> ()
    %multiple_of3A_3 = arith.constant 0 : i32
    %multiple_of3A_4 = tpu.assume_multiple %multiple_of3A_3, 8 : i32
    %dma_start3A = tpu.memref_slice %arg5[%multiple_of3A_4] : memref<10000xi32, #tpu.memory_space<vmem>> -> memref<40xi32, #tpu.memory_space<vmem>>
    %dma_start3A_5 = arith.constant 0 : i32
    %dma_start3A_6 = arith.constant 0 : i32
    %dma_start3A_7 = tpu.memref_slice %arg2[%dma_start3A_5, %dma_start3A_6] : memref<10000x128xi32, #tpu.memory_space<hbm>> -> memref<10000x128xi32, #tpu.memory_space<hbm>>
    tpu.enqueue_indirect_dma source(%dma_start3A_7 : memref<10000x128xi32, #tpu.memory_space<hbm>>) target(%arg6 : memref<40x128xi32, #tpu.memory_space<vmem>>) offsets(%dma_start3A : memref<40xi32, #tpu.memory_space<vmem>>) semaphore(%arg10 : memref<!tpu.dma_semaphore, #tpu.memory_space<semaphore_mem>>)
    %multiple_of3A_8 = arith.constant 40 : i32
    %multiple_of3A_9 = tpu.assume_multiple %multiple_of3A_8, 8 : i32
    %dma_start3A_10 = tpu.memref_slice %arg5[%multiple_of3A_9] : memref<10000xi32, #tpu.memory_space<vmem>> -> memref<40xi32, #tpu.memory_space<vmem>>
    %dma_start3A_11 = arith.constant 0 : i32
    %dma_start3A_12 = arith.constant 0 : i32
    %dma_start3A_13 = tpu.memref_slice %arg2[%dma_start3A_11, %dma_start3A_12] : memref<10000x128xi32, #tpu.memory_space<hbm>> -> memref<10000x128xi32, #tpu.memory_space<hbm>>
    tpu.enqueue_indirect_dma source(%dma_start3A_13 : memref<10000x128xi32, #tpu.memory_space<hbm>>) target(%arg7 : memref<40x128xi32, #tpu.memory_space<vmem>>) offsets(%dma_start3A_10 : memref<40xi32, #tpu.memory_space<vmem>>) semaphore(%arg11 : memref<!tpu.dma_semaphore, #tpu.memory_space<semaphore_mem>>)
    %scan3A = arith.constant 0 : i32
    %scan3A_14 = arith.constant 0 : i32
    %scan3A_15 = arith.constant 62 : i32
    %scan3A_16 = arith.addi %scan3A_14, %scan3A_15 : i32
    %scan3A_17 = arith.constant 1 : i32
    scf.for %scan3A_102 = %scan3A_14 to %scan3A_16 step %scan3A_17  : i32 {
      %mul3A_103 = arith.constant 4 : i32
      %mul3A_104 = arith.muli %mul3A_103, %scan3A_102 : i32
      %add3A_105 = arith.constant 0 : i32
      %add3A_106 = arith.addi %mul3A_104, %add3A_105 : i32
      %ge3A = arith.constant 2 : i32
      %ge3A_107 = arith.cmpi sge, %add3A_106, %ge3A : i32
      %convert_element_type3A = arith.extui %ge3A_107 : i1 to i32
      %cond3A = arith.constant 0 : i32
      %cond3A_108 = arith.cmpi ne, %convert_element_type3A, %cond3A : i32
      scf.if %cond3A_108 {
        %sub3A_398 = arith.constant 2 : i32
        %sub3A_399 = arith.subi %add3A_106, %sub3A_398 : i32
        %mul3A_400 = arith.constant 1 : i32
        %mul3A_401 = arith.muli %mul3A_400, %add3A : i32
        %jit3A_402 = arith.constant 250 : i32
        %div3A_403 = arith.divsi %sub3A_399, %jit3A_402 : i32
        %sign3A_404 = arith.constant 0 : i32
        %sign3A_405 = arith.cmpi sgt, %sub3A_399, %sign3A_404 : i32
        %sign3A_406 = arith.extui %sign3A_405 : i1 to i32
        %sign3A_407 = arith.constant 0 : i32
        %sign3A_408 = arith.cmpi slt, %sub3A_399, %sign3A_407 : i32
        %sign3A_409 = arith.extui %sign3A_408 : i1 to i32
        %sign3A_410 = arith.subi %sign3A_406, %sign3A_409 : i32
        %sign3A_411 = arith.constant 0 : i32
        %sign3A_412 = arith.cmpi sgt, %jit3A_402, %sign3A_411 : i32
        %sign3A_413 = arith.extui %sign3A_412 : i1 to i32
        %sign3A_414 = arith.constant 0 : i32
        %sign3A_415 = arith.cmpi slt, %jit3A_402, %sign3A_414 : i32
        %sign3A_416 = arith.extui %sign3A_415 : i1 to i32
        %sign3A_417 = arith.subi %sign3A_413, %sign3A_416 : i32
        %ne3A_418 = arith.cmpi ne, %sign3A_410, %sign3A_417 : i32
        %rem3A_419 = arith.remsi %sub3A_399, %jit3A_402 : i32
        %ne3A_420 = arith.constant 0 : i32
        %ne3A_421 = arith.cmpi ne, %rem3A_419, %ne3A_420 : i32
        %and3A_422 = arith.andi %ne3A_418, %ne3A_421 : i1
        %sub3A_423 = arith.constant 1 : i32
        %sub3A_424 = arith.subi %div3A_403, %sub3A_423 : i32
        %select_n3A_425 = arith.select %and3A_422, %sub3A_424, %div3A_403 : i32
        %add3A_426 = arith.addi %mul3A_401, %select_n3A_425 : i32
        %jit3A_427 = arith.constant 250 : i32
        %eq3A_428 = arith.constant 0 : i32
        %eq3A_429 = arith.cmpi eq, %jit3A_427, %eq3A_428 : i32
        %jit3A_430 = arith.constant 1 : i32
        %select_n3A_431 = arith.select %eq3A_429, %jit3A_430, %jit3A_427 : i32
        %rem3A_432 = arith.remsi %sub3A_399, %select_n3A_431 : i32
        %ne3A_433 = arith.constant 0 : i32
        %ne3A_434 = arith.cmpi ne, %rem3A_432, %ne3A_433 : i32
        %lt3A_435 = arith.constant 0 : i32
        %lt3A_436 = arith.cmpi slt, %rem3A_432, %lt3A_435 : i32
        %lt3A_437 = arith.constant 0 : i32
        %lt3A_438 = arith.cmpi slt, %select_n3A_431, %lt3A_437 : i32
        %ne3A_439 = arith.xori %lt3A_436, %lt3A_438 : i1
        %and3A_440 = arith.andi %ne3A_439, %ne3A_434 : i1
        %add3A_441 = arith.addi %rem3A_432, %select_n3A_431 : i32
        %select_n3A_442 = arith.select %and3A_440, %add3A_441, %rem3A_432 : i32
        %mul3A_443 = arith.constant 40 : i32
        %mul3A_444 = arith.muli %select_n3A_442, %mul3A_443 : i32
        %multiple_of3A_445 = tpu.assume_multiple %mul3A_444, 8 : i32
        %dma_wait3A_446 = arith.constant 0 : i32
        %dma_wait3A_447 = tpu.memref_slice %arg4[%add3A_426, %multiple_of3A_445, %dma_wait3A_446] : memref<32x10000x128xi32, #tpu.memory_space<hbm>> -> memref<1x40x128xi32, #tpu.memory_space<hbm>>
        %dma_wait3A_448 = tpu.memref_squeeze %dma_wait3A_447 : memref<1x40x128xi32, #tpu.memory_space<hbm>> -> memref<40x128xi32, #tpu.memory_space<hbm>>
        %dma_wait3A_449 = arith.constant 0 : i32
        %dma_wait3A_450 = tpu.memref_slice %arg4[%add3A_426, %multiple_of3A_445, %dma_wait3A_449] : memref<32x10000x128xi32, #tpu.memory_space<hbm>> -> memref<1x40x128xi32, #tpu.memory_space<hbm>>
        %dma_wait3A_451 = tpu.memref_squeeze %dma_wait3A_450 : memref<1x40x128xi32, #tpu.memory_space<hbm>> -> memref<40x128xi32, #tpu.memory_space<hbm>>
        tpu.wait_dma2 semaphore(%arg16 : memref<!tpu.dma_semaphore, #tpu.memory_space<semaphore_mem>>) src(%arg8 : memref<40x128xi32, #tpu.memory_space<vmem>>) dst(%dma_wait3A_451 : memref<40x128xi32, #tpu.memory_space<hbm>>)
      } else {
      }
      %add3A_109 = arith.constant 2 : i32
      %add3A_110 = arith.addi %add3A_106, %add3A_109 : i32
      %mul3A_111 = arith.constant 40 : i32
      %mul3A_112 = arith.muli %add3A_110, %mul3A_111 : i32
      %multiple_of3A_113 = tpu.assume_multiple %mul3A_112, 8 : i32
      %dma_start3A_114 = tpu.memref_slice %arg5[%multiple_of3A_113] : memref<10000xi32, #tpu.memory_space<vmem>> -> memref<40xi32, #tpu.memory_space<vmem>>
      %dma_start3A_115 = arith.constant 0 : i32
      %dma_start3A_116 = arith.constant 0 : i32
      %dma_start3A_117 = tpu.memref_slice %arg2[%dma_start3A_115, %dma_start3A_116] : memref<10000x128xi32, #tpu.memory_space<hbm>> -> memref<10000x128xi32, #tpu.memory_space<hbm>>
      tpu.enqueue_indirect_dma source(%dma_start3A_117 : memref<10000x128xi32, #tpu.memory_space<hbm>>) target(%arg8 : memref<40x128xi32, #tpu.memory_space<vmem>>) offsets(%dma_start3A_114 : memref<40xi32, #tpu.memory_space<vmem>>) semaphore(%arg12 : memref<!tpu.dma_semaphore, #tpu.memory_space<semaphore_mem>>)
      %mul3A_118 = arith.constant 40 : i32
      %mul3A_119 = arith.muli %add3A_106, %mul3A_118 : i32
      %multiple_of3A_120 = tpu.assume_multiple %mul3A_119, 8 : i32
      %dma_wait3A_121 = tpu.memref_slice %arg5[%multiple_of3A_120] : memref<10000xi32, #tpu.memory_space<vmem>> -> memref<40xi32, #tpu.memory_space<vmem>>
      %dma_wait3A_122 = arith.constant 0 : i32
      %dma_wait3A_123 = arith.constant 0 : i32
      %dma_wait3A_124 = tpu.memref_slice %arg2[%dma_wait3A_122, %dma_wait3A_123] : memref<10000x128xi32, #tpu.memory_space<hbm>> -> memref<10000x128xi32, #tpu.memory_space<hbm>>
      tpu.wait_indirect_dma semaphore(%arg10 : memref<!tpu.dma_semaphore, #tpu.memory_space<semaphore_mem>>) src(%dma_wait3A_124 : memref<10000x128xi32, #tpu.memory_space<hbm>>) dst(%arg6 : memref<40x128xi32, #tpu.memory_space<vmem>>)
      %mul3A_125 = arith.constant 1 : i32
      %mul3A_126 = arith.muli %mul3A_125, %add3A : i32
      %jit3A = arith.constant 250 : i32
      %div3A = arith.divsi %add3A_106, %jit3A : i32
      %sign3A = arith.constant 0 : i32
      %sign3A_127 = arith.cmpi sgt, %add3A_106, %sign3A : i32
      %sign3A_128 = arith.extui %sign3A_127 : i1 to i32
      %sign3A_129 = arith.constant 0 : i32
      %sign3A_130 = arith.cmpi slt, %add3A_106, %sign3A_129 : i32
      %sign3A_131 = arith.extui %sign3A_130 : i1 to i32
      %sign3A_132 = arith.subi %sign3A_128, %sign3A_131 : i32
      %sign3A_133 = arith.constant 0 : i32
      %sign3A_134 = arith.cmpi sgt, %jit3A, %sign3A_133 : i32
      %sign3A_135 = arith.extui %sign3A_134 : i1 to i32
      %sign3A_136 = arith.constant 0 : i32
      %sign3A_137 = arith.cmpi slt, %jit3A, %sign3A_136 : i32
      %sign3A_138 = arith.extui %sign3A_137 : i1 to i32
      %sign3A_139 = arith.subi %sign3A_135, %sign3A_138 : i32
      %ne3A = arith.cmpi ne, %sign3A_132, %sign3A_139 : i32
      %rem3A = arith.remsi %add3A_106, %jit3A : i32
      %ne3A_140 = arith.constant 0 : i32
      %ne3A_141 = arith.cmpi ne, %rem3A, %ne3A_140 : i32
      %and3A = arith.andi %ne3A, %ne3A_141 : i1
      %sub3A = arith.constant 1 : i32
      %sub3A_142 = arith.subi %div3A, %sub3A : i32
      %select_n3A = arith.select %and3A, %sub3A_142, %div3A : i32
      %add3A_143 = arith.addi %mul3A_126, %select_n3A : i32
      %jit3A_144 = arith.constant 250 : i32
      %eq3A = arith.constant 0 : i32
      %eq3A_145 = arith.cmpi eq, %jit3A_144, %eq3A : i32
      %jit3A_146 = arith.constant 1 : i32
      %select_n3A_147 = arith.select %eq3A_145, %jit3A_146, %jit3A_144 : i32
      %rem3A_148 = arith.remsi %add3A_106, %select_n3A_147 : i32
      %ne3A_149 = arith.constant 0 : i32
      %ne3A_150 = arith.cmpi ne, %rem3A_148, %ne3A_149 : i32
      %lt3A = arith.constant 0 : i32
      %lt3A_151 = arith.cmpi slt, %rem3A_148, %lt3A : i32
      %lt3A_152 = arith.constant 0 : i32
      %lt3A_153 = arith.cmpi slt, %select_n3A_147, %lt3A_152 : i32
      %ne3A_154 = arith.xori %lt3A_151, %lt3A_153 : i1
      %and3A_155 = arith.andi %ne3A_154, %ne3A_150 : i1
      %add3A_156 = arith.addi %rem3A_148, %select_n3A_147 : i32
      %select_n3A_157 = arith.select %and3A_155, %add3A_156, %rem3A_148 : i32
      %mul3A_158 = arith.constant 40 : i32
      %mul3A_159 = arith.muli %select_n3A_157, %mul3A_158 : i32
      %multiple_of3A_160 = tpu.assume_multiple %mul3A_159, 8 : i32
      %dma_start3A_161 = arith.constant 0 : i32
      %dma_start3A_162 = tpu.memref_slice %arg4[%add3A_143, %multiple_of3A_160, %dma_start3A_161] : memref<32x10000x128xi32, #tpu.memory_space<hbm>> -> memref<1x40x128xi32, #tpu.memory_space<hbm>>
      %dma_start3A_163 = tpu.memref_squeeze %dma_start3A_162 : memref<1x40x128xi32, #tpu.memory_space<hbm>> -> memref<40x128xi32, #tpu.memory_space<hbm>>
      %dma_start3A_164 = arith.constant 0 : i32
      %dma_start3A_165 = tpu.memref_slice %arg4[%add3A_143, %multiple_of3A_160, %dma_start3A_164] : memref<32x10000x128xi32, #tpu.memory_space<hbm>> -> memref<1x40x128xi32, #tpu.memory_space<hbm>>
      %dma_start3A_166 = tpu.memref_squeeze %dma_start3A_165 : memref<1x40x128xi32, #tpu.memory_space<hbm>> -> memref<40x128xi32, #tpu.memory_space<hbm>>
      tpu.enqueue_dma source(%arg6 : memref<40x128xi32, #tpu.memory_space<vmem>>) target(%dma_start3A_166 : memref<40x128xi32, #tpu.memory_space<hbm>>) target_semaphore(%arg14 : memref<!tpu.dma_semaphore, #tpu.memory_space<semaphore_mem>>)
      %mul3A_167 = arith.constant 4 : i32
      %mul3A_168 = arith.muli %mul3A_167, %scan3A_102 : i32
      %add3A_169 = arith.constant 1 : i32
      %add3A_170 = arith.addi %mul3A_168, %add3A_169 : i32
      %ge3A_171 = arith.constant 2 : i32
      %ge3A_172 = arith.cmpi sge, %add3A_170, %ge3A_171 : i32
      %convert_element_type3A_173 = arith.extui %ge3A_172 : i1 to i32
      %cond3A_174 = arith.constant 0 : i32
      %cond3A_175 = arith.cmpi ne, %convert_element_type3A_173, %cond3A_174 : i32
      scf.if %cond3A_175 {
        %sub3A_398 = arith.constant 2 : i32
        %sub3A_399 = arith.subi %add3A_170, %sub3A_398 : i32
        %mul3A_400 = arith.constant 1 : i32
        %mul3A_401 = arith.muli %mul3A_400, %add3A : i32
        %jit3A_402 = arith.constant 250 : i32
        %div3A_403 = arith.divsi %sub3A_399, %jit3A_402 : i32
        %sign3A_404 = arith.constant 0 : i32
        %sign3A_405 = arith.cmpi sgt, %sub3A_399, %sign3A_404 : i32
        %sign3A_406 = arith.extui %sign3A_405 : i1 to i32
        %sign3A_407 = arith.constant 0 : i32
        %sign3A_408 = arith.cmpi slt, %sub3A_399, %sign3A_407 : i32
        %sign3A_409 = arith.extui %sign3A_408 : i1 to i32
        %sign3A_410 = arith.subi %sign3A_406, %sign3A_409 : i32
        %sign3A_411 = arith.constant 0 : i32
        %sign3A_412 = arith.cmpi sgt, %jit3A_402, %sign3A_411 : i32
        %sign3A_413 = arith.extui %sign3A_412 : i1 to i32
        %sign3A_414 = arith.constant 0 : i32
        %sign3A_415 = arith.cmpi slt, %jit3A_402, %sign3A_414 : i32
        %sign3A_416 = arith.extui %sign3A_415 : i1 to i32
        %sign3A_417 = arith.subi %sign3A_413, %sign3A_416 : i32
        %ne3A_418 = arith.cmpi ne, %sign3A_410, %sign3A_417 : i32
        %rem3A_419 = arith.remsi %sub3A_399, %jit3A_402 : i32
        %ne3A_420 = arith.constant 0 : i32
        %ne3A_421 = arith.cmpi ne, %rem3A_419, %ne3A_420 : i32
        %and3A_422 = arith.andi %ne3A_418, %ne3A_421 : i1
        %sub3A_423 = arith.constant 1 : i32
        %sub3A_424 = arith.subi %div3A_403, %sub3A_423 : i32
        %select_n3A_425 = arith.select %and3A_422, %sub3A_424, %div3A_403 : i32
        %add3A_426 = arith.addi %mul3A_401, %select_n3A_425 : i32
        %jit3A_427 = arith.constant 250 : i32
        %eq3A_428 = arith.constant 0 : i32
        %eq3A_429 = arith.cmpi eq, %jit3A_427, %eq3A_428 : i32
        %jit3A_430 = arith.constant 1 : i32
        %select_n3A_431 = arith.select %eq3A_429, %jit3A_430, %jit3A_427 : i32
        %rem3A_432 = arith.remsi %sub3A_399, %select_n3A_431 : i32
        %ne3A_433 = arith.constant 0 : i32
        %ne3A_434 = arith.cmpi ne, %rem3A_432, %ne3A_433 : i32
        %lt3A_435 = arith.constant 0 : i32
        %lt3A_436 = arith.cmpi slt, %rem3A_432, %lt3A_435 : i32
        %lt3A_437 = arith.constant 0 : i32
        %lt3A_438 = arith.cmpi slt, %select_n3A_431, %lt3A_437 : i32
        %ne3A_439 = arith.xori %lt3A_436, %lt3A_438 : i1
        %and3A_440 = arith.andi %ne3A_439, %ne3A_434 : i1
        %add3A_441 = arith.addi %rem3A_432, %select_n3A_431 : i32
        %select_n3A_442 = arith.select %and3A_440, %add3A_441, %rem3A_432 : i32
        %mul3A_443 = arith.constant 40 : i32
        %mul3A_444 = arith.muli %select_n3A_442, %mul3A_443 : i32
        %multiple_of3A_445 = tpu.assume_multiple %mul3A_444, 8 : i32
        %dma_wait3A_446 = arith.constant 0 : i32
        %dma_wait3A_447 = tpu.memref_slice %arg4[%add3A_426, %multiple_of3A_445, %dma_wait3A_446] : memref<32x10000x128xi32, #tpu.memory_space<hbm>> -> memref<1x40x128xi32, #tpu.memory_space<hbm>>
        %dma_wait3A_448 = tpu.memref_squeeze %dma_wait3A_447 : memref<1x40x128xi32, #tpu.memory_space<hbm>> -> memref<40x128xi32, #tpu.memory_space<hbm>>
        %dma_wait3A_449 = arith.constant 0 : i32
        %dma_wait3A_450 = tpu.memref_slice %arg4[%add3A_426, %multiple_of3A_445, %dma_wait3A_449] : memref<32x10000x128xi32, #tpu.memory_space<hbm>> -> memref<1x40x128xi32, #tpu.memory_space<hbm>>
        %dma_wait3A_451 = tpu.memref_squeeze %dma_wait3A_450 : memref<1x40x128xi32, #tpu.memory_space<hbm>> -> memref<40x128xi32, #tpu.memory_space<hbm>>
        tpu.wait_dma2 semaphore(%arg17 : memref<!tpu.dma_semaphore, #tpu.memory_space<semaphore_mem>>) src(%arg9 : memref<40x128xi32, #tpu.memory_space<vmem>>) dst(%dma_wait3A_451 : memref<40x128xi32, #tpu.memory_space<hbm>>)
      } else {
      }
      %add3A_176 = arith.constant 2 : i32
      %add3A_177 = arith.addi %add3A_170, %add3A_176 : i32
      %mul3A_178 = arith.constant 40 : i32
      %mul3A_179 = arith.muli %add3A_177, %mul3A_178 : i32
      %multiple_of3A_180 = tpu.assume_multiple %mul3A_179, 8 : i32
      %dma_start3A_181 = tpu.memref_slice %arg5[%multiple_of3A_180] : memref<10000xi32, #tpu.memory_space<vmem>> -> memref<40xi32, #tpu.memory_space<vmem>>
      %dma_start3A_182 = arith.constant 0 : i32
      %dma_start3A_183 = arith.constant 0 : i32
      %dma_start3A_184 = tpu.memref_slice %arg2[%dma_start3A_182, %dma_start3A_183] : memref<10000x128xi32, #tpu.memory_space<hbm>> -> memref<10000x128xi32, #tpu.memory_space<hbm>>
      tpu.enqueue_indirect_dma source(%dma_start3A_184 : memref<10000x128xi32, #tpu.memory_space<hbm>>) target(%arg9 : memref<40x128xi32, #tpu.memory_space<vmem>>) offsets(%dma_start3A_181 : memref<40xi32, #tpu.memory_space<vmem>>) semaphore(%arg13 : memref<!tpu.dma_semaphore, #tpu.memory_space<semaphore_mem>>)
      %mul3A_185 = arith.constant 40 : i32
      %mul3A_186 = arith.muli %add3A_170, %mul3A_185 : i32
      %multiple_of3A_187 = tpu.assume_multiple %mul3A_186, 8 : i32
      %dma_wait3A_188 = tpu.memref_slice %arg5[%multiple_of3A_187] : memref<10000xi32, #tpu.memory_space<vmem>> -> memref<40xi32, #tpu.memory_space<vmem>>
      %dma_wait3A_189 = arith.constant 0 : i32
      %dma_wait3A_190 = arith.constant 0 : i32
      %dma_wait3A_191 = tpu.memref_slice %arg2[%dma_wait3A_189, %dma_wait3A_190] : memref<10000x128xi32, #tpu.memory_space<hbm>> -> memref<10000x128xi32, #tpu.memory_space<hbm>>
      tpu.wait_indirect_dma semaphore(%arg11 : memref<!tpu.dma_semaphore, #tpu.memory_space<semaphore_mem>>) src(%dma_wait3A_191 : memref<10000x128xi32, #tpu.memory_space<hbm>>) dst(%arg7 : memref<40x128xi32, #tpu.memory_space<vmem>>)
      %mul3A_192 = arith.constant 1 : i32
      %mul3A_193 = arith.muli %mul3A_192, %add3A : i32
      %jit3A_194 = arith.constant 250 : i32
      %div3A_195 = arith.divsi %add3A_170, %jit3A_194 : i32
      %sign3A_196 = arith.constant 0 : i32
      %sign3A_197 = arith.cmpi sgt, %add3A_170, %sign3A_196 : i32
      %sign3A_198 = arith.extui %sign3A_197 : i1 to i32
      %sign3A_199 = arith.constant 0 : i32
      %sign3A_200 = arith.cmpi slt, %add3A_170, %sign3A_199 : i32
      %sign3A_201 = arith.extui %sign3A_200 : i1 to i32
      %sign3A_202 = arith.subi %sign3A_198, %sign3A_201 : i32
      %sign3A_203 = arith.constant 0 : i32
      %sign3A_204 = arith.cmpi sgt, %jit3A_194, %sign3A_203 : i32
      %sign3A_205 = arith.extui %sign3A_204 : i1 to i32
      %sign3A_206 = arith.constant 0 : i32
      %sign3A_207 = arith.cmpi slt, %jit3A_194, %sign3A_206 : i32
      %sign3A_208 = arith.extui %sign3A_207 : i1 to i32
      %sign3A_209 = arith.subi %sign3A_205, %sign3A_208 : i32
      %ne3A_210 = arith.cmpi ne, %sign3A_202, %sign3A_209 : i32
      %rem3A_211 = arith.remsi %add3A_170, %jit3A_194 : i32
      %ne3A_212 = arith.constant 0 : i32
      %ne3A_213 = arith.cmpi ne, %rem3A_211, %ne3A_212 : i32
      %and3A_214 = arith.andi %ne3A_210, %ne3A_213 : i1
      %sub3A_215 = arith.constant 1 : i32
      %sub3A_216 = arith.subi %div3A_195, %sub3A_215 : i32
      %select_n3A_217 = arith.select %and3A_214, %sub3A_216, %div3A_195 : i32
      %add3A_218 = arith.addi %mul3A_193, %select_n3A_217 : i32
      %jit3A_219 = arith.constant 250 : i32
      %eq3A_220 = arith.constant 0 : i32
      %eq3A_221 = arith.cmpi eq, %jit3A_219, %eq3A_220 : i32
      %jit3A_222 = arith.constant 1 : i32
      %select_n3A_223 = arith.select %eq3A_221, %jit3A_222, %jit3A_219 : i32
      %rem3A_224 = arith.remsi %add3A_170, %select_n3A_223 : i32
      %ne3A_225 = arith.constant 0 : i32
      %ne3A_226 = arith.cmpi ne, %rem3A_224, %ne3A_225 : i32
      %lt3A_227 = arith.constant 0 : i32
      %lt3A_228 = arith.cmpi slt, %rem3A_224, %lt3A_227 : i32
      %lt3A_229 = arith.constant 0 : i32
      %lt3A_230 = arith.cmpi slt, %select_n3A_223, %lt3A_229 : i32
      %ne3A_231 = arith.xori %lt3A_228, %lt3A_230 : i1
      %and3A_232 = arith.andi %ne3A_231, %ne3A_226 : i1
      %add3A_233 = arith.addi %rem3A_224, %select_n3A_223 : i32
      %select_n3A_234 = arith.select %and3A_232, %add3A_233, %rem3A_224 : i32
      %mul3A_235 = arith.constant 40 : i32
      %mul3A_236 = arith.muli %select_n3A_234, %mul3A_235 : i32
      %multiple_of3A_237 = tpu.assume_multiple %mul3A_236, 8 : i32
      %dma_start3A_238 = arith.constant 0 : i32
      %dma_start3A_239 = tpu.memref_slice %arg4[%add3A_218, %multiple_of3A_237, %dma_start3A_238] : memref<32x10000x128xi32, #tpu.memory_space<hbm>> -> memref<1x40x128xi32, #tpu.memory_space<hbm>>
      %dma_start3A_240 = tpu.memref_squeeze %dma_start3A_239 : memref<1x40x128xi32, #tpu.memory_space<hbm>> -> memref<40x128xi32, #tpu.memory_space<hbm>>
      %dma_start3A_241 = arith.constant 0 : i32
      %dma_start3A_242 = tpu.memref_slice %arg4[%add3A_218, %multiple_of3A_237, %dma_start3A_241] : memref<32x10000x128xi32, #tpu.memory_space<hbm>> -> memref<1x40x128xi32, #tpu.memory_space<hbm>>
      %dma_start3A_243 = tpu.memref_squeeze %dma_start3A_242 : memref<1x40x128xi32, #tpu.memory_space<hbm>> -> memref<40x128xi32, #tpu.memory_space<hbm>>
      tpu.enqueue_dma source(%arg7 : memref<40x128xi32, #tpu.memory_space<vmem>>) target(%dma_start3A_243 : memref<40x128xi32, #tpu.memory_space<hbm>>) target_semaphore(%arg15 : memref<!tpu.dma_semaphore, #tpu.memory_space<semaphore_mem>>)
      %mul3A_244 = arith.constant 4 : i32
      %mul3A_245 = arith.muli %mul3A_244, %scan3A_102 : i32
      %add3A_246 = arith.constant 2 : i32
      %add3A_247 = arith.addi %mul3A_245, %add3A_246 : i32
      %ge3A_248 = arith.constant 2 : i32
      %ge3A_249 = arith.cmpi sge, %add3A_247, %ge3A_248 : i32
      %convert_element_type3A_250 = arith.extui %ge3A_249 : i1 to i32
      %cond3A_251 = arith.constant 0 : i32
      %cond3A_252 = arith.cmpi ne, %convert_element_type3A_250, %cond3A_251 : i32
      scf.if %cond3A_252 {
        %sub3A_398 = arith.constant 2 : i32
        %sub3A_399 = arith.subi %add3A_247, %sub3A_398 : i32
        %mul3A_400 = arith.constant 1 : i32
        %mul3A_401 = arith.muli %mul3A_400, %add3A : i32
        %jit3A_402 = arith.constant 250 : i32
        %div3A_403 = arith.divsi %sub3A_399, %jit3A_402 : i32
        %sign3A_404 = arith.constant 0 : i32
        %sign3A_405 = arith.cmpi sgt, %sub3A_399, %sign3A_404 : i32
        %sign3A_406 = arith.extui %sign3A_405 : i1 to i32
        %sign3A_407 = arith.constant 0 : i32
        %sign3A_408 = arith.cmpi slt, %sub3A_399, %sign3A_407 : i32
        %sign3A_409 = arith.extui %sign3A_408 : i1 to i32
        %sign3A_410 = arith.subi %sign3A_406, %sign3A_409 : i32
        %sign3A_411 = arith.constant 0 : i32
        %sign3A_412 = arith.cmpi sgt, %jit3A_402, %sign3A_411 : i32
        %sign3A_413 = arith.extui %sign3A_412 : i1 to i32
        %sign3A_414 = arith.constant 0 : i32
        %sign3A_415 = arith.cmpi slt, %jit3A_402, %sign3A_414 : i32
        %sign3A_416 = arith.extui %sign3A_415 : i1 to i32
        %sign3A_417 = arith.subi %sign3A_413, %sign3A_416 : i32
        %ne3A_418 = arith.cmpi ne, %sign3A_410, %sign3A_417 : i32
        %rem3A_419 = arith.remsi %sub3A_399, %jit3A_402 : i32
        %ne3A_420 = arith.constant 0 : i32
        %ne3A_421 = arith.cmpi ne, %rem3A_419, %ne3A_420 : i32
        %and3A_422 = arith.andi %ne3A_418, %ne3A_421 : i1
        %sub3A_423 = arith.constant 1 : i32
        %sub3A_424 = arith.subi %div3A_403, %sub3A_423 : i32
        %select_n3A_425 = arith.select %and3A_422, %sub3A_424, %div3A_403 : i32
        %add3A_426 = arith.addi %mul3A_401, %select_n3A_425 : i32
        %jit3A_427 = arith.constant 250 : i32
        %eq3A_428 = arith.constant 0 : i32
        %eq3A_429 = arith.cmpi eq, %jit3A_427, %eq3A_428 : i32
        %jit3A_430 = arith.constant 1 : i32
        %select_n3A_431 = arith.select %eq3A_429, %jit3A_430, %jit3A_427 : i32
        %rem3A_432 = arith.remsi %sub3A_399, %select_n3A_431 : i32
        %ne3A_433 = arith.constant 0 : i32
        %ne3A_434 = arith.cmpi ne, %rem3A_432, %ne3A_433 : i32
        %lt3A_435 = arith.constant 0 : i32
        %lt3A_436 = arith.cmpi slt, %rem3A_432, %lt3A_435 : i32
        %lt3A_437 = arith.constant 0 : i32
        %lt3A_438 = arith.cmpi slt, %select_n3A_431, %lt3A_437 : i32
        %ne3A_439 = arith.xori %lt3A_436, %lt3A_438 : i1
        %and3A_440 = arith.andi %ne3A_439, %ne3A_434 : i1
        %add3A_441 = arith.addi %rem3A_432, %select_n3A_431 : i32
        %select_n3A_442 = arith.select %and3A_440, %add3A_441, %rem3A_432 : i32
        %mul3A_443 = arith.constant 40 : i32
        %mul3A_444 = arith.muli %select_n3A_442, %mul3A_443 : i32
        %multiple_of3A_445 = tpu.assume_multiple %mul3A_444, 8 : i32
        %dma_wait3A_446 = arith.constant 0 : i32
        %dma_wait3A_447 = tpu.memref_slice %arg4[%add3A_426, %multiple_of3A_445, %dma_wait3A_446] : memref<32x10000x128xi32, #tpu.memory_space<hbm>> -> memref<1x40x128xi32, #tpu.memory_space<hbm>>
        %dma_wait3A_448 = tpu.memref_squeeze %dma_wait3A_447 : memref<1x40x128xi32, #tpu.memory_space<hbm>> -> memref<40x128xi32, #tpu.memory_space<hbm>>
        %dma_wait3A_449 = arith.constant 0 : i32
        %dma_wait3A_450 = tpu.memref_slice %arg4[%add3A_426, %multiple_of3A_445, %dma_wait3A_449] : memref<32x10000x128xi32, #tpu.memory_space<hbm>> -> memref<1x40x128xi32, #tpu.memory_space<hbm>>
        %dma_wait3A_451 = tpu.memref_squeeze %dma_wait3A_450 : memref<1x40x128xi32, #tpu.memory_space<hbm>> -> memref<40x128xi32, #tpu.memory_space<hbm>>
        tpu.wait_dma2 semaphore(%arg14 : memref<!tpu.dma_semaphore, #tpu.memory_space<semaphore_mem>>) src(%arg6 : memref<40x128xi32, #tpu.memory_space<vmem>>) dst(%dma_wait3A_451 : memref<40x128xi32, #tpu.memory_space<hbm>>)
      } else {
      }
      %add3A_253 = arith.constant 2 : i32
      %add3A_254 = arith.addi %add3A_247, %add3A_253 : i32
      %mul3A_255 = arith.constant 40 : i32
      %mul3A_256 = arith.muli %add3A_254, %mul3A_255 : i32
      %multiple_of3A_257 = tpu.assume_multiple %mul3A_256, 8 : i32
      %dma_start3A_258 = tpu.memref_slice %arg5[%multiple_of3A_257] : memref<10000xi32, #tpu.memory_space<vmem>> -> memref<40xi32, #tpu.memory_space<vmem>>
      %dma_start3A_259 = arith.constant 0 : i32
      %dma_start3A_260 = arith.constant 0 : i32
      %dma_start3A_261 = tpu.memref_slice %arg2[%dma_start3A_259, %dma_start3A_260] : memref<10000x128xi32, #tpu.memory_space<hbm>> -> memref<10000x128xi32, #tpu.memory_space<hbm>>
      tpu.enqueue_indirect_dma source(%dma_start3A_261 : memref<10000x128xi32, #tpu.memory_space<hbm>>) target(%arg6 : memref<40x128xi32, #tpu.memory_space<vmem>>) offsets(%dma_start3A_258 : memref<40xi32, #tpu.memory_space<vmem>>) semaphore(%arg10 : memref<!tpu.dma_semaphore, #tpu.memory_space<semaphore_mem>>)
      %mul3A_262 = arith.constant 40 : i32
      %mul3A_263 = arith.muli %add3A_247, %mul3A_262 : i32
      %multiple_of3A_264 = tpu.assume_multiple %mul3A_263, 8 : i32
      %dma_wait3A_265 = tpu.memref_slice %arg5[%multiple_of3A_264] : memref<10000xi32, #tpu.memory_space<vmem>> -> memref<40xi32, #tpu.memory_space<vmem>>
      %dma_wait3A_266 = arith.constant 0 : i32
      %dma_wait3A_267 = arith.constant 0 : i32
      %dma_wait3A_268 = tpu.memref_slice %arg2[%dma_wait3A_266, %dma_wait3A_267] : memref<10000x128xi32, #tpu.memory_space<hbm>> -> memref<10000x128xi32, #tpu.memory_space<hbm>>
      tpu.wait_indirect_dma semaphore(%arg12 : memref<!tpu.dma_semaphore, #tpu.memory_space<semaphore_mem>>) src(%dma_wait3A_268 : memref<10000x128xi32, #tpu.memory_space<hbm>>) dst(%arg8 : memref<40x128xi32, #tpu.memory_space<vmem>>)
      %mul3A_269 = arith.constant 1 : i32
      %mul3A_270 = arith.muli %mul3A_269, %add3A : i32
      %jit3A_271 = arith.constant 250 : i32
      %div3A_272 = arith.divsi %add3A_247, %jit3A_271 : i32
      %sign3A_273 = arith.constant 0 : i32
      %sign3A_274 = arith.cmpi sgt, %add3A_247, %sign3A_273 : i32
      %sign3A_275 = arith.extui %sign3A_274 : i1 to i32
      %sign3A_276 = arith.constant 0 : i32
      %sign3A_277 = arith.cmpi slt, %add3A_247, %sign3A_276 : i32
      %sign3A_278 = arith.extui %sign3A_277 : i1 to i32
      %sign3A_279 = arith.subi %sign3A_275, %sign3A_278 : i32
      %sign3A_280 = arith.constant 0 : i32
      %sign3A_281 = arith.cmpi sgt, %jit3A_271, %sign3A_280 : i32
      %sign3A_282 = arith.extui %sign3A_281 : i1 to i32
      %sign3A_283 = arith.constant 0 : i32
      %sign3A_284 = arith.cmpi slt, %jit3A_271, %sign3A_283 : i32
      %sign3A_285 = arith.extui %sign3A_284 : i1 to i32
      %sign3A_286 = arith.subi %sign3A_282, %sign3A_285 : i32
      %ne3A_287 = arith.cmpi ne, %sign3A_279, %sign3A_286 : i32
      %rem3A_288 = arith.remsi %add3A_247, %jit3A_271 : i32
      %ne3A_289 = arith.constant 0 : i32
      %ne3A_290 = arith.cmpi ne, %rem3A_288, %ne3A_289 : i32
      %and3A_291 = arith.andi %ne3A_287, %ne3A_290 : i1
      %sub3A_292 = arith.constant 1 : i32
      %sub3A_293 = arith.subi %div3A_272, %sub3A_292 : i32
      %select_n3A_294 = arith.select %and3A_291, %sub3A_293, %div3A_272 : i32
      %add3A_295 = arith.addi %mul3A_270, %select_n3A_294 : i32
      %jit3A_296 = arith.constant 250 : i32
      %eq3A_297 = arith.constant 0 : i32
      %eq3A_298 = arith.cmpi eq, %jit3A_296, %eq3A_297 : i32
      %jit3A_299 = arith.constant 1 : i32
      %select_n3A_300 = arith.select %eq3A_298, %jit3A_299, %jit3A_296 : i32
      %rem3A_301 = arith.remsi %add3A_247, %select_n3A_300 : i32
      %ne3A_302 = arith.constant 0 : i32
      %ne3A_303 = arith.cmpi ne, %rem3A_301, %ne3A_302 : i32
      %lt3A_304 = arith.constant 0 : i32
      %lt3A_305 = arith.cmpi slt, %rem3A_301, %lt3A_304 : i32
      %lt3A_306 = arith.constant 0 : i32
      %lt3A_307 = arith.cmpi slt, %select_n3A_300, %lt3A_306 : i32
      %ne3A_308 = arith.xori %lt3A_305, %lt3A_307 : i1
      %and3A_309 = arith.andi %ne3A_308, %ne3A_303 : i1
      %add3A_310 = arith.addi %rem3A_301, %select_n3A_300 : i32
      %select_n3A_311 = arith.select %and3A_309, %add3A_310, %rem3A_301 : i32
      %mul3A_312 = arith.constant 40 : i32
      %mul3A_313 = arith.muli %select_n3A_311, %mul3A_312 : i32
      %multiple_of3A_314 = tpu.assume_multiple %mul3A_313, 8 : i32
      %dma_start3A_315 = arith.constant 0 : i32
      %dma_start3A_316 = tpu.memref_slice %arg4[%add3A_295, %multiple_of3A_314, %dma_start3A_315] : memref<32x10000x128xi32, #tpu.memory_space<hbm>> -> memref<1x40x128xi32, #tpu.memory_space<hbm>>
      %dma_start3A_317 = tpu.memref_squeeze %dma_start3A_316 : memref<1x40x128xi32, #tpu.memory_space<hbm>> -> memref<40x128xi32, #tpu.memory_space<hbm>>
      %dma_start3A_318 = arith.constant 0 : i32
      %dma_start3A_319 = tpu.memref_slice %arg4[%add3A_295, %multiple_of3A_314, %dma_start3A_318] : memref<32x10000x128xi32, #tpu.memory_space<hbm>> -> memref<1x40x128xi32, #tpu.memory_space<hbm>>
      %dma_start3A_320 = tpu.memref_squeeze %dma_start3A_319 : memref<1x40x128xi32, #tpu.memory_space<hbm>> -> memref<40x128xi32, #tpu.memory_space<hbm>>
      tpu.enqueue_dma source(%arg8 : memref<40x128xi32, #tpu.memory_space<vmem>>) target(%dma_start3A_320 : memref<40x128xi32, #tpu.memory_space<hbm>>) target_semaphore(%arg16 : memref<!tpu.dma_semaphore, #tpu.memory_space<semaphore_mem>>)
      %mul3A_321 = arith.constant 4 : i32
      %mul3A_322 = arith.muli %mul3A_321, %scan3A_102 : i32
      %add3A_323 = arith.constant 3 : i32
      %add3A_324 = arith.addi %mul3A_322, %add3A_323 : i32
      %ge3A_325 = arith.constant 2 : i32
      %ge3A_326 = arith.cmpi sge, %add3A_324, %ge3A_325 : i32
      %convert_element_type3A_327 = arith.extui %ge3A_326 : i1 to i32
      %cond3A_328 = arith.constant 0 : i32
      %cond3A_329 = arith.cmpi ne, %convert_element_type3A_327, %cond3A_328 : i32
      scf.if %cond3A_329 {
        %sub3A_398 = arith.constant 2 : i32
        %sub3A_399 = arith.subi %add3A_324, %sub3A_398 : i32
        %mul3A_400 = arith.constant 1 : i32
        %mul3A_401 = arith.muli %mul3A_400, %add3A : i32
        %jit3A_402 = arith.constant 250 : i32
        %div3A_403 = arith.divsi %sub3A_399, %jit3A_402 : i32
        %sign3A_404 = arith.constant 0 : i32
        %sign3A_405 = arith.cmpi sgt, %sub3A_399, %sign3A_404 : i32
        %sign3A_406 = arith.extui %sign3A_405 : i1 to i32
        %sign3A_407 = arith.constant 0 : i32
        %sign3A_408 = arith.cmpi slt, %sub3A_399, %sign3A_407 : i32
        %sign3A_409 = arith.extui %sign3A_408 : i1 to i32
        %sign3A_410 = arith.subi %sign3A_406, %sign3A_409 : i32
        %sign3A_411 = arith.constant 0 : i32
        %sign3A_412 = arith.cmpi sgt, %jit3A_402, %sign3A_411 : i32
        %sign3A_413 = arith.extui %sign3A_412 : i1 to i32
        %sign3A_414 = arith.constant 0 : i32
        %sign3A_415 = arith.cmpi slt, %jit3A_402, %sign3A_414 : i32
        %sign3A_416 = arith.extui %sign3A_415 : i1 to i32
        %sign3A_417 = arith.subi %sign3A_413, %sign3A_416 : i32
        %ne3A_418 = arith.cmpi ne, %sign3A_410, %sign3A_417 : i32
        %rem3A_419 = arith.remsi %sub3A_399, %jit3A_402 : i32
        %ne3A_420 = arith.constant 0 : i32
        %ne3A_421 = arith.cmpi ne, %rem3A_419, %ne3A_420 : i32
        %and3A_422 = arith.andi %ne3A_418, %ne3A_421 : i1
        %sub3A_423 = arith.constant 1 : i32
        %sub3A_424 = arith.subi %div3A_403, %sub3A_423 : i32
        %select_n3A_425 = arith.select %and3A_422, %sub3A_424, %div3A_403 : i32
        %add3A_426 = arith.addi %mul3A_401, %select_n3A_425 : i32
        %jit3A_427 = arith.constant 250 : i32
        %eq3A_428 = arith.constant 0 : i32
        %eq3A_429 = arith.cmpi eq, %jit3A_427, %eq3A_428 : i32
        %jit3A_430 = arith.constant 1 : i32
        %select_n3A_431 = arith.select %eq3A_429, %jit3A_430, %jit3A_427 : i32
        %rem3A_432 = arith.remsi %sub3A_399, %select_n3A_431 : i32
        %ne3A_433 = arith.constant 0 : i32
        %ne3A_434 = arith.cmpi ne, %rem3A_432, %ne3A_433 : i32
        %lt3A_435 = arith.constant 0 : i32
        %lt3A_436 = arith.cmpi slt, %rem3A_432, %lt3A_435 : i32
        %lt3A_437 = arith.constant 0 : i32
        %lt3A_438 = arith.cmpi slt, %select_n3A_431, %lt3A_437 : i32
        %ne3A_439 = arith.xori %lt3A_436, %lt3A_438 : i1
        %and3A_440 = arith.andi %ne3A_439, %ne3A_434 : i1
        %add3A_441 = arith.addi %rem3A_432, %select_n3A_431 : i32
        %select_n3A_442 = arith.select %and3A_440, %add3A_441, %rem3A_432 : i32
        %mul3A_443 = arith.constant 40 : i32
        %mul3A_444 = arith.muli %select_n3A_442, %mul3A_443 : i32
        %multiple_of3A_445 = tpu.assume_multiple %mul3A_444, 8 : i32
        %dma_wait3A_446 = arith.constant 0 : i32
        %dma_wait3A_447 = tpu.memref_slice %arg4[%add3A_426, %multiple_of3A_445, %dma_wait3A_446] : memref<32x10000x128xi32, #tpu.memory_space<hbm>> -> memref<1x40x128xi32, #tpu.memory_space<hbm>>
        %dma_wait3A_448 = tpu.memref_squeeze %dma_wait3A_447 : memref<1x40x128xi32, #tpu.memory_space<hbm>> -> memref<40x128xi32, #tpu.memory_space<hbm>>
        %dma_wait3A_449 = arith.constant 0 : i32
        %dma_wait3A_450 = tpu.memref_slice %arg4[%add3A_426, %multiple_of3A_445, %dma_wait3A_449] : memref<32x10000x128xi32, #tpu.memory_space<hbm>> -> memref<1x40x128xi32, #tpu.memory_space<hbm>>
        %dma_wait3A_451 = tpu.memref_squeeze %dma_wait3A_450 : memref<1x40x128xi32, #tpu.memory_space<hbm>> -> memref<40x128xi32, #tpu.memory_space<hbm>>
        tpu.wait_dma2 semaphore(%arg15 : memref<!tpu.dma_semaphore, #tpu.memory_space<semaphore_mem>>) src(%arg7 : memref<40x128xi32, #tpu.memory_space<vmem>>) dst(%dma_wait3A_451 : memref<40x128xi32, #tpu.memory_space<hbm>>)
      } else {
      }
      %add3A_330 = arith.constant 2 : i32
      %add3A_331 = arith.addi %add3A_324, %add3A_330 : i32
      %mul3A_332 = arith.constant 40 : i32
      %mul3A_333 = arith.muli %add3A_331, %mul3A_332 : i32
      %multiple_of3A_334 = tpu.assume_multiple %mul3A_333, 8 : i32
      %dma_start3A_335 = tpu.memref_slice %arg5[%multiple_of3A_334] : memref<10000xi32, #tpu.memory_space<vmem>> -> memref<40xi32, #tpu.memory_space<vmem>>
      %dma_start3A_336 = arith.constant 0 : i32
      %dma_start3A_337 = arith.constant 0 : i32
      %dma_start3A_338 = tpu.memref_slice %arg2[%dma_start3A_336, %dma_start3A_337] : memref<10000x128xi32, #tpu.memory_space<hbm>> -> memref<10000x128xi32, #tpu.memory_space<hbm>>
      tpu.enqueue_indirect_dma source(%dma_start3A_338 : memref<10000x128xi32, #tpu.memory_space<hbm>>) target(%arg7 : memref<40x128xi32, #tpu.memory_space<vmem>>) offsets(%dma_start3A_335 : memref<40xi32, #tpu.memory_space<vmem>>) semaphore(%arg11 : memref<!tpu.dma_semaphore, #tpu.memory_space<semaphore_mem>>)
      %mul3A_339 = arith.constant 40 : i32
      %mul3A_340 = arith.muli %add3A_324, %mul3A_339 : i32
      %multiple_of3A_341 = tpu.assume_multiple %mul3A_340, 8 : i32
      %dma_wait3A_342 = tpu.memref_slice %arg5[%multiple_of3A_341] : memref<10000xi32, #tpu.memory_space<vmem>> -> memref<40xi32, #tpu.memory_space<vmem>>
      %dma_wait3A_343 = arith.constant 0 : i32
      %dma_wait3A_344 = arith.constant 0 : i32
      %dma_wait3A_345 = tpu.memref_slice %arg2[%dma_wait3A_343, %dma_wait3A_344] : memref<10000x128xi32, #tpu.memory_space<hbm>> -> memref<10000x128xi32, #tpu.memory_space<hbm>>
      tpu.wait_indirect_dma semaphore(%arg13 : memref<!tpu.dma_semaphore, #tpu.memory_space<semaphore_mem>>) src(%dma_wait3A_345 : memref<10000x128xi32, #tpu.memory_space<hbm>>) dst(%arg9 : memref<40x128xi32, #tpu.memory_space<vmem>>)
      %mul3A_346 = arith.constant 1 : i32
      %mul3A_347 = arith.muli %mul3A_346, %add3A : i32
      %jit3A_348 = arith.constant 250 : i32
      %div3A_349 = arith.divsi %add3A_324, %jit3A_348 : i32
      %sign3A_350 = arith.constant 0 : i32
      %sign3A_351 = arith.cmpi sgt, %add3A_324, %sign3A_350 : i32
      %sign3A_352 = arith.extui %sign3A_351 : i1 to i32
      %sign3A_353 = arith.constant 0 : i32
      %sign3A_354 = arith.cmpi slt, %add3A_324, %sign3A_353 : i32
      %sign3A_355 = arith.extui %sign3A_354 : i1 to i32
      %sign3A_356 = arith.subi %sign3A_352, %sign3A_355 : i32
      %sign3A_357 = arith.constant 0 : i32
      %sign3A_358 = arith.cmpi sgt, %jit3A_348, %sign3A_357 : i32
      %sign3A_359 = arith.extui %sign3A_358 : i1 to i32
      %sign3A_360 = arith.constant 0 : i32
      %sign3A_361 = arith.cmpi slt, %jit3A_348, %sign3A_360 : i32
      %sign3A_362 = arith.extui %sign3A_361 : i1 to i32
      %sign3A_363 = arith.subi %sign3A_359, %sign3A_362 : i32
      %ne3A_364 = arith.cmpi ne, %sign3A_356, %sign3A_363 : i32
      %rem3A_365 = arith.remsi %add3A_324, %jit3A_348 : i32
      %ne3A_366 = arith.constant 0 : i32
      %ne3A_367 = arith.cmpi ne, %rem3A_365, %ne3A_366 : i32
      %and3A_368 = arith.andi %ne3A_364, %ne3A_367 : i1
      %sub3A_369 = arith.constant 1 : i32
      %sub3A_370 = arith.subi %div3A_349, %sub3A_369 : i32
      %select_n3A_371 = arith.select %and3A_368, %sub3A_370, %div3A_349 : i32
      %add3A_372 = arith.addi %mul3A_347, %select_n3A_371 : i32
      %jit3A_373 = arith.constant 250 : i32
      %eq3A_374 = arith.constant 0 : i32
      %eq3A_375 = arith.cmpi eq, %jit3A_373, %eq3A_374 : i32
      %jit3A_376 = arith.constant 1 : i32
      %select_n3A_377 = arith.select %eq3A_375, %jit3A_376, %jit3A_373 : i32
      %rem3A_378 = arith.remsi %add3A_324, %select_n3A_377 : i32
      %ne3A_379 = arith.constant 0 : i32
      %ne3A_380 = arith.cmpi ne, %rem3A_378, %ne3A_379 : i32
      %lt3A_381 = arith.constant 0 : i32
      %lt3A_382 = arith.cmpi slt, %rem3A_378, %lt3A_381 : i32
      %lt3A_383 = arith.constant 0 : i32
      %lt3A_384 = arith.cmpi slt, %select_n3A_377, %lt3A_383 : i32
      %ne3A_385 = arith.xori %lt3A_382, %lt3A_384 : i1
      %and3A_386 = arith.andi %ne3A_385, %ne3A_380 : i1
      %add3A_387 = arith.addi %rem3A_378, %select_n3A_377 : i32
      %select_n3A_388 = arith.select %and3A_386, %add3A_387, %rem3A_378 : i32
      %mul3A_389 = arith.constant 40 : i32
      %mul3A_390 = arith.muli %select_n3A_388, %mul3A_389 : i32
      %multiple_of3A_391 = tpu.assume_multiple %mul3A_390, 8 : i32
      %dma_start3A_392 = arith.constant 0 : i32
      %dma_start3A_393 = tpu.memref_slice %arg4[%add3A_372, %multiple_of3A_391, %dma_start3A_392] : memref<32x10000x128xi32, #tpu.memory_space<hbm>> -> memref<1x40x128xi32, #tpu.memory_space<hbm>>
      %dma_start3A_394 = tpu.memref_squeeze %dma_start3A_393 : memref<1x40x128xi32, #tpu.memory_space<hbm>> -> memref<40x128xi32, #tpu.memory_space<hbm>>
      %dma_start3A_395 = arith.constant 0 : i32
      %dma_start3A_396 = tpu.memref_slice %arg4[%add3A_372, %multiple_of3A_391, %dma_start3A_395] : memref<32x10000x128xi32, #tpu.memory_space<hbm>> -> memref<1x40x128xi32, #tpu.memory_space<hbm>>
      %dma_start3A_397 = tpu.memref_squeeze %dma_start3A_396 : memref<1x40x128xi32, #tpu.memory_space<hbm>> -> memref<40x128xi32, #tpu.memory_space<hbm>>
      tpu.enqueue_dma source(%arg9 : memref<40x128xi32, #tpu.memory_space<vmem>>) target(%dma_start3A_397 : memref<40x128xi32, #tpu.memory_space<hbm>>) target_semaphore(%arg17 : memref<!tpu.dma_semaphore, #tpu.memory_space<semaphore_mem>>)
    }
    %scan3A_18 = arith.constant 62 : i32
    %mul3A_19 = arith.constant 1 : i32
    %mul3A_20 = arith.muli %mul3A_19, %add3A : i32
    %add3A_21 = arith.constant 0 : i32
    %add3A_22 = arith.addi %mul3A_20, %add3A_21 : i32
    %multiple_of3A_23 = arith.constant 9840 : i32
    %multiple_of3A_24 = tpu.assume_multiple %multiple_of3A_23, 8 : i32
    %dma_wait3A = arith.constant 0 : i32
    %dma_wait3A_25 = tpu.memref_slice %arg4[%add3A_22, %multiple_of3A_24, %dma_wait3A] : memref<32x10000x128xi32, #tpu.memory_space<hbm>> -> memref<1x40x128xi32, #tpu.memory_space<hbm>>
    %dma_wait3A_26 = tpu.memref_squeeze %dma_wait3A_25 : memref<1x40x128xi32, #tpu.memory_space<hbm>> -> memref<40x128xi32, #tpu.memory_space<hbm>>
    %dma_wait3A_27 = arith.constant 0 : i32
    %dma_wait3A_28 = tpu.memref_slice %arg4[%add3A_22, %multiple_of3A_24, %dma_wait3A_27] : memref<32x10000x128xi32, #tpu.memory_space<hbm>> -> memref<1x40x128xi32, #tpu.memory_space<hbm>>
    %dma_wait3A_29 = tpu.memref_squeeze %dma_wait3A_28 : memref<1x40x128xi32, #tpu.memory_space<hbm>> -> memref<40x128xi32, #tpu.memory_space<hbm>>
    tpu.wait_dma2 semaphore(%arg16 : memref<!tpu.dma_semaphore, #tpu.memory_space<semaphore_mem>>) src(%arg8 : memref<40x128xi32, #tpu.memory_space<vmem>>) dst(%dma_wait3A_29 : memref<40x128xi32, #tpu.memory_space<hbm>>)
    %multiple_of3A_30 = arith.constant 9920 : i32
    %multiple_of3A_31 = tpu.assume_multiple %multiple_of3A_30, 8 : i32
    %dma_wait3A_32 = tpu.memref_slice %arg5[%multiple_of3A_31] : memref<10000xi32, #tpu.memory_space<vmem>> -> memref<40xi32, #tpu.memory_space<vmem>>
    %dma_wait3A_33 = arith.constant 0 : i32
    %dma_wait3A_34 = arith.constant 0 : i32
    %dma_wait3A_35 = tpu.memref_slice %arg2[%dma_wait3A_33, %dma_wait3A_34] : memref<10000x128xi32, #tpu.memory_space<hbm>> -> memref<10000x128xi32, #tpu.memory_space<hbm>>
    tpu.wait_indirect_dma semaphore(%arg10 : memref<!tpu.dma_semaphore, #tpu.memory_space<semaphore_mem>>) src(%dma_wait3A_35 : memref<10000x128xi32, #tpu.memory_space<hbm>>) dst(%arg6 : memref<40x128xi32, #tpu.memory_space<vmem>>)
    %mul3A_36 = arith.constant 1 : i32
    %mul3A_37 = arith.muli %mul3A_36, %add3A : i32
    %add3A_38 = arith.constant 0 : i32
    %add3A_39 = arith.addi %mul3A_37, %add3A_38 : i32
    %multiple_of3A_40 = arith.constant 9920 : i32
    %multiple_of3A_41 = tpu.assume_multiple %multiple_of3A_40, 8 : i32
    %dma_start3A_42 = arith.constant 0 : i32
    %dma_start3A_43 = tpu.memref_slice %arg4[%add3A_39, %multiple_of3A_41, %dma_start3A_42] : memref<32x10000x128xi32, #tpu.memory_space<hbm>> -> memref<1x40x128xi32, #tpu.memory_space<hbm>>
    %dma_start3A_44 = tpu.memref_squeeze %dma_start3A_43 : memref<1x40x128xi32, #tpu.memory_space<hbm>> -> memref<40x128xi32, #tpu.memory_space<hbm>>
    %dma_start3A_45 = arith.constant 0 : i32
    %dma_start3A_46 = tpu.memref_slice %arg4[%add3A_39, %multiple_of3A_41, %dma_start3A_45] : memref<32x10000x128xi32, #tpu.memory_space<hbm>> -> memref<1x40x128xi32, #tpu.memory_space<hbm>>
    %dma_start3A_47 = tpu.memref_squeeze %dma_start3A_46 : memref<1x40x128xi32, #tpu.memory_space<hbm>> -> memref<40x128xi32, #tpu.memory_space<hbm>>
    tpu.enqueue_dma source(%arg6 : memref<40x128xi32, #tpu.memory_space<vmem>>) target(%dma_start3A_47 : memref<40x128xi32, #tpu.memory_space<hbm>>) target_semaphore(%arg14 : memref<!tpu.dma_semaphore, #tpu.memory_space<semaphore_mem>>)
    %mul3A_48 = arith.constant 1 : i32
    %mul3A_49 = arith.muli %mul3A_48, %add3A : i32
    %add3A_50 = arith.constant 0 : i32
    %add3A_51 = arith.addi %mul3A_49, %add3A_50 : i32
    %multiple_of3A_52 = arith.constant 9880 : i32
    %multiple_of3A_53 = tpu.assume_multiple %multiple_of3A_52, 8 : i32
    %dma_wait3A_54 = arith.constant 0 : i32
    %dma_wait3A_55 = tpu.memref_slice %arg4[%add3A_51, %multiple_of3A_53, %dma_wait3A_54] : memref<32x10000x128xi32, #tpu.memory_space<hbm>> -> memref<1x40x128xi32, #tpu.memory_space<hbm>>
    %dma_wait3A_56 = tpu.memref_squeeze %dma_wait3A_55 : memref<1x40x128xi32, #tpu.memory_space<hbm>> -> memref<40x128xi32, #tpu.memory_space<hbm>>
    %dma_wait3A_57 = arith.constant 0 : i32
    %dma_wait3A_58 = tpu.memref_slice %arg4[%add3A_51, %multiple_of3A_53, %dma_wait3A_57] : memref<32x10000x128xi32, #tpu.memory_space<hbm>> -> memref<1x40x128xi32, #tpu.memory_space<hbm>>
    %dma_wait3A_59 = tpu.memref_squeeze %dma_wait3A_58 : memref<1x40x128xi32, #tpu.memory_space<hbm>> -> memref<40x128xi32, #tpu.memory_space<hbm>>
    tpu.wait_dma2 semaphore(%arg17 : memref<!tpu.dma_semaphore, #tpu.memory_space<semaphore_mem>>) src(%arg9 : memref<40x128xi32, #tpu.memory_space<vmem>>) dst(%dma_wait3A_59 : memref<40x128xi32, #tpu.memory_space<hbm>>)
    %multiple_of3A_60 = arith.constant 9960 : i32
    %multiple_of3A_61 = tpu.assume_multiple %multiple_of3A_60, 8 : i32
    %dma_wait3A_62 = tpu.memref_slice %arg5[%multiple_of3A_61] : memref<10000xi32, #tpu.memory_space<vmem>> -> memref<40xi32, #tpu.memory_space<vmem>>
    %dma_wait3A_63 = arith.constant 0 : i32
    %dma_wait3A_64 = arith.constant 0 : i32
    %dma_wait3A_65 = tpu.memref_slice %arg2[%dma_wait3A_63, %dma_wait3A_64] : memref<10000x128xi32, #tpu.memory_space<hbm>> -> memref<10000x128xi32, #tpu.memory_space<hbm>>
    tpu.wait_indirect_dma semaphore(%arg11 : memref<!tpu.dma_semaphore, #tpu.memory_space<semaphore_mem>>) src(%dma_wait3A_65 : memref<10000x128xi32, #tpu.memory_space<hbm>>) dst(%arg7 : memref<40x128xi32, #tpu.memory_space<vmem>>)
    %mul3A_66 = arith.constant 1 : i32
    %mul3A_67 = arith.muli %mul3A_66, %add3A : i32
    %add3A_68 = arith.constant 0 : i32
    %add3A_69 = arith.addi %mul3A_67, %add3A_68 : i32
    %multiple_of3A_70 = arith.constant 9960 : i32
    %multiple_of3A_71 = tpu.assume_multiple %multiple_of3A_70, 8 : i32
    %dma_start3A_72 = arith.constant 0 : i32
    %dma_start3A_73 = tpu.memref_slice %arg4[%add3A_69, %multiple_of3A_71, %dma_start3A_72] : memref<32x10000x128xi32, #tpu.memory_space<hbm>> -> memref<1x40x128xi32, #tpu.memory_space<hbm>>
    %dma_start3A_74 = tpu.memref_squeeze %dma_start3A_73 : memref<1x40x128xi32, #tpu.memory_space<hbm>> -> memref<40x128xi32, #tpu.memory_space<hbm>>
    %dma_start3A_75 = arith.constant 0 : i32
    %dma_start3A_76 = tpu.memref_slice %arg4[%add3A_69, %multiple_of3A_71, %dma_start3A_75] : memref<32x10000x128xi32, #tpu.memory_space<hbm>> -> memref<1x40x128xi32, #tpu.memory_space<hbm>>
    %dma_start3A_77 = tpu.memref_squeeze %dma_start3A_76 : memref<1x40x128xi32, #tpu.memory_space<hbm>> -> memref<40x128xi32, #tpu.memory_space<hbm>>
    tpu.enqueue_dma source(%arg7 : memref<40x128xi32, #tpu.memory_space<vmem>>) target(%dma_start3A_77 : memref<40x128xi32, #tpu.memory_space<hbm>>) target_semaphore(%arg15 : memref<!tpu.dma_semaphore, #tpu.memory_space<semaphore_mem>>)
    %mul3A_78 = arith.constant 1 : i32
    %mul3A_79 = arith.muli %mul3A_78, %add3A : i32
    %add3A_80 = arith.constant 0 : i32
    %add3A_81 = arith.addi %mul3A_79, %add3A_80 : i32
    %multiple_of3A_82 = arith.constant 9920 : i32
    %multiple_of3A_83 = tpu.assume_multiple %multiple_of3A_82, 8 : i32
    %dma_wait3A_84 = arith.constant 0 : i32
    %dma_wait3A_85 = tpu.memref_slice %arg4[%add3A_81, %multiple_of3A_83, %dma_wait3A_84] : memref<32x10000x128xi32, #tpu.memory_space<hbm>> -> memref<1x40x128xi32, #tpu.memory_space<hbm>>
    %dma_wait3A_86 = tpu.memref_squeeze %dma_wait3A_85 : memref<1x40x128xi32, #tpu.memory_space<hbm>> -> memref<40x128xi32, #tpu.memory_space<hbm>>
    %dma_wait3A_87 = arith.constant 0 : i32
    %dma_wait3A_88 = tpu.memref_slice %arg4[%add3A_81, %multiple_of3A_83, %dma_wait3A_87] : memref<32x10000x128xi32, #tpu.memory_space<hbm>> -> memref<1x40x128xi32, #tpu.memory_space<hbm>>
    %dma_wait3A_89 = tpu.memref_squeeze %dma_wait3A_88 : memref<1x40x128xi32, #tpu.memory_space<hbm>> -> memref<40x128xi32, #tpu.memory_space<hbm>>
    tpu.wait_dma2 semaphore(%arg14 : memref<!tpu.dma_semaphore, #tpu.memory_space<semaphore_mem>>) src(%arg6 : memref<40x128xi32, #tpu.memory_space<vmem>>) dst(%dma_wait3A_89 : memref<40x128xi32, #tpu.memory_space<hbm>>)
    %mul3A_90 = arith.constant 1 : i32
    %mul3A_91 = arith.muli %mul3A_90, %add3A : i32
    %add3A_92 = arith.constant 0 : i32
    %add3A_93 = arith.addi %mul3A_91, %add3A_92 : i32
    %multiple_of3A_94 = arith.constant 9960 : i32
    %multiple_of3A_95 = tpu.assume_multiple %multiple_of3A_94, 8 : i32
    %dma_wait3A_96 = arith.constant 0 : i32
    %dma_wait3A_97 = tpu.memref_slice %arg4[%add3A_93, %multiple_of3A_95, %dma_wait3A_96] : memref<32x10000x128xi32, #tpu.memory_space<hbm>> -> memref<1x40x128xi32, #tpu.memory_space<hbm>>
    %dma_wait3A_98 = tpu.memref_squeeze %dma_wait3A_97 : memref<1x40x128xi32, #tpu.memory_space<hbm>> -> memref<40x128xi32, #tpu.memory_space<hbm>>
    %dma_wait3A_99 = arith.constant 0 : i32
    %dma_wait3A_100 = tpu.memref_slice %arg4[%add3A_93, %multiple_of3A_95, %dma_wait3A_99] : memref<32x10000x128xi32, #tpu.memory_space<hbm>> -> memref<1x40x128xi32, #tpu.memory_space<hbm>>
    %dma_wait3A_101 = tpu.memref_squeeze %dma_wait3A_100 : memref<1x40x128xi32, #tpu.memory_space<hbm>> -> memref<40x128xi32, #tpu.memory_space<hbm>>
    tpu.wait_dma2 semaphore(%arg15 : memref<!tpu.dma_semaphore, #tpu.memory_space<semaphore_mem>>) src(%arg7 : memref<40x128xi32, #tpu.memory_space<vmem>>) dst(%dma_wait3A_101 : memref<40x128xi32, #tpu.memory_space<hbm>>)
    return
  }
}

module attributes {stable_mosaic.version = 14 : i64} {
  func.func @body(%arg0: i32, %arg1: memref<400x128xf32, #tpu.memory_space<vmem>>, %arg2: memref<32x400x128xf32, #tpu.memory_space<vmem>>, %arg3: memref<1x128x384xf32, #tpu.memory_space<vmem>>, %arg4: memref<400x256xf32, #tpu.memory_space<vmem>>, %arg5: memref<400x128xi32, #tpu.memory_space<vmem>>) attributes {dimension_semantics = [#tpu.dimension_semantics<arbitrary>], iteration_bounds = array<i64: 25>, scalar_prefetch = 0 : i64, scratch_operands = 0 : i64, tpu.core_type = #tpu.core_type<tc>, window_params = [{transform_indices = @transform_0, window_bounds = array<i64: 400, 128>}, {transform_indices = @transform_1, window_bounds = array<i64: 32, 400, 128>}, {pipeline_mode = #tpu.pipeline_mode<synchronous>, transform_indices = @transform_2, window_bounds = array<i64: 1, 128, 384>}, {transform_indices = @transform_3, window_bounds = array<i64: 400, 256>}, {transform_indices = @transform_4, window_bounds = array<i64: 400, 128>}]} {
    %get3A = arith.constant 0 : index
    %get3A_0 = arith.constant 0 : index
    %get3A_1 = arith.constant 0 : index
    %get3A_2 = vector.load %arg3[%get3A, %get3A_0, %get3A_1] : memref<1x128x384xf32, #tpu.memory_space<vmem>>, vector<1x128x384xf32>
    %get3A_3 = vector.shape_cast %get3A_2 : vector<1x128x384xf32> to vector<128x384xf32>
    %get3A_4 = arith.constant 0 : index
    %get3A_5 = arith.constant 0 : index
    %get3A_6 = vector.load %arg1[%get3A_4, %get3A_5] : memref<400x128xf32, #tpu.memory_space<vmem>>, vector<400x128xf32>
    %slice3A = vector.extract_strided_slice %get3A_3 {offsets = [0, 0], sizes = [128, 128], strides = [1, 1]} : vector<128x384xf32> to vector<128x128xf32>
    %dot_general3A = arith.constant dense<0.000000e+00> : vector<400x128xf32>
    %dot_general3A_7 = tpu.matmul %get3A_6, %slice3A, %dot_general3A {dimension_numbers = #tpu.dot_dimension_numbers<[1], [0], [0], [1], [0, 0, 1, 1], [], []>, transpose_lhs_hint = false} : vector<400x128xf32>, vector<128x128xf32>, vector<400x128xf32> -> vector<400x128xf32>
    %slice3A_8 = vector.extract_strided_slice %get3A_3 {offsets = [0, 128], sizes = [128, 128], strides = [1, 1]} : vector<128x384xf32> to vector<128x128xf32>
    %dot_general3A_9 = arith.constant dense<0.000000e+00> : vector<400x128xf32>
    %dot_general3A_10 = tpu.matmul %get3A_6, %slice3A_8, %dot_general3A_9 {dimension_numbers = #tpu.dot_dimension_numbers<[1], [0], [0], [1], [0, 0, 1, 1], [], []>, transpose_lhs_hint = false} : vector<400x128xf32>, vector<128x128xf32>, vector<400x128xf32> -> vector<400x128xf32>
    %get3A_11 = arith.constant 0 : index
    %get3A_12 = arith.constant 0 : index
    %get3A_13 = arith.constant 0 : index
    %get3A_14 = vector.load %arg2[%get3A_11, %get3A_12, %get3A_13] : memref<32x400x128xf32, #tpu.memory_space<vmem>>, vector<1x400x128xf32>
    %get3A_15 = vector.shape_cast %get3A_14 : vector<1x400x128xf32> to vector<400x128xf32>
    %mul3A = arith.mulf %dot_general3A_7, %get3A_15 : vector<400x128xf32>
    %reduce_sum3A = arith.constant dense<0.000000e+00> : vector<400xf32>
    %reduce_sum3A_16 = vector.multi_reduction <add>, %mul3A, %reduce_sum3A [1] : vector<400x128xf32> to vector<400xf32>
    %broadcast_in_dim3A = vector.shape_cast %reduce_sum3A_16 : vector<400xf32> to vector<400x1xf32>
    %get3A_17 = arith.constant 1 : index
    %get3A_18 = arith.constant 0 : index
    %get3A_19 = arith.constant 0 : index
    %get3A_20 = vector.load %arg2[%get3A_17, %get3A_18, %get3A_19] : memref<32x400x128xf32, #tpu.memory_space<vmem>>, vector<1x400x128xf32>
    %get3A_21 = vector.shape_cast %get3A_20 : vector<1x400x128xf32> to vector<400x128xf32>
    %mul3A_22 = arith.mulf %dot_general3A_7, %get3A_21 : vector<400x128xf32>
    %reduce_sum3A_23 = arith.constant dense<0.000000e+00> : vector<400xf32>
    %reduce_sum3A_24 = vector.multi_reduction <add>, %mul3A_22, %reduce_sum3A_23 [1] : vector<400x128xf32> to vector<400xf32>
    %broadcast_in_dim3A_25 = vector.shape_cast %reduce_sum3A_24 : vector<400xf32> to vector<400x1xf32>
    %get3A_26 = arith.constant 2 : index
    %get3A_27 = arith.constant 0 : index
    %get3A_28 = arith.constant 0 : index
    %get3A_29 = vector.load %arg2[%get3A_26, %get3A_27, %get3A_28] : memref<32x400x128xf32, #tpu.memory_space<vmem>>, vector<1x400x128xf32>
    %get3A_30 = vector.shape_cast %get3A_29 : vector<1x400x128xf32> to vector<400x128xf32>
    %mul3A_31 = arith.mulf %dot_general3A_7, %get3A_30 : vector<400x128xf32>
    %reduce_sum3A_32 = arith.constant dense<0.000000e+00> : vector<400xf32>
    %reduce_sum3A_33 = vector.multi_reduction <add>, %mul3A_31, %reduce_sum3A_32 [1] : vector<400x128xf32> to vector<400xf32>
    %broadcast_in_dim3A_34 = vector.shape_cast %reduce_sum3A_33 : vector<400xf32> to vector<400x1xf32>
    %get3A_35 = arith.constant 3 : index
    %get3A_36 = arith.constant 0 : index
    %get3A_37 = arith.constant 0 : index
    %get3A_38 = vector.load %arg2[%get3A_35, %get3A_36, %get3A_37] : memref<32x400x128xf32, #tpu.memory_space<vmem>>, vector<1x400x128xf32>
    %get3A_39 = vector.shape_cast %get3A_38 : vector<1x400x128xf32> to vector<400x128xf32>
    %mul3A_40 = arith.mulf %dot_general3A_7, %get3A_39 : vector<400x128xf32>
    %reduce_sum3A_41 = arith.constant dense<0.000000e+00> : vector<400xf32>
    %reduce_sum3A_42 = vector.multi_reduction <add>, %mul3A_40, %reduce_sum3A_41 [1] : vector<400x128xf32> to vector<400xf32>
    %broadcast_in_dim3A_43 = vector.shape_cast %reduce_sum3A_42 : vector<400xf32> to vector<400x1xf32>
    %get3A_44 = arith.constant 4 : index
    %get3A_45 = arith.constant 0 : index
    %get3A_46 = arith.constant 0 : index
    %get3A_47 = vector.load %arg2[%get3A_44, %get3A_45, %get3A_46] : memref<32x400x128xf32, #tpu.memory_space<vmem>>, vector<1x400x128xf32>
    %get3A_48 = vector.shape_cast %get3A_47 : vector<1x400x128xf32> to vector<400x128xf32>
    %mul3A_49 = arith.mulf %dot_general3A_7, %get3A_48 : vector<400x128xf32>
    %reduce_sum3A_50 = arith.constant dense<0.000000e+00> : vector<400xf32>
    %reduce_sum3A_51 = vector.multi_reduction <add>, %mul3A_49, %reduce_sum3A_50 [1] : vector<400x128xf32> to vector<400xf32>
    %broadcast_in_dim3A_52 = vector.shape_cast %reduce_sum3A_51 : vector<400xf32> to vector<400x1xf32>
    %get3A_53 = arith.constant 5 : index
    %get3A_54 = arith.constant 0 : index
    %get3A_55 = arith.constant 0 : index
    %get3A_56 = vector.load %arg2[%get3A_53, %get3A_54, %get3A_55] : memref<32x400x128xf32, #tpu.memory_space<vmem>>, vector<1x400x128xf32>
    %get3A_57 = vector.shape_cast %get3A_56 : vector<1x400x128xf32> to vector<400x128xf32>
    %mul3A_58 = arith.mulf %dot_general3A_7, %get3A_57 : vector<400x128xf32>
    %reduce_sum3A_59 = arith.constant dense<0.000000e+00> : vector<400xf32>
    %reduce_sum3A_60 = vector.multi_reduction <add>, %mul3A_58, %reduce_sum3A_59 [1] : vector<400x128xf32> to vector<400xf32>
    %broadcast_in_dim3A_61 = vector.shape_cast %reduce_sum3A_60 : vector<400xf32> to vector<400x1xf32>
    %get3A_62 = arith.constant 6 : index
    %get3A_63 = arith.constant 0 : index
    %get3A_64 = arith.constant 0 : index
    %get3A_65 = vector.load %arg2[%get3A_62, %get3A_63, %get3A_64] : memref<32x400x128xf32, #tpu.memory_space<vmem>>, vector<1x400x128xf32>
    %get3A_66 = vector.shape_cast %get3A_65 : vector<1x400x128xf32> to vector<400x128xf32>
    %mul3A_67 = arith.mulf %dot_general3A_7, %get3A_66 : vector<400x128xf32>
    %reduce_sum3A_68 = arith.constant dense<0.000000e+00> : vector<400xf32>
    %reduce_sum3A_69 = vector.multi_reduction <add>, %mul3A_67, %reduce_sum3A_68 [1] : vector<400x128xf32> to vector<400xf32>
    %broadcast_in_dim3A_70 = vector.shape_cast %reduce_sum3A_69 : vector<400xf32> to vector<400x1xf32>
    %get3A_71 = arith.constant 7 : index
    %get3A_72 = arith.constant 0 : index
    %get3A_73 = arith.constant 0 : index
    %get3A_74 = vector.load %arg2[%get3A_71, %get3A_72, %get3A_73] : memref<32x400x128xf32, #tpu.memory_space<vmem>>, vector<1x400x128xf32>
    %get3A_75 = vector.shape_cast %get3A_74 : vector<1x400x128xf32> to vector<400x128xf32>
    %mul3A_76 = arith.mulf %dot_general3A_7, %get3A_75 : vector<400x128xf32>
    %reduce_sum3A_77 = arith.constant dense<0.000000e+00> : vector<400xf32>
    %reduce_sum3A_78 = vector.multi_reduction <add>, %mul3A_76, %reduce_sum3A_77 [1] : vector<400x128xf32> to vector<400xf32>
    %broadcast_in_dim3A_79 = vector.shape_cast %reduce_sum3A_78 : vector<400xf32> to vector<400x1xf32>
    %get3A_80 = arith.constant 8 : index
    %get3A_81 = arith.constant 0 : index
    %get3A_82 = arith.constant 0 : index
    %get3A_83 = vector.load %arg2[%get3A_80, %get3A_81, %get3A_82] : memref<32x400x128xf32, #tpu.memory_space<vmem>>, vector<1x400x128xf32>
    %get3A_84 = vector.shape_cast %get3A_83 : vector<1x400x128xf32> to vector<400x128xf32>
    %mul3A_85 = arith.mulf %dot_general3A_7, %get3A_84 : vector<400x128xf32>
    %reduce_sum3A_86 = arith.constant dense<0.000000e+00> : vector<400xf32>
    %reduce_sum3A_87 = vector.multi_reduction <add>, %mul3A_85, %reduce_sum3A_86 [1] : vector<400x128xf32> to vector<400xf32>
    %broadcast_in_dim3A_88 = vector.shape_cast %reduce_sum3A_87 : vector<400xf32> to vector<400x1xf32>
    %get3A_89 = arith.constant 9 : index
    %get3A_90 = arith.constant 0 : index
    %get3A_91 = arith.constant 0 : index
    %get3A_92 = vector.load %arg2[%get3A_89, %get3A_90, %get3A_91] : memref<32x400x128xf32, #tpu.memory_space<vmem>>, vector<1x400x128xf32>
    %get3A_93 = vector.shape_cast %get3A_92 : vector<1x400x128xf32> to vector<400x128xf32>
    %mul3A_94 = arith.mulf %dot_general3A_7, %get3A_93 : vector<400x128xf32>
    %reduce_sum3A_95 = arith.constant dense<0.000000e+00> : vector<400xf32>
    %reduce_sum3A_96 = vector.multi_reduction <add>, %mul3A_94, %reduce_sum3A_95 [1] : vector<400x128xf32> to vector<400xf32>
    %broadcast_in_dim3A_97 = vector.shape_cast %reduce_sum3A_96 : vector<400xf32> to vector<400x1xf32>
    %get3A_98 = arith.constant 10 : index
    %get3A_99 = arith.constant 0 : index
    %get3A_100 = arith.constant 0 : index
    %get3A_101 = vector.load %arg2[%get3A_98, %get3A_99, %get3A_100] : memref<32x400x128xf32, #tpu.memory_space<vmem>>, vector<1x400x128xf32>
    %get3A_102 = vector.shape_cast %get3A_101 : vector<1x400x128xf32> to vector<400x128xf32>
    %mul3A_103 = arith.mulf %dot_general3A_7, %get3A_102 : vector<400x128xf32>
    %reduce_sum3A_104 = arith.constant dense<0.000000e+00> : vector<400xf32>
    %reduce_sum3A_105 = vector.multi_reduction <add>, %mul3A_103, %reduce_sum3A_104 [1] : vector<400x128xf32> to vector<400xf32>
    %broadcast_in_dim3A_106 = vector.shape_cast %reduce_sum3A_105 : vector<400xf32> to vector<400x1xf32>
    %get3A_107 = arith.constant 11 : index
    %get3A_108 = arith.constant 0 : index
    %get3A_109 = arith.constant 0 : index
    %get3A_110 = vector.load %arg2[%get3A_107, %get3A_108, %get3A_109] : memref<32x400x128xf32, #tpu.memory_space<vmem>>, vector<1x400x128xf32>
    %get3A_111 = vector.shape_cast %get3A_110 : vector<1x400x128xf32> to vector<400x128xf32>
    %mul3A_112 = arith.mulf %dot_general3A_7, %get3A_111 : vector<400x128xf32>
    %reduce_sum3A_113 = arith.constant dense<0.000000e+00> : vector<400xf32>
    %reduce_sum3A_114 = vector.multi_reduction <add>, %mul3A_112, %reduce_sum3A_113 [1] : vector<400x128xf32> to vector<400xf32>
    %broadcast_in_dim3A_115 = vector.shape_cast %reduce_sum3A_114 : vector<400xf32> to vector<400x1xf32>
    %get3A_116 = arith.constant 12 : index
    %get3A_117 = arith.constant 0 : index
    %get3A_118 = arith.constant 0 : index
    %get3A_119 = vector.load %arg2[%get3A_116, %get3A_117, %get3A_118] : memref<32x400x128xf32, #tpu.memory_space<vmem>>, vector<1x400x128xf32>
    %get3A_120 = vector.shape_cast %get3A_119 : vector<1x400x128xf32> to vector<400x128xf32>
    %mul3A_121 = arith.mulf %dot_general3A_7, %get3A_120 : vector<400x128xf32>
    %reduce_sum3A_122 = arith.constant dense<0.000000e+00> : vector<400xf32>
    %reduce_sum3A_123 = vector.multi_reduction <add>, %mul3A_121, %reduce_sum3A_122 [1] : vector<400x128xf32> to vector<400xf32>
    %broadcast_in_dim3A_124 = vector.shape_cast %reduce_sum3A_123 : vector<400xf32> to vector<400x1xf32>
    %get3A_125 = arith.constant 13 : index
    %get3A_126 = arith.constant 0 : index
    %get3A_127 = arith.constant 0 : index
    %get3A_128 = vector.load %arg2[%get3A_125, %get3A_126, %get3A_127] : memref<32x400x128xf32, #tpu.memory_space<vmem>>, vector<1x400x128xf32>
    %get3A_129 = vector.shape_cast %get3A_128 : vector<1x400x128xf32> to vector<400x128xf32>
    %mul3A_130 = arith.mulf %dot_general3A_7, %get3A_129 : vector<400x128xf32>
    %reduce_sum3A_131 = arith.constant dense<0.000000e+00> : vector<400xf32>
    %reduce_sum3A_132 = vector.multi_reduction <add>, %mul3A_130, %reduce_sum3A_131 [1] : vector<400x128xf32> to vector<400xf32>
    %broadcast_in_dim3A_133 = vector.shape_cast %reduce_sum3A_132 : vector<400xf32> to vector<400x1xf32>
    %get3A_134 = arith.constant 14 : index
    %get3A_135 = arith.constant 0 : index
    %get3A_136 = arith.constant 0 : index
    %get3A_137 = vector.load %arg2[%get3A_134, %get3A_135, %get3A_136] : memref<32x400x128xf32, #tpu.memory_space<vmem>>, vector<1x400x128xf32>
    %get3A_138 = vector.shape_cast %get3A_137 : vector<1x400x128xf32> to vector<400x128xf32>
    %mul3A_139 = arith.mulf %dot_general3A_7, %get3A_138 : vector<400x128xf32>
    %reduce_sum3A_140 = arith.constant dense<0.000000e+00> : vector<400xf32>
    %reduce_sum3A_141 = vector.multi_reduction <add>, %mul3A_139, %reduce_sum3A_140 [1] : vector<400x128xf32> to vector<400xf32>
    %broadcast_in_dim3A_142 = vector.shape_cast %reduce_sum3A_141 : vector<400xf32> to vector<400x1xf32>
    %get3A_143 = arith.constant 15 : index
    %get3A_144 = arith.constant 0 : index
    %get3A_145 = arith.constant 0 : index
    %get3A_146 = vector.load %arg2[%get3A_143, %get3A_144, %get3A_145] : memref<32x400x128xf32, #tpu.memory_space<vmem>>, vector<1x400x128xf32>
    %get3A_147 = vector.shape_cast %get3A_146 : vector<1x400x128xf32> to vector<400x128xf32>
    %mul3A_148 = arith.mulf %dot_general3A_7, %get3A_147 : vector<400x128xf32>
    %reduce_sum3A_149 = arith.constant dense<0.000000e+00> : vector<400xf32>
    %reduce_sum3A_150 = vector.multi_reduction <add>, %mul3A_148, %reduce_sum3A_149 [1] : vector<400x128xf32> to vector<400xf32>
    %broadcast_in_dim3A_151 = vector.shape_cast %reduce_sum3A_150 : vector<400xf32> to vector<400x1xf32>
    %get3A_152 = arith.constant 16 : index
    %get3A_153 = arith.constant 0 : index
    %get3A_154 = arith.constant 0 : index
    %get3A_155 = vector.load %arg2[%get3A_152, %get3A_153, %get3A_154] : memref<32x400x128xf32, #tpu.memory_space<vmem>>, vector<1x400x128xf32>
    %get3A_156 = vector.shape_cast %get3A_155 : vector<1x400x128xf32> to vector<400x128xf32>
    %mul3A_157 = arith.mulf %dot_general3A_7, %get3A_156 : vector<400x128xf32>
    %reduce_sum3A_158 = arith.constant dense<0.000000e+00> : vector<400xf32>
    %reduce_sum3A_159 = vector.multi_reduction <add>, %mul3A_157, %reduce_sum3A_158 [1] : vector<400x128xf32> to vector<400xf32>
    %broadcast_in_dim3A_160 = vector.shape_cast %reduce_sum3A_159 : vector<400xf32> to vector<400x1xf32>
    %get3A_161 = arith.constant 17 : index
    %get3A_162 = arith.constant 0 : index
    %get3A_163 = arith.constant 0 : index
    %get3A_164 = vector.load %arg2[%get3A_161, %get3A_162, %get3A_163] : memref<32x400x128xf32, #tpu.memory_space<vmem>>, vector<1x400x128xf32>
    %get3A_165 = vector.shape_cast %get3A_164 : vector<1x400x128xf32> to vector<400x128xf32>
    %mul3A_166 = arith.mulf %dot_general3A_7, %get3A_165 : vector<400x128xf32>
    %reduce_sum3A_167 = arith.constant dense<0.000000e+00> : vector<400xf32>
    %reduce_sum3A_168 = vector.multi_reduction <add>, %mul3A_166, %reduce_sum3A_167 [1] : vector<400x128xf32> to vector<400xf32>
    %broadcast_in_dim3A_169 = vector.shape_cast %reduce_sum3A_168 : vector<400xf32> to vector<400x1xf32>
    %get3A_170 = arith.constant 18 : index
    %get3A_171 = arith.constant 0 : index
    %get3A_172 = arith.constant 0 : index
    %get3A_173 = vector.load %arg2[%get3A_170, %get3A_171, %get3A_172] : memref<32x400x128xf32, #tpu.memory_space<vmem>>, vector<1x400x128xf32>
    %get3A_174 = vector.shape_cast %get3A_173 : vector<1x400x128xf32> to vector<400x128xf32>
    %mul3A_175 = arith.mulf %dot_general3A_7, %get3A_174 : vector<400x128xf32>
    %reduce_sum3A_176 = arith.constant dense<0.000000e+00> : vector<400xf32>
    %reduce_sum3A_177 = vector.multi_reduction <add>, %mul3A_175, %reduce_sum3A_176 [1] : vector<400x128xf32> to vector<400xf32>
    %broadcast_in_dim3A_178 = vector.shape_cast %reduce_sum3A_177 : vector<400xf32> to vector<400x1xf32>
    %get3A_179 = arith.constant 19 : index
    %get3A_180 = arith.constant 0 : index
    %get3A_181 = arith.constant 0 : index
    %get3A_182 = vector.load %arg2[%get3A_179, %get3A_180, %get3A_181] : memref<32x400x128xf32, #tpu.memory_space<vmem>>, vector<1x400x128xf32>
    %get3A_183 = vector.shape_cast %get3A_182 : vector<1x400x128xf32> to vector<400x128xf32>
    %mul3A_184 = arith.mulf %dot_general3A_7, %get3A_183 : vector<400x128xf32>
    %reduce_sum3A_185 = arith.constant dense<0.000000e+00> : vector<400xf32>
    %reduce_sum3A_186 = vector.multi_reduction <add>, %mul3A_184, %reduce_sum3A_185 [1] : vector<400x128xf32> to vector<400xf32>
    %broadcast_in_dim3A_187 = vector.shape_cast %reduce_sum3A_186 : vector<400xf32> to vector<400x1xf32>
    %get3A_188 = arith.constant 20 : index
    %get3A_189 = arith.constant 0 : index
    %get3A_190 = arith.constant 0 : index
    %get3A_191 = vector.load %arg2[%get3A_188, %get3A_189, %get3A_190] : memref<32x400x128xf32, #tpu.memory_space<vmem>>, vector<1x400x128xf32>
    %get3A_192 = vector.shape_cast %get3A_191 : vector<1x400x128xf32> to vector<400x128xf32>
    %mul3A_193 = arith.mulf %dot_general3A_7, %get3A_192 : vector<400x128xf32>
    %reduce_sum3A_194 = arith.constant dense<0.000000e+00> : vector<400xf32>
    %reduce_sum3A_195 = vector.multi_reduction <add>, %mul3A_193, %reduce_sum3A_194 [1] : vector<400x128xf32> to vector<400xf32>
    %broadcast_in_dim3A_196 = vector.shape_cast %reduce_sum3A_195 : vector<400xf32> to vector<400x1xf32>
    %get3A_197 = arith.constant 21 : index
    %get3A_198 = arith.constant 0 : index
    %get3A_199 = arith.constant 0 : index
    %get3A_200 = vector.load %arg2[%get3A_197, %get3A_198, %get3A_199] : memref<32x400x128xf32, #tpu.memory_space<vmem>>, vector<1x400x128xf32>
    %get3A_201 = vector.shape_cast %get3A_200 : vector<1x400x128xf32> to vector<400x128xf32>
    %mul3A_202 = arith.mulf %dot_general3A_7, %get3A_201 : vector<400x128xf32>
    %reduce_sum3A_203 = arith.constant dense<0.000000e+00> : vector<400xf32>
    %reduce_sum3A_204 = vector.multi_reduction <add>, %mul3A_202, %reduce_sum3A_203 [1] : vector<400x128xf32> to vector<400xf32>
    %broadcast_in_dim3A_205 = vector.shape_cast %reduce_sum3A_204 : vector<400xf32> to vector<400x1xf32>
    %get3A_206 = arith.constant 22 : index
    %get3A_207 = arith.constant 0 : index
    %get3A_208 = arith.constant 0 : index
    %get3A_209 = vector.load %arg2[%get3A_206, %get3A_207, %get3A_208] : memref<32x400x128xf32, #tpu.memory_space<vmem>>, vector<1x400x128xf32>
    %get3A_210 = vector.shape_cast %get3A_209 : vector<1x400x128xf32> to vector<400x128xf32>
    %mul3A_211 = arith.mulf %dot_general3A_7, %get3A_210 : vector<400x128xf32>
    %reduce_sum3A_212 = arith.constant dense<0.000000e+00> : vector<400xf32>
    %reduce_sum3A_213 = vector.multi_reduction <add>, %mul3A_211, %reduce_sum3A_212 [1] : vector<400x128xf32> to vector<400xf32>
    %broadcast_in_dim3A_214 = vector.shape_cast %reduce_sum3A_213 : vector<400xf32> to vector<400x1xf32>
    %get3A_215 = arith.constant 23 : index
    %get3A_216 = arith.constant 0 : index
    %get3A_217 = arith.constant 0 : index
    %get3A_218 = vector.load %arg2[%get3A_215, %get3A_216, %get3A_217] : memref<32x400x128xf32, #tpu.memory_space<vmem>>, vector<1x400x128xf32>
    %get3A_219 = vector.shape_cast %get3A_218 : vector<1x400x128xf32> to vector<400x128xf32>
    %mul3A_220 = arith.mulf %dot_general3A_7, %get3A_219 : vector<400x128xf32>
    %reduce_sum3A_221 = arith.constant dense<0.000000e+00> : vector<400xf32>
    %reduce_sum3A_222 = vector.multi_reduction <add>, %mul3A_220, %reduce_sum3A_221 [1] : vector<400x128xf32> to vector<400xf32>
    %broadcast_in_dim3A_223 = vector.shape_cast %reduce_sum3A_222 : vector<400xf32> to vector<400x1xf32>
    %get3A_224 = arith.constant 24 : index
    %get3A_225 = arith.constant 0 : index
    %get3A_226 = arith.constant 0 : index
    %get3A_227 = vector.load %arg2[%get3A_224, %get3A_225, %get3A_226] : memref<32x400x128xf32, #tpu.memory_space<vmem>>, vector<1x400x128xf32>
    %get3A_228 = vector.shape_cast %get3A_227 : vector<1x400x128xf32> to vector<400x128xf32>
    %mul3A_229 = arith.mulf %dot_general3A_7, %get3A_228 : vector<400x128xf32>
    %reduce_sum3A_230 = arith.constant dense<0.000000e+00> : vector<400xf32>
    %reduce_sum3A_231 = vector.multi_reduction <add>, %mul3A_229, %reduce_sum3A_230 [1] : vector<400x128xf32> to vector<400xf32>
    %broadcast_in_dim3A_232 = vector.shape_cast %reduce_sum3A_231 : vector<400xf32> to vector<400x1xf32>
    %get3A_233 = arith.constant 25 : index
    %get3A_234 = arith.constant 0 : index
    %get3A_235 = arith.constant 0 : index
    %get3A_236 = vector.load %arg2[%get3A_233, %get3A_234, %get3A_235] : memref<32x400x128xf32, #tpu.memory_space<vmem>>, vector<1x400x128xf32>
    %get3A_237 = vector.shape_cast %get3A_236 : vector<1x400x128xf32> to vector<400x128xf32>
    %mul3A_238 = arith.mulf %dot_general3A_7, %get3A_237 : vector<400x128xf32>
    %reduce_sum3A_239 = arith.constant dense<0.000000e+00> : vector<400xf32>
    %reduce_sum3A_240 = vector.multi_reduction <add>, %mul3A_238, %reduce_sum3A_239 [1] : vector<400x128xf32> to vector<400xf32>
    %broadcast_in_dim3A_241 = vector.shape_cast %reduce_sum3A_240 : vector<400xf32> to vector<400x1xf32>
    %get3A_242 = arith.constant 26 : index
    %get3A_243 = arith.constant 0 : index
    %get3A_244 = arith.constant 0 : index
    %get3A_245 = vector.load %arg2[%get3A_242, %get3A_243, %get3A_244] : memref<32x400x128xf32, #tpu.memory_space<vmem>>, vector<1x400x128xf32>
    %get3A_246 = vector.shape_cast %get3A_245 : vector<1x400x128xf32> to vector<400x128xf32>
    %mul3A_247 = arith.mulf %dot_general3A_7, %get3A_246 : vector<400x128xf32>
    %reduce_sum3A_248 = arith.constant dense<0.000000e+00> : vector<400xf32>
    %reduce_sum3A_249 = vector.multi_reduction <add>, %mul3A_247, %reduce_sum3A_248 [1] : vector<400x128xf32> to vector<400xf32>
    %broadcast_in_dim3A_250 = vector.shape_cast %reduce_sum3A_249 : vector<400xf32> to vector<400x1xf32>
    %get3A_251 = arith.constant 27 : index
    %get3A_252 = arith.constant 0 : index
    %get3A_253 = arith.constant 0 : index
    %get3A_254 = vector.load %arg2[%get3A_251, %get3A_252, %get3A_253] : memref<32x400x128xf32, #tpu.memory_space<vmem>>, vector<1x400x128xf32>
    %get3A_255 = vector.shape_cast %get3A_254 : vector<1x400x128xf32> to vector<400x128xf32>
    %mul3A_256 = arith.mulf %dot_general3A_7, %get3A_255 : vector<400x128xf32>
    %reduce_sum3A_257 = arith.constant dense<0.000000e+00> : vector<400xf32>
    %reduce_sum3A_258 = vector.multi_reduction <add>, %mul3A_256, %reduce_sum3A_257 [1] : vector<400x128xf32> to vector<400xf32>
    %broadcast_in_dim3A_259 = vector.shape_cast %reduce_sum3A_258 : vector<400xf32> to vector<400x1xf32>
    %get3A_260 = arith.constant 28 : index
    %get3A_261 = arith.constant 0 : index
    %get3A_262 = arith.constant 0 : index
    %get3A_263 = vector.load %arg2[%get3A_260, %get3A_261, %get3A_262] : memref<32x400x128xf32, #tpu.memory_space<vmem>>, vector<1x400x128xf32>
    %get3A_264 = vector.shape_cast %get3A_263 : vector<1x400x128xf32> to vector<400x128xf32>
    %mul3A_265 = arith.mulf %dot_general3A_7, %get3A_264 : vector<400x128xf32>
    %reduce_sum3A_266 = arith.constant dense<0.000000e+00> : vector<400xf32>
    %reduce_sum3A_267 = vector.multi_reduction <add>, %mul3A_265, %reduce_sum3A_266 [1] : vector<400x128xf32> to vector<400xf32>
    %broadcast_in_dim3A_268 = vector.shape_cast %reduce_sum3A_267 : vector<400xf32> to vector<400x1xf32>
    %get3A_269 = arith.constant 29 : index
    %get3A_270 = arith.constant 0 : index
    %get3A_271 = arith.constant 0 : index
    %get3A_272 = vector.load %arg2[%get3A_269, %get3A_270, %get3A_271] : memref<32x400x128xf32, #tpu.memory_space<vmem>>, vector<1x400x128xf32>
    %get3A_273 = vector.shape_cast %get3A_272 : vector<1x400x128xf32> to vector<400x128xf32>
    %mul3A_274 = arith.mulf %dot_general3A_7, %get3A_273 : vector<400x128xf32>
    %reduce_sum3A_275 = arith.constant dense<0.000000e+00> : vector<400xf32>
    %reduce_sum3A_276 = vector.multi_reduction <add>, %mul3A_274, %reduce_sum3A_275 [1] : vector<400x128xf32> to vector<400xf32>
    %broadcast_in_dim3A_277 = vector.shape_cast %reduce_sum3A_276 : vector<400xf32> to vector<400x1xf32>
    %get3A_278 = arith.constant 30 : index
    %get3A_279 = arith.constant 0 : index
    %get3A_280 = arith.constant 0 : index
    %get3A_281 = vector.load %arg2[%get3A_278, %get3A_279, %get3A_280] : memref<32x400x128xf32, #tpu.memory_space<vmem>>, vector<1x400x128xf32>
    %get3A_282 = vector.shape_cast %get3A_281 : vector<1x400x128xf32> to vector<400x128xf32>
    %mul3A_283 = arith.mulf %dot_general3A_7, %get3A_282 : vector<400x128xf32>
    %reduce_sum3A_284 = arith.constant dense<0.000000e+00> : vector<400xf32>
    %reduce_sum3A_285 = vector.multi_reduction <add>, %mul3A_283, %reduce_sum3A_284 [1] : vector<400x128xf32> to vector<400xf32>
    %broadcast_in_dim3A_286 = vector.shape_cast %reduce_sum3A_285 : vector<400xf32> to vector<400x1xf32>
    %get3A_287 = arith.constant 31 : index
    %get3A_288 = arith.constant 0 : index
    %get3A_289 = arith.constant 0 : index
    %get3A_290 = vector.load %arg2[%get3A_287, %get3A_288, %get3A_289] : memref<32x400x128xf32, #tpu.memory_space<vmem>>, vector<1x400x128xf32>
    %get3A_291 = vector.shape_cast %get3A_290 : vector<1x400x128xf32> to vector<400x128xf32>
    %mul3A_292 = arith.mulf %dot_general3A_7, %get3A_291 : vector<400x128xf32>
    %reduce_sum3A_293 = arith.constant dense<0.000000e+00> : vector<400xf32>
    %reduce_sum3A_294 = vector.multi_reduction <add>, %mul3A_292, %reduce_sum3A_293 [1] : vector<400x128xf32> to vector<400xf32>
    %broadcast_in_dim3A_295 = vector.shape_cast %reduce_sum3A_294 : vector<400xf32> to vector<400x1xf32>
    %concatenate3A = tpu.concatenate %broadcast_in_dim3A, %broadcast_in_dim3A_25, %broadcast_in_dim3A_34, %broadcast_in_dim3A_43, %broadcast_in_dim3A_52, %broadcast_in_dim3A_61, %broadcast_in_dim3A_70, %broadcast_in_dim3A_79, %broadcast_in_dim3A_88, %broadcast_in_dim3A_97, %broadcast_in_dim3A_106, %broadcast_in_dim3A_115, %broadcast_in_dim3A_124, %broadcast_in_dim3A_133, %broadcast_in_dim3A_142, %broadcast_in_dim3A_151, %broadcast_in_dim3A_160, %broadcast_in_dim3A_169, %broadcast_in_dim3A_178, %broadcast_in_dim3A_187, %broadcast_in_dim3A_196, %broadcast_in_dim3A_205, %broadcast_in_dim3A_214, %broadcast_in_dim3A_223, %broadcast_in_dim3A_232, %broadcast_in_dim3A_241, %broadcast_in_dim3A_250, %broadcast_in_dim3A_259, %broadcast_in_dim3A_268, %broadcast_in_dim3A_277, %broadcast_in_dim3A_286, %broadcast_in_dim3A_295 in 1 : vector<400x1xf32>, vector<400x1xf32>, vector<400x1xf32>, vector<400x1xf32>, vector<400x1xf32>, vector<400x1xf32>, vector<400x1xf32>, vector<400x1xf32>, vector<400x1xf32>, vector<400x1xf32>, vector<400x1xf32>, vector<400x1xf32>, vector<400x1xf32>, vector<400x1xf32>, vector<400x1xf32>, vector<400x1xf32>, vector<400x1xf32>, vector<400x1xf32>, vector<400x1xf32>, vector<400x1xf32>, vector<400x1xf32>, vector<400x1xf32>, vector<400x1xf32>, vector<400x1xf32>, vector<400x1xf32>, vector<400x1xf32>, vector<400x1xf32>, vector<400x1xf32>, vector<400x1xf32>, vector<400x1xf32>, vector<400x1xf32>, vector<400x1xf32> -> vector<400x32xf32>
    %mul3A_296 = arith.constant 0.0883883461 : f32
    %mul3A_297 = vector.broadcast %mul3A_296 : f32 to vector<400x32xf32>
    %mul3A_298 = arith.mulf %concatenate3A, %mul3A_297 : vector<400x32xf32>
    %reduce_max3A = arith.constant dense<0xFF800000> : vector<400xf32>
    %reduce_max3A_299 = vector.multi_reduction <maximumf>, %mul3A_298, %reduce_max3A [1] : vector<400x32xf32> to vector<400xf32>
    %broadcast_in_dim3A_300 = vector.shape_cast %reduce_max3A_299 : vector<400xf32> to vector<400x1xf32>
    %sub3A = vector.broadcast %broadcast_in_dim3A_300 : vector<400x1xf32> to vector<400x32xf32>
    %sub3A_301 = arith.subf %mul3A_298, %sub3A : vector<400x32xf32>
    %exp3A = math.exp %sub3A_301 : vector<400x32xf32>
    %reduce_sum3A_302 = arith.constant dense<0.000000e+00> : vector<400xf32>
    %reduce_sum3A_303 = vector.multi_reduction <add>, %exp3A, %reduce_sum3A_302 [1] : vector<400x32xf32> to vector<400xf32>
    %broadcast_in_dim3A_304 = vector.shape_cast %reduce_sum3A_303 : vector<400xf32> to vector<400x1xf32>
    %div3A = vector.broadcast %broadcast_in_dim3A_304 : vector<400x1xf32> to vector<400x32xf32>
    %div3A_305 = arith.divf %exp3A, %div3A : vector<400x32xf32>
    %get3A_306 = arith.constant 0 : index
    %get3A_307 = arith.constant 0 : index
    %get3A_308 = arith.constant 0 : index
    %get3A_309 = vector.load %arg2[%get3A_306, %get3A_307, %get3A_308] : memref<32x400x128xf32, #tpu.memory_space<vmem>>, vector<1x400x128xf32>
    %get3A_310 = vector.shape_cast %get3A_309 : vector<1x400x128xf32> to vector<400x128xf32>
    %slice3A_311 = vector.extract_strided_slice %div3A_305 {offsets = [0, 0], sizes = [400, 1], strides = [1, 1]} : vector<400x32xf32> to vector<400x1xf32>
    %mul3A_312 = vector.broadcast %slice3A_311 : vector<400x1xf32> to vector<400x128xf32>
    %mul3A_313 = arith.mulf %mul3A_312, %get3A_310 : vector<400x128xf32>
    %get3A_314 = arith.constant 1 : index
    %get3A_315 = arith.constant 0 : index
    %get3A_316 = arith.constant 0 : index
    %get3A_317 = vector.load %arg2[%get3A_314, %get3A_315, %get3A_316] : memref<32x400x128xf32, #tpu.memory_space<vmem>>, vector<1x400x128xf32>
    %get3A_318 = vector.shape_cast %get3A_317 : vector<1x400x128xf32> to vector<400x128xf32>
    %slice3A_319 = vector.extract_strided_slice %div3A_305 {offsets = [0, 1], sizes = [400, 1], strides = [1, 1]} : vector<400x32xf32> to vector<400x1xf32>
    %mul3A_320 = vector.broadcast %slice3A_319 : vector<400x1xf32> to vector<400x128xf32>
    %mul3A_321 = arith.mulf %mul3A_320, %get3A_318 : vector<400x128xf32>
    %add3A = arith.addf %mul3A_313, %mul3A_321 : vector<400x128xf32>
    %get3A_322 = arith.constant 2 : index
    %get3A_323 = arith.constant 0 : index
    %get3A_324 = arith.constant 0 : index
    %get3A_325 = vector.load %arg2[%get3A_322, %get3A_323, %get3A_324] : memref<32x400x128xf32, #tpu.memory_space<vmem>>, vector<1x400x128xf32>
    %get3A_326 = vector.shape_cast %get3A_325 : vector<1x400x128xf32> to vector<400x128xf32>
    %slice3A_327 = vector.extract_strided_slice %div3A_305 {offsets = [0, 2], sizes = [400, 1], strides = [1, 1]} : vector<400x32xf32> to vector<400x1xf32>
    %mul3A_328 = vector.broadcast %slice3A_327 : vector<400x1xf32> to vector<400x128xf32>
    %mul3A_329 = arith.mulf %mul3A_328, %get3A_326 : vector<400x128xf32>
    %add3A_330 = arith.addf %add3A, %mul3A_329 : vector<400x128xf32>
    %get3A_331 = arith.constant 3 : index
    %get3A_332 = arith.constant 0 : index
    %get3A_333 = arith.constant 0 : index
    %get3A_334 = vector.load %arg2[%get3A_331, %get3A_332, %get3A_333] : memref<32x400x128xf32, #tpu.memory_space<vmem>>, vector<1x400x128xf32>
    %get3A_335 = vector.shape_cast %get3A_334 : vector<1x400x128xf32> to vector<400x128xf32>
    %slice3A_336 = vector.extract_strided_slice %div3A_305 {offsets = [0, 3], sizes = [400, 1], strides = [1, 1]} : vector<400x32xf32> to vector<400x1xf32>
    %mul3A_337 = vector.broadcast %slice3A_336 : vector<400x1xf32> to vector<400x128xf32>
    %mul3A_338 = arith.mulf %mul3A_337, %get3A_335 : vector<400x128xf32>
    %add3A_339 = arith.addf %add3A_330, %mul3A_338 : vector<400x128xf32>
    %get3A_340 = arith.constant 4 : index
    %get3A_341 = arith.constant 0 : index
    %get3A_342 = arith.constant 0 : index
    %get3A_343 = vector.load %arg2[%get3A_340, %get3A_341, %get3A_342] : memref<32x400x128xf32, #tpu.memory_space<vmem>>, vector<1x400x128xf32>
    %get3A_344 = vector.shape_cast %get3A_343 : vector<1x400x128xf32> to vector<400x128xf32>
    %slice3A_345 = vector.extract_strided_slice %div3A_305 {offsets = [0, 4], sizes = [400, 1], strides = [1, 1]} : vector<400x32xf32> to vector<400x1xf32>
    %mul3A_346 = vector.broadcast %slice3A_345 : vector<400x1xf32> to vector<400x128xf32>
    %mul3A_347 = arith.mulf %mul3A_346, %get3A_344 : vector<400x128xf32>
    %add3A_348 = arith.addf %add3A_339, %mul3A_347 : vector<400x128xf32>
    %get3A_349 = arith.constant 5 : index
    %get3A_350 = arith.constant 0 : index
    %get3A_351 = arith.constant 0 : index
    %get3A_352 = vector.load %arg2[%get3A_349, %get3A_350, %get3A_351] : memref<32x400x128xf32, #tpu.memory_space<vmem>>, vector<1x400x128xf32>
    %get3A_353 = vector.shape_cast %get3A_352 : vector<1x400x128xf32> to vector<400x128xf32>
    %slice3A_354 = vector.extract_strided_slice %div3A_305 {offsets = [0, 5], sizes = [400, 1], strides = [1, 1]} : vector<400x32xf32> to vector<400x1xf32>
    %mul3A_355 = vector.broadcast %slice3A_354 : vector<400x1xf32> to vector<400x128xf32>
    %mul3A_356 = arith.mulf %mul3A_355, %get3A_353 : vector<400x128xf32>
    %add3A_357 = arith.addf %add3A_348, %mul3A_356 : vector<400x128xf32>
    %get3A_358 = arith.constant 6 : index
    %get3A_359 = arith.constant 0 : index
    %get3A_360 = arith.constant 0 : index
    %get3A_361 = vector.load %arg2[%get3A_358, %get3A_359, %get3A_360] : memref<32x400x128xf32, #tpu.memory_space<vmem>>, vector<1x400x128xf32>
    %get3A_362 = vector.shape_cast %get3A_361 : vector<1x400x128xf32> to vector<400x128xf32>
    %slice3A_363 = vector.extract_strided_slice %div3A_305 {offsets = [0, 6], sizes = [400, 1], strides = [1, 1]} : vector<400x32xf32> to vector<400x1xf32>
    %mul3A_364 = vector.broadcast %slice3A_363 : vector<400x1xf32> to vector<400x128xf32>
    %mul3A_365 = arith.mulf %mul3A_364, %get3A_362 : vector<400x128xf32>
    %add3A_366 = arith.addf %add3A_357, %mul3A_365 : vector<400x128xf32>
    %get3A_367 = arith.constant 7 : index
    %get3A_368 = arith.constant 0 : index
    %get3A_369 = arith.constant 0 : index
    %get3A_370 = vector.load %arg2[%get3A_367, %get3A_368, %get3A_369] : memref<32x400x128xf32, #tpu.memory_space<vmem>>, vector<1x400x128xf32>
    %get3A_371 = vector.shape_cast %get3A_370 : vector<1x400x128xf32> to vector<400x128xf32>
    %slice3A_372 = vector.extract_strided_slice %div3A_305 {offsets = [0, 7], sizes = [400, 1], strides = [1, 1]} : vector<400x32xf32> to vector<400x1xf32>
    %mul3A_373 = vector.broadcast %slice3A_372 : vector<400x1xf32> to vector<400x128xf32>
    %mul3A_374 = arith.mulf %mul3A_373, %get3A_371 : vector<400x128xf32>
    %add3A_375 = arith.addf %add3A_366, %mul3A_374 : vector<400x128xf32>
    %get3A_376 = arith.constant 8 : index
    %get3A_377 = arith.constant 0 : index
    %get3A_378 = arith.constant 0 : index
    %get3A_379 = vector.load %arg2[%get3A_376, %get3A_377, %get3A_378] : memref<32x400x128xf32, #tpu.memory_space<vmem>>, vector<1x400x128xf32>
    %get3A_380 = vector.shape_cast %get3A_379 : vector<1x400x128xf32> to vector<400x128xf32>
    %slice3A_381 = vector.extract_strided_slice %div3A_305 {offsets = [0, 8], sizes = [400, 1], strides = [1, 1]} : vector<400x32xf32> to vector<400x1xf32>
    %mul3A_382 = vector.broadcast %slice3A_381 : vector<400x1xf32> to vector<400x128xf32>
    %mul3A_383 = arith.mulf %mul3A_382, %get3A_380 : vector<400x128xf32>
    %add3A_384 = arith.addf %add3A_375, %mul3A_383 : vector<400x128xf32>
    %get3A_385 = arith.constant 9 : index
    %get3A_386 = arith.constant 0 : index
    %get3A_387 = arith.constant 0 : index
    %get3A_388 = vector.load %arg2[%get3A_385, %get3A_386, %get3A_387] : memref<32x400x128xf32, #tpu.memory_space<vmem>>, vector<1x400x128xf32>
    %get3A_389 = vector.shape_cast %get3A_388 : vector<1x400x128xf32> to vector<400x128xf32>
    %slice3A_390 = vector.extract_strided_slice %div3A_305 {offsets = [0, 9], sizes = [400, 1], strides = [1, 1]} : vector<400x32xf32> to vector<400x1xf32>
    %mul3A_391 = vector.broadcast %slice3A_390 : vector<400x1xf32> to vector<400x128xf32>
    %mul3A_392 = arith.mulf %mul3A_391, %get3A_389 : vector<400x128xf32>
    %add3A_393 = arith.addf %add3A_384, %mul3A_392 : vector<400x128xf32>
    %get3A_394 = arith.constant 10 : index
    %get3A_395 = arith.constant 0 : index
    %get3A_396 = arith.constant 0 : index
    %get3A_397 = vector.load %arg2[%get3A_394, %get3A_395, %get3A_396] : memref<32x400x128xf32, #tpu.memory_space<vmem>>, vector<1x400x128xf32>
    %get3A_398 = vector.shape_cast %get3A_397 : vector<1x400x128xf32> to vector<400x128xf32>
    %slice3A_399 = vector.extract_strided_slice %div3A_305 {offsets = [0, 10], sizes = [400, 1], strides = [1, 1]} : vector<400x32xf32> to vector<400x1xf32>
    %mul3A_400 = vector.broadcast %slice3A_399 : vector<400x1xf32> to vector<400x128xf32>
    %mul3A_401 = arith.mulf %mul3A_400, %get3A_398 : vector<400x128xf32>
    %add3A_402 = arith.addf %add3A_393, %mul3A_401 : vector<400x128xf32>
    %get3A_403 = arith.constant 11 : index
    %get3A_404 = arith.constant 0 : index
    %get3A_405 = arith.constant 0 : index
    %get3A_406 = vector.load %arg2[%get3A_403, %get3A_404, %get3A_405] : memref<32x400x128xf32, #tpu.memory_space<vmem>>, vector<1x400x128xf32>
    %get3A_407 = vector.shape_cast %get3A_406 : vector<1x400x128xf32> to vector<400x128xf32>
    %slice3A_408 = vector.extract_strided_slice %div3A_305 {offsets = [0, 11], sizes = [400, 1], strides = [1, 1]} : vector<400x32xf32> to vector<400x1xf32>
    %mul3A_409 = vector.broadcast %slice3A_408 : vector<400x1xf32> to vector<400x128xf32>
    %mul3A_410 = arith.mulf %mul3A_409, %get3A_407 : vector<400x128xf32>
    %add3A_411 = arith.addf %add3A_402, %mul3A_410 : vector<400x128xf32>
    %get3A_412 = arith.constant 12 : index
    %get3A_413 = arith.constant 0 : index
    %get3A_414 = arith.constant 0 : index
    %get3A_415 = vector.load %arg2[%get3A_412, %get3A_413, %get3A_414] : memref<32x400x128xf32, #tpu.memory_space<vmem>>, vector<1x400x128xf32>
    %get3A_416 = vector.shape_cast %get3A_415 : vector<1x400x128xf32> to vector<400x128xf32>
    %slice3A_417 = vector.extract_strided_slice %div3A_305 {offsets = [0, 12], sizes = [400, 1], strides = [1, 1]} : vector<400x32xf32> to vector<400x1xf32>
    %mul3A_418 = vector.broadcast %slice3A_417 : vector<400x1xf32> to vector<400x128xf32>
    %mul3A_419 = arith.mulf %mul3A_418, %get3A_416 : vector<400x128xf32>
    %add3A_420 = arith.addf %add3A_411, %mul3A_419 : vector<400x128xf32>
    %get3A_421 = arith.constant 13 : index
    %get3A_422 = arith.constant 0 : index
    %get3A_423 = arith.constant 0 : index
    %get3A_424 = vector.load %arg2[%get3A_421, %get3A_422, %get3A_423] : memref<32x400x128xf32, #tpu.memory_space<vmem>>, vector<1x400x128xf32>
    %get3A_425 = vector.shape_cast %get3A_424 : vector<1x400x128xf32> to vector<400x128xf32>
    %slice3A_426 = vector.extract_strided_slice %div3A_305 {offsets = [0, 13], sizes = [400, 1], strides = [1, 1]} : vector<400x32xf32> to vector<400x1xf32>
    %mul3A_427 = vector.broadcast %slice3A_426 : vector<400x1xf32> to vector<400x128xf32>
    %mul3A_428 = arith.mulf %mul3A_427, %get3A_425 : vector<400x128xf32>
    %add3A_429 = arith.addf %add3A_420, %mul3A_428 : vector<400x128xf32>
    %get3A_430 = arith.constant 14 : index
    %get3A_431 = arith.constant 0 : index
    %get3A_432 = arith.constant 0 : index
    %get3A_433 = vector.load %arg2[%get3A_430, %get3A_431, %get3A_432] : memref<32x400x128xf32, #tpu.memory_space<vmem>>, vector<1x400x128xf32>
    %get3A_434 = vector.shape_cast %get3A_433 : vector<1x400x128xf32> to vector<400x128xf32>
    %slice3A_435 = vector.extract_strided_slice %div3A_305 {offsets = [0, 14], sizes = [400, 1], strides = [1, 1]} : vector<400x32xf32> to vector<400x1xf32>
    %mul3A_436 = vector.broadcast %slice3A_435 : vector<400x1xf32> to vector<400x128xf32>
    %mul3A_437 = arith.mulf %mul3A_436, %get3A_434 : vector<400x128xf32>
    %add3A_438 = arith.addf %add3A_429, %mul3A_437 : vector<400x128xf32>
    %get3A_439 = arith.constant 15 : index
    %get3A_440 = arith.constant 0 : index
    %get3A_441 = arith.constant 0 : index
    %get3A_442 = vector.load %arg2[%get3A_439, %get3A_440, %get3A_441] : memref<32x400x128xf32, #tpu.memory_space<vmem>>, vector<1x400x128xf32>
    %get3A_443 = vector.shape_cast %get3A_442 : vector<1x400x128xf32> to vector<400x128xf32>
    %slice3A_444 = vector.extract_strided_slice %div3A_305 {offsets = [0, 15], sizes = [400, 1], strides = [1, 1]} : vector<400x32xf32> to vector<400x1xf32>
    %mul3A_445 = vector.broadcast %slice3A_444 : vector<400x1xf32> to vector<400x128xf32>
    %mul3A_446 = arith.mulf %mul3A_445, %get3A_443 : vector<400x128xf32>
    %add3A_447 = arith.addf %add3A_438, %mul3A_446 : vector<400x128xf32>
    %get3A_448 = arith.constant 16 : index
    %get3A_449 = arith.constant 0 : index
    %get3A_450 = arith.constant 0 : index
    %get3A_451 = vector.load %arg2[%get3A_448, %get3A_449, %get3A_450] : memref<32x400x128xf32, #tpu.memory_space<vmem>>, vector<1x400x128xf32>
    %get3A_452 = vector.shape_cast %get3A_451 : vector<1x400x128xf32> to vector<400x128xf32>
    %slice3A_453 = vector.extract_strided_slice %div3A_305 {offsets = [0, 16], sizes = [400, 1], strides = [1, 1]} : vector<400x32xf32> to vector<400x1xf32>
    %mul3A_454 = vector.broadcast %slice3A_453 : vector<400x1xf32> to vector<400x128xf32>
    %mul3A_455 = arith.mulf %mul3A_454, %get3A_452 : vector<400x128xf32>
    %add3A_456 = arith.addf %add3A_447, %mul3A_455 : vector<400x128xf32>
    %get3A_457 = arith.constant 17 : index
    %get3A_458 = arith.constant 0 : index
    %get3A_459 = arith.constant 0 : index
    %get3A_460 = vector.load %arg2[%get3A_457, %get3A_458, %get3A_459] : memref<32x400x128xf32, #tpu.memory_space<vmem>>, vector<1x400x128xf32>
    %get3A_461 = vector.shape_cast %get3A_460 : vector<1x400x128xf32> to vector<400x128xf32>
    %slice3A_462 = vector.extract_strided_slice %div3A_305 {offsets = [0, 17], sizes = [400, 1], strides = [1, 1]} : vector<400x32xf32> to vector<400x1xf32>
    %mul3A_463 = vector.broadcast %slice3A_462 : vector<400x1xf32> to vector<400x128xf32>
    %mul3A_464 = arith.mulf %mul3A_463, %get3A_461 : vector<400x128xf32>
    %add3A_465 = arith.addf %add3A_456, %mul3A_464 : vector<400x128xf32>
    %get3A_466 = arith.constant 18 : index
    %get3A_467 = arith.constant 0 : index
    %get3A_468 = arith.constant 0 : index
    %get3A_469 = vector.load %arg2[%get3A_466, %get3A_467, %get3A_468] : memref<32x400x128xf32, #tpu.memory_space<vmem>>, vector<1x400x128xf32>
    %get3A_470 = vector.shape_cast %get3A_469 : vector<1x400x128xf32> to vector<400x128xf32>
    %slice3A_471 = vector.extract_strided_slice %div3A_305 {offsets = [0, 18], sizes = [400, 1], strides = [1, 1]} : vector<400x32xf32> to vector<400x1xf32>
    %mul3A_472 = vector.broadcast %slice3A_471 : vector<400x1xf32> to vector<400x128xf32>
    %mul3A_473 = arith.mulf %mul3A_472, %get3A_470 : vector<400x128xf32>
    %add3A_474 = arith.addf %add3A_465, %mul3A_473 : vector<400x128xf32>
    %get3A_475 = arith.constant 19 : index
    %get3A_476 = arith.constant 0 : index
    %get3A_477 = arith.constant 0 : index
    %get3A_478 = vector.load %arg2[%get3A_475, %get3A_476, %get3A_477] : memref<32x400x128xf32, #tpu.memory_space<vmem>>, vector<1x400x128xf32>
    %get3A_479 = vector.shape_cast %get3A_478 : vector<1x400x128xf32> to vector<400x128xf32>
    %slice3A_480 = vector.extract_strided_slice %div3A_305 {offsets = [0, 19], sizes = [400, 1], strides = [1, 1]} : vector<400x32xf32> to vector<400x1xf32>
    %mul3A_481 = vector.broadcast %slice3A_480 : vector<400x1xf32> to vector<400x128xf32>
    %mul3A_482 = arith.mulf %mul3A_481, %get3A_479 : vector<400x128xf32>
    %add3A_483 = arith.addf %add3A_474, %mul3A_482 : vector<400x128xf32>
    %get3A_484 = arith.constant 20 : index
    %get3A_485 = arith.constant 0 : index
    %get3A_486 = arith.constant 0 : index
    %get3A_487 = vector.load %arg2[%get3A_484, %get3A_485, %get3A_486] : memref<32x400x128xf32, #tpu.memory_space<vmem>>, vector<1x400x128xf32>
    %get3A_488 = vector.shape_cast %get3A_487 : vector<1x400x128xf32> to vector<400x128xf32>
    %slice3A_489 = vector.extract_strided_slice %div3A_305 {offsets = [0, 20], sizes = [400, 1], strides = [1, 1]} : vector<400x32xf32> to vector<400x1xf32>
    %mul3A_490 = vector.broadcast %slice3A_489 : vector<400x1xf32> to vector<400x128xf32>
    %mul3A_491 = arith.mulf %mul3A_490, %get3A_488 : vector<400x128xf32>
    %add3A_492 = arith.addf %add3A_483, %mul3A_491 : vector<400x128xf32>
    %get3A_493 = arith.constant 21 : index
    %get3A_494 = arith.constant 0 : index
    %get3A_495 = arith.constant 0 : index
    %get3A_496 = vector.load %arg2[%get3A_493, %get3A_494, %get3A_495] : memref<32x400x128xf32, #tpu.memory_space<vmem>>, vector<1x400x128xf32>
    %get3A_497 = vector.shape_cast %get3A_496 : vector<1x400x128xf32> to vector<400x128xf32>
    %slice3A_498 = vector.extract_strided_slice %div3A_305 {offsets = [0, 21], sizes = [400, 1], strides = [1, 1]} : vector<400x32xf32> to vector<400x1xf32>
    %mul3A_499 = vector.broadcast %slice3A_498 : vector<400x1xf32> to vector<400x128xf32>
    %mul3A_500 = arith.mulf %mul3A_499, %get3A_497 : vector<400x128xf32>
    %add3A_501 = arith.addf %add3A_492, %mul3A_500 : vector<400x128xf32>
    %get3A_502 = arith.constant 22 : index
    %get3A_503 = arith.constant 0 : index
    %get3A_504 = arith.constant 0 : index
    %get3A_505 = vector.load %arg2[%get3A_502, %get3A_503, %get3A_504] : memref<32x400x128xf32, #tpu.memory_space<vmem>>, vector<1x400x128xf32>
    %get3A_506 = vector.shape_cast %get3A_505 : vector<1x400x128xf32> to vector<400x128xf32>
    %slice3A_507 = vector.extract_strided_slice %div3A_305 {offsets = [0, 22], sizes = [400, 1], strides = [1, 1]} : vector<400x32xf32> to vector<400x1xf32>
    %mul3A_508 = vector.broadcast %slice3A_507 : vector<400x1xf32> to vector<400x128xf32>
    %mul3A_509 = arith.mulf %mul3A_508, %get3A_506 : vector<400x128xf32>
    %add3A_510 = arith.addf %add3A_501, %mul3A_509 : vector<400x128xf32>
    %get3A_511 = arith.constant 23 : index
    %get3A_512 = arith.constant 0 : index
    %get3A_513 = arith.constant 0 : index
    %get3A_514 = vector.load %arg2[%get3A_511, %get3A_512, %get3A_513] : memref<32x400x128xf32, #tpu.memory_space<vmem>>, vector<1x400x128xf32>
    %get3A_515 = vector.shape_cast %get3A_514 : vector<1x400x128xf32> to vector<400x128xf32>
    %slice3A_516 = vector.extract_strided_slice %div3A_305 {offsets = [0, 23], sizes = [400, 1], strides = [1, 1]} : vector<400x32xf32> to vector<400x1xf32>
    %mul3A_517 = vector.broadcast %slice3A_516 : vector<400x1xf32> to vector<400x128xf32>
    %mul3A_518 = arith.mulf %mul3A_517, %get3A_515 : vector<400x128xf32>
    %add3A_519 = arith.addf %add3A_510, %mul3A_518 : vector<400x128xf32>
    %get3A_520 = arith.constant 24 : index
    %get3A_521 = arith.constant 0 : index
    %get3A_522 = arith.constant 0 : index
    %get3A_523 = vector.load %arg2[%get3A_520, %get3A_521, %get3A_522] : memref<32x400x128xf32, #tpu.memory_space<vmem>>, vector<1x400x128xf32>
    %get3A_524 = vector.shape_cast %get3A_523 : vector<1x400x128xf32> to vector<400x128xf32>
    %slice3A_525 = vector.extract_strided_slice %div3A_305 {offsets = [0, 24], sizes = [400, 1], strides = [1, 1]} : vector<400x32xf32> to vector<400x1xf32>
    %mul3A_526 = vector.broadcast %slice3A_525 : vector<400x1xf32> to vector<400x128xf32>
    %mul3A_527 = arith.mulf %mul3A_526, %get3A_524 : vector<400x128xf32>
    %add3A_528 = arith.addf %add3A_519, %mul3A_527 : vector<400x128xf32>
    %get3A_529 = arith.constant 25 : index
    %get3A_530 = arith.constant 0 : index
    %get3A_531 = arith.constant 0 : index
    %get3A_532 = vector.load %arg2[%get3A_529, %get3A_530, %get3A_531] : memref<32x400x128xf32, #tpu.memory_space<vmem>>, vector<1x400x128xf32>
    %get3A_533 = vector.shape_cast %get3A_532 : vector<1x400x128xf32> to vector<400x128xf32>
    %slice3A_534 = vector.extract_strided_slice %div3A_305 {offsets = [0, 25], sizes = [400, 1], strides = [1, 1]} : vector<400x32xf32> to vector<400x1xf32>
    %mul3A_535 = vector.broadcast %slice3A_534 : vector<400x1xf32> to vector<400x128xf32>
    %mul3A_536 = arith.mulf %mul3A_535, %get3A_533 : vector<400x128xf32>
    %add3A_537 = arith.addf %add3A_528, %mul3A_536 : vector<400x128xf32>
    %get3A_538 = arith.constant 26 : index
    %get3A_539 = arith.constant 0 : index
    %get3A_540 = arith.constant 0 : index
    %get3A_541 = vector.load %arg2[%get3A_538, %get3A_539, %get3A_540] : memref<32x400x128xf32, #tpu.memory_space<vmem>>, vector<1x400x128xf32>
    %get3A_542 = vector.shape_cast %get3A_541 : vector<1x400x128xf32> to vector<400x128xf32>
    %slice3A_543 = vector.extract_strided_slice %div3A_305 {offsets = [0, 26], sizes = [400, 1], strides = [1, 1]} : vector<400x32xf32> to vector<400x1xf32>
    %mul3A_544 = vector.broadcast %slice3A_543 : vector<400x1xf32> to vector<400x128xf32>
    %mul3A_545 = arith.mulf %mul3A_544, %get3A_542 : vector<400x128xf32>
    %add3A_546 = arith.addf %add3A_537, %mul3A_545 : vector<400x128xf32>
    %get3A_547 = arith.constant 27 : index
    %get3A_548 = arith.constant 0 : index
    %get3A_549 = arith.constant 0 : index
    %get3A_550 = vector.load %arg2[%get3A_547, %get3A_548, %get3A_549] : memref<32x400x128xf32, #tpu.memory_space<vmem>>, vector<1x400x128xf32>
    %get3A_551 = vector.shape_cast %get3A_550 : vector<1x400x128xf32> to vector<400x128xf32>
    %slice3A_552 = vector.extract_strided_slice %div3A_305 {offsets = [0, 27], sizes = [400, 1], strides = [1, 1]} : vector<400x32xf32> to vector<400x1xf32>
    %mul3A_553 = vector.broadcast %slice3A_552 : vector<400x1xf32> to vector<400x128xf32>
    %mul3A_554 = arith.mulf %mul3A_553, %get3A_551 : vector<400x128xf32>
    %add3A_555 = arith.addf %add3A_546, %mul3A_554 : vector<400x128xf32>
    %get3A_556 = arith.constant 28 : index
    %get3A_557 = arith.constant 0 : index
    %get3A_558 = arith.constant 0 : index
    %get3A_559 = vector.load %arg2[%get3A_556, %get3A_557, %get3A_558] : memref<32x400x128xf32, #tpu.memory_space<vmem>>, vector<1x400x128xf32>
    %get3A_560 = vector.shape_cast %get3A_559 : vector<1x400x128xf32> to vector<400x128xf32>
    %slice3A_561 = vector.extract_strided_slice %div3A_305 {offsets = [0, 28], sizes = [400, 1], strides = [1, 1]} : vector<400x32xf32> to vector<400x1xf32>
    %mul3A_562 = vector.broadcast %slice3A_561 : vector<400x1xf32> to vector<400x128xf32>
    %mul3A_563 = arith.mulf %mul3A_562, %get3A_560 : vector<400x128xf32>
    %add3A_564 = arith.addf %add3A_555, %mul3A_563 : vector<400x128xf32>
    %get3A_565 = arith.constant 29 : index
    %get3A_566 = arith.constant 0 : index
    %get3A_567 = arith.constant 0 : index
    %get3A_568 = vector.load %arg2[%get3A_565, %get3A_566, %get3A_567] : memref<32x400x128xf32, #tpu.memory_space<vmem>>, vector<1x400x128xf32>
    %get3A_569 = vector.shape_cast %get3A_568 : vector<1x400x128xf32> to vector<400x128xf32>
    %slice3A_570 = vector.extract_strided_slice %div3A_305 {offsets = [0, 29], sizes = [400, 1], strides = [1, 1]} : vector<400x32xf32> to vector<400x1xf32>
    %mul3A_571 = vector.broadcast %slice3A_570 : vector<400x1xf32> to vector<400x128xf32>
    %mul3A_572 = arith.mulf %mul3A_571, %get3A_569 : vector<400x128xf32>
    %add3A_573 = arith.addf %add3A_564, %mul3A_572 : vector<400x128xf32>
    %get3A_574 = arith.constant 30 : index
    %get3A_575 = arith.constant 0 : index
    %get3A_576 = arith.constant 0 : index
    %get3A_577 = vector.load %arg2[%get3A_574, %get3A_575, %get3A_576] : memref<32x400x128xf32, #tpu.memory_space<vmem>>, vector<1x400x128xf32>
    %get3A_578 = vector.shape_cast %get3A_577 : vector<1x400x128xf32> to vector<400x128xf32>
    %slice3A_579 = vector.extract_strided_slice %div3A_305 {offsets = [0, 30], sizes = [400, 1], strides = [1, 1]} : vector<400x32xf32> to vector<400x1xf32>
    %mul3A_580 = vector.broadcast %slice3A_579 : vector<400x1xf32> to vector<400x128xf32>
    %mul3A_581 = arith.mulf %mul3A_580, %get3A_578 : vector<400x128xf32>
    %add3A_582 = arith.addf %add3A_573, %mul3A_581 : vector<400x128xf32>
    %get3A_583 = arith.constant 31 : index
    %get3A_584 = arith.constant 0 : index
    %get3A_585 = arith.constant 0 : index
    %get3A_586 = vector.load %arg2[%get3A_583, %get3A_584, %get3A_585] : memref<32x400x128xf32, #tpu.memory_space<vmem>>, vector<1x400x128xf32>
    %get3A_587 = vector.shape_cast %get3A_586 : vector<1x400x128xf32> to vector<400x128xf32>
    %slice3A_588 = vector.extract_strided_slice %div3A_305 {offsets = [0, 31], sizes = [400, 1], strides = [1, 1]} : vector<400x32xf32> to vector<400x1xf32>
    %mul3A_589 = vector.broadcast %slice3A_588 : vector<400x1xf32> to vector<400x128xf32>
    %mul3A_590 = arith.mulf %mul3A_589, %get3A_587 : vector<400x128xf32>
    %add3A_591 = arith.addf %add3A_582, %mul3A_590 : vector<400x128xf32>
    %slice3A_592 = vector.extract_strided_slice %get3A_3 {offsets = [0, 256], sizes = [128, 128], strides = [1, 1]} : vector<128x384xf32> to vector<128x128xf32>
    %dot_general3A_593 = arith.constant dense<0.000000e+00> : vector<400x128xf32>
    %dot_general3A_594 = tpu.matmul %add3A_591, %slice3A_592, %dot_general3A_593 {dimension_numbers = #tpu.dot_dimension_numbers<[1], [0], [0], [1], [0, 0, 1, 1], [], []>, transpose_lhs_hint = false} : vector<400x128xf32>, vector<128x128xf32>, vector<400x128xf32> -> vector<400x128xf32>
    %concatenate3A_595 = tpu.concatenate %dot_general3A_10, %dot_general3A_594 in 1 : vector<400x128xf32>, vector<400x128xf32> -> vector<400x256xf32>
    %max3A = arith.constant 0.000000e+00 : f32
    %max3A_596 = vector.broadcast %max3A : f32 to vector<400x256xf32>
    %max3A_597 = arith.maximumf %concatenate3A_595, %max3A_596 : vector<400x256xf32>
    %swap3A = arith.constant 0 : index
    %swap3A_598 = arith.constant 0 : index
    %swap3A_599 = vector.load %arg4[%swap3A, %swap3A_598] : memref<400x256xf32, #tpu.memory_space<vmem>>, vector<400x256xf32>
    tpu.vector_store %arg4[%swap3A, %swap3A_598], %max3A_597 {strides = array<i32>} : memref<400x256xf32, #tpu.memory_space<vmem>>, vector<400x256xf32>,
    %slice3A_600 = vector.extract_strided_slice %max3A_597 {offsets = [0, 0], sizes = [400, 128], strides = [1, 1]} : vector<400x256xf32> to vector<400x128xf32>
    %slice3A_601 = vector.extract_strided_slice %max3A_597 {offsets = [0, 128], sizes = [400, 128], strides = [1, 1]} : vector<400x256xf32> to vector<400x128xf32>
    %bitcast_convert_type3A = tpu.bitcast %slice3A_600 : vector<400x128xf32> -> vector<400x128xi32>
    %bitcast_convert_type3A_602 = tpu.bitcast %slice3A_601 : vector<400x128xf32> -> vector<400x128xi32>
    %add3A_603 = arith.constant 32767 : i32
    %add3A_604 = vector.broadcast %add3A_603 : i32 to vector<400x128xi32>
    %add3A_605 = arith.addi %bitcast_convert_type3A, %add3A_604 : vector<400x128xi32>
    %shift_right_arithmetic3A = arith.constant 16 : i32
    %shift_right_arithmetic3A_606 = vector.broadcast %shift_right_arithmetic3A : i32 to vector<400x128xi32>
    %shift_right_arithmetic3A_607 = arith.shrsi %bitcast_convert_type3A, %shift_right_arithmetic3A_606 : vector<400x128xi32>
    %and3A = arith.constant 1 : i32
    %and3A_608 = vector.broadcast %and3A : i32 to vector<400x128xi32>
    %and3A_609 = arith.andi %shift_right_arithmetic3A_607, %and3A_608 : vector<400x128xi32>
    %add3A_610 = arith.addi %add3A_605, %and3A_609 : vector<400x128xi32>
    %add3A_611 = arith.constant 32767 : i32
    %add3A_612 = vector.broadcast %add3A_611 : i32 to vector<400x128xi32>
    %add3A_613 = arith.addi %bitcast_convert_type3A_602, %add3A_612 : vector<400x128xi32>
    %shift_right_arithmetic3A_614 = arith.constant 16 : i32
    %shift_right_arithmetic3A_615 = vector.broadcast %shift_right_arithmetic3A_614 : i32 to vector<400x128xi32>
    %shift_right_arithmetic3A_616 = arith.shrsi %bitcast_convert_type3A_602, %shift_right_arithmetic3A_615 : vector<400x128xi32>
    %and3A_617 = arith.constant 1 : i32
    %and3A_618 = vector.broadcast %and3A_617 : i32 to vector<400x128xi32>
    %and3A_619 = arith.andi %shift_right_arithmetic3A_616, %and3A_618 : vector<400x128xi32>
    %add3A_620 = arith.addi %add3A_613, %and3A_619 : vector<400x128xi32>
    %shift_right_logical3A = arith.constant 16 : i32
    %shift_right_logical3A_621 = vector.broadcast %shift_right_logical3A : i32 to vector<400x128xi32>
    %shift_right_logical3A_622 = arith.shrui %add3A_610, %shift_right_logical3A_621 : vector<400x128xi32>
    %and3A_623 = arith.constant -65536 : i32
    %and3A_624 = vector.broadcast %and3A_623 : i32 to vector<400x128xi32>
    %and3A_625 = arith.andi %add3A_620, %and3A_624 : vector<400x128xi32>
    %or3A = arith.ori %shift_right_logical3A_622, %and3A_625 : vector<400x128xi32>
    %swap3A_626 = arith.constant 0 : index
    %swap3A_627 = arith.constant 0 : index
    %swap3A_628 = vector.load %arg5[%swap3A_626, %swap3A_627] : memref<400x128xi32, #tpu.memory_space<vmem>>, vector<400x128xi32>
    tpu.vector_store %arg5[%swap3A_626, %swap3A_627], %or3A {strides = array<i32>} : memref<400x128xi32, #tpu.memory_space<vmem>>, vector<400x128xi32>,
    return
  }
  func.func @transform_0(%arg0: i32) -> (i32, i32) {
    %c0_i32 = arith.constant 0 : i32
    %c0_i32_0 = arith.constant 0 : i32
    return %arg0, %c0_i32 : i32, i32
  }
  func.func @transform_1(%arg0: i32) -> (i32, i32, i32) {
    %c0_i32 = arith.constant 0 : i32
    %c0_i32_0 = arith.constant 0 : i32
    %c0_i32_1 = arith.constant 0 : i32
    return %c0_i32, %arg0, %c0_i32_0 : i32, i32, i32
  }
  func.func @transform_2(%arg0: i32) -> (i32, i32, i32) {
    %c0_i32 = arith.constant 0 : i32
    %c0_i32_0 = arith.constant 0 : i32
    %c0_i32_1 = arith.constant 0 : i32
    %c0_i32_2 = arith.constant 0 : i32
    return %c0_i32, %c0_i32_0, %c0_i32_1 : i32, i32, i32
  }
  func.func @transform_3(%arg0: i32) -> (i32, i32) {
    %c0_i32 = arith.constant 0 : i32
    %c0_i32_0 = arith.constant 0 : i32
    return %arg0, %c0_i32 : i32, i32
  }
  func.func @transform_4(%arg0: i32) -> (i32, i32) {
    %c0_i32 = arith.constant 0 : i32
    %c0_i32_0 = arith.constant 0 : i32
    return %arg0, %c0_i32 : i32, i32
  }
}

module attributes {stable_mosaic.version = 14 : i64} {
  func.func @body(%arg0: i32, %arg1: memref<400x256xf32, #tpu.memory_space<vmem>>, %arg2: memref<32x400x128xi32, #tpu.memory_space<vmem>>, %arg3: memref<1x256x512xf32, #tpu.memory_space<vmem>>, %arg4: memref<400x256xf32, #tpu.memory_space<vmem>>) attributes {dimension_semantics = [#tpu.dimension_semantics<arbitrary>], iteration_bounds = array<i64: 25>, scalar_prefetch = 0 : i64, scratch_operands = 0 : i64, tpu.core_type = #tpu.core_type<tc>, window_params = [{transform_indices = @transform_0, window_bounds = array<i64: 400, 256>}, {transform_indices = @transform_1, window_bounds = array<i64: 32, 400, 128>}, {pipeline_mode = #tpu.pipeline_mode<synchronous>, transform_indices = @transform_2, window_bounds = array<i64: 1, 256, 512>}, {transform_indices = @transform_3, window_bounds = array<i64: 400, 256>}]} {
    %get3A = arith.constant 0 : index
    %get3A_0 = arith.constant 0 : index
    %get3A_1 = arith.constant 0 : index
    %get3A_2 = vector.load %arg3[%get3A, %get3A_0, %get3A_1] : memref<1x256x512xf32, #tpu.memory_space<vmem>>, vector<1x256x512xf32>
    %get3A_3 = vector.shape_cast %get3A_2 : vector<1x256x512xf32> to vector<256x512xf32>
    %get3A_4 = arith.constant 0 : index
    %get3A_5 = arith.constant 0 : index
    %get3A_6 = vector.load %arg1[%get3A_4, %get3A_5] : memref<400x256xf32, #tpu.memory_space<vmem>>, vector<400x256xf32>
    %slice3A = vector.extract_strided_slice %get3A_3 {offsets = [0, 0], sizes = [256, 256], strides = [1, 1]} : vector<256x512xf32> to vector<256x256xf32>
    %dot_general3A = arith.constant dense<0.000000e+00> : vector<400x256xf32>
    %dot_general3A_7 = tpu.matmul %get3A_6, %slice3A, %dot_general3A {dimension_numbers = #tpu.dot_dimension_numbers<[1], [0], [0], [1], [0, 0, 1, 1], [], []>, transpose_lhs_hint = false} : vector<400x256xf32>, vector<256x256xf32>, vector<400x256xf32> -> vector<400x256xf32>
    %slice3A_8 = vector.extract_strided_slice %get3A_3 {offsets = [0, 256], sizes = [256, 128], strides = [1, 1]} : vector<256x512xf32> to vector<256x128xf32>
    %dot_general3A_9 = arith.constant dense<0.000000e+00> : vector<400x128xf32>
    %dot_general3A_10 = tpu.matmul %get3A_6, %slice3A_8, %dot_general3A_9 {dimension_numbers = #tpu.dot_dimension_numbers<[1], [0], [0], [1], [0, 0, 1, 1], [], []>, transpose_lhs_hint = false} : vector<400x256xf32>, vector<256x128xf32>, vector<400x128xf32> -> vector<400x128xf32>
    %slice3A_11 = vector.extract_strided_slice %dot_general3A_7 {offsets = [0, 0], sizes = [400, 128], strides = [1, 1]} : vector<400x256xf32> to vector<400x128xf32>
    %slice3A_12 = vector.extract_strided_slice %dot_general3A_7 {offsets = [0, 128], sizes = [400, 128], strides = [1, 1]} : vector<400x256xf32> to vector<400x128xf32>
    %get3A_13 = arith.constant 0 : index
    %get3A_14 = arith.constant 0 : index
    %get3A_15 = arith.constant 0 : index
    %get3A_16 = vector.load %arg2[%get3A_13, %get3A_14, %get3A_15] : memref<32x400x128xi32, #tpu.memory_space<vmem>>, vector<1x400x128xi32>
    %get3A_17 = vector.shape_cast %get3A_16 : vector<1x400x128xi32> to vector<400x128xi32>
    %shift_left3A = arith.constant 16 : i32
    %shift_left3A_18 = vector.broadcast %shift_left3A : i32 to vector<400x128xi32>
    %shift_left3A_19 = arith.shli %get3A_17, %shift_left3A_18 : vector<400x128xi32>
    %bitcast_convert_type3A = tpu.bitcast %shift_left3A_19 : vector<400x128xi32> -> vector<400x128xf32>
    %and3A = arith.constant -65536 : i32
    %and3A_20 = vector.broadcast %and3A : i32 to vector<400x128xi32>
    %and3A_21 = arith.andi %get3A_17, %and3A_20 : vector<400x128xi32>
    %bitcast_convert_type3A_22 = tpu.bitcast %and3A_21 : vector<400x128xi32> -> vector<400x128xf32>
    %mul3A = arith.mulf %slice3A_11, %bitcast_convert_type3A : vector<400x128xf32>
    %mul3A_23 = arith.mulf %slice3A_12, %bitcast_convert_type3A_22 : vector<400x128xf32>
    %add3A = arith.addf %mul3A, %mul3A_23 : vector<400x128xf32>
    %reduce_sum3A = arith.constant dense<0.000000e+00> : vector<400xf32>
    %reduce_sum3A_24 = vector.multi_reduction <add>, %add3A, %reduce_sum3A [1] : vector<400x128xf32> to vector<400xf32>
    %broadcast_in_dim3A = vector.shape_cast %reduce_sum3A_24 : vector<400xf32> to vector<400x1xf32>
    %get3A_25 = arith.constant 1 : index
    %get3A_26 = arith.constant 0 : index
    %get3A_27 = arith.constant 0 : index
    %get3A_28 = vector.load %arg2[%get3A_25, %get3A_26, %get3A_27] : memref<32x400x128xi32, #tpu.memory_space<vmem>>, vector<1x400x128xi32>
    %get3A_29 = vector.shape_cast %get3A_28 : vector<1x400x128xi32> to vector<400x128xi32>
    %shift_left3A_30 = arith.constant 16 : i32
    %shift_left3A_31 = vector.broadcast %shift_left3A_30 : i32 to vector<400x128xi32>
    %shift_left3A_32 = arith.shli %get3A_29, %shift_left3A_31 : vector<400x128xi32>
    %bitcast_convert_type3A_33 = tpu.bitcast %shift_left3A_32 : vector<400x128xi32> -> vector<400x128xf32>
    %and3A_34 = arith.constant -65536 : i32
    %and3A_35 = vector.broadcast %and3A_34 : i32 to vector<400x128xi32>
    %and3A_36 = arith.andi %get3A_29, %and3A_35 : vector<400x128xi32>
    %bitcast_convert_type3A_37 = tpu.bitcast %and3A_36 : vector<400x128xi32> -> vector<400x128xf32>
    %mul3A_38 = arith.mulf %slice3A_11, %bitcast_convert_type3A_33 : vector<400x128xf32>
    %mul3A_39 = arith.mulf %slice3A_12, %bitcast_convert_type3A_37 : vector<400x128xf32>
    %add3A_40 = arith.addf %mul3A_38, %mul3A_39 : vector<400x128xf32>
    %reduce_sum3A_41 = arith.constant dense<0.000000e+00> : vector<400xf32>
    %reduce_sum3A_42 = vector.multi_reduction <add>, %add3A_40, %reduce_sum3A_41 [1] : vector<400x128xf32> to vector<400xf32>
    %broadcast_in_dim3A_43 = vector.shape_cast %reduce_sum3A_42 : vector<400xf32> to vector<400x1xf32>
    %get3A_44 = arith.constant 2 : index
    %get3A_45 = arith.constant 0 : index
    %get3A_46 = arith.constant 0 : index
    %get3A_47 = vector.load %arg2[%get3A_44, %get3A_45, %get3A_46] : memref<32x400x128xi32, #tpu.memory_space<vmem>>, vector<1x400x128xi32>
    %get3A_48 = vector.shape_cast %get3A_47 : vector<1x400x128xi32> to vector<400x128xi32>
    %shift_left3A_49 = arith.constant 16 : i32
    %shift_left3A_50 = vector.broadcast %shift_left3A_49 : i32 to vector<400x128xi32>
    %shift_left3A_51 = arith.shli %get3A_48, %shift_left3A_50 : vector<400x128xi32>
    %bitcast_convert_type3A_52 = tpu.bitcast %shift_left3A_51 : vector<400x128xi32> -> vector<400x128xf32>
    %and3A_53 = arith.constant -65536 : i32
    %and3A_54 = vector.broadcast %and3A_53 : i32 to vector<400x128xi32>
    %and3A_55 = arith.andi %get3A_48, %and3A_54 : vector<400x128xi32>
    %bitcast_convert_type3A_56 = tpu.bitcast %and3A_55 : vector<400x128xi32> -> vector<400x128xf32>
    %mul3A_57 = arith.mulf %slice3A_11, %bitcast_convert_type3A_52 : vector<400x128xf32>
    %mul3A_58 = arith.mulf %slice3A_12, %bitcast_convert_type3A_56 : vector<400x128xf32>
    %add3A_59 = arith.addf %mul3A_57, %mul3A_58 : vector<400x128xf32>
    %reduce_sum3A_60 = arith.constant dense<0.000000e+00> : vector<400xf32>
    %reduce_sum3A_61 = vector.multi_reduction <add>, %add3A_59, %reduce_sum3A_60 [1] : vector<400x128xf32> to vector<400xf32>
    %broadcast_in_dim3A_62 = vector.shape_cast %reduce_sum3A_61 : vector<400xf32> to vector<400x1xf32>
    %get3A_63 = arith.constant 3 : index
    %get3A_64 = arith.constant 0 : index
    %get3A_65 = arith.constant 0 : index
    %get3A_66 = vector.load %arg2[%get3A_63, %get3A_64, %get3A_65] : memref<32x400x128xi32, #tpu.memory_space<vmem>>, vector<1x400x128xi32>
    %get3A_67 = vector.shape_cast %get3A_66 : vector<1x400x128xi32> to vector<400x128xi32>
    %shift_left3A_68 = arith.constant 16 : i32
    %shift_left3A_69 = vector.broadcast %shift_left3A_68 : i32 to vector<400x128xi32>
    %shift_left3A_70 = arith.shli %get3A_67, %shift_left3A_69 : vector<400x128xi32>
    %bitcast_convert_type3A_71 = tpu.bitcast %shift_left3A_70 : vector<400x128xi32> -> vector<400x128xf32>
    %and3A_72 = arith.constant -65536 : i32
    %and3A_73 = vector.broadcast %and3A_72 : i32 to vector<400x128xi32>
    %and3A_74 = arith.andi %get3A_67, %and3A_73 : vector<400x128xi32>
    %bitcast_convert_type3A_75 = tpu.bitcast %and3A_74 : vector<400x128xi32> -> vector<400x128xf32>
    %mul3A_76 = arith.mulf %slice3A_11, %bitcast_convert_type3A_71 : vector<400x128xf32>
    %mul3A_77 = arith.mulf %slice3A_12, %bitcast_convert_type3A_75 : vector<400x128xf32>
    %add3A_78 = arith.addf %mul3A_76, %mul3A_77 : vector<400x128xf32>
    %reduce_sum3A_79 = arith.constant dense<0.000000e+00> : vector<400xf32>
    %reduce_sum3A_80 = vector.multi_reduction <add>, %add3A_78, %reduce_sum3A_79 [1] : vector<400x128xf32> to vector<400xf32>
    %broadcast_in_dim3A_81 = vector.shape_cast %reduce_sum3A_80 : vector<400xf32> to vector<400x1xf32>
    %get3A_82 = arith.constant 4 : index
    %get3A_83 = arith.constant 0 : index
    %get3A_84 = arith.constant 0 : index
    %get3A_85 = vector.load %arg2[%get3A_82, %get3A_83, %get3A_84] : memref<32x400x128xi32, #tpu.memory_space<vmem>>, vector<1x400x128xi32>
    %get3A_86 = vector.shape_cast %get3A_85 : vector<1x400x128xi32> to vector<400x128xi32>
    %shift_left3A_87 = arith.constant 16 : i32
    %shift_left3A_88 = vector.broadcast %shift_left3A_87 : i32 to vector<400x128xi32>
    %shift_left3A_89 = arith.shli %get3A_86, %shift_left3A_88 : vector<400x128xi32>
    %bitcast_convert_type3A_90 = tpu.bitcast %shift_left3A_89 : vector<400x128xi32> -> vector<400x128xf32>
    %and3A_91 = arith.constant -65536 : i32
    %and3A_92 = vector.broadcast %and3A_91 : i32 to vector<400x128xi32>
    %and3A_93 = arith.andi %get3A_86, %and3A_92 : vector<400x128xi32>
    %bitcast_convert_type3A_94 = tpu.bitcast %and3A_93 : vector<400x128xi32> -> vector<400x128xf32>
    %mul3A_95 = arith.mulf %slice3A_11, %bitcast_convert_type3A_90 : vector<400x128xf32>
    %mul3A_96 = arith.mulf %slice3A_12, %bitcast_convert_type3A_94 : vector<400x128xf32>
    %add3A_97 = arith.addf %mul3A_95, %mul3A_96 : vector<400x128xf32>
    %reduce_sum3A_98 = arith.constant dense<0.000000e+00> : vector<400xf32>
    %reduce_sum3A_99 = vector.multi_reduction <add>, %add3A_97, %reduce_sum3A_98 [1] : vector<400x128xf32> to vector<400xf32>
    %broadcast_in_dim3A_100 = vector.shape_cast %reduce_sum3A_99 : vector<400xf32> to vector<400x1xf32>
    %get3A_101 = arith.constant 5 : index
    %get3A_102 = arith.constant 0 : index
    %get3A_103 = arith.constant 0 : index
    %get3A_104 = vector.load %arg2[%get3A_101, %get3A_102, %get3A_103] : memref<32x400x128xi32, #tpu.memory_space<vmem>>, vector<1x400x128xi32>
    %get3A_105 = vector.shape_cast %get3A_104 : vector<1x400x128xi32> to vector<400x128xi32>
    %shift_left3A_106 = arith.constant 16 : i32
    %shift_left3A_107 = vector.broadcast %shift_left3A_106 : i32 to vector<400x128xi32>
    %shift_left3A_108 = arith.shli %get3A_105, %shift_left3A_107 : vector<400x128xi32>
    %bitcast_convert_type3A_109 = tpu.bitcast %shift_left3A_108 : vector<400x128xi32> -> vector<400x128xf32>
    %and3A_110 = arith.constant -65536 : i32
    %and3A_111 = vector.broadcast %and3A_110 : i32 to vector<400x128xi32>
    %and3A_112 = arith.andi %get3A_105, %and3A_111 : vector<400x128xi32>
    %bitcast_convert_type3A_113 = tpu.bitcast %and3A_112 : vector<400x128xi32> -> vector<400x128xf32>
    %mul3A_114 = arith.mulf %slice3A_11, %bitcast_convert_type3A_109 : vector<400x128xf32>
    %mul3A_115 = arith.mulf %slice3A_12, %bitcast_convert_type3A_113 : vector<400x128xf32>
    %add3A_116 = arith.addf %mul3A_114, %mul3A_115 : vector<400x128xf32>
    %reduce_sum3A_117 = arith.constant dense<0.000000e+00> : vector<400xf32>
    %reduce_sum3A_118 = vector.multi_reduction <add>, %add3A_116, %reduce_sum3A_117 [1] : vector<400x128xf32> to vector<400xf32>
    %broadcast_in_dim3A_119 = vector.shape_cast %reduce_sum3A_118 : vector<400xf32> to vector<400x1xf32>
    %get3A_120 = arith.constant 6 : index
    %get3A_121 = arith.constant 0 : index
    %get3A_122 = arith.constant 0 : index
    %get3A_123 = vector.load %arg2[%get3A_120, %get3A_121, %get3A_122] : memref<32x400x128xi32, #tpu.memory_space<vmem>>, vector<1x400x128xi32>
    %get3A_124 = vector.shape_cast %get3A_123 : vector<1x400x128xi32> to vector<400x128xi32>
    %shift_left3A_125 = arith.constant 16 : i32
    %shift_left3A_126 = vector.broadcast %shift_left3A_125 : i32 to vector<400x128xi32>
    %shift_left3A_127 = arith.shli %get3A_124, %shift_left3A_126 : vector<400x128xi32>
    %bitcast_convert_type3A_128 = tpu.bitcast %shift_left3A_127 : vector<400x128xi32> -> vector<400x128xf32>
    %and3A_129 = arith.constant -65536 : i32
    %and3A_130 = vector.broadcast %and3A_129 : i32 to vector<400x128xi32>
    %and3A_131 = arith.andi %get3A_124, %and3A_130 : vector<400x128xi32>
    %bitcast_convert_type3A_132 = tpu.bitcast %and3A_131 : vector<400x128xi32> -> vector<400x128xf32>
    %mul3A_133 = arith.mulf %slice3A_11, %bitcast_convert_type3A_128 : vector<400x128xf32>
    %mul3A_134 = arith.mulf %slice3A_12, %bitcast_convert_type3A_132 : vector<400x128xf32>
    %add3A_135 = arith.addf %mul3A_133, %mul3A_134 : vector<400x128xf32>
    %reduce_sum3A_136 = arith.constant dense<0.000000e+00> : vector<400xf32>
    %reduce_sum3A_137 = vector.multi_reduction <add>, %add3A_135, %reduce_sum3A_136 [1] : vector<400x128xf32> to vector<400xf32>
    %broadcast_in_dim3A_138 = vector.shape_cast %reduce_sum3A_137 : vector<400xf32> to vector<400x1xf32>
    %get3A_139 = arith.constant 7 : index
    %get3A_140 = arith.constant 0 : index
    %get3A_141 = arith.constant 0 : index
    %get3A_142 = vector.load %arg2[%get3A_139, %get3A_140, %get3A_141] : memref<32x400x128xi32, #tpu.memory_space<vmem>>, vector<1x400x128xi32>
    %get3A_143 = vector.shape_cast %get3A_142 : vector<1x400x128xi32> to vector<400x128xi32>
    %shift_left3A_144 = arith.constant 16 : i32
    %shift_left3A_145 = vector.broadcast %shift_left3A_144 : i32 to vector<400x128xi32>
    %shift_left3A_146 = arith.shli %get3A_143, %shift_left3A_145 : vector<400x128xi32>
    %bitcast_convert_type3A_147 = tpu.bitcast %shift_left3A_146 : vector<400x128xi32> -> vector<400x128xf32>
    %and3A_148 = arith.constant -65536 : i32
    %and3A_149 = vector.broadcast %and3A_148 : i32 to vector<400x128xi32>
    %and3A_150 = arith.andi %get3A_143, %and3A_149 : vector<400x128xi32>
    %bitcast_convert_type3A_151 = tpu.bitcast %and3A_150 : vector<400x128xi32> -> vector<400x128xf32>
    %mul3A_152 = arith.mulf %slice3A_11, %bitcast_convert_type3A_147 : vector<400x128xf32>
    %mul3A_153 = arith.mulf %slice3A_12, %bitcast_convert_type3A_151 : vector<400x128xf32>
    %add3A_154 = arith.addf %mul3A_152, %mul3A_153 : vector<400x128xf32>
    %reduce_sum3A_155 = arith.constant dense<0.000000e+00> : vector<400xf32>
    %reduce_sum3A_156 = vector.multi_reduction <add>, %add3A_154, %reduce_sum3A_155 [1] : vector<400x128xf32> to vector<400xf32>
    %broadcast_in_dim3A_157 = vector.shape_cast %reduce_sum3A_156 : vector<400xf32> to vector<400x1xf32>
    %get3A_158 = arith.constant 8 : index
    %get3A_159 = arith.constant 0 : index
    %get3A_160 = arith.constant 0 : index
    %get3A_161 = vector.load %arg2[%get3A_158, %get3A_159, %get3A_160] : memref<32x400x128xi32, #tpu.memory_space<vmem>>, vector<1x400x128xi32>
    %get3A_162 = vector.shape_cast %get3A_161 : vector<1x400x128xi32> to vector<400x128xi32>
    %shift_left3A_163 = arith.constant 16 : i32
    %shift_left3A_164 = vector.broadcast %shift_left3A_163 : i32 to vector<400x128xi32>
    %shift_left3A_165 = arith.shli %get3A_162, %shift_left3A_164 : vector<400x128xi32>
    %bitcast_convert_type3A_166 = tpu.bitcast %shift_left3A_165 : vector<400x128xi32> -> vector<400x128xf32>
    %and3A_167 = arith.constant -65536 : i32
    %and3A_168 = vector.broadcast %and3A_167 : i32 to vector<400x128xi32>
    %and3A_169 = arith.andi %get3A_162, %and3A_168 : vector<400x128xi32>
    %bitcast_convert_type3A_170 = tpu.bitcast %and3A_169 : vector<400x128xi32> -> vector<400x128xf32>
    %mul3A_171 = arith.mulf %slice3A_11, %bitcast_convert_type3A_166 : vector<400x128xf32>
    %mul3A_172 = arith.mulf %slice3A_12, %bitcast_convert_type3A_170 : vector<400x128xf32>
    %add3A_173 = arith.addf %mul3A_171, %mul3A_172 : vector<400x128xf32>
    %reduce_sum3A_174 = arith.constant dense<0.000000e+00> : vector<400xf32>
    %reduce_sum3A_175 = vector.multi_reduction <add>, %add3A_173, %reduce_sum3A_174 [1] : vector<400x128xf32> to vector<400xf32>
    %broadcast_in_dim3A_176 = vector.shape_cast %reduce_sum3A_175 : vector<400xf32> to vector<400x1xf32>
    %get3A_177 = arith.constant 9 : index
    %get3A_178 = arith.constant 0 : index
    %get3A_179 = arith.constant 0 : index
    %get3A_180 = vector.load %arg2[%get3A_177, %get3A_178, %get3A_179] : memref<32x400x128xi32, #tpu.memory_space<vmem>>, vector<1x400x128xi32>
    %get3A_181 = vector.shape_cast %get3A_180 : vector<1x400x128xi32> to vector<400x128xi32>
    %shift_left3A_182 = arith.constant 16 : i32
    %shift_left3A_183 = vector.broadcast %shift_left3A_182 : i32 to vector<400x128xi32>
    %shift_left3A_184 = arith.shli %get3A_181, %shift_left3A_183 : vector<400x128xi32>
    %bitcast_convert_type3A_185 = tpu.bitcast %shift_left3A_184 : vector<400x128xi32> -> vector<400x128xf32>
    %and3A_186 = arith.constant -65536 : i32
    %and3A_187 = vector.broadcast %and3A_186 : i32 to vector<400x128xi32>
    %and3A_188 = arith.andi %get3A_181, %and3A_187 : vector<400x128xi32>
    %bitcast_convert_type3A_189 = tpu.bitcast %and3A_188 : vector<400x128xi32> -> vector<400x128xf32>
    %mul3A_190 = arith.mulf %slice3A_11, %bitcast_convert_type3A_185 : vector<400x128xf32>
    %mul3A_191 = arith.mulf %slice3A_12, %bitcast_convert_type3A_189 : vector<400x128xf32>
    %add3A_192 = arith.addf %mul3A_190, %mul3A_191 : vector<400x128xf32>
    %reduce_sum3A_193 = arith.constant dense<0.000000e+00> : vector<400xf32>
    %reduce_sum3A_194 = vector.multi_reduction <add>, %add3A_192, %reduce_sum3A_193 [1] : vector<400x128xf32> to vector<400xf32>
    %broadcast_in_dim3A_195 = vector.shape_cast %reduce_sum3A_194 : vector<400xf32> to vector<400x1xf32>
    %get3A_196 = arith.constant 10 : index
    %get3A_197 = arith.constant 0 : index
    %get3A_198 = arith.constant 0 : index
    %get3A_199 = vector.load %arg2[%get3A_196, %get3A_197, %get3A_198] : memref<32x400x128xi32, #tpu.memory_space<vmem>>, vector<1x400x128xi32>
    %get3A_200 = vector.shape_cast %get3A_199 : vector<1x400x128xi32> to vector<400x128xi32>
    %shift_left3A_201 = arith.constant 16 : i32
    %shift_left3A_202 = vector.broadcast %shift_left3A_201 : i32 to vector<400x128xi32>
    %shift_left3A_203 = arith.shli %get3A_200, %shift_left3A_202 : vector<400x128xi32>
    %bitcast_convert_type3A_204 = tpu.bitcast %shift_left3A_203 : vector<400x128xi32> -> vector<400x128xf32>
    %and3A_205 = arith.constant -65536 : i32
    %and3A_206 = vector.broadcast %and3A_205 : i32 to vector<400x128xi32>
    %and3A_207 = arith.andi %get3A_200, %and3A_206 : vector<400x128xi32>
    %bitcast_convert_type3A_208 = tpu.bitcast %and3A_207 : vector<400x128xi32> -> vector<400x128xf32>
    %mul3A_209 = arith.mulf %slice3A_11, %bitcast_convert_type3A_204 : vector<400x128xf32>
    %mul3A_210 = arith.mulf %slice3A_12, %bitcast_convert_type3A_208 : vector<400x128xf32>
    %add3A_211 = arith.addf %mul3A_209, %mul3A_210 : vector<400x128xf32>
    %reduce_sum3A_212 = arith.constant dense<0.000000e+00> : vector<400xf32>
    %reduce_sum3A_213 = vector.multi_reduction <add>, %add3A_211, %reduce_sum3A_212 [1] : vector<400x128xf32> to vector<400xf32>
    %broadcast_in_dim3A_214 = vector.shape_cast %reduce_sum3A_213 : vector<400xf32> to vector<400x1xf32>
    %get3A_215 = arith.constant 11 : index
    %get3A_216 = arith.constant 0 : index
    %get3A_217 = arith.constant 0 : index
    %get3A_218 = vector.load %arg2[%get3A_215, %get3A_216, %get3A_217] : memref<32x400x128xi32, #tpu.memory_space<vmem>>, vector<1x400x128xi32>
    %get3A_219 = vector.shape_cast %get3A_218 : vector<1x400x128xi32> to vector<400x128xi32>
    %shift_left3A_220 = arith.constant 16 : i32
    %shift_left3A_221 = vector.broadcast %shift_left3A_220 : i32 to vector<400x128xi32>
    %shift_left3A_222 = arith.shli %get3A_219, %shift_left3A_221 : vector<400x128xi32>
    %bitcast_convert_type3A_223 = tpu.bitcast %shift_left3A_222 : vector<400x128xi32> -> vector<400x128xf32>
    %and3A_224 = arith.constant -65536 : i32
    %and3A_225 = vector.broadcast %and3A_224 : i32 to vector<400x128xi32>
    %and3A_226 = arith.andi %get3A_219, %and3A_225 : vector<400x128xi32>
    %bitcast_convert_type3A_227 = tpu.bitcast %and3A_226 : vector<400x128xi32> -> vector<400x128xf32>
    %mul3A_228 = arith.mulf %slice3A_11, %bitcast_convert_type3A_223 : vector<400x128xf32>
    %mul3A_229 = arith.mulf %slice3A_12, %bitcast_convert_type3A_227 : vector<400x128xf32>
    %add3A_230 = arith.addf %mul3A_228, %mul3A_229 : vector<400x128xf32>
    %reduce_sum3A_231 = arith.constant dense<0.000000e+00> : vector<400xf32>
    %reduce_sum3A_232 = vector.multi_reduction <add>, %add3A_230, %reduce_sum3A_231 [1] : vector<400x128xf32> to vector<400xf32>
    %broadcast_in_dim3A_233 = vector.shape_cast %reduce_sum3A_232 : vector<400xf32> to vector<400x1xf32>
    %get3A_234 = arith.constant 12 : index
    %get3A_235 = arith.constant 0 : index
    %get3A_236 = arith.constant 0 : index
    %get3A_237 = vector.load %arg2[%get3A_234, %get3A_235, %get3A_236] : memref<32x400x128xi32, #tpu.memory_space<vmem>>, vector<1x400x128xi32>
    %get3A_238 = vector.shape_cast %get3A_237 : vector<1x400x128xi32> to vector<400x128xi32>
    %shift_left3A_239 = arith.constant 16 : i32
    %shift_left3A_240 = vector.broadcast %shift_left3A_239 : i32 to vector<400x128xi32>
    %shift_left3A_241 = arith.shli %get3A_238, %shift_left3A_240 : vector<400x128xi32>
    %bitcast_convert_type3A_242 = tpu.bitcast %shift_left3A_241 : vector<400x128xi32> -> vector<400x128xf32>
    %and3A_243 = arith.constant -65536 : i32
    %and3A_244 = vector.broadcast %and3A_243 : i32 to vector<400x128xi32>
    %and3A_245 = arith.andi %get3A_238, %and3A_244 : vector<400x128xi32>
    %bitcast_convert_type3A_246 = tpu.bitcast %and3A_245 : vector<400x128xi32> -> vector<400x128xf32>
    %mul3A_247 = arith.mulf %slice3A_11, %bitcast_convert_type3A_242 : vector<400x128xf32>
    %mul3A_248 = arith.mulf %slice3A_12, %bitcast_convert_type3A_246 : vector<400x128xf32>
    %add3A_249 = arith.addf %mul3A_247, %mul3A_248 : vector<400x128xf32>
    %reduce_sum3A_250 = arith.constant dense<0.000000e+00> : vector<400xf32>
    %reduce_sum3A_251 = vector.multi_reduction <add>, %add3A_249, %reduce_sum3A_250 [1] : vector<400x128xf32> to vector<400xf32>
    %broadcast_in_dim3A_252 = vector.shape_cast %reduce_sum3A_251 : vector<400xf32> to vector<400x1xf32>
    %get3A_253 = arith.constant 13 : index
    %get3A_254 = arith.constant 0 : index
    %get3A_255 = arith.constant 0 : index
    %get3A_256 = vector.load %arg2[%get3A_253, %get3A_254, %get3A_255] : memref<32x400x128xi32, #tpu.memory_space<vmem>>, vector<1x400x128xi32>
    %get3A_257 = vector.shape_cast %get3A_256 : vector<1x400x128xi32> to vector<400x128xi32>
    %shift_left3A_258 = arith.constant 16 : i32
    %shift_left3A_259 = vector.broadcast %shift_left3A_258 : i32 to vector<400x128xi32>
    %shift_left3A_260 = arith.shli %get3A_257, %shift_left3A_259 : vector<400x128xi32>
    %bitcast_convert_type3A_261 = tpu.bitcast %shift_left3A_260 : vector<400x128xi32> -> vector<400x128xf32>
    %and3A_262 = arith.constant -65536 : i32
    %and3A_263 = vector.broadcast %and3A_262 : i32 to vector<400x128xi32>
    %and3A_264 = arith.andi %get3A_257, %and3A_263 : vector<400x128xi32>
    %bitcast_convert_type3A_265 = tpu.bitcast %and3A_264 : vector<400x128xi32> -> vector<400x128xf32>
    %mul3A_266 = arith.mulf %slice3A_11, %bitcast_convert_type3A_261 : vector<400x128xf32>
    %mul3A_267 = arith.mulf %slice3A_12, %bitcast_convert_type3A_265 : vector<400x128xf32>
    %add3A_268 = arith.addf %mul3A_266, %mul3A_267 : vector<400x128xf32>
    %reduce_sum3A_269 = arith.constant dense<0.000000e+00> : vector<400xf32>
    %reduce_sum3A_270 = vector.multi_reduction <add>, %add3A_268, %reduce_sum3A_269 [1] : vector<400x128xf32> to vector<400xf32>
    %broadcast_in_dim3A_271 = vector.shape_cast %reduce_sum3A_270 : vector<400xf32> to vector<400x1xf32>
    %get3A_272 = arith.constant 14 : index
    %get3A_273 = arith.constant 0 : index
    %get3A_274 = arith.constant 0 : index
    %get3A_275 = vector.load %arg2[%get3A_272, %get3A_273, %get3A_274] : memref<32x400x128xi32, #tpu.memory_space<vmem>>, vector<1x400x128xi32>
    %get3A_276 = vector.shape_cast %get3A_275 : vector<1x400x128xi32> to vector<400x128xi32>
    %shift_left3A_277 = arith.constant 16 : i32
    %shift_left3A_278 = vector.broadcast %shift_left3A_277 : i32 to vector<400x128xi32>
    %shift_left3A_279 = arith.shli %get3A_276, %shift_left3A_278 : vector<400x128xi32>
    %bitcast_convert_type3A_280 = tpu.bitcast %shift_left3A_279 : vector<400x128xi32> -> vector<400x128xf32>
    %and3A_281 = arith.constant -65536 : i32
    %and3A_282 = vector.broadcast %and3A_281 : i32 to vector<400x128xi32>
    %and3A_283 = arith.andi %get3A_276, %and3A_282 : vector<400x128xi32>
    %bitcast_convert_type3A_284 = tpu.bitcast %and3A_283 : vector<400x128xi32> -> vector<400x128xf32>
    %mul3A_285 = arith.mulf %slice3A_11, %bitcast_convert_type3A_280 : vector<400x128xf32>
    %mul3A_286 = arith.mulf %slice3A_12, %bitcast_convert_type3A_284 : vector<400x128xf32>
    %add3A_287 = arith.addf %mul3A_285, %mul3A_286 : vector<400x128xf32>
    %reduce_sum3A_288 = arith.constant dense<0.000000e+00> : vector<400xf32>
    %reduce_sum3A_289 = vector.multi_reduction <add>, %add3A_287, %reduce_sum3A_288 [1] : vector<400x128xf32> to vector<400xf32>
    %broadcast_in_dim3A_290 = vector.shape_cast %reduce_sum3A_289 : vector<400xf32> to vector<400x1xf32>
    %get3A_291 = arith.constant 15 : index
    %get3A_292 = arith.constant 0 : index
    %get3A_293 = arith.constant 0 : index
    %get3A_294 = vector.load %arg2[%get3A_291, %get3A_292, %get3A_293] : memref<32x400x128xi32, #tpu.memory_space<vmem>>, vector<1x400x128xi32>
    %get3A_295 = vector.shape_cast %get3A_294 : vector<1x400x128xi32> to vector<400x128xi32>
    %shift_left3A_296 = arith.constant 16 : i32
    %shift_left3A_297 = vector.broadcast %shift_left3A_296 : i32 to vector<400x128xi32>
    %shift_left3A_298 = arith.shli %get3A_295, %shift_left3A_297 : vector<400x128xi32>
    %bitcast_convert_type3A_299 = tpu.bitcast %shift_left3A_298 : vector<400x128xi32> -> vector<400x128xf32>
    %and3A_300 = arith.constant -65536 : i32
    %and3A_301 = vector.broadcast %and3A_300 : i32 to vector<400x128xi32>
    %and3A_302 = arith.andi %get3A_295, %and3A_301 : vector<400x128xi32>
    %bitcast_convert_type3A_303 = tpu.bitcast %and3A_302 : vector<400x128xi32> -> vector<400x128xf32>
    %mul3A_304 = arith.mulf %slice3A_11, %bitcast_convert_type3A_299 : vector<400x128xf32>
    %mul3A_305 = arith.mulf %slice3A_12, %bitcast_convert_type3A_303 : vector<400x128xf32>
    %add3A_306 = arith.addf %mul3A_304, %mul3A_305 : vector<400x128xf32>
    %reduce_sum3A_307 = arith.constant dense<0.000000e+00> : vector<400xf32>
    %reduce_sum3A_308 = vector.multi_reduction <add>, %add3A_306, %reduce_sum3A_307 [1] : vector<400x128xf32> to vector<400xf32>
    %broadcast_in_dim3A_309 = vector.shape_cast %reduce_sum3A_308 : vector<400xf32> to vector<400x1xf32>
    %get3A_310 = arith.constant 16 : index
    %get3A_311 = arith.constant 0 : index
    %get3A_312 = arith.constant 0 : index
    %get3A_313 = vector.load %arg2[%get3A_310, %get3A_311, %get3A_312] : memref<32x400x128xi32, #tpu.memory_space<vmem>>, vector<1x400x128xi32>
    %get3A_314 = vector.shape_cast %get3A_313 : vector<1x400x128xi32> to vector<400x128xi32>
    %shift_left3A_315 = arith.constant 16 : i32
    %shift_left3A_316 = vector.broadcast %shift_left3A_315 : i32 to vector<400x128xi32>
    %shift_left3A_317 = arith.shli %get3A_314, %shift_left3A_316 : vector<400x128xi32>
    %bitcast_convert_type3A_318 = tpu.bitcast %shift_left3A_317 : vector<400x128xi32> -> vector<400x128xf32>
    %and3A_319 = arith.constant -65536 : i32
    %and3A_320 = vector.broadcast %and3A_319 : i32 to vector<400x128xi32>
    %and3A_321 = arith.andi %get3A_314, %and3A_320 : vector<400x128xi32>
    %bitcast_convert_type3A_322 = tpu.bitcast %and3A_321 : vector<400x128xi32> -> vector<400x128xf32>
    %mul3A_323 = arith.mulf %slice3A_11, %bitcast_convert_type3A_318 : vector<400x128xf32>
    %mul3A_324 = arith.mulf %slice3A_12, %bitcast_convert_type3A_322 : vector<400x128xf32>
    %add3A_325 = arith.addf %mul3A_323, %mul3A_324 : vector<400x128xf32>
    %reduce_sum3A_326 = arith.constant dense<0.000000e+00> : vector<400xf32>
    %reduce_sum3A_327 = vector.multi_reduction <add>, %add3A_325, %reduce_sum3A_326 [1] : vector<400x128xf32> to vector<400xf32>
    %broadcast_in_dim3A_328 = vector.shape_cast %reduce_sum3A_327 : vector<400xf32> to vector<400x1xf32>
    %get3A_329 = arith.constant 17 : index
    %get3A_330 = arith.constant 0 : index
    %get3A_331 = arith.constant 0 : index
    %get3A_332 = vector.load %arg2[%get3A_329, %get3A_330, %get3A_331] : memref<32x400x128xi32, #tpu.memory_space<vmem>>, vector<1x400x128xi32>
    %get3A_333 = vector.shape_cast %get3A_332 : vector<1x400x128xi32> to vector<400x128xi32>
    %shift_left3A_334 = arith.constant 16 : i32
    %shift_left3A_335 = vector.broadcast %shift_left3A_334 : i32 to vector<400x128xi32>
    %shift_left3A_336 = arith.shli %get3A_333, %shift_left3A_335 : vector<400x128xi32>
    %bitcast_convert_type3A_337 = tpu.bitcast %shift_left3A_336 : vector<400x128xi32> -> vector<400x128xf32>
    %and3A_338 = arith.constant -65536 : i32
    %and3A_339 = vector.broadcast %and3A_338 : i32 to vector<400x128xi32>
    %and3A_340 = arith.andi %get3A_333, %and3A_339 : vector<400x128xi32>
    %bitcast_convert_type3A_341 = tpu.bitcast %and3A_340 : vector<400x128xi32> -> vector<400x128xf32>
    %mul3A_342 = arith.mulf %slice3A_11, %bitcast_convert_type3A_337 : vector<400x128xf32>
    %mul3A_343 = arith.mulf %slice3A_12, %bitcast_convert_type3A_341 : vector<400x128xf32>
    %add3A_344 = arith.addf %mul3A_342, %mul3A_343 : vector<400x128xf32>
    %reduce_sum3A_345 = arith.constant dense<0.000000e+00> : vector<400xf32>
    %reduce_sum3A_346 = vector.multi_reduction <add>, %add3A_344, %reduce_sum3A_345 [1] : vector<400x128xf32> to vector<400xf32>
    %broadcast_in_dim3A_347 = vector.shape_cast %reduce_sum3A_346 : vector<400xf32> to vector<400x1xf32>
    %get3A_348 = arith.constant 18 : index
    %get3A_349 = arith.constant 0 : index
    %get3A_350 = arith.constant 0 : index
    %get3A_351 = vector.load %arg2[%get3A_348, %get3A_349, %get3A_350] : memref<32x400x128xi32, #tpu.memory_space<vmem>>, vector<1x400x128xi32>
    %get3A_352 = vector.shape_cast %get3A_351 : vector<1x400x128xi32> to vector<400x128xi32>
    %shift_left3A_353 = arith.constant 16 : i32
    %shift_left3A_354 = vector.broadcast %shift_left3A_353 : i32 to vector<400x128xi32>
    %shift_left3A_355 = arith.shli %get3A_352, %shift_left3A_354 : vector<400x128xi32>
    %bitcast_convert_type3A_356 = tpu.bitcast %shift_left3A_355 : vector<400x128xi32> -> vector<400x128xf32>
    %and3A_357 = arith.constant -65536 : i32
    %and3A_358 = vector.broadcast %and3A_357 : i32 to vector<400x128xi32>
    %and3A_359 = arith.andi %get3A_352, %and3A_358 : vector<400x128xi32>
    %bitcast_convert_type3A_360 = tpu.bitcast %and3A_359 : vector<400x128xi32> -> vector<400x128xf32>
    %mul3A_361 = arith.mulf %slice3A_11, %bitcast_convert_type3A_356 : vector<400x128xf32>
    %mul3A_362 = arith.mulf %slice3A_12, %bitcast_convert_type3A_360 : vector<400x128xf32>
    %add3A_363 = arith.addf %mul3A_361, %mul3A_362 : vector<400x128xf32>
    %reduce_sum3A_364 = arith.constant dense<0.000000e+00> : vector<400xf32>
    %reduce_sum3A_365 = vector.multi_reduction <add>, %add3A_363, %reduce_sum3A_364 [1] : vector<400x128xf32> to vector<400xf32>
    %broadcast_in_dim3A_366 = vector.shape_cast %reduce_sum3A_365 : vector<400xf32> to vector<400x1xf32>
    %get3A_367 = arith.constant 19 : index
    %get3A_368 = arith.constant 0 : index
    %get3A_369 = arith.constant 0 : index
    %get3A_370 = vector.load %arg2[%get3A_367, %get3A_368, %get3A_369] : memref<32x400x128xi32, #tpu.memory_space<vmem>>, vector<1x400x128xi32>
    %get3A_371 = vector.shape_cast %get3A_370 : vector<1x400x128xi32> to vector<400x128xi32>
    %shift_left3A_372 = arith.constant 16 : i32
    %shift_left3A_373 = vector.broadcast %shift_left3A_372 : i32 to vector<400x128xi32>
    %shift_left3A_374 = arith.shli %get3A_371, %shift_left3A_373 : vector<400x128xi32>
    %bitcast_convert_type3A_375 = tpu.bitcast %shift_left3A_374 : vector<400x128xi32> -> vector<400x128xf32>
    %and3A_376 = arith.constant -65536 : i32
    %and3A_377 = vector.broadcast %and3A_376 : i32 to vector<400x128xi32>
    %and3A_378 = arith.andi %get3A_371, %and3A_377 : vector<400x128xi32>
    %bitcast_convert_type3A_379 = tpu.bitcast %and3A_378 : vector<400x128xi32> -> vector<400x128xf32>
    %mul3A_380 = arith.mulf %slice3A_11, %bitcast_convert_type3A_375 : vector<400x128xf32>
    %mul3A_381 = arith.mulf %slice3A_12, %bitcast_convert_type3A_379 : vector<400x128xf32>
    %add3A_382 = arith.addf %mul3A_380, %mul3A_381 : vector<400x128xf32>
    %reduce_sum3A_383 = arith.constant dense<0.000000e+00> : vector<400xf32>
    %reduce_sum3A_384 = vector.multi_reduction <add>, %add3A_382, %reduce_sum3A_383 [1] : vector<400x128xf32> to vector<400xf32>
    %broadcast_in_dim3A_385 = vector.shape_cast %reduce_sum3A_384 : vector<400xf32> to vector<400x1xf32>
    %get3A_386 = arith.constant 20 : index
    %get3A_387 = arith.constant 0 : index
    %get3A_388 = arith.constant 0 : index
    %get3A_389 = vector.load %arg2[%get3A_386, %get3A_387, %get3A_388] : memref<32x400x128xi32, #tpu.memory_space<vmem>>, vector<1x400x128xi32>
    %get3A_390 = vector.shape_cast %get3A_389 : vector<1x400x128xi32> to vector<400x128xi32>
    %shift_left3A_391 = arith.constant 16 : i32
    %shift_left3A_392 = vector.broadcast %shift_left3A_391 : i32 to vector<400x128xi32>
    %shift_left3A_393 = arith.shli %get3A_390, %shift_left3A_392 : vector<400x128xi32>
    %bitcast_convert_type3A_394 = tpu.bitcast %shift_left3A_393 : vector<400x128xi32> -> vector<400x128xf32>
    %and3A_395 = arith.constant -65536 : i32
    %and3A_396 = vector.broadcast %and3A_395 : i32 to vector<400x128xi32>
    %and3A_397 = arith.andi %get3A_390, %and3A_396 : vector<400x128xi32>
    %bitcast_convert_type3A_398 = tpu.bitcast %and3A_397 : vector<400x128xi32> -> vector<400x128xf32>
    %mul3A_399 = arith.mulf %slice3A_11, %bitcast_convert_type3A_394 : vector<400x128xf32>
    %mul3A_400 = arith.mulf %slice3A_12, %bitcast_convert_type3A_398 : vector<400x128xf32>
    %add3A_401 = arith.addf %mul3A_399, %mul3A_400 : vector<400x128xf32>
    %reduce_sum3A_402 = arith.constant dense<0.000000e+00> : vector<400xf32>
    %reduce_sum3A_403 = vector.multi_reduction <add>, %add3A_401, %reduce_sum3A_402 [1] : vector<400x128xf32> to vector<400xf32>
    %broadcast_in_dim3A_404 = vector.shape_cast %reduce_sum3A_403 : vector<400xf32> to vector<400x1xf32>
    %get3A_405 = arith.constant 21 : index
    %get3A_406 = arith.constant 0 : index
    %get3A_407 = arith.constant 0 : index
    %get3A_408 = vector.load %arg2[%get3A_405, %get3A_406, %get3A_407] : memref<32x400x128xi32, #tpu.memory_space<vmem>>, vector<1x400x128xi32>
    %get3A_409 = vector.shape_cast %get3A_408 : vector<1x400x128xi32> to vector<400x128xi32>
    %shift_left3A_410 = arith.constant 16 : i32
    %shift_left3A_411 = vector.broadcast %shift_left3A_410 : i32 to vector<400x128xi32>
    %shift_left3A_412 = arith.shli %get3A_409, %shift_left3A_411 : vector<400x128xi32>
    %bitcast_convert_type3A_413 = tpu.bitcast %shift_left3A_412 : vector<400x128xi32> -> vector<400x128xf32>
    %and3A_414 = arith.constant -65536 : i32
    %and3A_415 = vector.broadcast %and3A_414 : i32 to vector<400x128xi32>
    %and3A_416 = arith.andi %get3A_409, %and3A_415 : vector<400x128xi32>
    %bitcast_convert_type3A_417 = tpu.bitcast %and3A_416 : vector<400x128xi32> -> vector<400x128xf32>
    %mul3A_418 = arith.mulf %slice3A_11, %bitcast_convert_type3A_413 : vector<400x128xf32>
    %mul3A_419 = arith.mulf %slice3A_12, %bitcast_convert_type3A_417 : vector<400x128xf32>
    %add3A_420 = arith.addf %mul3A_418, %mul3A_419 : vector<400x128xf32>
    %reduce_sum3A_421 = arith.constant dense<0.000000e+00> : vector<400xf32>
    %reduce_sum3A_422 = vector.multi_reduction <add>, %add3A_420, %reduce_sum3A_421 [1] : vector<400x128xf32> to vector<400xf32>
    %broadcast_in_dim3A_423 = vector.shape_cast %reduce_sum3A_422 : vector<400xf32> to vector<400x1xf32>
    %get3A_424 = arith.constant 22 : index
    %get3A_425 = arith.constant 0 : index
    %get3A_426 = arith.constant 0 : index
    %get3A_427 = vector.load %arg2[%get3A_424, %get3A_425, %get3A_426] : memref<32x400x128xi32, #tpu.memory_space<vmem>>, vector<1x400x128xi32>
    %get3A_428 = vector.shape_cast %get3A_427 : vector<1x400x128xi32> to vector<400x128xi32>
    %shift_left3A_429 = arith.constant 16 : i32
    %shift_left3A_430 = vector.broadcast %shift_left3A_429 : i32 to vector<400x128xi32>
    %shift_left3A_431 = arith.shli %get3A_428, %shift_left3A_430 : vector<400x128xi32>
    %bitcast_convert_type3A_432 = tpu.bitcast %shift_left3A_431 : vector<400x128xi32> -> vector<400x128xf32>
    %and3A_433 = arith.constant -65536 : i32
    %and3A_434 = vector.broadcast %and3A_433 : i32 to vector<400x128xi32>
    %and3A_435 = arith.andi %get3A_428, %and3A_434 : vector<400x128xi32>
    %bitcast_convert_type3A_436 = tpu.bitcast %and3A_435 : vector<400x128xi32> -> vector<400x128xf32>
    %mul3A_437 = arith.mulf %slice3A_11, %bitcast_convert_type3A_432 : vector<400x128xf32>
    %mul3A_438 = arith.mulf %slice3A_12, %bitcast_convert_type3A_436 : vector<400x128xf32>
    %add3A_439 = arith.addf %mul3A_437, %mul3A_438 : vector<400x128xf32>
    %reduce_sum3A_440 = arith.constant dense<0.000000e+00> : vector<400xf32>
    %reduce_sum3A_441 = vector.multi_reduction <add>, %add3A_439, %reduce_sum3A_440 [1] : vector<400x128xf32> to vector<400xf32>
    %broadcast_in_dim3A_442 = vector.shape_cast %reduce_sum3A_441 : vector<400xf32> to vector<400x1xf32>
    %get3A_443 = arith.constant 23 : index
    %get3A_444 = arith.constant 0 : index
    %get3A_445 = arith.constant 0 : index
    %get3A_446 = vector.load %arg2[%get3A_443, %get3A_444, %get3A_445] : memref<32x400x128xi32, #tpu.memory_space<vmem>>, vector<1x400x128xi32>
    %get3A_447 = vector.shape_cast %get3A_446 : vector<1x400x128xi32> to vector<400x128xi32>
    %shift_left3A_448 = arith.constant 16 : i32
    %shift_left3A_449 = vector.broadcast %shift_left3A_448 : i32 to vector<400x128xi32>
    %shift_left3A_450 = arith.shli %get3A_447, %shift_left3A_449 : vector<400x128xi32>
    %bitcast_convert_type3A_451 = tpu.bitcast %shift_left3A_450 : vector<400x128xi32> -> vector<400x128xf32>
    %and3A_452 = arith.constant -65536 : i32
    %and3A_453 = vector.broadcast %and3A_452 : i32 to vector<400x128xi32>
    %and3A_454 = arith.andi %get3A_447, %and3A_453 : vector<400x128xi32>
    %bitcast_convert_type3A_455 = tpu.bitcast %and3A_454 : vector<400x128xi32> -> vector<400x128xf32>
    %mul3A_456 = arith.mulf %slice3A_11, %bitcast_convert_type3A_451 : vector<400x128xf32>
    %mul3A_457 = arith.mulf %slice3A_12, %bitcast_convert_type3A_455 : vector<400x128xf32>
    %add3A_458 = arith.addf %mul3A_456, %mul3A_457 : vector<400x128xf32>
    %reduce_sum3A_459 = arith.constant dense<0.000000e+00> : vector<400xf32>
    %reduce_sum3A_460 = vector.multi_reduction <add>, %add3A_458, %reduce_sum3A_459 [1] : vector<400x128xf32> to vector<400xf32>
    %broadcast_in_dim3A_461 = vector.shape_cast %reduce_sum3A_460 : vector<400xf32> to vector<400x1xf32>
    %get3A_462 = arith.constant 24 : index
    %get3A_463 = arith.constant 0 : index
    %get3A_464 = arith.constant 0 : index
    %get3A_465 = vector.load %arg2[%get3A_462, %get3A_463, %get3A_464] : memref<32x400x128xi32, #tpu.memory_space<vmem>>, vector<1x400x128xi32>
    %get3A_466 = vector.shape_cast %get3A_465 : vector<1x400x128xi32> to vector<400x128xi32>
    %shift_left3A_467 = arith.constant 16 : i32
    %shift_left3A_468 = vector.broadcast %shift_left3A_467 : i32 to vector<400x128xi32>
    %shift_left3A_469 = arith.shli %get3A_466, %shift_left3A_468 : vector<400x128xi32>
    %bitcast_convert_type3A_470 = tpu.bitcast %shift_left3A_469 : vector<400x128xi32> -> vector<400x128xf32>
    %and3A_471 = arith.constant -65536 : i32
    %and3A_472 = vector.broadcast %and3A_471 : i32 to vector<400x128xi32>
    %and3A_473 = arith.andi %get3A_466, %and3A_472 : vector<400x128xi32>
    %bitcast_convert_type3A_474 = tpu.bitcast %and3A_473 : vector<400x128xi32> -> vector<400x128xf32>
    %mul3A_475 = arith.mulf %slice3A_11, %bitcast_convert_type3A_470 : vector<400x128xf32>
    %mul3A_476 = arith.mulf %slice3A_12, %bitcast_convert_type3A_474 : vector<400x128xf32>
    %add3A_477 = arith.addf %mul3A_475, %mul3A_476 : vector<400x128xf32>
    %reduce_sum3A_478 = arith.constant dense<0.000000e+00> : vector<400xf32>
    %reduce_sum3A_479 = vector.multi_reduction <add>, %add3A_477, %reduce_sum3A_478 [1] : vector<400x128xf32> to vector<400xf32>
    %broadcast_in_dim3A_480 = vector.shape_cast %reduce_sum3A_479 : vector<400xf32> to vector<400x1xf32>
    %get3A_481 = arith.constant 25 : index
    %get3A_482 = arith.constant 0 : index
    %get3A_483 = arith.constant 0 : index
    %get3A_484 = vector.load %arg2[%get3A_481, %get3A_482, %get3A_483] : memref<32x400x128xi32, #tpu.memory_space<vmem>>, vector<1x400x128xi32>
    %get3A_485 = vector.shape_cast %get3A_484 : vector<1x400x128xi32> to vector<400x128xi32>
    %shift_left3A_486 = arith.constant 16 : i32
    %shift_left3A_487 = vector.broadcast %shift_left3A_486 : i32 to vector<400x128xi32>
    %shift_left3A_488 = arith.shli %get3A_485, %shift_left3A_487 : vector<400x128xi32>
    %bitcast_convert_type3A_489 = tpu.bitcast %shift_left3A_488 : vector<400x128xi32> -> vector<400x128xf32>
    %and3A_490 = arith.constant -65536 : i32
    %and3A_491 = vector.broadcast %and3A_490 : i32 to vector<400x128xi32>
    %and3A_492 = arith.andi %get3A_485, %and3A_491 : vector<400x128xi32>
    %bitcast_convert_type3A_493 = tpu.bitcast %and3A_492 : vector<400x128xi32> -> vector<400x128xf32>
    %mul3A_494 = arith.mulf %slice3A_11, %bitcast_convert_type3A_489 : vector<400x128xf32>
    %mul3A_495 = arith.mulf %slice3A_12, %bitcast_convert_type3A_493 : vector<400x128xf32>
    %add3A_496 = arith.addf %mul3A_494, %mul3A_495 : vector<400x128xf32>
    %reduce_sum3A_497 = arith.constant dense<0.000000e+00> : vector<400xf32>
    %reduce_sum3A_498 = vector.multi_reduction <add>, %add3A_496, %reduce_sum3A_497 [1] : vector<400x128xf32> to vector<400xf32>
    %broadcast_in_dim3A_499 = vector.shape_cast %reduce_sum3A_498 : vector<400xf32> to vector<400x1xf32>
    %get3A_500 = arith.constant 26 : index
    %get3A_501 = arith.constant 0 : index
    %get3A_502 = arith.constant 0 : index
    %get3A_503 = vector.load %arg2[%get3A_500, %get3A_501, %get3A_502] : memref<32x400x128xi32, #tpu.memory_space<vmem>>, vector<1x400x128xi32>
    %get3A_504 = vector.shape_cast %get3A_503 : vector<1x400x128xi32> to vector<400x128xi32>
    %shift_left3A_505 = arith.constant 16 : i32
    %shift_left3A_506 = vector.broadcast %shift_left3A_505 : i32 to vector<400x128xi32>
    %shift_left3A_507 = arith.shli %get3A_504, %shift_left3A_506 : vector<400x128xi32>
    %bitcast_convert_type3A_508 = tpu.bitcast %shift_left3A_507 : vector<400x128xi32> -> vector<400x128xf32>
    %and3A_509 = arith.constant -65536 : i32
    %and3A_510 = vector.broadcast %and3A_509 : i32 to vector<400x128xi32>
    %and3A_511 = arith.andi %get3A_504, %and3A_510 : vector<400x128xi32>
    %bitcast_convert_type3A_512 = tpu.bitcast %and3A_511 : vector<400x128xi32> -> vector<400x128xf32>
    %mul3A_513 = arith.mulf %slice3A_11, %bitcast_convert_type3A_508 : vector<400x128xf32>
    %mul3A_514 = arith.mulf %slice3A_12, %bitcast_convert_type3A_512 : vector<400x128xf32>
    %add3A_515 = arith.addf %mul3A_513, %mul3A_514 : vector<400x128xf32>
    %reduce_sum3A_516 = arith.constant dense<0.000000e+00> : vector<400xf32>
    %reduce_sum3A_517 = vector.multi_reduction <add>, %add3A_515, %reduce_sum3A_516 [1] : vector<400x128xf32> to vector<400xf32>
    %broadcast_in_dim3A_518 = vector.shape_cast %reduce_sum3A_517 : vector<400xf32> to vector<400x1xf32>
    %get3A_519 = arith.constant 27 : index
    %get3A_520 = arith.constant 0 : index
    %get3A_521 = arith.constant 0 : index
    %get3A_522 = vector.load %arg2[%get3A_519, %get3A_520, %get3A_521] : memref<32x400x128xi32, #tpu.memory_space<vmem>>, vector<1x400x128xi32>
    %get3A_523 = vector.shape_cast %get3A_522 : vector<1x400x128xi32> to vector<400x128xi32>
    %shift_left3A_524 = arith.constant 16 : i32
    %shift_left3A_525 = vector.broadcast %shift_left3A_524 : i32 to vector<400x128xi32>
    %shift_left3A_526 = arith.shli %get3A_523, %shift_left3A_525 : vector<400x128xi32>
    %bitcast_convert_type3A_527 = tpu.bitcast %shift_left3A_526 : vector<400x128xi32> -> vector<400x128xf32>
    %and3A_528 = arith.constant -65536 : i32
    %and3A_529 = vector.broadcast %and3A_528 : i32 to vector<400x128xi32>
    %and3A_530 = arith.andi %get3A_523, %and3A_529 : vector<400x128xi32>
    %bitcast_convert_type3A_531 = tpu.bitcast %and3A_530 : vector<400x128xi32> -> vector<400x128xf32>
    %mul3A_532 = arith.mulf %slice3A_11, %bitcast_convert_type3A_527 : vector<400x128xf32>
    %mul3A_533 = arith.mulf %slice3A_12, %bitcast_convert_type3A_531 : vector<400x128xf32>
    %add3A_534 = arith.addf %mul3A_532, %mul3A_533 : vector<400x128xf32>
    %reduce_sum3A_535 = arith.constant dense<0.000000e+00> : vector<400xf32>
    %reduce_sum3A_536 = vector.multi_reduction <add>, %add3A_534, %reduce_sum3A_535 [1] : vector<400x128xf32> to vector<400xf32>
    %broadcast_in_dim3A_537 = vector.shape_cast %reduce_sum3A_536 : vector<400xf32> to vector<400x1xf32>
    %get3A_538 = arith.constant 28 : index
    %get3A_539 = arith.constant 0 : index
    %get3A_540 = arith.constant 0 : index
    %get3A_541 = vector.load %arg2[%get3A_538, %get3A_539, %get3A_540] : memref<32x400x128xi32, #tpu.memory_space<vmem>>, vector<1x400x128xi32>
    %get3A_542 = vector.shape_cast %get3A_541 : vector<1x400x128xi32> to vector<400x128xi32>
    %shift_left3A_543 = arith.constant 16 : i32
    %shift_left3A_544 = vector.broadcast %shift_left3A_543 : i32 to vector<400x128xi32>
    %shift_left3A_545 = arith.shli %get3A_542, %shift_left3A_544 : vector<400x128xi32>
    %bitcast_convert_type3A_546 = tpu.bitcast %shift_left3A_545 : vector<400x128xi32> -> vector<400x128xf32>
    %and3A_547 = arith.constant -65536 : i32
    %and3A_548 = vector.broadcast %and3A_547 : i32 to vector<400x128xi32>
    %and3A_549 = arith.andi %get3A_542, %and3A_548 : vector<400x128xi32>
    %bitcast_convert_type3A_550 = tpu.bitcast %and3A_549 : vector<400x128xi32> -> vector<400x128xf32>
    %mul3A_551 = arith.mulf %slice3A_11, %bitcast_convert_type3A_546 : vector<400x128xf32>
    %mul3A_552 = arith.mulf %slice3A_12, %bitcast_convert_type3A_550 : vector<400x128xf32>
    %add3A_553 = arith.addf %mul3A_551, %mul3A_552 : vector<400x128xf32>
    %reduce_sum3A_554 = arith.constant dense<0.000000e+00> : vector<400xf32>
    %reduce_sum3A_555 = vector.multi_reduction <add>, %add3A_553, %reduce_sum3A_554 [1] : vector<400x128xf32> to vector<400xf32>
    %broadcast_in_dim3A_556 = vector.shape_cast %reduce_sum3A_555 : vector<400xf32> to vector<400x1xf32>
    %get3A_557 = arith.constant 29 : index
    %get3A_558 = arith.constant 0 : index
    %get3A_559 = arith.constant 0 : index
    %get3A_560 = vector.load %arg2[%get3A_557, %get3A_558, %get3A_559] : memref<32x400x128xi32, #tpu.memory_space<vmem>>, vector<1x400x128xi32>
    %get3A_561 = vector.shape_cast %get3A_560 : vector<1x400x128xi32> to vector<400x128xi32>
    %shift_left3A_562 = arith.constant 16 : i32
    %shift_left3A_563 = vector.broadcast %shift_left3A_562 : i32 to vector<400x128xi32>
    %shift_left3A_564 = arith.shli %get3A_561, %shift_left3A_563 : vector<400x128xi32>
    %bitcast_convert_type3A_565 = tpu.bitcast %shift_left3A_564 : vector<400x128xi32> -> vector<400x128xf32>
    %and3A_566 = arith.constant -65536 : i32
    %and3A_567 = vector.broadcast %and3A_566 : i32 to vector<400x128xi32>
    %and3A_568 = arith.andi %get3A_561, %and3A_567 : vector<400x128xi32>
    %bitcast_convert_type3A_569 = tpu.bitcast %and3A_568 : vector<400x128xi32> -> vector<400x128xf32>
    %mul3A_570 = arith.mulf %slice3A_11, %bitcast_convert_type3A_565 : vector<400x128xf32>
    %mul3A_571 = arith.mulf %slice3A_12, %bitcast_convert_type3A_569 : vector<400x128xf32>
    %add3A_572 = arith.addf %mul3A_570, %mul3A_571 : vector<400x128xf32>
    %reduce_sum3A_573 = arith.constant dense<0.000000e+00> : vector<400xf32>
    %reduce_sum3A_574 = vector.multi_reduction <add>, %add3A_572, %reduce_sum3A_573 [1] : vector<400x128xf32> to vector<400xf32>
    %broadcast_in_dim3A_575 = vector.shape_cast %reduce_sum3A_574 : vector<400xf32> to vector<400x1xf32>
    %get3A_576 = arith.constant 30 : index
    %get3A_577 = arith.constant 0 : index
    %get3A_578 = arith.constant 0 : index
    %get3A_579 = vector.load %arg2[%get3A_576, %get3A_577, %get3A_578] : memref<32x400x128xi32, #tpu.memory_space<vmem>>, vector<1x400x128xi32>
    %get3A_580 = vector.shape_cast %get3A_579 : vector<1x400x128xi32> to vector<400x128xi32>
    %shift_left3A_581 = arith.constant 16 : i32
    %shift_left3A_582 = vector.broadcast %shift_left3A_581 : i32 to vector<400x128xi32>
    %shift_left3A_583 = arith.shli %get3A_580, %shift_left3A_582 : vector<400x128xi32>
    %bitcast_convert_type3A_584 = tpu.bitcast %shift_left3A_583 : vector<400x128xi32> -> vector<400x128xf32>
    %and3A_585 = arith.constant -65536 : i32
    %and3A_586 = vector.broadcast %and3A_585 : i32 to vector<400x128xi32>
    %and3A_587 = arith.andi %get3A_580, %and3A_586 : vector<400x128xi32>
    %bitcast_convert_type3A_588 = tpu.bitcast %and3A_587 : vector<400x128xi32> -> vector<400x128xf32>
    %mul3A_589 = arith.mulf %slice3A_11, %bitcast_convert_type3A_584 : vector<400x128xf32>
    %mul3A_590 = arith.mulf %slice3A_12, %bitcast_convert_type3A_588 : vector<400x128xf32>
    %add3A_591 = arith.addf %mul3A_589, %mul3A_590 : vector<400x128xf32>
    %reduce_sum3A_592 = arith.constant dense<0.000000e+00> : vector<400xf32>
    %reduce_sum3A_593 = vector.multi_reduction <add>, %add3A_591, %reduce_sum3A_592 [1] : vector<400x128xf32> to vector<400xf32>
    %broadcast_in_dim3A_594 = vector.shape_cast %reduce_sum3A_593 : vector<400xf32> to vector<400x1xf32>
    %get3A_595 = arith.constant 31 : index
    %get3A_596 = arith.constant 0 : index
    %get3A_597 = arith.constant 0 : index
    %get3A_598 = vector.load %arg2[%get3A_595, %get3A_596, %get3A_597] : memref<32x400x128xi32, #tpu.memory_space<vmem>>, vector<1x400x128xi32>
    %get3A_599 = vector.shape_cast %get3A_598 : vector<1x400x128xi32> to vector<400x128xi32>
    %shift_left3A_600 = arith.constant 16 : i32
    %shift_left3A_601 = vector.broadcast %shift_left3A_600 : i32 to vector<400x128xi32>
    %shift_left3A_602 = arith.shli %get3A_599, %shift_left3A_601 : vector<400x128xi32>
    %bitcast_convert_type3A_603 = tpu.bitcast %shift_left3A_602 : vector<400x128xi32> -> vector<400x128xf32>
    %and3A_604 = arith.constant -65536 : i32
    %and3A_605 = vector.broadcast %and3A_604 : i32 to vector<400x128xi32>
    %and3A_606 = arith.andi %get3A_599, %and3A_605 : vector<400x128xi32>
    %bitcast_convert_type3A_607 = tpu.bitcast %and3A_606 : vector<400x128xi32> -> vector<400x128xf32>
    %mul3A_608 = arith.mulf %slice3A_11, %bitcast_convert_type3A_603 : vector<400x128xf32>
    %mul3A_609 = arith.mulf %slice3A_12, %bitcast_convert_type3A_607 : vector<400x128xf32>
    %add3A_610 = arith.addf %mul3A_608, %mul3A_609 : vector<400x128xf32>
    %reduce_sum3A_611 = arith.constant dense<0.000000e+00> : vector<400xf32>
    %reduce_sum3A_612 = vector.multi_reduction <add>, %add3A_610, %reduce_sum3A_611 [1] : vector<400x128xf32> to vector<400xf32>
    %broadcast_in_dim3A_613 = vector.shape_cast %reduce_sum3A_612 : vector<400xf32> to vector<400x1xf32>
    %concatenate3A = tpu.concatenate %broadcast_in_dim3A, %broadcast_in_dim3A_43, %broadcast_in_dim3A_62, %broadcast_in_dim3A_81, %broadcast_in_dim3A_100, %broadcast_in_dim3A_119, %broadcast_in_dim3A_138, %broadcast_in_dim3A_157, %broadcast_in_dim3A_176, %broadcast_in_dim3A_195, %broadcast_in_dim3A_214, %broadcast_in_dim3A_233, %broadcast_in_dim3A_252, %broadcast_in_dim3A_271, %broadcast_in_dim3A_290, %broadcast_in_dim3A_309, %broadcast_in_dim3A_328, %broadcast_in_dim3A_347, %broadcast_in_dim3A_366, %broadcast_in_dim3A_385, %broadcast_in_dim3A_404, %broadcast_in_dim3A_423, %broadcast_in_dim3A_442, %broadcast_in_dim3A_461, %broadcast_in_dim3A_480, %broadcast_in_dim3A_499, %broadcast_in_dim3A_518, %broadcast_in_dim3A_537, %broadcast_in_dim3A_556, %broadcast_in_dim3A_575, %broadcast_in_dim3A_594, %broadcast_in_dim3A_613 in 1 : vector<400x1xf32>, vector<400x1xf32>, vector<400x1xf32>, vector<400x1xf32>, vector<400x1xf32>, vector<400x1xf32>, vector<400x1xf32>, vector<400x1xf32>, vector<400x1xf32>, vector<400x1xf32>, vector<400x1xf32>, vector<400x1xf32>, vector<400x1xf32>, vector<400x1xf32>, vector<400x1xf32>, vector<400x1xf32>, vector<400x1xf32>, vector<400x1xf32>, vector<400x1xf32>, vector<400x1xf32>, vector<400x1xf32>, vector<400x1xf32>, vector<400x1xf32>, vector<400x1xf32>, vector<400x1xf32>, vector<400x1xf32>, vector<400x1xf32>, vector<400x1xf32>, vector<400x1xf32>, vector<400x1xf32>, vector<400x1xf32>, vector<400x1xf32> -> vector<400x32xf32>
    %mul3A_614 = arith.constant 6.250000e-02 : f32
    %mul3A_615 = vector.broadcast %mul3A_614 : f32 to vector<400x32xf32>
    %mul3A_616 = arith.mulf %concatenate3A, %mul3A_615 : vector<400x32xf32>
    %reduce_max3A = arith.constant dense<0xFF800000> : vector<400xf32>
    %reduce_max3A_617 = vector.multi_reduction <maximumf>, %mul3A_616, %reduce_max3A [1] : vector<400x32xf32> to vector<400xf32>
    %broadcast_in_dim3A_618 = vector.shape_cast %reduce_max3A_617 : vector<400xf32> to vector<400x1xf32>
    %sub3A = vector.broadcast %broadcast_in_dim3A_618 : vector<400x1xf32> to vector<400x32xf32>
    %sub3A_619 = arith.subf %mul3A_616, %sub3A : vector<400x32xf32>
    %exp3A = math.exp %sub3A_619 : vector<400x32xf32>
    %reduce_sum3A_620 = arith.constant dense<0.000000e+00> : vector<400xf32>
    %reduce_sum3A_621 = vector.multi_reduction <add>, %exp3A, %reduce_sum3A_620 [1] : vector<400x32xf32> to vector<400xf32>
    %broadcast_in_dim3A_622 = vector.shape_cast %reduce_sum3A_621 : vector<400xf32> to vector<400x1xf32>
    %div3A = vector.broadcast %broadcast_in_dim3A_622 : vector<400x1xf32> to vector<400x32xf32>
    %div3A_623 = arith.divf %exp3A, %div3A : vector<400x32xf32>
    %get3A_624 = arith.constant 0 : index
    %get3A_625 = arith.constant 0 : index
    %get3A_626 = arith.constant 0 : index
    %get3A_627 = vector.load %arg2[%get3A_624, %get3A_625, %get3A_626] : memref<32x400x128xi32, #tpu.memory_space<vmem>>, vector<1x400x128xi32>
    %get3A_628 = vector.shape_cast %get3A_627 : vector<1x400x128xi32> to vector<400x128xi32>
    %shift_left3A_629 = arith.constant 16 : i32
    %shift_left3A_630 = vector.broadcast %shift_left3A_629 : i32 to vector<400x128xi32>
    %shift_left3A_631 = arith.shli %get3A_628, %shift_left3A_630 : vector<400x128xi32>
    %bitcast_convert_type3A_632 = tpu.bitcast %shift_left3A_631 : vector<400x128xi32> -> vector<400x128xf32>
    %and3A_633 = arith.constant -65536 : i32
    %and3A_634 = vector.broadcast %and3A_633 : i32 to vector<400x128xi32>
    %and3A_635 = arith.andi %get3A_628, %and3A_634 : vector<400x128xi32>
    %bitcast_convert_type3A_636 = tpu.bitcast %and3A_635 : vector<400x128xi32> -> vector<400x128xf32>
    %slice3A_637 = vector.extract_strided_slice %div3A_623 {offsets = [0, 0], sizes = [400, 1], strides = [1, 1]} : vector<400x32xf32> to vector<400x1xf32>
    %mul3A_638 = vector.broadcast %slice3A_637 : vector<400x1xf32> to vector<400x128xf32>
    %mul3A_639 = arith.mulf %mul3A_638, %bitcast_convert_type3A_632 : vector<400x128xf32>
    %slice3A_640 = vector.extract_strided_slice %div3A_623 {offsets = [0, 0], sizes = [400, 1], strides = [1, 1]} : vector<400x32xf32> to vector<400x1xf32>
    %mul3A_641 = vector.broadcast %slice3A_640 : vector<400x1xf32> to vector<400x128xf32>
    %mul3A_642 = arith.mulf %mul3A_641, %bitcast_convert_type3A_636 : vector<400x128xf32>
    %get3A_643 = arith.constant 1 : index
    %get3A_644 = arith.constant 0 : index
    %get3A_645 = arith.constant 0 : index
    %get3A_646 = vector.load %arg2[%get3A_643, %get3A_644, %get3A_645] : memref<32x400x128xi32, #tpu.memory_space<vmem>>, vector<1x400x128xi32>
    %get3A_647 = vector.shape_cast %get3A_646 : vector<1x400x128xi32> to vector<400x128xi32>
    %shift_left3A_648 = arith.constant 16 : i32
    %shift_left3A_649 = vector.broadcast %shift_left3A_648 : i32 to vector<400x128xi32>
    %shift_left3A_650 = arith.shli %get3A_647, %shift_left3A_649 : vector<400x128xi32>
    %bitcast_convert_type3A_651 = tpu.bitcast %shift_left3A_650 : vector<400x128xi32> -> vector<400x128xf32>
    %and3A_652 = arith.constant -65536 : i32
    %and3A_653 = vector.broadcast %and3A_652 : i32 to vector<400x128xi32>
    %and3A_654 = arith.andi %get3A_647, %and3A_653 : vector<400x128xi32>
    %bitcast_convert_type3A_655 = tpu.bitcast %and3A_654 : vector<400x128xi32> -> vector<400x128xf32>
    %slice3A_656 = vector.extract_strided_slice %div3A_623 {offsets = [0, 1], sizes = [400, 1], strides = [1, 1]} : vector<400x32xf32> to vector<400x1xf32>
    %mul3A_657 = vector.broadcast %slice3A_656 : vector<400x1xf32> to vector<400x128xf32>
    %mul3A_658 = arith.mulf %mul3A_657, %bitcast_convert_type3A_651 : vector<400x128xf32>
    %add3A_659 = arith.addf %mul3A_639, %mul3A_658 : vector<400x128xf32>
    %slice3A_660 = vector.extract_strided_slice %div3A_623 {offsets = [0, 1], sizes = [400, 1], strides = [1, 1]} : vector<400x32xf32> to vector<400x1xf32>
    %mul3A_661 = vector.broadcast %slice3A_660 : vector<400x1xf32> to vector<400x128xf32>
    %mul3A_662 = arith.mulf %mul3A_661, %bitcast_convert_type3A_655 : vector<400x128xf32>
    %add3A_663 = arith.addf %mul3A_642, %mul3A_662 : vector<400x128xf32>
    %get3A_664 = arith.constant 2 : index
    %get3A_665 = arith.constant 0 : index
    %get3A_666 = arith.constant 0 : index
    %get3A_667 = vector.load %arg2[%get3A_664, %get3A_665, %get3A_666] : memref<32x400x128xi32, #tpu.memory_space<vmem>>, vector<1x400x128xi32>
    %get3A_668 = vector.shape_cast %get3A_667 : vector<1x400x128xi32> to vector<400x128xi32>
    %shift_left3A_669 = arith.constant 16 : i32
    %shift_left3A_670 = vector.broadcast %shift_left3A_669 : i32 to vector<400x128xi32>
    %shift_left3A_671 = arith.shli %get3A_668, %shift_left3A_670 : vector<400x128xi32>
    %bitcast_convert_type3A_672 = tpu.bitcast %shift_left3A_671 : vector<400x128xi32> -> vector<400x128xf32>
    %and3A_673 = arith.constant -65536 : i32
    %and3A_674 = vector.broadcast %and3A_673 : i32 to vector<400x128xi32>
    %and3A_675 = arith.andi %get3A_668, %and3A_674 : vector<400x128xi32>
    %bitcast_convert_type3A_676 = tpu.bitcast %and3A_675 : vector<400x128xi32> -> vector<400x128xf32>
    %slice3A_677 = vector.extract_strided_slice %div3A_623 {offsets = [0, 2], sizes = [400, 1], strides = [1, 1]} : vector<400x32xf32> to vector<400x1xf32>
    %mul3A_678 = vector.broadcast %slice3A_677 : vector<400x1xf32> to vector<400x128xf32>
    %mul3A_679 = arith.mulf %mul3A_678, %bitcast_convert_type3A_672 : vector<400x128xf32>
    %add3A_680 = arith.addf %add3A_659, %mul3A_679 : vector<400x128xf32>
    %slice3A_681 = vector.extract_strided_slice %div3A_623 {offsets = [0, 2], sizes = [400, 1], strides = [1, 1]} : vector<400x32xf32> to vector<400x1xf32>
    %mul3A_682 = vector.broadcast %slice3A_681 : vector<400x1xf32> to vector<400x128xf32>
    %mul3A_683 = arith.mulf %mul3A_682, %bitcast_convert_type3A_676 : vector<400x128xf32>
    %add3A_684 = arith.addf %add3A_663, %mul3A_683 : vector<400x128xf32>
    %get3A_685 = arith.constant 3 : index
    %get3A_686 = arith.constant 0 : index
    %get3A_687 = arith.constant 0 : index
    %get3A_688 = vector.load %arg2[%get3A_685, %get3A_686, %get3A_687] : memref<32x400x128xi32, #tpu.memory_space<vmem>>, vector<1x400x128xi32>
    %get3A_689 = vector.shape_cast %get3A_688 : vector<1x400x128xi32> to vector<400x128xi32>
    %shift_left3A_690 = arith.constant 16 : i32
    %shift_left3A_691 = vector.broadcast %shift_left3A_690 : i32 to vector<400x128xi32>
    %shift_left3A_692 = arith.shli %get3A_689, %shift_left3A_691 : vector<400x128xi32>
    %bitcast_convert_type3A_693 = tpu.bitcast %shift_left3A_692 : vector<400x128xi32> -> vector<400x128xf32>
    %and3A_694 = arith.constant -65536 : i32
    %and3A_695 = vector.broadcast %and3A_694 : i32 to vector<400x128xi32>
    %and3A_696 = arith.andi %get3A_689, %and3A_695 : vector<400x128xi32>
    %bitcast_convert_type3A_697 = tpu.bitcast %and3A_696 : vector<400x128xi32> -> vector<400x128xf32>
    %slice3A_698 = vector.extract_strided_slice %div3A_623 {offsets = [0, 3], sizes = [400, 1], strides = [1, 1]} : vector<400x32xf32> to vector<400x1xf32>
    %mul3A_699 = vector.broadcast %slice3A_698 : vector<400x1xf32> to vector<400x128xf32>
    %mul3A_700 = arith.mulf %mul3A_699, %bitcast_convert_type3A_693 : vector<400x128xf32>
    %add3A_701 = arith.addf %add3A_680, %mul3A_700 : vector<400x128xf32>
    %slice3A_702 = vector.extract_strided_slice %div3A_623 {offsets = [0, 3], sizes = [400, 1], strides = [1, 1]} : vector<400x32xf32> to vector<400x1xf32>
    %mul3A_703 = vector.broadcast %slice3A_702 : vector<400x1xf32> to vector<400x128xf32>
    %mul3A_704 = arith.mulf %mul3A_703, %bitcast_convert_type3A_697 : vector<400x128xf32>
    %add3A_705 = arith.addf %add3A_684, %mul3A_704 : vector<400x128xf32>
    %get3A_706 = arith.constant 4 : index
    %get3A_707 = arith.constant 0 : index
    %get3A_708 = arith.constant 0 : index
    %get3A_709 = vector.load %arg2[%get3A_706, %get3A_707, %get3A_708] : memref<32x400x128xi32, #tpu.memory_space<vmem>>, vector<1x400x128xi32>
    %get3A_710 = vector.shape_cast %get3A_709 : vector<1x400x128xi32> to vector<400x128xi32>
    %shift_left3A_711 = arith.constant 16 : i32
    %shift_left3A_712 = vector.broadcast %shift_left3A_711 : i32 to vector<400x128xi32>
    %shift_left3A_713 = arith.shli %get3A_710, %shift_left3A_712 : vector<400x128xi32>
    %bitcast_convert_type3A_714 = tpu.bitcast %shift_left3A_713 : vector<400x128xi32> -> vector<400x128xf32>
    %and3A_715 = arith.constant -65536 : i32
    %and3A_716 = vector.broadcast %and3A_715 : i32 to vector<400x128xi32>
    %and3A_717 = arith.andi %get3A_710, %and3A_716 : vector<400x128xi32>
    %bitcast_convert_type3A_718 = tpu.bitcast %and3A_717 : vector<400x128xi32> -> vector<400x128xf32>
    %slice3A_719 = vector.extract_strided_slice %div3A_623 {offsets = [0, 4], sizes = [400, 1], strides = [1, 1]} : vector<400x32xf32> to vector<400x1xf32>
    %mul3A_720 = vector.broadcast %slice3A_719 : vector<400x1xf32> to vector<400x128xf32>
    %mul3A_721 = arith.mulf %mul3A_720, %bitcast_convert_type3A_714 : vector<400x128xf32>
    %add3A_722 = arith.addf %add3A_701, %mul3A_721 : vector<400x128xf32>
    %slice3A_723 = vector.extract_strided_slice %div3A_623 {offsets = [0, 4], sizes = [400, 1], strides = [1, 1]} : vector<400x32xf32> to vector<400x1xf32>
    %mul3A_724 = vector.broadcast %slice3A_723 : vector<400x1xf32> to vector<400x128xf32>
    %mul3A_725 = arith.mulf %mul3A_724, %bitcast_convert_type3A_718 : vector<400x128xf32>
    %add3A_726 = arith.addf %add3A_705, %mul3A_725 : vector<400x128xf32>
    %get3A_727 = arith.constant 5 : index
    %get3A_728 = arith.constant 0 : index
    %get3A_729 = arith.constant 0 : index
    %get3A_730 = vector.load %arg2[%get3A_727, %get3A_728, %get3A_729] : memref<32x400x128xi32, #tpu.memory_space<vmem>>, vector<1x400x128xi32>
    %get3A_731 = vector.shape_cast %get3A_730 : vector<1x400x128xi32> to vector<400x128xi32>
    %shift_left3A_732 = arith.constant 16 : i32
    %shift_left3A_733 = vector.broadcast %shift_left3A_732 : i32 to vector<400x128xi32>
    %shift_left3A_734 = arith.shli %get3A_731, %shift_left3A_733 : vector<400x128xi32>
    %bitcast_convert_type3A_735 = tpu.bitcast %shift_left3A_734 : vector<400x128xi32> -> vector<400x128xf32>
    %and3A_736 = arith.constant -65536 : i32
    %and3A_737 = vector.broadcast %and3A_736 : i32 to vector<400x128xi32>
    %and3A_738 = arith.andi %get3A_731, %and3A_737 : vector<400x128xi32>
    %bitcast_convert_type3A_739 = tpu.bitcast %and3A_738 : vector<400x128xi32> -> vector<400x128xf32>
    %slice3A_740 = vector.extract_strided_slice %div3A_623 {offsets = [0, 5], sizes = [400, 1], strides = [1, 1]} : vector<400x32xf32> to vector<400x1xf32>
    %mul3A_741 = vector.broadcast %slice3A_740 : vector<400x1xf32> to vector<400x128xf32>
    %mul3A_742 = arith.mulf %mul3A_741, %bitcast_convert_type3A_735 : vector<400x128xf32>
    %add3A_743 = arith.addf %add3A_722, %mul3A_742 : vector<400x128xf32>
    %slice3A_744 = vector.extract_strided_slice %div3A_623 {offsets = [0, 5], sizes = [400, 1], strides = [1, 1]} : vector<400x32xf32> to vector<400x1xf32>
    %mul3A_745 = vector.broadcast %slice3A_744 : vector<400x1xf32> to vector<400x128xf32>
    %mul3A_746 = arith.mulf %mul3A_745, %bitcast_convert_type3A_739 : vector<400x128xf32>
    %add3A_747 = arith.addf %add3A_726, %mul3A_746 : vector<400x128xf32>
    %get3A_748 = arith.constant 6 : index
    %get3A_749 = arith.constant 0 : index
    %get3A_750 = arith.constant 0 : index
    %get3A_751 = vector.load %arg2[%get3A_748, %get3A_749, %get3A_750] : memref<32x400x128xi32, #tpu.memory_space<vmem>>, vector<1x400x128xi32>
    %get3A_752 = vector.shape_cast %get3A_751 : vector<1x400x128xi32> to vector<400x128xi32>
    %shift_left3A_753 = arith.constant 16 : i32
    %shift_left3A_754 = vector.broadcast %shift_left3A_753 : i32 to vector<400x128xi32>
    %shift_left3A_755 = arith.shli %get3A_752, %shift_left3A_754 : vector<400x128xi32>
    %bitcast_convert_type3A_756 = tpu.bitcast %shift_left3A_755 : vector<400x128xi32> -> vector<400x128xf32>
    %and3A_757 = arith.constant -65536 : i32
    %and3A_758 = vector.broadcast %and3A_757 : i32 to vector<400x128xi32>
    %and3A_759 = arith.andi %get3A_752, %and3A_758 : vector<400x128xi32>
    %bitcast_convert_type3A_760 = tpu.bitcast %and3A_759 : vector<400x128xi32> -> vector<400x128xf32>
    %slice3A_761 = vector.extract_strided_slice %div3A_623 {offsets = [0, 6], sizes = [400, 1], strides = [1, 1]} : vector<400x32xf32> to vector<400x1xf32>
    %mul3A_762 = vector.broadcast %slice3A_761 : vector<400x1xf32> to vector<400x128xf32>
    %mul3A_763 = arith.mulf %mul3A_762, %bitcast_convert_type3A_756 : vector<400x128xf32>
    %add3A_764 = arith.addf %add3A_743, %mul3A_763 : vector<400x128xf32>
    %slice3A_765 = vector.extract_strided_slice %div3A_623 {offsets = [0, 6], sizes = [400, 1], strides = [1, 1]} : vector<400x32xf32> to vector<400x1xf32>
    %mul3A_766 = vector.broadcast %slice3A_765 : vector<400x1xf32> to vector<400x128xf32>
    %mul3A_767 = arith.mulf %mul3A_766, %bitcast_convert_type3A_760 : vector<400x128xf32>
    %add3A_768 = arith.addf %add3A_747, %mul3A_767 : vector<400x128xf32>
    %get3A_769 = arith.constant 7 : index
    %get3A_770 = arith.constant 0 : index
    %get3A_771 = arith.constant 0 : index
    %get3A_772 = vector.load %arg2[%get3A_769, %get3A_770, %get3A_771] : memref<32x400x128xi32, #tpu.memory_space<vmem>>, vector<1x400x128xi32>
    %get3A_773 = vector.shape_cast %get3A_772 : vector<1x400x128xi32> to vector<400x128xi32>
    %shift_left3A_774 = arith.constant 16 : i32
    %shift_left3A_775 = vector.broadcast %shift_left3A_774 : i32 to vector<400x128xi32>
    %shift_left3A_776 = arith.shli %get3A_773, %shift_left3A_775 : vector<400x128xi32>
    %bitcast_convert_type3A_777 = tpu.bitcast %shift_left3A_776 : vector<400x128xi32> -> vector<400x128xf32>
    %and3A_778 = arith.constant -65536 : i32
    %and3A_779 = vector.broadcast %and3A_778 : i32 to vector<400x128xi32>
    %and3A_780 = arith.andi %get3A_773, %and3A_779 : vector<400x128xi32>
    %bitcast_convert_type3A_781 = tpu.bitcast %and3A_780 : vector<400x128xi32> -> vector<400x128xf32>
    %slice3A_782 = vector.extract_strided_slice %div3A_623 {offsets = [0, 7], sizes = [400, 1], strides = [1, 1]} : vector<400x32xf32> to vector<400x1xf32>
    %mul3A_783 = vector.broadcast %slice3A_782 : vector<400x1xf32> to vector<400x128xf32>
    %mul3A_784 = arith.mulf %mul3A_783, %bitcast_convert_type3A_777 : vector<400x128xf32>
    %add3A_785 = arith.addf %add3A_764, %mul3A_784 : vector<400x128xf32>
    %slice3A_786 = vector.extract_strided_slice %div3A_623 {offsets = [0, 7], sizes = [400, 1], strides = [1, 1]} : vector<400x32xf32> to vector<400x1xf32>
    %mul3A_787 = vector.broadcast %slice3A_786 : vector<400x1xf32> to vector<400x128xf32>
    %mul3A_788 = arith.mulf %mul3A_787, %bitcast_convert_type3A_781 : vector<400x128xf32>
    %add3A_789 = arith.addf %add3A_768, %mul3A_788 : vector<400x128xf32>
    %get3A_790 = arith.constant 8 : index
    %get3A_791 = arith.constant 0 : index
    %get3A_792 = arith.constant 0 : index
    %get3A_793 = vector.load %arg2[%get3A_790, %get3A_791, %get3A_792] : memref<32x400x128xi32, #tpu.memory_space<vmem>>, vector<1x400x128xi32>
    %get3A_794 = vector.shape_cast %get3A_793 : vector<1x400x128xi32> to vector<400x128xi32>
    %shift_left3A_795 = arith.constant 16 : i32
    %shift_left3A_796 = vector.broadcast %shift_left3A_795 : i32 to vector<400x128xi32>
    %shift_left3A_797 = arith.shli %get3A_794, %shift_left3A_796 : vector<400x128xi32>
    %bitcast_convert_type3A_798 = tpu.bitcast %shift_left3A_797 : vector<400x128xi32> -> vector<400x128xf32>
    %and3A_799 = arith.constant -65536 : i32
    %and3A_800 = vector.broadcast %and3A_799 : i32 to vector<400x128xi32>
    %and3A_801 = arith.andi %get3A_794, %and3A_800 : vector<400x128xi32>
    %bitcast_convert_type3A_802 = tpu.bitcast %and3A_801 : vector<400x128xi32> -> vector<400x128xf32>
    %slice3A_803 = vector.extract_strided_slice %div3A_623 {offsets = [0, 8], sizes = [400, 1], strides = [1, 1]} : vector<400x32xf32> to vector<400x1xf32>
    %mul3A_804 = vector.broadcast %slice3A_803 : vector<400x1xf32> to vector<400x128xf32>
    %mul3A_805 = arith.mulf %mul3A_804, %bitcast_convert_type3A_798 : vector<400x128xf32>
    %add3A_806 = arith.addf %add3A_785, %mul3A_805 : vector<400x128xf32>
    %slice3A_807 = vector.extract_strided_slice %div3A_623 {offsets = [0, 8], sizes = [400, 1], strides = [1, 1]} : vector<400x32xf32> to vector<400x1xf32>
    %mul3A_808 = vector.broadcast %slice3A_807 : vector<400x1xf32> to vector<400x128xf32>
    %mul3A_809 = arith.mulf %mul3A_808, %bitcast_convert_type3A_802 : vector<400x128xf32>
    %add3A_810 = arith.addf %add3A_789, %mul3A_809 : vector<400x128xf32>
    %get3A_811 = arith.constant 9 : index
    %get3A_812 = arith.constant 0 : index
    %get3A_813 = arith.constant 0 : index
    %get3A_814 = vector.load %arg2[%get3A_811, %get3A_812, %get3A_813] : memref<32x400x128xi32, #tpu.memory_space<vmem>>, vector<1x400x128xi32>
    %get3A_815 = vector.shape_cast %get3A_814 : vector<1x400x128xi32> to vector<400x128xi32>
    %shift_left3A_816 = arith.constant 16 : i32
    %shift_left3A_817 = vector.broadcast %shift_left3A_816 : i32 to vector<400x128xi32>
    %shift_left3A_818 = arith.shli %get3A_815, %shift_left3A_817 : vector<400x128xi32>
    %bitcast_convert_type3A_819 = tpu.bitcast %shift_left3A_818 : vector<400x128xi32> -> vector<400x128xf32>
    %and3A_820 = arith.constant -65536 : i32
    %and3A_821 = vector.broadcast %and3A_820 : i32 to vector<400x128xi32>
    %and3A_822 = arith.andi %get3A_815, %and3A_821 : vector<400x128xi32>
    %bitcast_convert_type3A_823 = tpu.bitcast %and3A_822 : vector<400x128xi32> -> vector<400x128xf32>
    %slice3A_824 = vector.extract_strided_slice %div3A_623 {offsets = [0, 9], sizes = [400, 1], strides = [1, 1]} : vector<400x32xf32> to vector<400x1xf32>
    %mul3A_825 = vector.broadcast %slice3A_824 : vector<400x1xf32> to vector<400x128xf32>
    %mul3A_826 = arith.mulf %mul3A_825, %bitcast_convert_type3A_819 : vector<400x128xf32>
    %add3A_827 = arith.addf %add3A_806, %mul3A_826 : vector<400x128xf32>
    %slice3A_828 = vector.extract_strided_slice %div3A_623 {offsets = [0, 9], sizes = [400, 1], strides = [1, 1]} : vector<400x32xf32> to vector<400x1xf32>
    %mul3A_829 = vector.broadcast %slice3A_828 : vector<400x1xf32> to vector<400x128xf32>
    %mul3A_830 = arith.mulf %mul3A_829, %bitcast_convert_type3A_823 : vector<400x128xf32>
    %add3A_831 = arith.addf %add3A_810, %mul3A_830 : vector<400x128xf32>
    %get3A_832 = arith.constant 10 : index
    %get3A_833 = arith.constant 0 : index
    %get3A_834 = arith.constant 0 : index
    %get3A_835 = vector.load %arg2[%get3A_832, %get3A_833, %get3A_834] : memref<32x400x128xi32, #tpu.memory_space<vmem>>, vector<1x400x128xi32>
    %get3A_836 = vector.shape_cast %get3A_835 : vector<1x400x128xi32> to vector<400x128xi32>
    %shift_left3A_837 = arith.constant 16 : i32
    %shift_left3A_838 = vector.broadcast %shift_left3A_837 : i32 to vector<400x128xi32>
    %shift_left3A_839 = arith.shli %get3A_836, %shift_left3A_838 : vector<400x128xi32>
    %bitcast_convert_type3A_840 = tpu.bitcast %shift_left3A_839 : vector<400x128xi32> -> vector<400x128xf32>
    %and3A_841 = arith.constant -65536 : i32
    %and3A_842 = vector.broadcast %and3A_841 : i32 to vector<400x128xi32>
    %and3A_843 = arith.andi %get3A_836, %and3A_842 : vector<400x128xi32>
    %bitcast_convert_type3A_844 = tpu.bitcast %and3A_843 : vector<400x128xi32> -> vector<400x128xf32>
    %slice3A_845 = vector.extract_strided_slice %div3A_623 {offsets = [0, 10], sizes = [400, 1], strides = [1, 1]} : vector<400x32xf32> to vector<400x1xf32>
    %mul3A_846 = vector.broadcast %slice3A_845 : vector<400x1xf32> to vector<400x128xf32>
    %mul3A_847 = arith.mulf %mul3A_846, %bitcast_convert_type3A_840 : vector<400x128xf32>
    %add3A_848 = arith.addf %add3A_827, %mul3A_847 : vector<400x128xf32>
    %slice3A_849 = vector.extract_strided_slice %div3A_623 {offsets = [0, 10], sizes = [400, 1], strides = [1, 1]} : vector<400x32xf32> to vector<400x1xf32>
    %mul3A_850 = vector.broadcast %slice3A_849 : vector<400x1xf32> to vector<400x128xf32>
    %mul3A_851 = arith.mulf %mul3A_850, %bitcast_convert_type3A_844 : vector<400x128xf32>
    %add3A_852 = arith.addf %add3A_831, %mul3A_851 : vector<400x128xf32>
    %get3A_853 = arith.constant 11 : index
    %get3A_854 = arith.constant 0 : index
    %get3A_855 = arith.constant 0 : index
    %get3A_856 = vector.load %arg2[%get3A_853, %get3A_854, %get3A_855] : memref<32x400x128xi32, #tpu.memory_space<vmem>>, vector<1x400x128xi32>
    %get3A_857 = vector.shape_cast %get3A_856 : vector<1x400x128xi32> to vector<400x128xi32>
    %shift_left3A_858 = arith.constant 16 : i32
    %shift_left3A_859 = vector.broadcast %shift_left3A_858 : i32 to vector<400x128xi32>
    %shift_left3A_860 = arith.shli %get3A_857, %shift_left3A_859 : vector<400x128xi32>
    %bitcast_convert_type3A_861 = tpu.bitcast %shift_left3A_860 : vector<400x128xi32> -> vector<400x128xf32>
    %and3A_862 = arith.constant -65536 : i32
    %and3A_863 = vector.broadcast %and3A_862 : i32 to vector<400x128xi32>
    %and3A_864 = arith.andi %get3A_857, %and3A_863 : vector<400x128xi32>
    %bitcast_convert_type3A_865 = tpu.bitcast %and3A_864 : vector<400x128xi32> -> vector<400x128xf32>
    %slice3A_866 = vector.extract_strided_slice %div3A_623 {offsets = [0, 11], sizes = [400, 1], strides = [1, 1]} : vector<400x32xf32> to vector<400x1xf32>
    %mul3A_867 = vector.broadcast %slice3A_866 : vector<400x1xf32> to vector<400x128xf32>
    %mul3A_868 = arith.mulf %mul3A_867, %bitcast_convert_type3A_861 : vector<400x128xf32>
    %add3A_869 = arith.addf %add3A_848, %mul3A_868 : vector<400x128xf32>
    %slice3A_870 = vector.extract_strided_slice %div3A_623 {offsets = [0, 11], sizes = [400, 1], strides = [1, 1]} : vector<400x32xf32> to vector<400x1xf32>
    %mul3A_871 = vector.broadcast %slice3A_870 : vector<400x1xf32> to vector<400x128xf32>
    %mul3A_872 = arith.mulf %mul3A_871, %bitcast_convert_type3A_865 : vector<400x128xf32>
    %add3A_873 = arith.addf %add3A_852, %mul3A_872 : vector<400x128xf32>
    %get3A_874 = arith.constant 12 : index
    %get3A_875 = arith.constant 0 : index
    %get3A_876 = arith.constant 0 : index
    %get3A_877 = vector.load %arg2[%get3A_874, %get3A_875, %get3A_876] : memref<32x400x128xi32, #tpu.memory_space<vmem>>, vector<1x400x128xi32>
    %get3A_878 = vector.shape_cast %get3A_877 : vector<1x400x128xi32> to vector<400x128xi32>
    %shift_left3A_879 = arith.constant 16 : i32
    %shift_left3A_880 = vector.broadcast %shift_left3A_879 : i32 to vector<400x128xi32>
    %shift_left3A_881 = arith.shli %get3A_878, %shift_left3A_880 : vector<400x128xi32>
    %bitcast_convert_type3A_882 = tpu.bitcast %shift_left3A_881 : vector<400x128xi32> -> vector<400x128xf32>
    %and3A_883 = arith.constant -65536 : i32
    %and3A_884 = vector.broadcast %and3A_883 : i32 to vector<400x128xi32>
    %and3A_885 = arith.andi %get3A_878, %and3A_884 : vector<400x128xi32>
    %bitcast_convert_type3A_886 = tpu.bitcast %and3A_885 : vector<400x128xi32> -> vector<400x128xf32>
    %slice3A_887 = vector.extract_strided_slice %div3A_623 {offsets = [0, 12], sizes = [400, 1], strides = [1, 1]} : vector<400x32xf32> to vector<400x1xf32>
    %mul3A_888 = vector.broadcast %slice3A_887 : vector<400x1xf32> to vector<400x128xf32>
    %mul3A_889 = arith.mulf %mul3A_888, %bitcast_convert_type3A_882 : vector<400x128xf32>
    %add3A_890 = arith.addf %add3A_869, %mul3A_889 : vector<400x128xf32>
    %slice3A_891 = vector.extract_strided_slice %div3A_623 {offsets = [0, 12], sizes = [400, 1], strides = [1, 1]} : vector<400x32xf32> to vector<400x1xf32>
    %mul3A_892 = vector.broadcast %slice3A_891 : vector<400x1xf32> to vector<400x128xf32>
    %mul3A_893 = arith.mulf %mul3A_892, %bitcast_convert_type3A_886 : vector<400x128xf32>
    %add3A_894 = arith.addf %add3A_873, %mul3A_893 : vector<400x128xf32>
    %get3A_895 = arith.constant 13 : index
    %get3A_896 = arith.constant 0 : index
    %get3A_897 = arith.constant 0 : index
    %get3A_898 = vector.load %arg2[%get3A_895, %get3A_896, %get3A_897] : memref<32x400x128xi32, #tpu.memory_space<vmem>>, vector<1x400x128xi32>
    %get3A_899 = vector.shape_cast %get3A_898 : vector<1x400x128xi32> to vector<400x128xi32>
    %shift_left3A_900 = arith.constant 16 : i32
    %shift_left3A_901 = vector.broadcast %shift_left3A_900 : i32 to vector<400x128xi32>
    %shift_left3A_902 = arith.shli %get3A_899, %shift_left3A_901 : vector<400x128xi32>
    %bitcast_convert_type3A_903 = tpu.bitcast %shift_left3A_902 : vector<400x128xi32> -> vector<400x128xf32>
    %and3A_904 = arith.constant -65536 : i32
    %and3A_905 = vector.broadcast %and3A_904 : i32 to vector<400x128xi32>
    %and3A_906 = arith.andi %get3A_899, %and3A_905 : vector<400x128xi32>
    %bitcast_convert_type3A_907 = tpu.bitcast %and3A_906 : vector<400x128xi32> -> vector<400x128xf32>
    %slice3A_908 = vector.extract_strided_slice %div3A_623 {offsets = [0, 13], sizes = [400, 1], strides = [1, 1]} : vector<400x32xf32> to vector<400x1xf32>
    %mul3A_909 = vector.broadcast %slice3A_908 : vector<400x1xf32> to vector<400x128xf32>
    %mul3A_910 = arith.mulf %mul3A_909, %bitcast_convert_type3A_903 : vector<400x128xf32>
    %add3A_911 = arith.addf %add3A_890, %mul3A_910 : vector<400x128xf32>
    %slice3A_912 = vector.extract_strided_slice %div3A_623 {offsets = [0, 13], sizes = [400, 1], strides = [1, 1]} : vector<400x32xf32> to vector<400x1xf32>
    %mul3A_913 = vector.broadcast %slice3A_912 : vector<400x1xf32> to vector<400x128xf32>
    %mul3A_914 = arith.mulf %mul3A_913, %bitcast_convert_type3A_907 : vector<400x128xf32>
    %add3A_915 = arith.addf %add3A_894, %mul3A_914 : vector<400x128xf32>
    %get3A_916 = arith.constant 14 : index
    %get3A_917 = arith.constant 0 : index
    %get3A_918 = arith.constant 0 : index
    %get3A_919 = vector.load %arg2[%get3A_916, %get3A_917, %get3A_918] : memref<32x400x128xi32, #tpu.memory_space<vmem>>, vector<1x400x128xi32>
    %get3A_920 = vector.shape_cast %get3A_919 : vector<1x400x128xi32> to vector<400x128xi32>
    %shift_left3A_921 = arith.constant 16 : i32
    %shift_left3A_922 = vector.broadcast %shift_left3A_921 : i32 to vector<400x128xi32>
    %shift_left3A_923 = arith.shli %get3A_920, %shift_left3A_922 : vector<400x128xi32>
    %bitcast_convert_type3A_924 = tpu.bitcast %shift_left3A_923 : vector<400x128xi32> -> vector<400x128xf32>
    %and3A_925 = arith.constant -65536 : i32
    %and3A_926 = vector.broadcast %and3A_925 : i32 to vector<400x128xi32>
    %and3A_927 = arith.andi %get3A_920, %and3A_926 : vector<400x128xi32>
    %bitcast_convert_type3A_928 = tpu.bitcast %and3A_927 : vector<400x128xi32> -> vector<400x128xf32>
    %slice3A_929 = vector.extract_strided_slice %div3A_623 {offsets = [0, 14], sizes = [400, 1], strides = [1, 1]} : vector<400x32xf32> to vector<400x1xf32>
    %mul3A_930 = vector.broadcast %slice3A_929 : vector<400x1xf32> to vector<400x128xf32>
    %mul3A_931 = arith.mulf %mul3A_930, %bitcast_convert_type3A_924 : vector<400x128xf32>
    %add3A_932 = arith.addf %add3A_911, %mul3A_931 : vector<400x128xf32>
    %slice3A_933 = vector.extract_strided_slice %div3A_623 {offsets = [0, 14], sizes = [400, 1], strides = [1, 1]} : vector<400x32xf32> to vector<400x1xf32>
    %mul3A_934 = vector.broadcast %slice3A_933 : vector<400x1xf32> to vector<400x128xf32>
    %mul3A_935 = arith.mulf %mul3A_934, %bitcast_convert_type3A_928 : vector<400x128xf32>
    %add3A_936 = arith.addf %add3A_915, %mul3A_935 : vector<400x128xf32>
    %get3A_937 = arith.constant 15 : index
    %get3A_938 = arith.constant 0 : index
    %get3A_939 = arith.constant 0 : index
    %get3A_940 = vector.load %arg2[%get3A_937, %get3A_938, %get3A_939] : memref<32x400x128xi32, #tpu.memory_space<vmem>>, vector<1x400x128xi32>
    %get3A_941 = vector.shape_cast %get3A_940 : vector<1x400x128xi32> to vector<400x128xi32>
    %shift_left3A_942 = arith.constant 16 : i32
    %shift_left3A_943 = vector.broadcast %shift_left3A_942 : i32 to vector<400x128xi32>
    %shift_left3A_944 = arith.shli %get3A_941, %shift_left3A_943 : vector<400x128xi32>
    %bitcast_convert_type3A_945 = tpu.bitcast %shift_left3A_944 : vector<400x128xi32> -> vector<400x128xf32>
    %and3A_946 = arith.constant -65536 : i32
    %and3A_947 = vector.broadcast %and3A_946 : i32 to vector<400x128xi32>
    %and3A_948 = arith.andi %get3A_941, %and3A_947 : vector<400x128xi32>
    %bitcast_convert_type3A_949 = tpu.bitcast %and3A_948 : vector<400x128xi32> -> vector<400x128xf32>
    %slice3A_950 = vector.extract_strided_slice %div3A_623 {offsets = [0, 15], sizes = [400, 1], strides = [1, 1]} : vector<400x32xf32> to vector<400x1xf32>
    %mul3A_951 = vector.broadcast %slice3A_950 : vector<400x1xf32> to vector<400x128xf32>
    %mul3A_952 = arith.mulf %mul3A_951, %bitcast_convert_type3A_945 : vector<400x128xf32>
    %add3A_953 = arith.addf %add3A_932, %mul3A_952 : vector<400x128xf32>
    %slice3A_954 = vector.extract_strided_slice %div3A_623 {offsets = [0, 15], sizes = [400, 1], strides = [1, 1]} : vector<400x32xf32> to vector<400x1xf32>
    %mul3A_955 = vector.broadcast %slice3A_954 : vector<400x1xf32> to vector<400x128xf32>
    %mul3A_956 = arith.mulf %mul3A_955, %bitcast_convert_type3A_949 : vector<400x128xf32>
    %add3A_957 = arith.addf %add3A_936, %mul3A_956 : vector<400x128xf32>
    %get3A_958 = arith.constant 16 : index
    %get3A_959 = arith.constant 0 : index
    %get3A_960 = arith.constant 0 : index
    %get3A_961 = vector.load %arg2[%get3A_958, %get3A_959, %get3A_960] : memref<32x400x128xi32, #tpu.memory_space<vmem>>, vector<1x400x128xi32>
    %get3A_962 = vector.shape_cast %get3A_961 : vector<1x400x128xi32> to vector<400x128xi32>
    %shift_left3A_963 = arith.constant 16 : i32
    %shift_left3A_964 = vector.broadcast %shift_left3A_963 : i32 to vector<400x128xi32>
    %shift_left3A_965 = arith.shli %get3A_962, %shift_left3A_964 : vector<400x128xi32>
    %bitcast_convert_type3A_966 = tpu.bitcast %shift_left3A_965 : vector<400x128xi32> -> vector<400x128xf32>
    %and3A_967 = arith.constant -65536 : i32
    %and3A_968 = vector.broadcast %and3A_967 : i32 to vector<400x128xi32>
    %and3A_969 = arith.andi %get3A_962, %and3A_968 : vector<400x128xi32>
    %bitcast_convert_type3A_970 = tpu.bitcast %and3A_969 : vector<400x128xi32> -> vector<400x128xf32>
    %slice3A_971 = vector.extract_strided_slice %div3A_623 {offsets = [0, 16], sizes = [400, 1], strides = [1, 1]} : vector<400x32xf32> to vector<400x1xf32>
    %mul3A_972 = vector.broadcast %slice3A_971 : vector<400x1xf32> to vector<400x128xf32>
    %mul3A_973 = arith.mulf %mul3A_972, %bitcast_convert_type3A_966 : vector<400x128xf32>
    %add3A_974 = arith.addf %add3A_953, %mul3A_973 : vector<400x128xf32>
    %slice3A_975 = vector.extract_strided_slice %div3A_623 {offsets = [0, 16], sizes = [400, 1], strides = [1, 1]} : vector<400x32xf32> to vector<400x1xf32>
    %mul3A_976 = vector.broadcast %slice3A_975 : vector<400x1xf32> to vector<400x128xf32>
    %mul3A_977 = arith.mulf %mul3A_976, %bitcast_convert_type3A_970 : vector<400x128xf32>
    %add3A_978 = arith.addf %add3A_957, %mul3A_977 : vector<400x128xf32>
    %get3A_979 = arith.constant 17 : index
    %get3A_980 = arith.constant 0 : index
    %get3A_981 = arith.constant 0 : index
    %get3A_982 = vector.load %arg2[%get3A_979, %get3A_980, %get3A_981] : memref<32x400x128xi32, #tpu.memory_space<vmem>>, vector<1x400x128xi32>
    %get3A_983 = vector.shape_cast %get3A_982 : vector<1x400x128xi32> to vector<400x128xi32>
    %shift_left3A_984 = arith.constant 16 : i32
    %shift_left3A_985 = vector.broadcast %shift_left3A_984 : i32 to vector<400x128xi32>
    %shift_left3A_986 = arith.shli %get3A_983, %shift_left3A_985 : vector<400x128xi32>
    %bitcast_convert_type3A_987 = tpu.bitcast %shift_left3A_986 : vector<400x128xi32> -> vector<400x128xf32>
    %and3A_988 = arith.constant -65536 : i32
    %and3A_989 = vector.broadcast %and3A_988 : i32 to vector<400x128xi32>
    %and3A_990 = arith.andi %get3A_983, %and3A_989 : vector<400x128xi32>
    %bitcast_convert_type3A_991 = tpu.bitcast %and3A_990 : vector<400x128xi32> -> vector<400x128xf32>
    %slice3A_992 = vector.extract_strided_slice %div3A_623 {offsets = [0, 17], sizes = [400, 1], strides = [1, 1]} : vector<400x32xf32> to vector<400x1xf32>
    %mul3A_993 = vector.broadcast %slice3A_992 : vector<400x1xf32> to vector<400x128xf32>
    %mul3A_994 = arith.mulf %mul3A_993, %bitcast_convert_type3A_987 : vector<400x128xf32>
    %add3A_995 = arith.addf %add3A_974, %mul3A_994 : vector<400x128xf32>
    %slice3A_996 = vector.extract_strided_slice %div3A_623 {offsets = [0, 17], sizes = [400, 1], strides = [1, 1]} : vector<400x32xf32> to vector<400x1xf32>
    %mul3A_997 = vector.broadcast %slice3A_996 : vector<400x1xf32> to vector<400x128xf32>
    %mul3A_998 = arith.mulf %mul3A_997, %bitcast_convert_type3A_991 : vector<400x128xf32>
    %add3A_999 = arith.addf %add3A_978, %mul3A_998 : vector<400x128xf32>
    %get3A_1000 = arith.constant 18 : index
    %get3A_1001 = arith.constant 0 : index
    %get3A_1002 = arith.constant 0 : index
    %get3A_1003 = vector.load %arg2[%get3A_1000, %get3A_1001, %get3A_1002] : memref<32x400x128xi32, #tpu.memory_space<vmem>>, vector<1x400x128xi32>
    %get3A_1004 = vector.shape_cast %get3A_1003 : vector<1x400x128xi32> to vector<400x128xi32>
    %shift_left3A_1005 = arith.constant 16 : i32
    %shift_left3A_1006 = vector.broadcast %shift_left3A_1005 : i32 to vector<400x128xi32>
    %shift_left3A_1007 = arith.shli %get3A_1004, %shift_left3A_1006 : vector<400x128xi32>
    %bitcast_convert_type3A_1008 = tpu.bitcast %shift_left3A_1007 : vector<400x128xi32> -> vector<400x128xf32>
    %and3A_1009 = arith.constant -65536 : i32
    %and3A_1010 = vector.broadcast %and3A_1009 : i32 to vector<400x128xi32>
    %and3A_1011 = arith.andi %get3A_1004, %and3A_1010 : vector<400x128xi32>
    %bitcast_convert_type3A_1012 = tpu.bitcast %and3A_1011 : vector<400x128xi32> -> vector<400x128xf32>
    %slice3A_1013 = vector.extract_strided_slice %div3A_623 {offsets = [0, 18], sizes = [400, 1], strides = [1, 1]} : vector<400x32xf32> to vector<400x1xf32>
    %mul3A_1014 = vector.broadcast %slice3A_1013 : vector<400x1xf32> to vector<400x128xf32>
    %mul3A_1015 = arith.mulf %mul3A_1014, %bitcast_convert_type3A_1008 : vector<400x128xf32>
    %add3A_1016 = arith.addf %add3A_995, %mul3A_1015 : vector<400x128xf32>
    %slice3A_1017 = vector.extract_strided_slice %div3A_623 {offsets = [0, 18], sizes = [400, 1], strides = [1, 1]} : vector<400x32xf32> to vector<400x1xf32>
    %mul3A_1018 = vector.broadcast %slice3A_1017 : vector<400x1xf32> to vector<400x128xf32>
    %mul3A_1019 = arith.mulf %mul3A_1018, %bitcast_convert_type3A_1012 : vector<400x128xf32>
    %add3A_1020 = arith.addf %add3A_999, %mul3A_1019 : vector<400x128xf32>
    %get3A_1021 = arith.constant 19 : index
    %get3A_1022 = arith.constant 0 : index
    %get3A_1023 = arith.constant 0 : index
    %get3A_1024 = vector.load %arg2[%get3A_1021, %get3A_1022, %get3A_1023] : memref<32x400x128xi32, #tpu.memory_space<vmem>>, vector<1x400x128xi32>
    %get3A_1025 = vector.shape_cast %get3A_1024 : vector<1x400x128xi32> to vector<400x128xi32>
    %shift_left3A_1026 = arith.constant 16 : i32
    %shift_left3A_1027 = vector.broadcast %shift_left3A_1026 : i32 to vector<400x128xi32>
    %shift_left3A_1028 = arith.shli %get3A_1025, %shift_left3A_1027 : vector<400x128xi32>
    %bitcast_convert_type3A_1029 = tpu.bitcast %shift_left3A_1028 : vector<400x128xi32> -> vector<400x128xf32>
    %and3A_1030 = arith.constant -65536 : i32
    %and3A_1031 = vector.broadcast %and3A_1030 : i32 to vector<400x128xi32>
    %and3A_1032 = arith.andi %get3A_1025, %and3A_1031 : vector<400x128xi32>
    %bitcast_convert_type3A_1033 = tpu.bitcast %and3A_1032 : vector<400x128xi32> -> vector<400x128xf32>
    %slice3A_1034 = vector.extract_strided_slice %div3A_623 {offsets = [0, 19], sizes = [400, 1], strides = [1, 1]} : vector<400x32xf32> to vector<400x1xf32>
    %mul3A_1035 = vector.broadcast %slice3A_1034 : vector<400x1xf32> to vector<400x128xf32>
    %mul3A_1036 = arith.mulf %mul3A_1035, %bitcast_convert_type3A_1029 : vector<400x128xf32>
    %add3A_1037 = arith.addf %add3A_1016, %mul3A_1036 : vector<400x128xf32>
    %slice3A_1038 = vector.extract_strided_slice %div3A_623 {offsets = [0, 19], sizes = [400, 1], strides = [1, 1]} : vector<400x32xf32> to vector<400x1xf32>
    %mul3A_1039 = vector.broadcast %slice3A_1038 : vector<400x1xf32> to vector<400x128xf32>
    %mul3A_1040 = arith.mulf %mul3A_1039, %bitcast_convert_type3A_1033 : vector<400x128xf32>
    %add3A_1041 = arith.addf %add3A_1020, %mul3A_1040 : vector<400x128xf32>
    %get3A_1042 = arith.constant 20 : index
    %get3A_1043 = arith.constant 0 : index
    %get3A_1044 = arith.constant 0 : index
    %get3A_1045 = vector.load %arg2[%get3A_1042, %get3A_1043, %get3A_1044] : memref<32x400x128xi32, #tpu.memory_space<vmem>>, vector<1x400x128xi32>
    %get3A_1046 = vector.shape_cast %get3A_1045 : vector<1x400x128xi32> to vector<400x128xi32>
    %shift_left3A_1047 = arith.constant 16 : i32
    %shift_left3A_1048 = vector.broadcast %shift_left3A_1047 : i32 to vector<400x128xi32>
    %shift_left3A_1049 = arith.shli %get3A_1046, %shift_left3A_1048 : vector<400x128xi32>
    %bitcast_convert_type3A_1050 = tpu.bitcast %shift_left3A_1049 : vector<400x128xi32> -> vector<400x128xf32>
    %and3A_1051 = arith.constant -65536 : i32
    %and3A_1052 = vector.broadcast %and3A_1051 : i32 to vector<400x128xi32>
    %and3A_1053 = arith.andi %get3A_1046, %and3A_1052 : vector<400x128xi32>
    %bitcast_convert_type3A_1054 = tpu.bitcast %and3A_1053 : vector<400x128xi32> -> vector<400x128xf32>
    %slice3A_1055 = vector.extract_strided_slice %div3A_623 {offsets = [0, 20], sizes = [400, 1], strides = [1, 1]} : vector<400x32xf32> to vector<400x1xf32>
    %mul3A_1056 = vector.broadcast %slice3A_1055 : vector<400x1xf32> to vector<400x128xf32>
    %mul3A_1057 = arith.mulf %mul3A_1056, %bitcast_convert_type3A_1050 : vector<400x128xf32>
    %add3A_1058 = arith.addf %add3A_1037, %mul3A_1057 : vector<400x128xf32>
    %slice3A_1059 = vector.extract_strided_slice %div3A_623 {offsets = [0, 20], sizes = [400, 1], strides = [1, 1]} : vector<400x32xf32> to vector<400x1xf32>
    %mul3A_1060 = vector.broadcast %slice3A_1059 : vector<400x1xf32> to vector<400x128xf32>
    %mul3A_1061 = arith.mulf %mul3A_1060, %bitcast_convert_type3A_1054 : vector<400x128xf32>
    %add3A_1062 = arith.addf %add3A_1041, %mul3A_1061 : vector<400x128xf32>
    %get3A_1063 = arith.constant 21 : index
    %get3A_1064 = arith.constant 0 : index
    %get3A_1065 = arith.constant 0 : index
    %get3A_1066 = vector.load %arg2[%get3A_1063, %get3A_1064, %get3A_1065] : memref<32x400x128xi32, #tpu.memory_space<vmem>>, vector<1x400x128xi32>
    %get3A_1067 = vector.shape_cast %get3A_1066 : vector<1x400x128xi32> to vector<400x128xi32>
    %shift_left3A_1068 = arith.constant 16 : i32
    %shift_left3A_1069 = vector.broadcast %shift_left3A_1068 : i32 to vector<400x128xi32>
    %shift_left3A_1070 = arith.shli %get3A_1067, %shift_left3A_1069 : vector<400x128xi32>
    %bitcast_convert_type3A_1071 = tpu.bitcast %shift_left3A_1070 : vector<400x128xi32> -> vector<400x128xf32>
    %and3A_1072 = arith.constant -65536 : i32
    %and3A_1073 = vector.broadcast %and3A_1072 : i32 to vector<400x128xi32>
    %and3A_1074 = arith.andi %get3A_1067, %and3A_1073 : vector<400x128xi32>
    %bitcast_convert_type3A_1075 = tpu.bitcast %and3A_1074 : vector<400x128xi32> -> vector<400x128xf32>
    %slice3A_1076 = vector.extract_strided_slice %div3A_623 {offsets = [0, 21], sizes = [400, 1], strides = [1, 1]} : vector<400x32xf32> to vector<400x1xf32>
    %mul3A_1077 = vector.broadcast %slice3A_1076 : vector<400x1xf32> to vector<400x128xf32>
    %mul3A_1078 = arith.mulf %mul3A_1077, %bitcast_convert_type3A_1071 : vector<400x128xf32>
    %add3A_1079 = arith.addf %add3A_1058, %mul3A_1078 : vector<400x128xf32>
    %slice3A_1080 = vector.extract_strided_slice %div3A_623 {offsets = [0, 21], sizes = [400, 1], strides = [1, 1]} : vector<400x32xf32> to vector<400x1xf32>
    %mul3A_1081 = vector.broadcast %slice3A_1080 : vector<400x1xf32> to vector<400x128xf32>
    %mul3A_1082 = arith.mulf %mul3A_1081, %bitcast_convert_type3A_1075 : vector<400x128xf32>
    %add3A_1083 = arith.addf %add3A_1062, %mul3A_1082 : vector<400x128xf32>
    %get3A_1084 = arith.constant 22 : index
    %get3A_1085 = arith.constant 0 : index
    %get3A_1086 = arith.constant 0 : index
    %get3A_1087 = vector.load %arg2[%get3A_1084, %get3A_1085, %get3A_1086] : memref<32x400x128xi32, #tpu.memory_space<vmem>>, vector<1x400x128xi32>
    %get3A_1088 = vector.shape_cast %get3A_1087 : vector<1x400x128xi32> to vector<400x128xi32>
    %shift_left3A_1089 = arith.constant 16 : i32
    %shift_left3A_1090 = vector.broadcast %shift_left3A_1089 : i32 to vector<400x128xi32>
    %shift_left3A_1091 = arith.shli %get3A_1088, %shift_left3A_1090 : vector<400x128xi32>
    %bitcast_convert_type3A_1092 = tpu.bitcast %shift_left3A_1091 : vector<400x128xi32> -> vector<400x128xf32>
    %and3A_1093 = arith.constant -65536 : i32
    %and3A_1094 = vector.broadcast %and3A_1093 : i32 to vector<400x128xi32>
    %and3A_1095 = arith.andi %get3A_1088, %and3A_1094 : vector<400x128xi32>
    %bitcast_convert_type3A_1096 = tpu.bitcast %and3A_1095 : vector<400x128xi32> -> vector<400x128xf32>
    %slice3A_1097 = vector.extract_strided_slice %div3A_623 {offsets = [0, 22], sizes = [400, 1], strides = [1, 1]} : vector<400x32xf32> to vector<400x1xf32>
    %mul3A_1098 = vector.broadcast %slice3A_1097 : vector<400x1xf32> to vector<400x128xf32>
    %mul3A_1099 = arith.mulf %mul3A_1098, %bitcast_convert_type3A_1092 : vector<400x128xf32>
    %add3A_1100 = arith.addf %add3A_1079, %mul3A_1099 : vector<400x128xf32>
    %slice3A_1101 = vector.extract_strided_slice %div3A_623 {offsets = [0, 22], sizes = [400, 1], strides = [1, 1]} : vector<400x32xf32> to vector<400x1xf32>
    %mul3A_1102 = vector.broadcast %slice3A_1101 : vector<400x1xf32> to vector<400x128xf32>
    %mul3A_1103 = arith.mulf %mul3A_1102, %bitcast_convert_type3A_1096 : vector<400x128xf32>
    %add3A_1104 = arith.addf %add3A_1083, %mul3A_1103 : vector<400x128xf32>
    %get3A_1105 = arith.constant 23 : index
    %get3A_1106 = arith.constant 0 : index
    %get3A_1107 = arith.constant 0 : index
    %get3A_1108 = vector.load %arg2[%get3A_1105, %get3A_1106, %get3A_1107] : memref<32x400x128xi32, #tpu.memory_space<vmem>>, vector<1x400x128xi32>
    %get3A_1109 = vector.shape_cast %get3A_1108 : vector<1x400x128xi32> to vector<400x128xi32>
    %shift_left3A_1110 = arith.constant 16 : i32
    %shift_left3A_1111 = vector.broadcast %shift_left3A_1110 : i32 to vector<400x128xi32>
    %shift_left3A_1112 = arith.shli %get3A_1109, %shift_left3A_1111 : vector<400x128xi32>
    %bitcast_convert_type3A_1113 = tpu.bitcast %shift_left3A_1112 : vector<400x128xi32> -> vector<400x128xf32>
    %and3A_1114 = arith.constant -65536 : i32
    %and3A_1115 = vector.broadcast %and3A_1114 : i32 to vector<400x128xi32>
    %and3A_1116 = arith.andi %get3A_1109, %and3A_1115 : vector<400x128xi32>
    %bitcast_convert_type3A_1117 = tpu.bitcast %and3A_1116 : vector<400x128xi32> -> vector<400x128xf32>
    %slice3A_1118 = vector.extract_strided_slice %div3A_623 {offsets = [0, 23], sizes = [400, 1], strides = [1, 1]} : vector<400x32xf32> to vector<400x1xf32>
    %mul3A_1119 = vector.broadcast %slice3A_1118 : vector<400x1xf32> to vector<400x128xf32>
    %mul3A_1120 = arith.mulf %mul3A_1119, %bitcast_convert_type3A_1113 : vector<400x128xf32>
    %add3A_1121 = arith.addf %add3A_1100, %mul3A_1120 : vector<400x128xf32>
    %slice3A_1122 = vector.extract_strided_slice %div3A_623 {offsets = [0, 23], sizes = [400, 1], strides = [1, 1]} : vector<400x32xf32> to vector<400x1xf32>
    %mul3A_1123 = vector.broadcast %slice3A_1122 : vector<400x1xf32> to vector<400x128xf32>
    %mul3A_1124 = arith.mulf %mul3A_1123, %bitcast_convert_type3A_1117 : vector<400x128xf32>
    %add3A_1125 = arith.addf %add3A_1104, %mul3A_1124 : vector<400x128xf32>
    %get3A_1126 = arith.constant 24 : index
    %get3A_1127 = arith.constant 0 : index
    %get3A_1128 = arith.constant 0 : index
    %get3A_1129 = vector.load %arg2[%get3A_1126, %get3A_1127, %get3A_1128] : memref<32x400x128xi32, #tpu.memory_space<vmem>>, vector<1x400x128xi32>
    %get3A_1130 = vector.shape_cast %get3A_1129 : vector<1x400x128xi32> to vector<400x128xi32>
    %shift_left3A_1131 = arith.constant 16 : i32
    %shift_left3A_1132 = vector.broadcast %shift_left3A_1131 : i32 to vector<400x128xi32>
    %shift_left3A_1133 = arith.shli %get3A_1130, %shift_left3A_1132 : vector<400x128xi32>
    %bitcast_convert_type3A_1134 = tpu.bitcast %shift_left3A_1133 : vector<400x128xi32> -> vector<400x128xf32>
    %and3A_1135 = arith.constant -65536 : i32
    %and3A_1136 = vector.broadcast %and3A_1135 : i32 to vector<400x128xi32>
    %and3A_1137 = arith.andi %get3A_1130, %and3A_1136 : vector<400x128xi32>
    %bitcast_convert_type3A_1138 = tpu.bitcast %and3A_1137 : vector<400x128xi32> -> vector<400x128xf32>
    %slice3A_1139 = vector.extract_strided_slice %div3A_623 {offsets = [0, 24], sizes = [400, 1], strides = [1, 1]} : vector<400x32xf32> to vector<400x1xf32>
    %mul3A_1140 = vector.broadcast %slice3A_1139 : vector<400x1xf32> to vector<400x128xf32>
    %mul3A_1141 = arith.mulf %mul3A_1140, %bitcast_convert_type3A_1134 : vector<400x128xf32>
    %add3A_1142 = arith.addf %add3A_1121, %mul3A_1141 : vector<400x128xf32>
    %slice3A_1143 = vector.extract_strided_slice %div3A_623 {offsets = [0, 24], sizes = [400, 1], strides = [1, 1]} : vector<400x32xf32> to vector<400x1xf32>
    %mul3A_1144 = vector.broadcast %slice3A_1143 : vector<400x1xf32> to vector<400x128xf32>
    %mul3A_1145 = arith.mulf %mul3A_1144, %bitcast_convert_type3A_1138 : vector<400x128xf32>
    %add3A_1146 = arith.addf %add3A_1125, %mul3A_1145 : vector<400x128xf32>
    %get3A_1147 = arith.constant 25 : index
    %get3A_1148 = arith.constant 0 : index
    %get3A_1149 = arith.constant 0 : index
    %get3A_1150 = vector.load %arg2[%get3A_1147, %get3A_1148, %get3A_1149] : memref<32x400x128xi32, #tpu.memory_space<vmem>>, vector<1x400x128xi32>
    %get3A_1151 = vector.shape_cast %get3A_1150 : vector<1x400x128xi32> to vector<400x128xi32>
    %shift_left3A_1152 = arith.constant 16 : i32
    %shift_left3A_1153 = vector.broadcast %shift_left3A_1152 : i32 to vector<400x128xi32>
    %shift_left3A_1154 = arith.shli %get3A_1151, %shift_left3A_1153 : vector<400x128xi32>
    %bitcast_convert_type3A_1155 = tpu.bitcast %shift_left3A_1154 : vector<400x128xi32> -> vector<400x128xf32>
    %and3A_1156 = arith.constant -65536 : i32
    %and3A_1157 = vector.broadcast %and3A_1156 : i32 to vector<400x128xi32>
    %and3A_1158 = arith.andi %get3A_1151, %and3A_1157 : vector<400x128xi32>
    %bitcast_convert_type3A_1159 = tpu.bitcast %and3A_1158 : vector<400x128xi32> -> vector<400x128xf32>
    %slice3A_1160 = vector.extract_strided_slice %div3A_623 {offsets = [0, 25], sizes = [400, 1], strides = [1, 1]} : vector<400x32xf32> to vector<400x1xf32>
    %mul3A_1161 = vector.broadcast %slice3A_1160 : vector<400x1xf32> to vector<400x128xf32>
    %mul3A_1162 = arith.mulf %mul3A_1161, %bitcast_convert_type3A_1155 : vector<400x128xf32>
    %add3A_1163 = arith.addf %add3A_1142, %mul3A_1162 : vector<400x128xf32>
    %slice3A_1164 = vector.extract_strided_slice %div3A_623 {offsets = [0, 25], sizes = [400, 1], strides = [1, 1]} : vector<400x32xf32> to vector<400x1xf32>
    %mul3A_1165 = vector.broadcast %slice3A_1164 : vector<400x1xf32> to vector<400x128xf32>
    %mul3A_1166 = arith.mulf %mul3A_1165, %bitcast_convert_type3A_1159 : vector<400x128xf32>
    %add3A_1167 = arith.addf %add3A_1146, %mul3A_1166 : vector<400x128xf32>
    %get3A_1168 = arith.constant 26 : index
    %get3A_1169 = arith.constant 0 : index
    %get3A_1170 = arith.constant 0 : index
    %get3A_1171 = vector.load %arg2[%get3A_1168, %get3A_1169, %get3A_1170] : memref<32x400x128xi32, #tpu.memory_space<vmem>>, vector<1x400x128xi32>
    %get3A_1172 = vector.shape_cast %get3A_1171 : vector<1x400x128xi32> to vector<400x128xi32>
    %shift_left3A_1173 = arith.constant 16 : i32
    %shift_left3A_1174 = vector.broadcast %shift_left3A_1173 : i32 to vector<400x128xi32>
    %shift_left3A_1175 = arith.shli %get3A_1172, %shift_left3A_1174 : vector<400x128xi32>
    %bitcast_convert_type3A_1176 = tpu.bitcast %shift_left3A_1175 : vector<400x128xi32> -> vector<400x128xf32>
    %and3A_1177 = arith.constant -65536 : i32
    %and3A_1178 = vector.broadcast %and3A_1177 : i32 to vector<400x128xi32>
    %and3A_1179 = arith.andi %get3A_1172, %and3A_1178 : vector<400x128xi32>
    %bitcast_convert_type3A_1180 = tpu.bitcast %and3A_1179 : vector<400x128xi32> -> vector<400x128xf32>
    %slice3A_1181 = vector.extract_strided_slice %div3A_623 {offsets = [0, 26], sizes = [400, 1], strides = [1, 1]} : vector<400x32xf32> to vector<400x1xf32>
    %mul3A_1182 = vector.broadcast %slice3A_1181 : vector<400x1xf32> to vector<400x128xf32>
    %mul3A_1183 = arith.mulf %mul3A_1182, %bitcast_convert_type3A_1176 : vector<400x128xf32>
    %add3A_1184 = arith.addf %add3A_1163, %mul3A_1183 : vector<400x128xf32>
    %slice3A_1185 = vector.extract_strided_slice %div3A_623 {offsets = [0, 26], sizes = [400, 1], strides = [1, 1]} : vector<400x32xf32> to vector<400x1xf32>
    %mul3A_1186 = vector.broadcast %slice3A_1185 : vector<400x1xf32> to vector<400x128xf32>
    %mul3A_1187 = arith.mulf %mul3A_1186, %bitcast_convert_type3A_1180 : vector<400x128xf32>
    %add3A_1188 = arith.addf %add3A_1167, %mul3A_1187 : vector<400x128xf32>
    %get3A_1189 = arith.constant 27 : index
    %get3A_1190 = arith.constant 0 : index
    %get3A_1191 = arith.constant 0 : index
    %get3A_1192 = vector.load %arg2[%get3A_1189, %get3A_1190, %get3A_1191] : memref<32x400x128xi32, #tpu.memory_space<vmem>>, vector<1x400x128xi32>
    %get3A_1193 = vector.shape_cast %get3A_1192 : vector<1x400x128xi32> to vector<400x128xi32>
    %shift_left3A_1194 = arith.constant 16 : i32
    %shift_left3A_1195 = vector.broadcast %shift_left3A_1194 : i32 to vector<400x128xi32>
    %shift_left3A_1196 = arith.shli %get3A_1193, %shift_left3A_1195 : vector<400x128xi32>
    %bitcast_convert_type3A_1197 = tpu.bitcast %shift_left3A_1196 : vector<400x128xi32> -> vector<400x128xf32>
    %and3A_1198 = arith.constant -65536 : i32
    %and3A_1199 = vector.broadcast %and3A_1198 : i32 to vector<400x128xi32>
    %and3A_1200 = arith.andi %get3A_1193, %and3A_1199 : vector<400x128xi32>
    %bitcast_convert_type3A_1201 = tpu.bitcast %and3A_1200 : vector<400x128xi32> -> vector<400x128xf32>
    %slice3A_1202 = vector.extract_strided_slice %div3A_623 {offsets = [0, 27], sizes = [400, 1], strides = [1, 1]} : vector<400x32xf32> to vector<400x1xf32>
    %mul3A_1203 = vector.broadcast %slice3A_1202 : vector<400x1xf32> to vector<400x128xf32>
    %mul3A_1204 = arith.mulf %mul3A_1203, %bitcast_convert_type3A_1197 : vector<400x128xf32>
    %add3A_1205 = arith.addf %add3A_1184, %mul3A_1204 : vector<400x128xf32>
    %slice3A_1206 = vector.extract_strided_slice %div3A_623 {offsets = [0, 27], sizes = [400, 1], strides = [1, 1]} : vector<400x32xf32> to vector<400x1xf32>
    %mul3A_1207 = vector.broadcast %slice3A_1206 : vector<400x1xf32> to vector<400x128xf32>
    %mul3A_1208 = arith.mulf %mul3A_1207, %bitcast_convert_type3A_1201 : vector<400x128xf32>
    %add3A_1209 = arith.addf %add3A_1188, %mul3A_1208 : vector<400x128xf32>
    %get3A_1210 = arith.constant 28 : index
    %get3A_1211 = arith.constant 0 : index
    %get3A_1212 = arith.constant 0 : index
    %get3A_1213 = vector.load %arg2[%get3A_1210, %get3A_1211, %get3A_1212] : memref<32x400x128xi32, #tpu.memory_space<vmem>>, vector<1x400x128xi32>
    %get3A_1214 = vector.shape_cast %get3A_1213 : vector<1x400x128xi32> to vector<400x128xi32>
    %shift_left3A_1215 = arith.constant 16 : i32
    %shift_left3A_1216 = vector.broadcast %shift_left3A_1215 : i32 to vector<400x128xi32>
    %shift_left3A_1217 = arith.shli %get3A_1214, %shift_left3A_1216 : vector<400x128xi32>
    %bitcast_convert_type3A_1218 = tpu.bitcast %shift_left3A_1217 : vector<400x128xi32> -> vector<400x128xf32>
    %and3A_1219 = arith.constant -65536 : i32
    %and3A_1220 = vector.broadcast %and3A_1219 : i32 to vector<400x128xi32>
    %and3A_1221 = arith.andi %get3A_1214, %and3A_1220 : vector<400x128xi32>
    %bitcast_convert_type3A_1222 = tpu.bitcast %and3A_1221 : vector<400x128xi32> -> vector<400x128xf32>
    %slice3A_1223 = vector.extract_strided_slice %div3A_623 {offsets = [0, 28], sizes = [400, 1], strides = [1, 1]} : vector<400x32xf32> to vector<400x1xf32>
    %mul3A_1224 = vector.broadcast %slice3A_1223 : vector<400x1xf32> to vector<400x128xf32>
    %mul3A_1225 = arith.mulf %mul3A_1224, %bitcast_convert_type3A_1218 : vector<400x128xf32>
    %add3A_1226 = arith.addf %add3A_1205, %mul3A_1225 : vector<400x128xf32>
    %slice3A_1227 = vector.extract_strided_slice %div3A_623 {offsets = [0, 28], sizes = [400, 1], strides = [1, 1]} : vector<400x32xf32> to vector<400x1xf32>
    %mul3A_1228 = vector.broadcast %slice3A_1227 : vector<400x1xf32> to vector<400x128xf32>
    %mul3A_1229 = arith.mulf %mul3A_1228, %bitcast_convert_type3A_1222 : vector<400x128xf32>
    %add3A_1230 = arith.addf %add3A_1209, %mul3A_1229 : vector<400x128xf32>
    %get3A_1231 = arith.constant 29 : index
    %get3A_1232 = arith.constant 0 : index
    %get3A_1233 = arith.constant 0 : index
    %get3A_1234 = vector.load %arg2[%get3A_1231, %get3A_1232, %get3A_1233] : memref<32x400x128xi32, #tpu.memory_space<vmem>>, vector<1x400x128xi32>
    %get3A_1235 = vector.shape_cast %get3A_1234 : vector<1x400x128xi32> to vector<400x128xi32>
    %shift_left3A_1236 = arith.constant 16 : i32
    %shift_left3A_1237 = vector.broadcast %shift_left3A_1236 : i32 to vector<400x128xi32>
    %shift_left3A_1238 = arith.shli %get3A_1235, %shift_left3A_1237 : vector<400x128xi32>
    %bitcast_convert_type3A_1239 = tpu.bitcast %shift_left3A_1238 : vector<400x128xi32> -> vector<400x128xf32>
    %and3A_1240 = arith.constant -65536 : i32
    %and3A_1241 = vector.broadcast %and3A_1240 : i32 to vector<400x128xi32>
    %and3A_1242 = arith.andi %get3A_1235, %and3A_1241 : vector<400x128xi32>
    %bitcast_convert_type3A_1243 = tpu.bitcast %and3A_1242 : vector<400x128xi32> -> vector<400x128xf32>
    %slice3A_1244 = vector.extract_strided_slice %div3A_623 {offsets = [0, 29], sizes = [400, 1], strides = [1, 1]} : vector<400x32xf32> to vector<400x1xf32>
    %mul3A_1245 = vector.broadcast %slice3A_1244 : vector<400x1xf32> to vector<400x128xf32>
    %mul3A_1246 = arith.mulf %mul3A_1245, %bitcast_convert_type3A_1239 : vector<400x128xf32>
    %add3A_1247 = arith.addf %add3A_1226, %mul3A_1246 : vector<400x128xf32>
    %slice3A_1248 = vector.extract_strided_slice %div3A_623 {offsets = [0, 29], sizes = [400, 1], strides = [1, 1]} : vector<400x32xf32> to vector<400x1xf32>
    %mul3A_1249 = vector.broadcast %slice3A_1248 : vector<400x1xf32> to vector<400x128xf32>
    %mul3A_1250 = arith.mulf %mul3A_1249, %bitcast_convert_type3A_1243 : vector<400x128xf32>
    %add3A_1251 = arith.addf %add3A_1230, %mul3A_1250 : vector<400x128xf32>
    %get3A_1252 = arith.constant 30 : index
    %get3A_1253 = arith.constant 0 : index
    %get3A_1254 = arith.constant 0 : index
    %get3A_1255 = vector.load %arg2[%get3A_1252, %get3A_1253, %get3A_1254] : memref<32x400x128xi32, #tpu.memory_space<vmem>>, vector<1x400x128xi32>
    %get3A_1256 = vector.shape_cast %get3A_1255 : vector<1x400x128xi32> to vector<400x128xi32>
    %shift_left3A_1257 = arith.constant 16 : i32
    %shift_left3A_1258 = vector.broadcast %shift_left3A_1257 : i32 to vector<400x128xi32>
    %shift_left3A_1259 = arith.shli %get3A_1256, %shift_left3A_1258 : vector<400x128xi32>
    %bitcast_convert_type3A_1260 = tpu.bitcast %shift_left3A_1259 : vector<400x128xi32> -> vector<400x128xf32>
    %and3A_1261 = arith.constant -65536 : i32
    %and3A_1262 = vector.broadcast %and3A_1261 : i32 to vector<400x128xi32>
    %and3A_1263 = arith.andi %get3A_1256, %and3A_1262 : vector<400x128xi32>
    %bitcast_convert_type3A_1264 = tpu.bitcast %and3A_1263 : vector<400x128xi32> -> vector<400x128xf32>
    %slice3A_1265 = vector.extract_strided_slice %div3A_623 {offsets = [0, 30], sizes = [400, 1], strides = [1, 1]} : vector<400x32xf32> to vector<400x1xf32>
    %mul3A_1266 = vector.broadcast %slice3A_1265 : vector<400x1xf32> to vector<400x128xf32>
    %mul3A_1267 = arith.mulf %mul3A_1266, %bitcast_convert_type3A_1260 : vector<400x128xf32>
    %add3A_1268 = arith.addf %add3A_1247, %mul3A_1267 : vector<400x128xf32>
    %slice3A_1269 = vector.extract_strided_slice %div3A_623 {offsets = [0, 30], sizes = [400, 1], strides = [1, 1]} : vector<400x32xf32> to vector<400x1xf32>
    %mul3A_1270 = vector.broadcast %slice3A_1269 : vector<400x1xf32> to vector<400x128xf32>
    %mul3A_1271 = arith.mulf %mul3A_1270, %bitcast_convert_type3A_1264 : vector<400x128xf32>
    %add3A_1272 = arith.addf %add3A_1251, %mul3A_1271 : vector<400x128xf32>
    %get3A_1273 = arith.constant 31 : index
    %get3A_1274 = arith.constant 0 : index
    %get3A_1275 = arith.constant 0 : index
    %get3A_1276 = vector.load %arg2[%get3A_1273, %get3A_1274, %get3A_1275] : memref<32x400x128xi32, #tpu.memory_space<vmem>>, vector<1x400x128xi32>
    %get3A_1277 = vector.shape_cast %get3A_1276 : vector<1x400x128xi32> to vector<400x128xi32>
    %shift_left3A_1278 = arith.constant 16 : i32
    %shift_left3A_1279 = vector.broadcast %shift_left3A_1278 : i32 to vector<400x128xi32>
    %shift_left3A_1280 = arith.shli %get3A_1277, %shift_left3A_1279 : vector<400x128xi32>
    %bitcast_convert_type3A_1281 = tpu.bitcast %shift_left3A_1280 : vector<400x128xi32> -> vector<400x128xf32>
    %and3A_1282 = arith.constant -65536 : i32
    %and3A_1283 = vector.broadcast %and3A_1282 : i32 to vector<400x128xi32>
    %and3A_1284 = arith.andi %get3A_1277, %and3A_1283 : vector<400x128xi32>
    %bitcast_convert_type3A_1285 = tpu.bitcast %and3A_1284 : vector<400x128xi32> -> vector<400x128xf32>
    %slice3A_1286 = vector.extract_strided_slice %div3A_623 {offsets = [0, 31], sizes = [400, 1], strides = [1, 1]} : vector<400x32xf32> to vector<400x1xf32>
    %mul3A_1287 = vector.broadcast %slice3A_1286 : vector<400x1xf32> to vector<400x128xf32>
    %mul3A_1288 = arith.mulf %mul3A_1287, %bitcast_convert_type3A_1281 : vector<400x128xf32>
    %add3A_1289 = arith.addf %add3A_1268, %mul3A_1288 : vector<400x128xf32>
    %slice3A_1290 = vector.extract_strided_slice %div3A_623 {offsets = [0, 31], sizes = [400, 1], strides = [1, 1]} : vector<400x32xf32> to vector<400x1xf32>
    %mul3A_1291 = vector.broadcast %slice3A_1290 : vector<400x1xf32> to vector<400x128xf32>
    %mul3A_1292 = arith.mulf %mul3A_1291, %bitcast_convert_type3A_1285 : vector<400x128xf32>
    %add3A_1293 = arith.addf %add3A_1272, %mul3A_1292 : vector<400x128xf32>
    %concatenate3A_1294 = tpu.concatenate %add3A_1289, %add3A_1293 in 1 : vector<400x128xf32>, vector<400x128xf32> -> vector<400x256xf32>
    %slice3A_1295 = vector.extract_strided_slice %get3A_3 {offsets = [0, 384], sizes = [256, 128], strides = [1, 1]} : vector<256x512xf32> to vector<256x128xf32>
    %dot_general3A_1296 = arith.constant dense<0.000000e+00> : vector<400x128xf32>
    %dot_general3A_1297 = tpu.matmul %concatenate3A_1294, %slice3A_1295, %dot_general3A_1296 {dimension_numbers = #tpu.dot_dimension_numbers<[1], [0], [0], [1], [0, 0, 1, 1], [], []>, transpose_lhs_hint = false} : vector<400x256xf32>, vector<256x128xf32>, vector<400x128xf32> -> vector<400x128xf32>
    %concatenate3A_1298 = tpu.concatenate %dot_general3A_10, %dot_general3A_1297 in 1 : vector<400x128xf32>, vector<400x128xf32> -> vector<400x256xf32>
    %max3A = arith.constant 0.000000e+00 : f32
    %max3A_1299 = vector.broadcast %max3A : f32 to vector<400x256xf32>
    %max3A_1300 = arith.maximumf %concatenate3A_1298, %max3A_1299 : vector<400x256xf32>
    %swap3A = arith.constant 0 : index
    %swap3A_1301 = arith.constant 0 : index
    %swap3A_1302 = vector.load %arg4[%swap3A, %swap3A_1301] : memref<400x256xf32, #tpu.memory_space<vmem>>, vector<400x256xf32>
    tpu.vector_store %arg4[%swap3A, %swap3A_1301], %max3A_1300 {strides = array<i32>} : memref<400x256xf32, #tpu.memory_space<vmem>>, vector<400x256xf32>,
    return
  }
  func.func @transform_0(%arg0: i32) -> (i32, i32) {
    %c0_i32 = arith.constant 0 : i32
    %c0_i32_0 = arith.constant 0 : i32
    return %arg0, %c0_i32 : i32, i32
  }
  func.func @transform_1(%arg0: i32) -> (i32, i32, i32) {
    %c0_i32 = arith.constant 0 : i32
    %c0_i32_0 = arith.constant 0 : i32
    %c0_i32_1 = arith.constant 0 : i32
    return %c0_i32, %arg0, %c0_i32_0 : i32, i32, i32
  }
  func.func @transform_2(%arg0: i32) -> (i32, i32, i32) {
    %c0_i32 = arith.constant 0 : i32
    %c0_i32_0 = arith.constant 0 : i32
    %c0_i32_1 = arith.constant 0 : i32
    %c0_i32_2 = arith.constant 0 : i32
    return %c0_i32, %c0_i32_0, %c0_i32_1 : i32, i32, i32
  }
  func.func @transform_3(%arg0: i32) -> (i32, i32) {
    %c0_i32 = arith.constant 0 : i32
    %c0_i32_0 = arith.constant 0 : i32
    return %arg0, %c0_i32 : i32, i32
  }
}

</mosaic_0001>

<sc_bundles>
// kernel: kernel.10.cloned.1.call-start
scs
__scs_entry_jumppad:
0x0: {  	(pc) =	sbr.rel $0x88, $3  }
0x1: {  	(tag) =	ssettag $0x0;
	lr =	simm.s32 $0x1  }
0x2: {  	[smem:$0x3F9A] =	sst lr;
	_ =	strace $0xD0000000  }
0x3: {  	_ = 	snop  }
0x4: {  	_ = 	snop  }
0x5: {  	_ = 	snop  }
0x6: {  	_ = 	snop  }
0x7: {  	_ = 	snop  }
__scs_overlays_trampoline_lowered:
0x8: {  	[smem:$0x3FA9] =	sst s0  }
0x9: {  	[smem:$0x3FAA] =	sst s1  }
0xa: {  	[smem:$0x3FAB] =	sst s2  }
0xb: {  	[smem:$0x3FAC] =	sst s3  }
0xc: {  	[smem:$0x3FAD] =	sst s4  }
0xd: {  	[smem:$0x3FAE] =	sst s5  }
0xe: {  	[smem:$0x3FAF] =	sst s6  }
0xf: {  	[smem:$0x3FB0] =	sst s7  }
0x10: {  	[smem:$0x3FB1] =	sst s8  }
0x11: {  	[smem:$0x3FB2] =	sst s9;
	s0 =	simm.s32 @!p0 $0x0  }
0x12: {  	s1 =	sld [smem:$0x3F98];
	s0 =	simm.s32 @p0 $0x1  }
0x13: {  	[smem:$0x3FB3] =	sst s0;
	s0 =	simm.s32 @!p1 $0x0  }
0x14: {  	s2 =	sld [smem:$0x3F97];
	s0 =	simm.s32 @p1 $0x1  }
0x15: {  	[smem:$0x3FB4] =	sst s0;
	s0 =	simm.s32 @!p2 $0x0  }
0x16: {  	s3 =	sld [smem:$0x3FDB];
	s0 =	simm.s32 @p2 $0x1  }
0x17: {  	s4 =	simm.s32 $0x1BF5;
	[smem:$0x3FB6] =	sst s0  }
0x18: {  	s0 =	sld [smem:$0x3F99];
	_ =	swait.ge [sflag:s4], $0x0  }
0x19: {  	s7 =	sld [smem:$0x3F9A]  }
0x1a: {  	s8 =	sadd.s32 $0xFFFFE003, lr  }
0x1b: {  	s9 =	sadd.s32 $0xFFFFFEF7, lr;
	s5 =	simm.s32 $0xFFFFFFFF;
	p2 =	slt.u32 s8, $0xFFFFF086  }
0x1c: {  	p1 =	slt.u32 s9, $0xF7A;
	s5 =	simm.s32 @!p2 $0x0  }
0x1d: {  	s5 =	simm.s32 @p1 $0x1;
	p0 =	seq.s32 s7, s2  }
0x1e: {  	s7 =	smul.u32 @!p0 $0xF7A, s2;
	p2 =	seq.s32 @!p0 s5, $0x0  }
0x1f: {  	s9 =	smul.u32 $0xF7A, s1;
	s8 =	simm.s32 @!p0 $0x1BF5;
	p2 =	por !p2, p0  }
0x20: {  	[sflag:s8] =	ssyncset.s32 @!p0 $0xFFFFF086;
	s6 =	sadd.s32 @!p0 s3, s7;
	s7 =	simm.s32 @!p0 $0x108  }
0x21: {  	s3 =	sadd.s32 s3, s9;
	s6 =	sadd.s32 @!p0 $0x88, s6;
	s7 =	simm.s32 @p2 $0x1082  }
0x22: {  	[simem:s7], [sflag:s8] =	dma.local @!p0 [hbm:s6], $0xF7A  }
0x23: {  	s9 =	sor.u32 $0xD0000000, s2;
	s6 =	simm.s32 $0x108;
	_ =	swait.ge @!p0 [sflag:s8], $0x0  }
0x24: {  	s3 =	sadd.s32 $0x88, s3;
	s6 =	simm.s32 @!p1 $0x1082;
	[sflag:s4] =	ssyncset.s32 $0xFFFFF086  }
0x25: {  	[simem:s6], [sflag:s4] =	dma.local [hbm:s3], $0xF7A  }
0x26: {  	[smem:$0x3F9A] =	sst s1;
	(tag) =	ssettag s2;
	_ =	strace s9  }
0x27: {  	s1 =	sld [smem:$0x3FAA]  }
0x28: {  	s2 =	sld [smem:$0x3FAB]  }
0x29: {  	s4 =	sld [smem:$0x3FAD]  }
0x2a: {  	p0 =	seq.s32 s5, $0x0;
	s5 =	sld [smem:$0x3FAE]  }
0x2b: {  	s6 =	sld [smem:$0x3FAF]  }
0x2c: {  	s7 =	sld [smem:$0x3FB0]  }
0x2d: {  	s3 =	simm.s32 $0x108;
	s8 =	sld [smem:$0x3FB1]  }
0x2e: {  	s3 =	simm.s32 @!p0 $0x1082;
	s9 =	sld [smem:$0x3FB2]  }
0x2f: {  	lr =	sadd.s32 s0, s3;
	s0 =	sld [smem:$0x3FA9]  }
0x30: {  	s3 =	sld [smem:$0x3FAC]  }
0x31: {  	[smem:$0x3FB5] =	sst s10  }
0x32: {  	s10 =	sld [smem:$0x3FB3];
	_ =	sdelay $0x3  }
0x33: {  	p0 =	seq.s32 s10, $0x1;
	s10 =	sld [smem:$0x3FB5];
	_ =	sdelay $0x3  }
0x34: {  	[smem:$0x3FB5] =	sst s10  }
0x35: {  	s10 =	sld [smem:$0x3FB4];
	_ =	sdelay $0x3  }
0x36: {  	p1 =	seq.s32 s10, $0x1;
	s10 =	sld [smem:$0x3FB5];
	_ =	sdelay $0x3  }
0x37: {  	[smem:$0x3FB5] =	sst s10  }
0x38: {  	s10 =	sld [smem:$0x3FB6]  }
0x39: {  	_ = 	snop;
	(pc) =	sbr.ind lr, $3  }
0x3a: {  	_ = 	snop  }
0x3b: {  	_ = 	snop  }
0x3c: {  	p2 =	seq.s32 s10, $0x1;
	s10 =	sld [smem:$0x3FB5]  }
0x3d: {  	_ =	shalt  }
0x3e: {  	_ =	shalt  }
0x3f: {  	_ =	shalt  }
0x40: {  	_ =	shalt  }
0x41: {  	_ =	shalt  }
0x42: {  	_ =	shalt  }
0x43: {  	_ =	shalt  }
0x44: {  	_ =	shalt  }
0x45: {  	_ =	shalt  }
0x46: {  	_ =	shalt  }
0x47: {  	_ =	shalt  }
0x48: {  	_ =	shalt  }
0x49: {  	_ =	shalt  }
0x4a: {  	_ =	shalt  }
0x4b: {  	_ =	shalt  }
0x4c: {  	_ =	shalt  }
0x4d: {  	_ =	shalt  }
0x4e: {  	_ =	shalt  }
0x4f: {  	_ =	shalt  }
0x50: {  	_ =	shalt  }
0x51: {  	_ =	shalt  }
0x52: {  	_ =	shalt  }
0x53: {  	_ =	shalt  }
0x54: {  	_ =	shalt  }
0x55: {  	_ =	shalt  }
0x56: {  	_ =	shalt  }
0x57: {  	_ =	shalt  }
0x58: {  	_ =	shalt  }
0x59: {  	_ =	shalt  }
0x5a: {  	_ =	shalt  }
0x5b: {  	_ =	shalt  }
0x5c: {  	_ =	shalt  }
0x5d: {  	_ =	shalt  }
0x5e: {  	_ =	shalt  }
0x5f: {  	_ =	shalt  }
0x60: {  	_ =	shalt  }
0x61: {  	_ =	shalt  }
0x62: {  	_ =	shalt  }
0x63: {  	_ =	shalt  }
0x64: {  	_ =	shalt  }
0x65: {  	_ =	shalt  }
0x66: {  	_ =	shalt  }
0x67: {  	_ =	shalt  }
0x68: {  	_ =	shalt  }
0x69: {  	_ =	shalt  }
0x6a: {  	_ =	shalt  }
0x6b: {  	_ =	shalt  }
0x6c: {  	_ =	shalt  }
0x6d: {  	_ =	shalt  }
0x6e: {  	_ =	shalt  }
0x6f: {  	_ =	shalt  }
0x70: {  	_ =	shalt  }
0x71: {  	_ =	shalt  }
0x72: {  	_ =	shalt  }
0x73: {  	_ =	shalt  }
0x74: {  	_ =	shalt  }
0x75: {  	_ =	shalt  }
0x76: {  	_ =	shalt  }
0x77: {  	_ =	shalt  }
0x78: {  	_ =	shalt  }
0x79: {  	_ =	shalt  }
0x7a: {  	_ =	shalt  }
0x7b: {  	_ =	shalt  }
0x7c: {  	_ =	shalt  }
0x7d: {  	_ =	shalt  }
0x7e: {  	_ =	shalt  }
0x7f: {  	_ =	shalt  }
0x80: {  	_ =	shalt  }
0x81: {  	_ =	shalt  }
0x82: {  	_ =	shalt  }
0x83: {  	_ =	shalt  }
0x84: {  	_ =	shalt  }
0x85: {  	_ =	shalt  }
0x86: {  	_ =	shalt  }
0x87: {  	_ =	shalt  }
.Lfunc_end0:
.L_simem_size_0:
called_computation_lowered:
.L_overlay_start_0:
0x88: {  	s2 =	sld [smem:$0x3FD9]  }
0x89: {  	s3 =	sld [smem:$0x3FFE];
	_ =	sdelay $0x1  }
0x8a: {  	s1 =	srdreg.scid  }
0x8b: {  	s0 =	sand.u32 $0x1, s1  }
0x8c: {  	s17 =	sshll.u32 s0, $0xA;
	s2 =	sadd.s32 s3, s2  }
0x8d: {  	s2 =	sadd.s32 s2, s17  }
0x8e: {  	[smem:$0x3FC1] =	sst s2  }
0x8f: {  	_ = 	snop  }
0x90: {  	s18 =	sld [smem:$0x3FC9];
	(tm) =	ssettm $0x1  }
0x91: {  	s19 =	sld [smem:$0x3FFB];
	_ =	sdelay $0x3  }
0x92: {  	_ =	strace s19  }
0x93: {  	s2 =	sld [smem:$0x3FFC];
	_ =	sdelay $0x3  }
0x94: {  	_ =	strace s2  }
0x95: {  	s2 =	sld [smem:$0x3FFD];
	_ =	sdelay $0x3  }
0x96: {  	_ =	strace s2  }
0x97: {  	_ =	strace $0x8FFFFFFF  }
0x98: {  	s20 =	sld [smem:$0x3FDB];
	_ =	sdelay $0x1  }
0x99: {  	s4 =	simm.s32 $_scs_section_size  }
0x9a: {  	s5 =	simm.s32 $_size__tile_overlayer_lowered;
	s6 =	simm.s32 $_tile_overlayer_lowered  }
0x9b: {  	s7 =	simm.s32 $0x1BFF;
	s21 =	sshll.u32 s6, $0x1;
	s4 =	sadd.s32 s4, s20  }
0x9c: {  	s22 =	simm.s32 $0x0;
	s5 =	sshll.u32 s5, $0x1;
	s6 =	sadd.s32 s21, s4  }
0x9d: {  	[timem:s22], [sflag:s7] =	dma.local [hbm:s6], s5  }
0x9e: {  	_ =	swait.ge [sflag:s7], s5  }
0x9f: {  	s5 =	ssub.s32 $0x0, s5;
	[sflag:s7] =	ssyncset.done $0x0  }
0xa0: {  	[sflag:s7] =	ssyncadd.s32 s5;
	_ =	sdelay $0x1  }
0xa1: {  	s23 =	simm.s32 $0x1B8B  }
0xa2: {  	_ =	swait.ge [sflag:s23], $0x1  }
0xa3: {  	[sflag:s23] =	ssyncset.done $0x0  }
0xa4: {  	[sflag:s23] =	ssyncadd.s32 $0xFFFFFFFF  }
0xa5: {  	s5 =	sld [smem:$0x0]  }
0xa6: {  	s6 =	sand.u32 $0xFFFFFFFE, s1  }
0xa7: {  	p0 =	sne.s32 s1, s6  }
0xa8: {  	s6 =	sshll.u32 @p0 s6, $0xE  }
0xa9: {  	s6 =	sadd.s32 @p0 $0x11B8D, s6;
	s7 =	sshll.u32 @p0 s5, $0x11  }
0xaa: {  	s6 =	sor.u32 @p0 s7, s6  }
0xab: {  	[sflag:s6] =	ssyncadd.remote.s32 @p0 $0x1;
	_ =	sdelay $0x1  }
0xac: {  	s6 =	simm.s32 @p0 $0x1B8D  }
0xad: {  	_ =	swait.eq @p0 [sflag:s6], $0x1  }
0xae: {  	[sflag:s6] =	ssyncadd.s32 @p0 $0xFFFFFFFF  }
0xaf: {  	s7 =	sshll.u32 @!p0 s1, $0xE  }
0xb0: {  	s7 =	sor.u32 @!p0 $0x4000, s7;
	s6 =	simm.s32 @!p0 $0x1B8D  }
0xb1: {  	s5 =	sshll.u32 @!p0 s5, $0x11;
	s7 =	sadd.s32 @!p0 $0x11B8D, s7;
	_ =	swait.eq @!p0 [sflag:s6], $0x1  }
0xb2: {  	s5 =	sor.u32 @!p0 s5, s7;
	[sflag:s6] =	ssyncadd.s32 @!p0 $0xFFFFFFFF  }
0xb3: {  	s25 =	simm.s32 $0x1B8E;
	s24 =	sld [smem:$0x3FFE];
	[sflag:s5] =	ssyncadd.remote.s32 @!p0 $0x1  }
0xb4: {  	s26 =	simm.s32 $execute0_lowered;
	[smem:$0x3FD2] =	sst s25  }
0xb5: {  	s6 =	sshll.u32 s26, $0x1;
	_ =	strace $0x80000049;
	[dreg:$0x1] =	wrdreg $0xFFFFFFFF  }
0xb6: {  	s28 =	simm.s32 $_size_execute0_lowered;
	s4 =	sadd.s32 s4, s6;
	[dreg:$0x0] =	wrdreg $0x0  }
0xb7: {  	s6 =	sshll.u32 s28, $0x1;
	[dreg:$0x2] =	wrdreg s4  }
0xb8: {  	[dreg:$0x3] =	wrdreg s6  }
0xb9: {  	[dreg:$0x4] =	wrdreg $0xC0  }
0xba: {  	_ =	task [dreg:s22], $0x5FFFF  }
0xbb: {  	[dreg:$0x1] =	wrdreg $0xFFFFFFFF  }
0xbc: {  	[dreg:$0x0] =	wrdreg $0x60  }
0xbd: {  	[dreg:$0x2] =	wrdreg s18  }
0xbe: {  	[dreg:$0x3] =	wrdreg s24  }
0xbf: {  	[dreg:$0x4] =	wrdreg $0x9  }
0xc0: {  	_ =	task.clear_ibuf [dreg:s22], $0x5FFFF;
	_ =	strace $0x90000049  }
0xc1: {  	s29 =	simm.s32 $0x9;
	_ =	strace $0x8000004B  }
0xc2: {  	_ =	swait.ge [sflag:s29], $0x1  }
0xc3: {  	[sflag:s29] =	ssyncadd.s32 $0xFFFFFFFF  }
0xc4: {  	_ =	strace $0x9000004B  }
0xc5: {  	_ =	sfence  }
0xc6: {  	s30 =	sld [smem:$0x0];
	_ =	sdelay $0x2  }
0xc7: {  	s31 =	sshll.u32 s1, $0xD;
	s1 =	sshrl.u32 s1, $0x2  }
0xc8: {  	s4 =	sand.u32 $0x4000, s31;
	s1 =	sadd.s32 s1, s30  }
0xc9: {  	s0 =	sor.u32 s4, s0;
	s1 =	sshll.u32 s1, $0x11  }
0xca: {  	s0 =	sor.u32 s1, s0  }
0xcb: {  	s0 =	sadd.s32 $0x8F2B, s0  }
0xcc: {  	[sflag:s0] =	ssyncadd.remote.s32 $0x1  }
0xcd: {  	_ =	sfence.sel $0xFFFF  }
0xce: {  	[dreg:$0x0] =	wrdreg $0xFFFFFFFF;
	(pc) =	sbr.abs _section_cstart, $3  }
0xcf: {  	[dreg:$0x1] =	wrdreg $0xFFFFFFFF  }
0xd0: {  	_ =	task.clear_ibuf [dreg:s22], $0x2FFFF;
	_ =	strace $0x9FFFFFFF  }
0xd1: {  	(tm) =	ssettm $0x7FFFFFFF  }
tec
execute0_lowered:
.L_overlay_start_1:
0x0: {  	(tag) =	ssettag $0x1  }
0x1: {  	s2 =	rddreg [dreg:$0x0];
	s0 =	srdreg.scid  }
0x2: {  	s8 =	stileid.u32;
	s1 =	rddreg [dreg:$0x1]  }
0x3: {  	s3 =	simm.s32 $0x0;
	s28 =	simm.s32 $0x5;
	s30 =	simm.s32 $0x3  }
0x4: {  	s0 =	sand.u32 $0x1, s0;
	s4 =	sshll.u32 s8, $0x1;
	s18 =	smul.u32 $0x271000, s8  }
0x5: {  	s4 =	sor.u32 s0, s4;
	s6 =	ssub.s32 $0x2, s0;
	s0 =	smul.u32 $0x138800, s0  }
0x6: {  	s31 =	simm.s32 $0x6;
	[smem:$0x7FF] =	sst s3;
	s5 =	smul.u32 $0x4E2, s4  }
0x7: {  	s29 =	simm.s32 $0x0;
	_ =	strace $0x8000004A;
	s7 =	smul.u32 $0x138800, s4  }
0x8: {  	s4 =	sadd.s32 $0x4F8A00, s1;
	s16 =	sshrl.u32 s6, $0x1;
	s0 =	sadd.s32 s0, s18  }
0x9: {  	s18 =	simm.s32 $0x28;
	s5 =	sadd.s32 s5, s1;
	s1 =	ssub.s32 s6, s16  }
0xa: {  	s17 =	sshrl.u32 s7, $0x3;
	s24 =	sadd.s32 $0x8C00, s0;
	s25 =	sadd.s32 $0x7800, s0  }
0xb: {  	s7 =	sadd.s32 $0x6400, s0;
	s16 =	sadd.s32 $0x5000, s0;
	s0 =	simm.s32 $0x4  }
0xc: {  	s5 =	sadd.s32 $0x4EEC00, s5;
	s6 =	sadd.s32 s4, s17;
	s1 =	smax.u32 s1, $0x1  }
0xd: {  	s26 =	sshrl.u32 s7, $0x3;
	s17 =	simm.s32 $0x9;
	[dreg:$0x3] =	wrdreg s5  }
0xe: {  	s19 =	sadd.s32 $0x26C00, s6;
	s20 =	sadd.s32 $0x26E80, s6;
	[dreg:$0x6] =	wrdreg s1  }
0xf: {  	s21 =	sadd.s32 $0x280, s6;
	s22 =	sadd.s32 $0x500, s6;
	[dreg:$0x4] =	wrdreg s19  }
0x10: {  	s23 =	sadd.s32 $0x780, s6;
	s1 =	sshrl.u32 s24, $0x3;
	[dreg:$0x5] =	wrdreg s20  }
0x11: {  	s5 =	sshrl.u32 s25, $0x3;
	s15 =	sadd.s32 s26, s4;
	[dreg:$0x7] =	wrdreg s21  }
0x12: {  	s25 =	simm.s32 $0x6380;
	s26 =	simm.s32 $0x2;
	[dreg:$0x8] =	wrdreg s22  }
0x13: {  	s24 =	simm.s32 $0x8;
	[dreg:$0x9] =	wrdreg s23;
	s10 =	sadd.s32 s1, s4  }
0x14: {  	s14 =	sadd.s32 s5, s4;
	s19 =	simm.s32 $0x2780;
	s20 =	simm.s32 $0x3B80  }
0x15: {  	s22 =	simm.s32 $0x4F80;
	s23 =	simm.s32 $0x1;
	s21 =	simm.s32 $0x7  }
.LBB2_1:
0x16: {  	s1 =	rddreg [dreg:$0x3]  }
0x17: {  	[tilespmem:s3], [sflag:$0x9] =	stream.linear.gather [hbm4b:s1+s3], $0x2710, $0x38;
	[tilespmem:$0x7780] =	vst v63  }
0x18: {  	_ =	swait.ge [sflag:s17], $0x2710  }
0x19: {  	[sflag:s17] =	ssyncset.done $0x0  }
0x1a: {  	[sflag:s17] =	ssyncadd.s32 $0xFFFFD8F0  }
0x1b: {  	[tilespmem:s19], [sflag:$0x1] =	stream.indirect.gather [hbm4b:s2+s18], $0x80, s3, s18, $0xb8;
	[tilespmem:$0x7780] =	vst v63  }
0x1c: {  	_ = 	snop  }
0x1d: {  	[tilespmem:s20], [sflag:$0x2] =	stream.indirect.gather [hbm4b:s2+s18], $0x80, s18, s18, $0xb8;
	[tilespmem:$0x7780] =	vst v63  }
0x1e: {  	s8 =	simm.s32 $0x50  }
0x1f: {  	[tilespmem:s22], [sflag:$0x3] =	stream.indirect.gather [hbm4b:s2+s18], $0x80, s8, s18, $0xb8;
	[tilespmem:$0x7780] =	vst v63  }
0x20: {  	_ =	swait.ge [sflag:s23], $0x1400  }
0x21: {  	[sflag:s23] =	ssyncset.done $0x0  }
0x22: {  	[sflag:s23] =	ssyncadd.s32 $0xFFFFEC00  }
0x23: {  	[hbm4b:s6+s3] =	stream.linear.scatter [tilespmem:s19], [sflag:$0x5], $0x1400, $0x38;
	[tilespmem:$0x7780] =	vst v63  }
0x24: {  	s9 =	simm.s32 $0x78  }
0x25: {  	[tilespmem:s25], [sflag:$0x4] =	stream.indirect.gather [hbm4b:s2+s18], $0x80, s9, s18, $0xb8;
	[tilespmem:$0x7780] =	vst v63  }
0x26: {  	_ =	swait.ge [sflag:s26], $0x1400  }
0x27: {  	[sflag:s26] =	ssyncset.done $0x0  }
0x28: {  	s11 =	rddreg [dreg:$0x7];
	[sflag:s26] =	ssyncadd.s32 $0xFFFFEC00  }
0x29: {  	[hbm4b:s11+s3] =	stream.linear.scatter [tilespmem:s20], [sflag:$0x6], $0x1400, $0x38;
	[tilespmem:$0x7780] =	vst v63  }
0x2a: {  	_ =	swait.ge [sflag:s28], $0x1400  }
0x2b: {  	[sflag:s28] =	ssyncset.done $0x0  }
0x2c: {  	s12 =	simm.s32 $0xA0;
	[sflag:s28] =	ssyncadd.s32 $0xFFFFEC00  }
0x2d: {  	[tilespmem:s19], [sflag:$0x1] =	stream.indirect.gather [hbm4b:s2+s18], $0x80, s12, s18, $0xb8;
	[tilespmem:$0x7780] =	vst v63  }
0x2e: {  	_ =	swait.ge [sflag:s30], $0x1400  }
0x2f: {  	[sflag:s30] =	ssyncset.done $0x0  }
0x30: {  	s13 =	rddreg [dreg:$0x8];
	[sflag:s30] =	ssyncadd.s32 $0xFFFFEC00  }
0x31: {  	[hbm4b:s13+s3] =	stream.linear.scatter [tilespmem:s22], [sflag:$0x7], $0x1400, $0x38;
	[tilespmem:$0x7780] =	vst v63  }
0x32: {  	_ =	swait.ge [sflag:s31], $0x1400  }
0x33: {  	[sflag:s31] =	ssyncset.done $0x0  }
0x34: {  	s5 =	simm.s32 $0xC8;
	[sflag:s31] =	ssyncadd.s32 $0xFFFFEC00  }
0x35: {  	[tilespmem:s20], [sflag:$0x2] =	stream.indirect.gather [hbm4b:s2+s18], $0x80, s5, s18, $0xb8;
	[tilespmem:$0x7780] =	vst v63  }
0x36: {  	_ =	swait.ge [sflag:s0], $0x1400  }
0x37: {  	[sflag:s0] =	ssyncset.done $0x0  }
0x38: {  	s7 =	rddreg [dreg:$0x9];
	[sflag:s0] =	ssyncadd.s32 $0xFFFFEC00  }
0x39: {  	[hbm4b:s7+s3] =	stream.linear.scatter [tilespmem:s25], [sflag:$0x8], $0x1400, $0x38;
	[tilespmem:$0x7780] =	vst v63  }
0x3a: {  	_ =	swait.ge [sflag:s21], $0x1400  }
0x3b: {  	[sflag:s21] =	ssyncset.done $0x0  }
0x3c: {  	s8 =	simm.s32 $0xF0;
	[sflag:s21] =	ssyncadd.s32 $0xFFFFEC00  }
0x3d: {  	[tilespmem:s22], [sflag:$0x3] =	stream.indirect.gather [hbm4b:s2+s18], $0x80, s8, s18, $0xb8;
	[tilespmem:$0x7780] =	vst v63  }
0x3e: {  	_ =	swait.ge [sflag:s23], $0x1400  }
0x3f: {  	s9 =	sshrl.u32 s16, $0x3;
	[sflag:s23] =	ssyncset.done $0x0  }
0x40: {  	s1 =	sadd.s32 s4, s9;
	[sflag:s23] =	ssyncadd.s32 $0xFFFFEC00  }
0x41: {  	[hbm4b:s1+s3] =	stream.linear.scatter [tilespmem:s19], [sflag:$0x5], $0x1400, $0x38;
	[tilespmem:$0x7780] =	vst v63  }
0x42: {  	_ =	swait.ge [sflag:s24], $0x1400  }
0x43: {  	[sflag:s24] =	ssyncset.done $0x0  }
0x44: {  	s11 =	simm.s32 $0x118;
	[sflag:s24] =	ssyncadd.s32 $0xFFFFEC00  }
0x45: {  	[tilespmem:s25], [sflag:$0x4] =	stream.indirect.gather [hbm4b:s2+s18], $0x80, s11, s18, $0xb8;
	[tilespmem:$0x7780] =	vst v63  }
0x46: {  	_ =	swait.ge [sflag:s26], $0x1400  }
0x47: {  	[sflag:s26] =	ssyncset.done $0x0  }
0x48: {  	[sflag:s26] =	ssyncadd.s32 $0xFFFFEC00  }
0x49: {  	[hbm4b:s15+s3] =	stream.linear.scatter [tilespmem:s20], [sflag:$0x6], $0x1400, $0x38;
	[tilespmem:$0x7780] =	vst v63  }
0x4a: {  	_ =	swait.ge [sflag:s28], $0x1400  }
0x4b: {  	[sflag:s28] =	ssyncset.done $0x0  }
0x4c: {  	s12 =	simm.s32 $0x140;
	[sflag:s28] =	ssyncadd.s32 $0xFFFFEC00  }
0x4d: {  	[tilespmem:s19], [sflag:$0x1] =	stream.indirect.gather [hbm4b:s2+s18], $0x80, s12, s18, $0xb8;
	[tilespmem:$0x7780] =	vst v63  }
0x4e: {  	_ =	swait.ge [sflag:s30], $0x1400  }
0x4f: {  	[sflag:s30] =	ssyncset.done $0x0  }
0x50: {  	[sflag:s30] =	ssyncadd.s32 $0xFFFFEC00  }
0x51: {  	[hbm4b:s14+s3] =	stream.linear.scatter [tilespmem:s22], [sflag:$0x7], $0x1400, $0x38;
	[tilespmem:$0x7780] =	vst v63  }
0x52: {  	_ =	swait.ge [sflag:s31], $0x1400  }
0x53: {  	[sflag:s31] =	ssyncset.done $0x0  }
0x54: {  	s13 =	simm.s32 $0x168;
	[sflag:s31] =	ssyncadd.s32 $0xFFFFEC00  }
0x55: {  	[tilespmem:s20], [sflag:$0x2] =	stream.indirect.gather [hbm4b:s2+s18], $0x80, s13, s18, $0xb8;
	[tilespmem:$0x7780] =	vst v63  }
0x56: {  	s9 =	sadd.s32 $0xA00, s14;
	s5 =	sadd.s32 $0xA00, s15;
	_ =	swait.ge [sflag:s0], $0x1400  }
0x57: {  	s7 =	sadd.s32 $0x5000, s16;
	s8 =	sadd.s32 $0xA00, s10;
	[sflag:s0] =	ssyncset.done $0x0  }
0x58: {  	s1 =	simm.s32 $0x280;
	s13 =	smov.u32 s10;
	[sflag:s0] =	ssyncadd.s32 $0xFFFFEC00  }
.LBB2_2:
0x59: {  	[hbm4b:s13+s3] =	stream.linear.scatter [tilespmem:s25], [sflag:$0x8], $0x1400, $0x38;
	[tilespmem:$0x7780] =	vst v63  }
0x5a: {  	s11 =	smov.u32 s1;
	s13 =	smov.u32 s8  }
0x5b: {  	p0 =	sne.s32 s1, $0x9600;
	s1 =	sadd.s32 $0x280, s1;
	_ =	swait.ge [sflag:s21], $0x1400  }
0x5c: {  	s11 =	sshra.s32 s11, $0x2;
	[sflag:s21] =	ssyncset.done $0x0  }
0x5d: {  	s12 =	sadd.s32 $0xF0, s11;
	[sflag:s21] =	ssyncadd.s32 $0xFFFFEC00  }
0x5e: {  	[tilespmem:s22], [sflag:$0x3] =	stream.indirect.gather [hbm4b:s2+s18], $0x80, s12, s18, $0xb8;
	[tilespmem:$0x7780] =	vst v63  }
0x5f: {  	_ =	swait.ge [sflag:s23], $0x1400  }
0x60: {  	s12 =	sshrl.u32 s7, $0x3;
	[sflag:s23] =	ssyncset.done $0x0  }
0x61: {  	s12 =	sadd.s32 s4, s12;
	[sflag:s23] =	ssyncadd.s32 $0xFFFFEC00  }
0x62: {  	[hbm4b:s12+s3] =	stream.linear.scatter [tilespmem:s19], [sflag:$0x5], $0x1400, $0x38;
	[tilespmem:$0x7780] =	vst v63  }
0x63: {  	_ =	swait.ge [sflag:s24], $0x1400  }
0x64: {  	[sflag:s24] =	ssyncset.done $0x0  }
0x65: {  	s12 =	sadd.s32 $0x118, s11;
	[sflag:s24] =	ssyncadd.s32 $0xFFFFEC00  }
0x66: {  	[tilespmem:s25], [sflag:$0x4] =	stream.indirect.gather [hbm4b:s2+s18], $0x80, s12, s18, $0xb8;
	[tilespmem:$0x7780] =	vst v63  }
0x67: {  	_ =	swait.ge [sflag:s26], $0x1400  }
0x68: {  	[sflag:s26] =	ssyncset.done $0x0  }
0x69: {  	[sflag:s26] =	ssyncadd.s32 $0xFFFFEC00  }
0x6a: {  	[hbm4b:s5+s3] =	stream.linear.scatter [tilespmem:s20], [sflag:$0x6], $0x1400, $0x38;
	[tilespmem:$0x7780] =	vst v63  }
0x6b: {  	_ =	swait.ge [sflag:s28], $0x1400  }
0x6c: {  	[sflag:s28] =	ssyncset.done $0x0  }
0x6d: {  	s12 =	sadd.s32 $0x140, s11;
	[sflag:s28] =	ssyncadd.s32 $0xFFFFEC00  }
0x6e: {  	[tilespmem:s19], [sflag:$0x1] =	stream.indirect.gather [hbm4b:s2+s18], $0x80, s12, s18, $0xb8;
	[tilespmem:$0x7780] =	vst v63  }
0x6f: {  	_ =	swait.ge [sflag:s30], $0x1400  }
0x70: {  	[sflag:s30] =	ssyncset.done $0x0  }
0x71: {  	[sflag:s30] =	ssyncadd.s32 $0xFFFFEC00  }
0x72: {  	[hbm4b:s9+s3] =	stream.linear.scatter [tilespmem:s22], [sflag:$0x7], $0x1400, $0x38;
	[tilespmem:$0x7780] =	vst v63  }
0x73: {  	_ =	swait.ge [sflag:s31], $0x1400  }
0x74: {  	[sflag:s31] =	ssyncset.done $0x0  }
.Ltmp0:
0x75: {  	s11 =	sadd.s32 $0x168, s11;
	[sflag:s31] =	ssyncadd.s32 $0xFFFFEC00;
	(pc) =	sbr.rel @p0 .LBB2_2-.Ltmp0, $4  }
0x76: {  	[tilespmem:s20], [sflag:$0x2] =	stream.indirect.gather [hbm4b:s2+s18], $0x80, s11, s18, $0xb8;
	[tilespmem:$0x7780] =	vst v63  }
0x77: {  	_ =	swait.ge [sflag:s0], $0x1400  }
0x78: {  	s7 =	sadd.s32 $0x5000, s7;
	s5 =	sadd.s32 $0xA00, s5;
	[sflag:s0] =	ssyncset.done $0x0  }
0x79: {  	s8 =	sadd.s32 $0xA00, s8;
	s9 =	sadd.s32 $0xA00, s9;
	[sflag:s0] =	ssyncadd.s32 $0xFFFFEC00  }
0x7a: {  	[hbm4b:s13+s3] =	stream.linear.scatter [tilespmem:s25], [sflag:$0x8], $0x1400, $0x38;
	[tilespmem:$0x7780] =	vst v63  }
0x7b: {  	_ =	swait.ge [sflag:s21], $0x1400  }
0x7c: {  	[sflag:s21] =	ssyncset.done $0x0  }
0x7d: {  	[sflag:s21] =	ssyncadd.s32 $0xFFFFEC00  }
0x7e: {  	_ =	swait.ge [sflag:s23], $0x1400  }
0x7f: {  	[sflag:s23] =	ssyncset.done $0x0  }
0x80: {  	s1 =	rddreg [dreg:$0x4];
	[sflag:s23] =	ssyncadd.s32 $0xFFFFEC00  }
0x81: {  	[hbm4b:s1+s3] =	stream.linear.scatter [tilespmem:s19], [sflag:$0x5], $0x1400, $0x38;
	[tilespmem:$0x7780] =	vst v63  }
0x82: {  	_ =	swait.ge [sflag:s24], $0x1400  }
0x83: {  	[sflag:s24] =	ssyncset.done $0x0  }
0x84: {  	[sflag:s24] =	ssyncadd.s32 $0xFFFFEC00  }
0x85: {  	_ =	swait.ge [sflag:s26], $0x1400  }
0x86: {  	[sflag:s26] =	ssyncset.done $0x0  }
0x87: {  	s12 =	rddreg [dreg:$0x5];
	[sflag:s26] =	ssyncadd.s32 $0xFFFFEC00  }
0x88: {  	[hbm4b:s12+s3] =	stream.linear.scatter [tilespmem:s20], [sflag:$0x6], $0x1400, $0x38;
	[tilespmem:$0x7780] =	vst v63  }
0x89: {  	_ =	swait.ge [sflag:s28], $0x1400  }
0x8a: {  	[sflag:s28] =	ssyncset.done $0x0  }
0x8b: {  	[sflag:s28] =	ssyncadd.s32 $0xFFFFEC00  }
0x8c: {  	_ =	swait.ge [sflag:s31], $0x1400  }
0x8d: {  	s29 =	sadd.s32 $0x1, s29;
	s13 =	rddreg [dreg:$0x6]  }
0x8e: {  	p0 =	sne.s32 s29, s13  }
.Ltmp1:
0x8f: {  	_ = 	snop;
	(pc) =	sbr.rel @p0 .LBB2_1-.Ltmp1, $3  }
0x90: {  	_ =	sdelay $0x1  }
0x91: {  	[sflag:s31] =	ssyncset.done $0x0  }
0x92: {  	[sflag:s31] =	ssyncadd.s32 $0xFFFFEC00  }
0x93: {  	_ =	sfence.sel $0x180000  }
0x94: {  	[bflag:$0x0] =	sbarrier.arrive $0xFFFF  }
0x95: {  	_ =	strace $0x9000004A  }
0x96: {  	s0 =	stileid.u32;
	[bflag:$0x2] =	sbarrier.arrive $0xFFFF  }
0x97: {  	p0 =	sne.s32 s0, $0x0;
	s0 =	rddreg [dreg:$0x2]  }
0x98: {  	s0 =	sadd.s32 @!p0 $0x100000, s0  }
0x99: {  	[sflag:s0] =	ssyncadd.tile.s32 @!p0 $0x1;
	_ =	shalt  }
.Lfunc_end2:
_tile_overlayer_lowered:
.L_overlay_start_2:
0x9a: {  	(tag) =	ssettag $0x2  }
0x9b: {  	s0 =	rddreg [dreg:$0x0];
	s2 =	stileid.u32  }
0x9c: {  	s1 =	rddreg [dreg:$0x1];
	p0 =	sne.s32 s2, $0x0  }
0x9d: {  	s3 =	rddreg [dreg:$0x2];
	[bflag:$0x3] =	sbarrier.arrive $0xFFFF;
	s2 =	simm.s32 @!p0 $0x1C09  }
0x9e: {  	[timem:s3], [sflag:s2] =	dma.local @!p0 [hbm:s0], s1  }
0x9f: {  	s0 =	simm.s32 @!p0 $0x9  }
0xa0: {  	_ =	swait.ge @!p0 [sflag:s0], s1  }
0xa1: {  	s1 =	ssub.s32 @!p0 $0x0, s1;
	[sflag:s0] =	ssyncset.done @!p0 $0x0  }
0xa2: {  	[sflag:s0] =	ssyncadd.s32 @!p0 s1  }
0xa3: {  	[bflag:$0x3] =	sbarrier.arrive $0xFFFF  }
0xa4: {  	_ =	shalt  }

// kernel: kernel.13.cloned.1.call-start
scs
__scs_entry_jumppad:
0x0: {  	(pc) =	sbr.rel $0x88, $3  }
0x1: {  	(tag) =	ssettag $0x0;
	lr =	simm.s32 $0x1  }
0x2: {  	[smem:$0x3F9A] =	sst lr;
	_ =	strace $0xD0000000  }
0x3: {  	_ = 	snop  }
0x4: {  	_ = 	snop  }
0x5: {  	_ = 	snop  }
0x6: {  	_ = 	snop  }
0x7: {  	_ = 	snop  }
__scs_overlays_trampoline_lowered:
0x8: {  	[smem:$0x3FA9] =	sst s0  }
0x9: {  	[smem:$0x3FAA] =	sst s1  }
0xa: {  	[smem:$0x3FAB] =	sst s2  }
0xb: {  	[smem:$0x3FAC] =	sst s3  }
0xc: {  	[smem:$0x3FAD] =	sst s4  }
0xd: {  	[smem:$0x3FAE] =	sst s5  }
0xe: {  	[smem:$0x3FAF] =	sst s6  }
0xf: {  	[smem:$0x3FB0] =	sst s7  }
0x10: {  	[smem:$0x3FB1] =	sst s8  }
0x11: {  	[smem:$0x3FB2] =	sst s9;
	s0 =	simm.s32 @!p0 $0x0  }
0x12: {  	s1 =	sld [smem:$0x3F98];
	s0 =	simm.s32 @p0 $0x1  }
0x13: {  	[smem:$0x3FB3] =	sst s0;
	s0 =	simm.s32 @!p1 $0x0  }
0x14: {  	s2 =	sld [smem:$0x3F97];
	s0 =	simm.s32 @p1 $0x1  }
0x15: {  	[smem:$0x3FB4] =	sst s0;
	s0 =	simm.s32 @!p2 $0x0  }
0x16: {  	s3 =	sld [smem:$0x3FDB];
	s0 =	simm.s32 @p2 $0x1  }
0x17: {  	s4 =	simm.s32 $0x1BF5;
	[smem:$0x3FB6] =	sst s0  }
0x18: {  	s0 =	sld [smem:$0x3F99];
	_ =	swait.ge [sflag:s4], $0x0  }
0x19: {  	s7 =	sld [smem:$0x3F9A]  }
0x1a: {  	s8 =	sadd.s32 $0xFFFFE003, lr  }
0x1b: {  	s9 =	sadd.s32 $0xFFFFFEF7, lr;
	s5 =	simm.s32 $0xFFFFFFFF;
	p2 =	slt.u32 s8, $0xFFFFF086  }
0x1c: {  	p1 =	slt.u32 s9, $0xF7A;
	s5 =	simm.s32 @!p2 $0x0  }
0x1d: {  	s5 =	simm.s32 @p1 $0x1;
	p0 =	seq.s32 s7, s2  }
0x1e: {  	s7 =	smul.u32 @!p0 $0xF7A, s2;
	p2 =	seq.s32 @!p0 s5, $0x0  }
0x1f: {  	s9 =	smul.u32 $0xF7A, s1;
	s8 =	simm.s32 @!p0 $0x1BF5;
	p2 =	por !p2, p0  }
0x20: {  	[sflag:s8] =	ssyncset.s32 @!p0 $0xFFFFF086;
	s6 =	sadd.s32 @!p0 s3, s7;
	s7 =	simm.s32 @!p0 $0x108  }
0x21: {  	s3 =	sadd.s32 s3, s9;
	s6 =	sadd.s32 @!p0 $0x88, s6;
	s7 =	simm.s32 @p2 $0x1082  }
0x22: {  	[simem:s7], [sflag:s8] =	dma.local @!p0 [hbm:s6], $0xF7A  }
0x23: {  	s9 =	sor.u32 $0xD0000000, s2;
	s6 =	simm.s32 $0x108;
	_ =	swait.ge @!p0 [sflag:s8], $0x0  }
0x24: {  	s3 =	sadd.s32 $0x88, s3;
	s6 =	simm.s32 @!p1 $0x1082;
	[sflag:s4] =	ssyncset.s32 $0xFFFFF086  }
0x25: {  	[simem:s6], [sflag:s4] =	dma.local [hbm:s3], $0xF7A  }
0x26: {  	[smem:$0x3F9A] =	sst s1;
	(tag) =	ssettag s2;
	_ =	strace s9  }
0x27: {  	s1 =	sld [smem:$0x3FAA]  }
0x28: {  	s2 =	sld [smem:$0x3FAB]  }
0x29: {  	s4 =	sld [smem:$0x3FAD]  }
0x2a: {  	p0 =	seq.s32 s5, $0x0;
	s5 =	sld [smem:$0x3FAE]  }
0x2b: {  	s6 =	sld [smem:$0x3FAF]  }
0x2c: {  	s7 =	sld [smem:$0x3FB0]  }
0x2d: {  	s3 =	simm.s32 $0x108;
	s8 =	sld [smem:$0x3FB1]  }
0x2e: {  	s3 =	simm.s32 @!p0 $0x1082;
	s9 =	sld [smem:$0x3FB2]  }
0x2f: {  	lr =	sadd.s32 s0, s3;
	s0 =	sld [smem:$0x3FA9]  }
0x30: {  	s3 =	sld [smem:$0x3FAC]  }
0x31: {  	[smem:$0x3FB5] =	sst s10  }
0x32: {  	s10 =	sld [smem:$0x3FB3];
	_ =	sdelay $0x3  }
0x33: {  	p0 =	seq.s32 s10, $0x1;
	s10 =	sld [smem:$0x3FB5];
	_ =	sdelay $0x3  }
0x34: {  	[smem:$0x3FB5] =	sst s10  }
0x35: {  	s10 =	sld [smem:$0x3FB4];
	_ =	sdelay $0x3  }
0x36: {  	p1 =	seq.s32 s10, $0x1;
	s10 =	sld [smem:$0x3FB5];
	_ =	sdelay $0x3  }
0x37: {  	[smem:$0x3FB5] =	sst s10  }
0x38: {  	s10 =	sld [smem:$0x3FB6]  }
0x39: {  	_ = 	snop;
	(pc) =	sbr.ind lr, $3  }
0x3a: {  	_ = 	snop  }
0x3b: {  	_ = 	snop  }
0x3c: {  	p2 =	seq.s32 s10, $0x1;
	s10 =	sld [smem:$0x3FB5]  }
0x3d: {  	_ =	shalt  }
0x3e: {  	_ =	shalt  }
0x3f: {  	_ =	shalt  }
0x40: {  	_ =	shalt  }
0x41: {  	_ =	shalt  }
0x42: {  	_ =	shalt  }
0x43: {  	_ =	shalt  }
0x44: {  	_ =	shalt  }
0x45: {  	_ =	shalt  }
0x46: {  	_ =	shalt  }
0x47: {  	_ =	shalt  }
0x48: {  	_ =	shalt  }
0x49: {  	_ =	shalt  }
0x4a: {  	_ =	shalt  }
0x4b: {  	_ =	shalt  }
0x4c: {  	_ =	shalt  }
0x4d: {  	_ =	shalt  }
0x4e: {  	_ =	shalt  }
0x4f: {  	_ =	shalt  }
0x50: {  	_ =	shalt  }
0x51: {  	_ =	shalt  }
0x52: {  	_ =	shalt  }
0x53: {  	_ =	shalt  }
0x54: {  	_ =	shalt  }
0x55: {  	_ =	shalt  }
0x56: {  	_ =	shalt  }
0x57: {  	_ =	shalt  }
0x58: {  	_ =	shalt  }
0x59: {  	_ =	shalt  }
0x5a: {  	_ =	shalt  }
0x5b: {  	_ =	shalt  }
0x5c: {  	_ =	shalt  }
0x5d: {  	_ =	shalt  }
0x5e: {  	_ =	shalt  }
0x5f: {  	_ =	shalt  }
0x60: {  	_ =	shalt  }
0x61: {  	_ =	shalt  }
0x62: {  	_ =	shalt  }
0x63: {  	_ =	shalt  }
0x64: {  	_ =	shalt  }
0x65: {  	_ =	shalt  }
0x66: {  	_ =	shalt  }
0x67: {  	_ =	shalt  }
0x68: {  	_ =	shalt  }
0x69: {  	_ =	shalt  }
0x6a: {  	_ =	shalt  }
0x6b: {  	_ =	shalt  }
0x6c: {  	_ =	shalt  }
0x6d: {  	_ =	shalt  }
0x6e: {  	_ =	shalt  }
0x6f: {  	_ =	shalt  }
0x70: {  	_ =	shalt  }
0x71: {  	_ =	shalt  }
0x72: {  	_ =	shalt  }
0x73: {  	_ =	shalt  }
0x74: {  	_ =	shalt  }
0x75: {  	_ =	shalt  }
0x76: {  	_ =	shalt  }
0x77: {  	_ =	shalt  }
0x78: {  	_ =	shalt  }
0x79: {  	_ =	shalt  }
0x7a: {  	_ =	shalt  }
0x7b: {  	_ =	shalt  }
0x7c: {  	_ =	shalt  }
0x7d: {  	_ =	shalt  }
0x7e: {  	_ =	shalt  }
0x7f: {  	_ =	shalt  }
0x80: {  	_ =	shalt  }
0x81: {  	_ =	shalt  }
0x82: {  	_ =	shalt  }
0x83: {  	_ =	shalt  }
0x84: {  	_ =	shalt  }
0x85: {  	_ =	shalt  }
0x86: {  	_ =	shalt  }
0x87: {  	_ =	shalt  }
.Lfunc_end0:
.L_simem_size_0:
called_computation.1_lowered:
.L_overlay_start_0:
0x88: {  	s2 =	sld [smem:$0x3FD9]  }
0x89: {  	s3 =	sld [smem:$0x3FFE];
	_ =	sdelay $0x1  }
0x8a: {  	s1 =	srdreg.scid  }
0x8b: {  	s0 =	sand.u32 $0x1, s1  }
0x8c: {  	s17 =	sshll.u32 s0, $0xA;
	s2 =	sadd.s32 s3, s2  }
0x8d: {  	s2 =	sadd.s32 s2, s17  }
0x8e: {  	[smem:$0x3FC1] =	sst s2  }
0x8f: {  	_ = 	snop  }
0x90: {  	s2 =	sld [smem:$0x3FC9];
	(tm) =	ssettm $0x1  }
0x91: {  	s18 =	sld [smem:$0x3FFB];
	_ =	sdelay $0x3  }
0x92: {  	_ =	strace s18  }
0x93: {  	s3 =	sld [smem:$0x3FFC];
	_ =	sdelay $0x3  }
0x94: {  	_ =	strace s3  }
0x95: {  	s3 =	sld [smem:$0x3FFD];
	_ =	sdelay $0x3  }
0x96: {  	_ =	strace s3  }
0x97: {  	_ =	strace $0x8FFFFFFF  }
0x98: {  	s19 =	sld [smem:$0x3FDB];
	_ =	sdelay $0x1  }
0x99: {  	s4 =	simm.s32 $_scs_section_size  }
0x9a: {  	s5 =	simm.s32 $_size__tile_overlayer_lowered;
	s6 =	simm.s32 $_tile_overlayer_lowered  }
0x9b: {  	s22 =	simm.s32 $0x1BFF;
	s21 =	sshll.u32 s6, $0x1;
	s3 =	sadd.s32 s4, s19  }
0x9c: {  	s7 =	simm.s32 $0x0;
	s20 =	sshll.u32 s5, $0x1;
	s5 =	sadd.s32 s21, s3  }
0x9d: {  	[timem:s7], [sflag:s22] =	dma.local [hbm:s5], s20  }
0x9e: {  	_ =	swait.ge [sflag:s22], s20  }
0x9f: {  	s4 =	ssub.s32 $0x0, s20;
	[sflag:s22] =	ssyncset.done $0x0  }
0xa0: {  	[sflag:s22] =	ssyncadd.s32 s4;
	_ =	sdelay $0x1  }
0xa1: {  	s23 =	simm.s32 $0x1B8B  }
0xa2: {  	_ =	swait.ge [sflag:s23], $0x1  }
0xa3: {  	[sflag:s23] =	ssyncset.done $0x0  }
0xa4: {  	s25 =	simm.s32 $0x1B8E;
	s24 =	sld [smem:$0x3FFE];
	[sflag:s23] =	ssyncadd.s32 $0xFFFFFFFF  }
0xa5: {  	s26 =	simm.s32 $execute0_lowered;
	[smem:$0x3FD2] =	sst s25  }
0xa6: {  	s5 =	sshll.u32 s26, $0x1;
	_ =	strace $0x80000046;
	[dreg:$0x1] =	wrdreg $0xFFFFFFFF  }
0xa7: {  	s28 =	simm.s32 $_size_execute0_lowered;
	s3 =	sadd.s32 s3, s5;
	[dreg:$0x0] =	wrdreg $0x0  }
0xa8: {  	s5 =	sshll.u32 s28, $0x1;
	[dreg:$0x2] =	wrdreg s3  }
0xa9: {  	[dreg:$0x3] =	wrdreg s5  }
0xaa: {  	[dreg:$0x4] =	wrdreg $0xC0  }
0xab: {  	_ =	task [dreg:s7], $0x5FFFF  }
0xac: {  	[dreg:$0x1] =	wrdreg $0xFFFFFFFF  }
0xad: {  	[dreg:$0x0] =	wrdreg $0x60  }
0xae: {  	[dreg:$0x2] =	wrdreg s2  }
0xaf: {  	[dreg:$0x3] =	wrdreg s24  }
0xb0: {  	[dreg:$0x4] =	wrdreg $0xA  }
0xb1: {  	_ =	task.clear_ibuf [dreg:s7], $0x5FFFF;
	_ =	strace $0x90000046  }
0xb2: {  	s29 =	simm.s32 $0xA;
	_ =	strace $0x80000048  }
0xb3: {  	_ =	swait.ge [sflag:s29], $0x1  }
0xb4: {  	[sflag:s29] =	ssyncadd.s32 $0xFFFFFFFF  }
0xb5: {  	_ =	strace $0x90000048  }
0xb6: {  	_ =	sfence  }
0xb7: {  	s30 =	sld [smem:$0x0];
	_ =	sdelay $0x2  }
0xb8: {  	s31 =	sshll.u32 s1, $0xD;
	s1 =	sshrl.u32 s1, $0x2  }
0xb9: {  	s3 =	sand.u32 $0x4000, s31;
	s1 =	sadd.s32 s1, s30  }
0xba: {  	s0 =	sor.u32 s3, s0;
	s1 =	sshll.u32 s1, $0x11  }
0xbb: {  	s0 =	sor.u32 s1, s0  }
0xbc: {  	s0 =	sadd.s32 $0x8F2B, s0  }
0xbd: {  	[sflag:s0] =	ssyncadd.remote.s32 $0x1  }
0xbe: {  	_ =	sfence.sel $0xFFFF  }
0xbf: {  	[dreg:$0x0] =	wrdreg $0xFFFFFFFF;
	(pc) =	sbr.abs _section_cstart, $3  }
0xc0: {  	[dreg:$0x1] =	wrdreg $0xFFFFFFFF  }
0xc1: {  	_ =	task.clear_ibuf [dreg:s7], $0x2FFFF;
	_ =	strace $0x9FFFFFFF  }
0xc2: {  	(tm) =	ssettm $0x7FFFFFFF  }
0xc3: {  	_ =	shalt  }
tec
execute0_lowered:
.L_overlay_start_1:
0x0: {  	(tag) =	ssettag $0x1  }
0x1: {  	s2 =	rddreg [dreg:$0x0];
	s0 =	srdreg.scid  }
0x2: {  	s8 =	stileid.u32;
	s1 =	rddreg [dreg:$0x1]  }
0x3: {  	s3 =	simm.s32 $0x0;
	s28 =	simm.s32 $0x5;
	s30 =	simm.s32 $0x3  }
0x4: {  	s0 =	sand.u32 $0x1, s0;
	s4 =	sshll.u32 s8, $0x1;
	s18 =	smul.u32 $0x271000, s8  }
0x5: {  	s4 =	sor.u32 s0, s4;
	s6 =	ssub.s32 $0x2, s0;
	s0 =	smul.u32 $0x138800, s0  }
0x6: {  	s31 =	simm.s32 $0x6;
	[smem:$0x7FF] =	sst s3;
	s5 =	smul.u32 $0x4E2, s4  }
0x7: {  	s29 =	simm.s32 $0x0;
	_ =	strace $0x80000047;
	s7 =	smul.u32 $0x138800, s4  }
0x8: {  	s4 =	sadd.s32 $0xCC00, s1;
	s16 =	sshrl.u32 s6, $0x1;
	s0 =	sadd.s32 s0, s18  }
0x9: {  	s18 =	simm.s32 $0x28;
	s5 =	sadd.s32 s5, s1;
	s1 =	ssub.s32 s6, s16  }
0xa: {  	s17 =	sshrl.u32 s7, $0x3;
	s24 =	sadd.s32 $0x8C00, s0;
	s25 =	sadd.s32 $0x7800, s0  }
0xb: {  	s7 =	sadd.s32 $0x6400, s0;
	s16 =	sadd.s32 $0x5000, s0;
	s0 =	simm.s32 $0x4  }
0xc: {  	s5 =	sadd.s32 $0x2E00, s5;
	s6 =	sadd.s32 s4, s17;
	s1 =	smax.u32 s1, $0x1  }
0xd: {  	s26 =	sshrl.u32 s7, $0x3;
	s17 =	simm.s32 $0x9;
	[dreg:$0x3] =	wrdreg s5  }
0xe: {  	s19 =	sadd.s32 $0x26C00, s6;
	s20 =	sadd.s32 $0x26E80, s6;
	[dreg:$0x6] =	wrdreg s1  }
0xf: {  	s21 =	sadd.s32 $0x280, s6;
	s22 =	sadd.s32 $0x500, s6;
	[dreg:$0x4] =	wrdreg s19  }
0x10: {  	s23 =	sadd.s32 $0x780, s6;
	s1 =	sshrl.u32 s24, $0x3;
	[dreg:$0x5] =	wrdreg s20  }
0x11: {  	s5 =	sshrl.u32 s25, $0x3;
	s15 =	sadd.s32 s26, s4;
	[dreg:$0x7] =	wrdreg s21  }
0x12: {  	s25 =	simm.s32 $0x6380;
	s26 =	simm.s32 $0x2;
	[dreg:$0x8] =	wrdreg s22  }
0x13: {  	s24 =	simm.s32 $0x8;
	[dreg:$0x9] =	wrdreg s23;
	s10 =	sadd.s32 s1, s4  }
0x14: {  	s14 =	sadd.s32 s5, s4;
	s19 =	simm.s32 $0x2780;
	s20 =	simm.s32 $0x3B80  }
0x15: {  	s22 =	simm.s32 $0x4F80;
	s23 =	simm.s32 $0x1;
	s21 =	simm.s32 $0x7  }
.LBB2_1:
0x16: {  	s1 =	rddreg [dreg:$0x3]  }
0x17: {  	[tilespmem:s3], [sflag:$0x9] =	stream.linear.gather [hbm4b:s1+s3], $0x2710, $0x38;
	[tilespmem:$0x7780] =	vst v63  }
0x18: {  	_ =	swait.ge [sflag:s17], $0x2710  }
0x19: {  	[sflag:s17] =	ssyncset.done $0x0  }
0x1a: {  	[sflag:s17] =	ssyncadd.s32 $0xFFFFD8F0  }
0x1b: {  	[tilespmem:s19], [sflag:$0x1] =	stream.indirect.gather [hbm4b:s2+s18], $0x80, s3, s18, $0xb8;
	[tilespmem:$0x7780] =	vst v63  }
0x1c: {  	_ = 	snop  }
0x1d: {  	[tilespmem:s20], [sflag:$0x2] =	stream.indirect.gather [hbm4b:s2+s18], $0x80, s18, s18, $0xb8;
	[tilespmem:$0x7780] =	vst v63  }
0x1e: {  	s8 =	simm.s32 $0x50  }
0x1f: {  	[tilespmem:s22], [sflag:$0x3] =	stream.indirect.gather [hbm4b:s2+s18], $0x80, s8, s18, $0xb8;
	[tilespmem:$0x7780] =	vst v63  }
0x20: {  	_ =	swait.ge [sflag:s23], $0x1400  }
0x21: {  	[sflag:s23] =	ssyncset.done $0x0  }
0x22: {  	[sflag:s23] =	ssyncadd.s32 $0xFFFFEC00  }
0x23: {  	[hbm4b:s6+s3] =	stream.linear.scatter [tilespmem:s19], [sflag:$0x5], $0x1400, $0x38;
	[tilespmem:$0x7780] =	vst v63  }
0x24: {  	s9 =	simm.s32 $0x78  }
0x25: {  	[tilespmem:s25], [sflag:$0x4] =	stream.indirect.gather [hbm4b:s2+s18], $0x80, s9, s18, $0xb8;
	[tilespmem:$0x7780] =	vst v63  }
0x26: {  	_ =	swait.ge [sflag:s26], $0x1400  }
0x27: {  	[sflag:s26] =	ssyncset.done $0x0  }
0x28: {  	s11 =	rddreg [dreg:$0x7];
	[sflag:s26] =	ssyncadd.s32 $0xFFFFEC00  }
0x29: {  	[hbm4b:s11+s3] =	stream.linear.scatter [tilespmem:s20], [sflag:$0x6], $0x1400, $0x38;
	[tilespmem:$0x7780] =	vst v63  }
0x2a: {  	_ =	swait.ge [sflag:s28], $0x1400  }
0x2b: {  	[sflag:s28] =	ssyncset.done $0x0  }
0x2c: {  	s12 =	simm.s32 $0xA0;
	[sflag:s28] =	ssyncadd.s32 $0xFFFFEC00  }
0x2d: {  	[tilespmem:s19], [sflag:$0x1] =	stream.indirect.gather [hbm4b:s2+s18], $0x80, s12, s18, $0xb8;
	[tilespmem:$0x7780] =	vst v63  }
0x2e: {  	_ =	swait.ge [sflag:s30], $0x1400  }
0x2f: {  	[sflag:s30] =	ssyncset.done $0x0  }
0x30: {  	s13 =	rddreg [dreg:$0x8];
	[sflag:s30] =	ssyncadd.s32 $0xFFFFEC00  }
0x31: {  	[hbm4b:s13+s3] =	stream.linear.scatter [tilespmem:s22], [sflag:$0x7], $0x1400, $0x38;
	[tilespmem:$0x7780] =	vst v63  }
0x32: {  	_ =	swait.ge [sflag:s31], $0x1400  }
0x33: {  	[sflag:s31] =	ssyncset.done $0x0  }
0x34: {  	s5 =	simm.s32 $0xC8;
	[sflag:s31] =	ssyncadd.s32 $0xFFFFEC00  }
0x35: {  	[tilespmem:s20], [sflag:$0x2] =	stream.indirect.gather [hbm4b:s2+s18], $0x80, s5, s18, $0xb8;
	[tilespmem:$0x7780] =	vst v63  }
0x36: {  	_ =	swait.ge [sflag:s0], $0x1400  }
0x37: {  	[sflag:s0] =	ssyncset.done $0x0  }
0x38: {  	s7 =	rddreg [dreg:$0x9];
	[sflag:s0] =	ssyncadd.s32 $0xFFFFEC00  }
0x39: {  	[hbm4b:s7+s3] =	stream.linear.scatter [tilespmem:s25], [sflag:$0x8], $0x1400, $0x38;
	[tilespmem:$0x7780] =	vst v63  }
0x3a: {  	_ =	swait.ge [sflag:s21], $0x1400  }
0x3b: {  	[sflag:s21] =	ssyncset.done $0x0  }
0x3c: {  	s8 =	simm.s32 $0xF0;
	[sflag:s21] =	ssyncadd.s32 $0xFFFFEC00  }
0x3d: {  	[tilespmem:s22], [sflag:$0x3] =	stream.indirect.gather [hbm4b:s2+s18], $0x80, s8, s18, $0xb8;
	[tilespmem:$0x7780] =	vst v63  }
0x3e: {  	_ =	swait.ge [sflag:s23], $0x1400  }
0x3f: {  	s9 =	sshrl.u32 s16, $0x3;
	[sflag:s23] =	ssyncset.done $0x0  }
0x40: {  	s1 =	sadd.s32 s4, s9;
	[sflag:s23] =	ssyncadd.s32 $0xFFFFEC00  }
0x41: {  	[hbm4b:s1+s3] =	stream.linear.scatter [tilespmem:s19], [sflag:$0x5], $0x1400, $0x38;
	[tilespmem:$0x7780] =	vst v63  }
0x42: {  	_ =	swait.ge [sflag:s24], $0x1400  }
0x43: {  	[sflag:s24] =	ssyncset.done $0x0  }
0x44: {  	s11 =	simm.s32 $0x118;
	[sflag:s24] =	ssyncadd.s32 $0xFFFFEC00  }
0x45: {  	[tilespmem:s25], [sflag:$0x4] =	stream.indirect.gather [hbm4b:s2+s18], $0x80, s11, s18, $0xb8;
	[tilespmem:$0x7780] =	vst v63  }
0x46: {  	_ =	swait.ge [sflag:s26], $0x1400  }
0x47: {  	[sflag:s26] =	ssyncset.done $0x0  }
0x48: {  	[sflag:s26] =	ssyncadd.s32 $0xFFFFEC00  }
0x49: {  	[hbm4b:s15+s3] =	stream.linear.scatter [tilespmem:s20], [sflag:$0x6], $0x1400, $0x38;
	[tilespmem:$0x7780] =	vst v63  }
0x4a: {  	_ =	swait.ge [sflag:s28], $0x1400  }
0x4b: {  	[sflag:s28] =	ssyncset.done $0x0  }
0x4c: {  	s12 =	simm.s32 $0x140;
	[sflag:s28] =	ssyncadd.s32 $0xFFFFEC00  }
0x4d: {  	[tilespmem:s19], [sflag:$0x1] =	stream.indirect.gather [hbm4b:s2+s18], $0x80, s12, s18, $0xb8;
	[tilespmem:$0x7780] =	vst v63  }
0x4e: {  	_ =	swait.ge [sflag:s30], $0x1400  }
0x4f: {  	[sflag:s30] =	ssyncset.done $0x0  }
0x50: {  	[sflag:s30] =	ssyncadd.s32 $0xFFFFEC00  }
0x51: {  	[hbm4b:s14+s3] =	stream.linear.scatter [tilespmem:s22], [sflag:$0x7], $0x1400, $0x38;
	[tilespmem:$0x7780] =	vst v63  }
0x52: {  	_ =	swait.ge [sflag:s31], $0x1400  }
0x53: {  	[sflag:s31] =	ssyncset.done $0x0  }
0x54: {  	s13 =	simm.s32 $0x168;
	[sflag:s31] =	ssyncadd.s32 $0xFFFFEC00  }
0x55: {  	[tilespmem:s20], [sflag:$0x2] =	stream.indirect.gather [hbm4b:s2+s18], $0x80, s13, s18, $0xb8;
	[tilespmem:$0x7780] =	vst v63  }
0x56: {  	s9 =	sadd.s32 $0xA00, s14;
	s5 =	sadd.s32 $0xA00, s15;
	_ =	swait.ge [sflag:s0], $0x1400  }
0x57: {  	s7 =	sadd.s32 $0x5000, s16;
	s8 =	sadd.s32 $0xA00, s10;
	[sflag:s0] =	ssyncset.done $0x0  }
0x58: {  	s1 =	simm.s32 $0x280;
	s13 =	smov.u32 s10;
	[sflag:s0] =	ssyncadd.s32 $0xFFFFEC00  }
.LBB2_2:
0x59: {  	[hbm4b:s13+s3] =	stream.linear.scatter [tilespmem:s25], [sflag:$0x8], $0x1400, $0x38;
	[tilespmem:$0x7780] =	vst v63  }
0x5a: {  	s11 =	smov.u32 s1;
	s13 =	smov.u32 s8  }
0x5b: {  	p0 =	sne.s32 s1, $0x9600;
	s1 =	sadd.s32 $0x280, s1;
	_ =	swait.ge [sflag:s21], $0x1400  }
0x5c: {  	s11 =	sshra.s32 s11, $0x2;
	[sflag:s21] =	ssyncset.done $0x0  }
0x5d: {  	s12 =	sadd.s32 $0xF0, s11;
	[sflag:s21] =	ssyncadd.s32 $0xFFFFEC00  }
0x5e: {  	[tilespmem:s22], [sflag:$0x3] =	stream.indirect.gather [hbm4b:s2+s18], $0x80, s12, s18, $0xb8;
	[tilespmem:$0x7780] =	vst v63  }
0x5f: {  	_ =	swait.ge [sflag:s23], $0x1400  }
0x60: {  	s12 =	sshrl.u32 s7, $0x3;
	[sflag:s23] =	ssyncset.done $0x0  }
0x61: {  	s12 =	sadd.s32 s4, s12;
	[sflag:s23] =	ssyncadd.s32 $0xFFFFEC00  }
0x62: {  	[hbm4b:s12+s3] =	stream.linear.scatter [tilespmem:s19], [sflag:$0x5], $0x1400, $0x38;
	[tilespmem:$0x7780] =	vst v63  }
0x63: {  	_ =	swait.ge [sflag:s24], $0x1400  }
0x64: {  	[sflag:s24] =	ssyncset.done $0x0  }
0x65: {  	s12 =	sadd.s32 $0x118, s11;
	[sflag:s24] =	ssyncadd.s32 $0xFFFFEC00  }
0x66: {  	[tilespmem:s25], [sflag:$0x4] =	stream.indirect.gather [hbm4b:s2+s18], $0x80, s12, s18, $0xb8;
	[tilespmem:$0x7780] =	vst v63  }
0x67: {  	_ =	swait.ge [sflag:s26], $0x1400  }
0x68: {  	[sflag:s26] =	ssyncset.done $0x0  }
0x69: {  	[sflag:s26] =	ssyncadd.s32 $0xFFFFEC00  }
0x6a: {  	[hbm4b:s5+s3] =	stream.linear.scatter [tilespmem:s20], [sflag:$0x6], $0x1400, $0x38;
	[tilespmem:$0x7780] =	vst v63  }
0x6b: {  	_ =	swait.ge [sflag:s28], $0x1400  }
0x6c: {  	[sflag:s28] =	ssyncset.done $0x0  }
0x6d: {  	s12 =	sadd.s32 $0x140, s11;
	[sflag:s28] =	ssyncadd.s32 $0xFFFFEC00  }
0x6e: {  	[tilespmem:s19], [sflag:$0x1] =	stream.indirect.gather [hbm4b:s2+s18], $0x80, s12, s18, $0xb8;
	[tilespmem:$0x7780] =	vst v63  }
0x6f: {  	_ =	swait.ge [sflag:s30], $0x1400  }
0x70: {  	[sflag:s30] =	ssyncset.done $0x0  }
0x71: {  	[sflag:s30] =	ssyncadd.s32 $0xFFFFEC00  }
0x72: {  	[hbm4b:s9+s3] =	stream.linear.scatter [tilespmem:s22], [sflag:$0x7], $0x1400, $0x38;
	[tilespmem:$0x7780] =	vst v63  }
0x73: {  	_ =	swait.ge [sflag:s31], $0x1400  }
0x74: {  	[sflag:s31] =	ssyncset.done $0x0  }
.Ltmp0:
0x75: {  	s11 =	sadd.s32 $0x168, s11;
	[sflag:s31] =	ssyncadd.s32 $0xFFFFEC00;
	(pc) =	sbr.rel @p0 .LBB2_2-.Ltmp0, $4  }
0x76: {  	[tilespmem:s20], [sflag:$0x2] =	stream.indirect.gather [hbm4b:s2+s18], $0x80, s11, s18, $0xb8;
	[tilespmem:$0x7780] =	vst v63  }
0x77: {  	_ =	swait.ge [sflag:s0], $0x1400  }
0x78: {  	s7 =	sadd.s32 $0x5000, s7;
	s5 =	sadd.s32 $0xA00, s5;
	[sflag:s0] =	ssyncset.done $0x0  }
0x79: {  	s8 =	sadd.s32 $0xA00, s8;
	s9 =	sadd.s32 $0xA00, s9;
	[sflag:s0] =	ssyncadd.s32 $0xFFFFEC00  }
0x7a: {  	[hbm4b:s13+s3] =	stream.linear.scatter [tilespmem:s25], [sflag:$0x8], $0x1400, $0x38;
	[tilespmem:$0x7780] =	vst v63  }
0x7b: {  	_ =	swait.ge [sflag:s21], $0x1400  }
0x7c: {  	[sflag:s21] =	ssyncset.done $0x0  }
0x7d: {  	[sflag:s21] =	ssyncadd.s32 $0xFFFFEC00  }
0x7e: {  	_ =	swait.ge [sflag:s23], $0x1400  }
0x7f: {  	[sflag:s23] =	ssyncset.done $0x0  }
0x80: {  	s1 =	rddreg [dreg:$0x4];
	[sflag:s23] =	ssyncadd.s32 $0xFFFFEC00  }
0x81: {  	[hbm4b:s1+s3] =	stream.linear.scatter [tilespmem:s19], [sflag:$0x5], $0x1400, $0x38;
	[tilespmem:$0x7780] =	vst v63  }
0x82: {  	_ =	swait.ge [sflag:s24], $0x1400  }
0x83: {  	[sflag:s24] =	ssyncset.done $0x0  }
0x84: {  	[sflag:s24] =	ssyncadd.s32 $0xFFFFEC00  }
0x85: {  	_ =	swait.ge [sflag:s26], $0x1400  }
0x86: {  	[sflag:s26] =	ssyncset.done $0x0  }
0x87: {  	s12 =	rddreg [dreg:$0x5];
	[sflag:s26] =	ssyncadd.s32 $0xFFFFEC00  }
0x88: {  	[hbm4b:s12+s3] =	stream.linear.scatter [tilespmem:s20], [sflag:$0x6], $0x1400, $0x38;
	[tilespmem:$0x7780] =	vst v63  }
0x89: {  	_ =	swait.ge [sflag:s28], $0x1400  }
0x8a: {  	[sflag:s28] =	ssyncset.done $0x0  }
0x8b: {  	[sflag:s28] =	ssyncadd.s32 $0xFFFFEC00  }
0x8c: {  	_ =	swait.ge [sflag:s31], $0x1400  }
0x8d: {  	s29 =	sadd.s32 $0x1, s29;
	s13 =	rddreg [dreg:$0x6]  }
0x8e: {  	p0 =	sne.s32 s29, s13  }
.Ltmp1:
0x8f: {  	_ = 	snop;
	(pc) =	sbr.rel @p0 .LBB2_1-.Ltmp1, $3  }
0x90: {  	_ =	sdelay $0x1  }
0x91: {  	[sflag:s31] =	ssyncset.done $0x0  }
0x92: {  	[sflag:s31] =	ssyncadd.s32 $0xFFFFEC00  }
0x93: {  	_ =	sfence.sel $0x180000  }
0x94: {  	[bflag:$0x0] =	sbarrier.arrive $0xFFFF  }
0x95: {  	_ =	strace $0x90000047  }
0x96: {  	s0 =	stileid.u32;
	[bflag:$0x2] =	sbarrier.arrive $0xFFFF  }
0x97: {  	p0 =	sne.s32 s0, $0x0;
	s0 =	rddreg [dreg:$0x2]  }
0x98: {  	s0 =	sadd.s32 @!p0 $0x100000, s0  }
0x99: {  	[sflag:s0] =	ssyncadd.tile.s32 @!p0 $0x1;
	_ =	shalt  }
.Lfunc_end2:
_tile_overlayer_lowered:
.L_overlay_start_2:
0x9a: {  	(tag) =	ssettag $0x2  }
0x9b: {  	s0 =	rddreg [dreg:$0x0];
	s2 =	stileid.u32  }
0x9c: {  	s1 =	rddreg [dreg:$0x1];
	p0 =	sne.s32 s2, $0x0  }
0x9d: {  	s3 =	rddreg [dreg:$0x2];
	[bflag:$0x3] =	sbarrier.arrive $0xFFFF;
	s2 =	simm.s32 @!p0 $0x1C09  }
0x9e: {  	[timem:s3], [sflag:s2] =	dma.local @!p0 [hbm:s0], s1  }
0x9f: {  	s0 =	simm.s32 @!p0 $0x9  }
0xa0: {  	_ =	swait.ge @!p0 [sflag:s0], s1  }
0xa1: {  	s1 =	ssub.s32 @!p0 $0x0, s1;
	[sflag:s0] =	ssyncset.done @!p0 $0x0  }
0xa2: {  	[sflag:s0] =	ssyncadd.s32 @!p0 s1  }
0xa3: {  	[bflag:$0x3] =	sbarrier.arrive $0xFFFF  }
0xa4: {  	_ =	shalt  }

// kernel: kernel.16.cloned.1.call-start
scs
__scs_entry_jumppad:
0x0: {  	(pc) =	sbr.rel $0x88, $3  }
0x1: {  	(tag) =	ssettag $0x0;
	lr =	simm.s32 $0x1  }
0x2: {  	[smem:$0x3F9A] =	sst lr;
	_ =	strace $0xD0000000  }
0x3: {  	_ = 	snop  }
0x4: {  	_ = 	snop  }
0x5: {  	_ = 	snop  }
0x6: {  	_ = 	snop  }
0x7: {  	_ = 	snop  }
__scs_overlays_trampoline_lowered:
0x8: {  	[smem:$0x3FA9] =	sst s0  }
0x9: {  	[smem:$0x3FAA] =	sst s1  }
0xa: {  	[smem:$0x3FAB] =	sst s2  }
0xb: {  	[smem:$0x3FAC] =	sst s3  }
0xc: {  	[smem:$0x3FAD] =	sst s4  }
0xd: {  	[smem:$0x3FAE] =	sst s5  }
0xe: {  	[smem:$0x3FAF] =	sst s6  }
0xf: {  	[smem:$0x3FB0] =	sst s7  }
0x10: {  	[smem:$0x3FB1] =	sst s8  }
0x11: {  	[smem:$0x3FB2] =	sst s9;
	s0 =	simm.s32 @!p0 $0x0  }
0x12: {  	s1 =	sld [smem:$0x3F98];
	s0 =	simm.s32 @p0 $0x1  }
0x13: {  	[smem:$0x3FB3] =	sst s0;
	s0 =	simm.s32 @!p1 $0x0  }
0x14: {  	s2 =	sld [smem:$0x3F97];
	s0 =	simm.s32 @p1 $0x1  }
0x15: {  	[smem:$0x3FB4] =	sst s0;
	s0 =	simm.s32 @!p2 $0x0  }
0x16: {  	s3 =	sld [smem:$0x3FDB];
	s0 =	simm.s32 @p2 $0x1  }
0x17: {  	s4 =	simm.s32 $0x1BF5;
	[smem:$0x3FB6] =	sst s0  }
0x18: {  	s0 =	sld [smem:$0x3F99];
	_ =	swait.ge [sflag:s4], $0x0  }
0x19: {  	s7 =	sld [smem:$0x3F9A]  }
0x1a: {  	s8 =	sadd.s32 $0xFFFFE003, lr  }
0x1b: {  	s9 =	sadd.s32 $0xFFFFFEF7, lr;
	s5 =	simm.s32 $0xFFFFFFFF;
	p2 =	slt.u32 s8, $0xFFFFF086  }
0x1c: {  	p1 =	slt.u32 s9, $0xF7A;
	s5 =	simm.s32 @!p2 $0x0  }
0x1d: {  	s5 =	simm.s32 @p1 $0x1;
	p0 =	seq.s32 s7, s2  }
0x1e: {  	s7 =	smul.u32 @!p0 $0xF7A, s2;
	p2 =	seq.s32 @!p0 s5, $0x0  }
0x1f: {  	s9 =	smul.u32 $0xF7A, s1;
	s8 =	simm.s32 @!p0 $0x1BF5;
	p2 =	por !p2, p0  }
0x20: {  	[sflag:s8] =	ssyncset.s32 @!p0 $0xFFFFF086;
	s6 =	sadd.s32 @!p0 s3, s7;
	s7 =	simm.s32 @!p0 $0x108  }
0x21: {  	s3 =	sadd.s32 s3, s9;
	s6 =	sadd.s32 @!p0 $0x88, s6;
	s7 =	simm.s32 @p2 $0x1082  }
0x22: {  	[simem:s7], [sflag:s8] =	dma.local @!p0 [hbm:s6], $0xF7A  }
0x23: {  	s9 =	sor.u32 $0xD0000000, s2;
	s6 =	simm.s32 $0x108;
	_ =	swait.ge @!p0 [sflag:s8], $0x0  }
0x24: {  	s3 =	sadd.s32 $0x88, s3;
	s6 =	simm.s32 @!p1 $0x1082;
	[sflag:s4] =	ssyncset.s32 $0xFFFFF086  }
0x25: {  	[simem:s6], [sflag:s4] =	dma.local [hbm:s3], $0xF7A  }
0x26: {  	[smem:$0x3F9A] =	sst s1;
	(tag) =	ssettag s2;
	_ =	strace s9  }
0x27: {  	s1 =	sld [smem:$0x3FAA]  }
0x28: {  	s2 =	sld [smem:$0x3FAB]  }
0x29: {  	s4 =	sld [smem:$0x3FAD]  }
0x2a: {  	p0 =	seq.s32 s5, $0x0;
	s5 =	sld [smem:$0x3FAE]  }
0x2b: {  	s6 =	sld [smem:$0x3FAF]  }
0x2c: {  	s7 =	sld [smem:$0x3FB0]  }
0x2d: {  	s3 =	simm.s32 $0x108;
	s8 =	sld [smem:$0x3FB1]  }
0x2e: {  	s3 =	simm.s32 @!p0 $0x1082;
	s9 =	sld [smem:$0x3FB2]  }
0x2f: {  	lr =	sadd.s32 s0, s3;
	s0 =	sld [smem:$0x3FA9]  }
0x30: {  	s3 =	sld [smem:$0x3FAC]  }
0x31: {  	[smem:$0x3FB5] =	sst s10  }
0x32: {  	s10 =	sld [smem:$0x3FB3];
	_ =	sdelay $0x3  }
0x33: {  	p0 =	seq.s32 s10, $0x1;
	s10 =	sld [smem:$0x3FB5];
	_ =	sdelay $0x3  }
0x34: {  	[smem:$0x3FB5] =	sst s10  }
0x35: {  	s10 =	sld [smem:$0x3FB4];
	_ =	sdelay $0x3  }
0x36: {  	p1 =	seq.s32 s10, $0x1;
	s10 =	sld [smem:$0x3FB5];
	_ =	sdelay $0x3  }
0x37: {  	[smem:$0x3FB5] =	sst s10  }
0x38: {  	s10 =	sld [smem:$0x3FB6]  }
0x39: {  	_ = 	snop;
	(pc) =	sbr.ind lr, $3  }
0x3a: {  	_ = 	snop  }
0x3b: {  	_ = 	snop  }
0x3c: {  	p2 =	seq.s32 s10, $0x1;
	s10 =	sld [smem:$0x3FB5]  }
0x3d: {  	_ =	shalt  }
0x3e: {  	_ =	shalt  }
0x3f: {  	_ =	shalt  }
0x40: {  	_ =	shalt  }
0x41: {  	_ =	shalt  }
0x42: {  	_ =	shalt  }
0x43: {  	_ =	shalt  }
0x44: {  	_ =	shalt  }
0x45: {  	_ =	shalt  }
0x46: {  	_ =	shalt  }
0x47: {  	_ =	shalt  }
0x48: {  	_ =	shalt  }
0x49: {  	_ =	shalt  }
0x4a: {  	_ =	shalt  }
0x4b: {  	_ =	shalt  }
0x4c: {  	_ =	shalt  }
0x4d: {  	_ =	shalt  }
0x4e: {  	_ =	shalt  }
0x4f: {  	_ =	shalt  }
0x50: {  	_ =	shalt  }
0x51: {  	_ =	shalt  }
0x52: {  	_ =	shalt  }
0x53: {  	_ =	shalt  }
0x54: {  	_ =	shalt  }
0x55: {  	_ =	shalt  }
0x56: {  	_ =	shalt  }
0x57: {  	_ =	shalt  }
0x58: {  	_ =	shalt  }
0x59: {  	_ =	shalt  }
0x5a: {  	_ =	shalt  }
0x5b: {  	_ =	shalt  }
0x5c: {  	_ =	shalt  }
0x5d: {  	_ =	shalt  }
0x5e: {  	_ =	shalt  }
0x5f: {  	_ =	shalt  }
0x60: {  	_ =	shalt  }
0x61: {  	_ =	shalt  }
0x62: {  	_ =	shalt  }
0x63: {  	_ =	shalt  }
0x64: {  	_ =	shalt  }
0x65: {  	_ =	shalt  }
0x66: {  	_ =	shalt  }
0x67: {  	_ =	shalt  }
0x68: {  	_ =	shalt  }
0x69: {  	_ =	shalt  }
0x6a: {  	_ =	shalt  }
0x6b: {  	_ =	shalt  }
0x6c: {  	_ =	shalt  }
0x6d: {  	_ =	shalt  }
0x6e: {  	_ =	shalt  }
0x6f: {  	_ =	shalt  }
0x70: {  	_ =	shalt  }
0x71: {  	_ =	shalt  }
0x72: {  	_ =	shalt  }
0x73: {  	_ =	shalt  }
0x74: {  	_ =	shalt  }
0x75: {  	_ =	shalt  }
0x76: {  	_ =	shalt  }
0x77: {  	_ =	shalt  }
0x78: {  	_ =	shalt  }
0x79: {  	_ =	shalt  }
0x7a: {  	_ =	shalt  }
0x7b: {  	_ =	shalt  }
0x7c: {  	_ =	shalt  }
0x7d: {  	_ =	shalt  }
0x7e: {  	_ =	shalt  }
0x7f: {  	_ =	shalt  }
0x80: {  	_ =	shalt  }
0x81: {  	_ =	shalt  }
0x82: {  	_ =	shalt  }
0x83: {  	_ =	shalt  }
0x84: {  	_ =	shalt  }
0x85: {  	_ =	shalt  }
0x86: {  	_ =	shalt  }
0x87: {  	_ =	shalt  }
.Lfunc_end0:
.L_simem_size_0:
called_computation.2_lowered:
.L_overlay_start_0:
0x88: {  	s2 =	sld [smem:$0x3FD9]  }
0x89: {  	s3 =	sld [smem:$0x3FFE];
	_ =	sdelay $0x1  }
0x8a: {  	s1 =	srdreg.scid  }
0x8b: {  	s0 =	sand.u32 $0x1, s1  }
0x8c: {  	s17 =	sshll.u32 s0, $0xA;
	s2 =	sadd.s32 s3, s2  }
0x8d: {  	s2 =	sadd.s32 s2, s17  }
0x8e: {  	[smem:$0x3FC1] =	sst s2  }
0x8f: {  	_ = 	snop  }
0x90: {  	(tm) =	ssettm $0x1  }
0x91: {  	s18 =	sld [smem:$0x3FFB];
	_ =	sdelay $0x3  }
0x92: {  	_ =	strace s18  }
0x93: {  	s2 =	sld [smem:$0x3FFC];
	_ =	sdelay $0x3  }
0x94: {  	_ =	strace s2  }
0x95: {  	s2 =	sld [smem:$0x3FFD];
	_ =	sdelay $0x3  }
0x96: {  	_ =	strace s2  }
0x97: {  	_ =	strace $0x8FFFFFFF  }
0x98: {  	s19 =	sld [smem:$0x3FDB];
	_ =	sdelay $0x1  }
0x99: {  	s20 =	simm.s32 $_scs_section_size  }
0x9a: {  	s4 =	simm.s32 $_size__tile_overlayer_lowered;
	s5 =	simm.s32 $_tile_overlayer_lowered  }
0x9b: {  	s6 =	simm.s32 $0x1BFF;
	s21 =	sshll.u32 s5, $0x1;
	s3 =	sadd.s32 s20, s19  }
0x9c: {  	s22 =	simm.s32 $0x0;
	s4 =	sshll.u32 s4, $0x1;
	s5 =	sadd.s32 s21, s3  }
0x9d: {  	[timem:s22], [sflag:s6] =	dma.local [hbm:s5], s4  }
0x9e: {  	_ =	swait.ge [sflag:s6], s4  }
0x9f: {  	s4 =	ssub.s32 $0x0, s4;
	[sflag:s6] =	ssyncset.done $0x0  }
0xa0: {  	[sflag:s6] =	ssyncadd.s32 s4;
	_ =	sdelay $0x1  }
0xa1: {  	s23 =	simm.s32 $0x1B8B  }
0xa2: {  	_ =	swait.ge [sflag:s23], $0x1  }
0xa3: {  	[sflag:s23] =	ssyncset.done $0x0  }
0xa4: {  	[sflag:s23] =	ssyncadd.s32 $0xFFFFFFFF  }
0xa5: {  	s4 =	sld [smem:$0x0]  }
0xa6: {  	s5 =	sand.u32 $0xFFFFFFFE, s1  }
0xa7: {  	p0 =	sne.s32 s1, s5  }
0xa8: {  	s5 =	sshll.u32 @p0 s5, $0xE  }
0xa9: {  	s5 =	sadd.s32 @p0 $0x11B8D, s5;
	s6 =	sshll.u32 @p0 s4, $0x11  }
0xaa: {  	s5 =	sor.u32 @p0 s6, s5  }
0xab: {  	[sflag:s5] =	ssyncadd.remote.s32 @p0 $0x1;
	_ =	sdelay $0x1  }
0xac: {  	s5 =	simm.s32 @p0 $0x1B8D  }
0xad: {  	_ =	swait.eq @p0 [sflag:s5], $0x1  }
0xae: {  	[sflag:s5] =	ssyncadd.s32 @p0 $0xFFFFFFFF  }
0xaf: {  	s6 =	sshll.u32 @!p0 s1, $0xE  }
0xb0: {  	s6 =	sor.u32 @!p0 $0x4000, s6;
	s5 =	simm.s32 @!p0 $0x1B8D  }
0xb1: {  	s4 =	sshll.u32 @!p0 s4, $0x11;
	s6 =	sadd.s32 @!p0 $0x11B8D, s6;
	_ =	swait.eq @!p0 [sflag:s5], $0x1  }
0xb2: {  	s4 =	sor.u32 @!p0 s4, s6;
	[sflag:s5] =	ssyncadd.s32 @!p0 $0xFFFFFFFF  }
0xb3: {  	s25 =	simm.s32 $0x1B8E;
	s24 =	sld [smem:$0x3FFE];
	[sflag:s4] =	ssyncadd.remote.s32 @!p0 $0x1  }
0xb4: {  	s26 =	simm.s32 $execute0_lowered;
	[smem:$0x3FD2] =	sst s25  }
0xb5: {  	s5 =	sshll.u32 s26, $0x1;
	_ =	strace $0x8000004F;
	[dreg:$0x1] =	wrdreg $0xFFFFFFFF  }
0xb6: {  	s28 =	simm.s32 $_size_execute0_lowered;
	s3 =	sadd.s32 s3, s5;
	[dreg:$0x0] =	wrdreg $0x0  }
0xb7: {  	s5 =	sshll.u32 s28, $0x1;
	[dreg:$0x2] =	wrdreg s3  }
0xb8: {  	[dreg:$0x3] =	wrdreg s5  }
0xb9: {  	[dreg:$0x4] =	wrdreg $0xC0  }
0xba: {  	_ =	task [dreg:s22], $0x5FFFF  }
0xbb: {  	[dreg:$0x1] =	wrdreg $0xFFFFFFFF  }
0xbc: {  	[dreg:$0x0] =	wrdreg $0x60  }
0xbd: {  	[dreg:$0x2] =	wrdreg s24  }
0xbe: {  	[dreg:$0x3] =	wrdreg $0x9  }
0xbf: {  	_ =	task.clear_ibuf [dreg:s22], $0x4FFFF;
	_ =	strace $0x9000004F  }
0xc0: {  	s29 =	simm.s32 $0x9;
	_ =	strace $0x80000051  }
0xc1: {  	_ =	swait.ge [sflag:s29], $0x1  }
0xc2: {  	[sflag:s29] =	ssyncadd.s32 $0xFFFFFFFF  }
0xc3: {  	_ =	strace $0x90000051  }
0xc4: {  	_ =	sfence  }
0xc5: {  	s30 =	sld [smem:$0x0];
	_ =	sdelay $0x2  }
0xc6: {  	s31 =	sshll.u32 s1, $0xD;
	s1 =	sshrl.u32 s1, $0x2  }
0xc7: {  	s4 =	sand.u32 $0x4000, s31;
	s1 =	sadd.s32 s1, s30  }
0xc8: {  	s0 =	sor.u32 s4, s0;
	s1 =	sshll.u32 s1, $0x11  }
0xc9: {  	s0 =	sor.u32 s1, s0  }
0xca: {  	s0 =	sadd.s32 $0x8F2B, s0  }
0xcb: {  	[sflag:s0] =	ssyncadd.remote.s32 $0x1  }
0xcc: {  	_ =	sfence.sel $0xFFFF  }
0xcd: {  	[dreg:$0x0] =	wrdreg $0xFFFFFFFF;
	(pc) =	sbr.abs _section_cstart, $3  }
0xce: {  	[dreg:$0x1] =	wrdreg $0xFFFFFFFF  }
0xcf: {  	_ =	task.clear_ibuf [dreg:s22], $0x2FFFF;
	_ =	strace $0x9FFFFFFF  }
0xd0: {  	(tm) =	ssettm $0x7FFFFFFF  }
0xd1: {  	_ =	shalt  }
tec
execute0_lowered:
.L_overlay_start_1:
0x0: {  	(tag) =	ssettag $0x1  }
0x1: {  	s0 =	rddreg [dreg:$0x0]  }
0x2: {  	s1 =	srdreg.scid;
	s8 =	stileid.u32;
	s2 =	simm.s32 $0x0  }
0x3: {  	s28 =	simm.s32 $0x5;
	s30 =	simm.s32 $0x3;
	s1 =	sand.u32 $0x1, s1  }
0x4: {  	s3 =	sshll.u32 s8, $0x1;
	[smem:$0x7FF] =	sst s2;
	s17 =	smul.u32 $0x271000, s8  }
0x5: {  	s4 =	sor.u32 s1, s3;
	s6 =	ssub.s32 $0x2, s1;
	s1 =	smul.u32 $0x138800, s1  }
0x6: {  	s31 =	simm.s32 $0x6;
	_ =	strace $0x80000050;
	s5 =	smul.u32 $0x4E2, s4  }
0x7: {  	s29 =	simm.s32 $0x0;
	s3 =	sadd.s32 $0x33E00, s0;
	s7 =	smul.u32 $0x138800, s4  }
0x8: {  	s4 =	sadd.s32 $0x4F8A00, s0;
	s15 =	sshrl.u32 s6, $0x1;
	s22 =	sadd.s32 s1, s17  }
0x9: {  	s17 =	simm.s32 $0x9;
	s5 =	sadd.s32 s5, s0;
	s0 =	ssub.s32 s6, s15  }
0xa: {  	s16 =	sshrl.u32 s7, $0x3;
	s24 =	sadd.s32 $0x8C00, s22;
	s25 =	sadd.s32 $0x7800, s22  }
0xb: {  	s7 =	sadd.s32 $0x6400, s22;
	s5 =	sadd.s32 $0x4EEC00, s5;
	s6 =	sadd.s32 s4, s16  }
0xc: {  	s0 =	smax.u32 s0, $0x1;
	s1 =	sshrl.u32 s24, $0x3;
	s26 =	sshrl.u32 s7, $0x3  }
0xd: {  	s16 =	sadd.s32 $0x5000, s22;
	s22 =	simm.s32 $0x4F80;
	[dreg:$0x2] =	wrdreg s5  }
0xe: {  	s24 =	simm.s32 $0x8;
	s18 =	sadd.s32 $0x26C00, s6;
	[dreg:$0x5] =	wrdreg s0  }
0xf: {  	s19 =	sadd.s32 $0x26E80, s6;
	s20 =	sadd.s32 $0x280, s6;
	[dreg:$0x3] =	wrdreg s18  }
0x10: {  	s21 =	sadd.s32 $0x500, s6;
	s23 =	sadd.s32 $0x780, s6;
	[dreg:$0x4] =	wrdreg s19  }
0x11: {  	s5 =	sshrl.u32 s25, $0x3;
	s10 =	sadd.s32 s1, s4;
	[dreg:$0x6] =	wrdreg s20  }
0x12: {  	s15 =	sadd.s32 s26, s4;
	s25 =	simm.s32 $0x6380;
	[dreg:$0x7] =	wrdreg s21  }
0x13: {  	s26 =	simm.s32 $0x2;
	s1 =	simm.s32 $0x4;
	[dreg:$0x8] =	wrdreg s23  }
0x14: {  	s14 =	sadd.s32 s5, s4;
	s18 =	simm.s32 $0x28;
	s19 =	simm.s32 $0x2780  }
0x15: {  	s20 =	simm.s32 $0x3B80;
	s23 =	simm.s32 $0x1;
	s21 =	simm.s32 $0x7  }
.LBB2_1:
0x16: {  	s0 =	rddreg [dreg:$0x2]  }
0x17: {  	[tilespmem:s2], [sflag:$0x9] =	stream.linear.gather [hbm4b:s0+s2], $0x2710, $0x38;
	[tilespmem:$0x7780] =	vst v63  }
0x18: {  	_ =	swait.ge [sflag:s17], $0x2710  }
0x19: {  	[sflag:s17] =	ssyncset.done $0x0  }
0x1a: {  	[sflag:s17] =	ssyncadd.s32 $0xFFFFD8F0  }
0x1b: {  	[tilespmem:s19], [sflag:$0x1] =	stream.indirect.gather [hbm4b:s3+s18], $0x80, s2, s18, $0xb8;
	[tilespmem:$0x7780] =	vst v63  }
0x1c: {  	_ = 	snop  }
0x1d: {  	[tilespmem:s20], [sflag:$0x2] =	stream.indirect.gather [hbm4b:s3+s18], $0x80, s18, s18, $0xb8;
	[tilespmem:$0x7780] =	vst v63  }
0x1e: {  	s8 =	simm.s32 $0x50  }
0x1f: {  	[tilespmem:s22], [sflag:$0x3] =	stream.indirect.gather [hbm4b:s3+s18], $0x80, s8, s18, $0xb8;
	[tilespmem:$0x7780] =	vst v63  }
0x20: {  	_ =	swait.ge [sflag:s23], $0x1400  }
0x21: {  	[sflag:s23] =	ssyncset.done $0x0  }
0x22: {  	[sflag:s23] =	ssyncadd.s32 $0xFFFFEC00  }
0x23: {  	[hbm4b:s6+s2] =	stream.linear.scatter [tilespmem:s19], [sflag:$0x5], $0x1400, $0x38;
	[tilespmem:$0x7780] =	vst v63  }
0x24: {  	s9 =	simm.s32 $0x78  }
0x25: {  	[tilespmem:s25], [sflag:$0x4] =	stream.indirect.gather [hbm4b:s3+s18], $0x80, s9, s18, $0xb8;
	[tilespmem:$0x7780] =	vst v63  }
0x26: {  	_ =	swait.ge [sflag:s26], $0x1400  }
0x27: {  	[sflag:s26] =	ssyncset.done $0x0  }
0x28: {  	s11 =	rddreg [dreg:$0x6];
	[sflag:s26] =	ssyncadd.s32 $0xFFFFEC00  }
0x29: {  	[hbm4b:s11+s2] =	stream.linear.scatter [tilespmem:s20], [sflag:$0x6], $0x1400, $0x38;
	[tilespmem:$0x7780] =	vst v63  }
0x2a: {  	_ =	swait.ge [sflag:s28], $0x1400  }
0x2b: {  	[sflag:s28] =	ssyncset.done $0x0  }
0x2c: {  	s12 =	simm.s32 $0xA0;
	[sflag:s28] =	ssyncadd.s32 $0xFFFFEC00  }
0x2d: {  	[tilespmem:s19], [sflag:$0x1] =	stream.indirect.gather [hbm4b:s3+s18], $0x80, s12, s18, $0xb8;
	[tilespmem:$0x7780] =	vst v63  }
0x2e: {  	_ =	swait.ge [sflag:s30], $0x1400  }
0x2f: {  	[sflag:s30] =	ssyncset.done $0x0  }
0x30: {  	s13 =	rddreg [dreg:$0x7];
	[sflag:s30] =	ssyncadd.s32 $0xFFFFEC00  }
0x31: {  	[hbm4b:s13+s2] =	stream.linear.scatter [tilespmem:s22], [sflag:$0x7], $0x1400, $0x38;
	[tilespmem:$0x7780] =	vst v63  }
0x32: {  	_ =	swait.ge [sflag:s31], $0x1400  }
0x33: {  	[sflag:s31] =	ssyncset.done $0x0  }
0x34: {  	s5 =	simm.s32 $0xC8;
	[sflag:s31] =	ssyncadd.s32 $0xFFFFEC00  }
0x35: {  	[tilespmem:s20], [sflag:$0x2] =	stream.indirect.gather [hbm4b:s3+s18], $0x80, s5, s18, $0xb8;
	[tilespmem:$0x7780] =	vst v63  }
0x36: {  	_ =	swait.ge [sflag:s1], $0x1400  }
0x37: {  	[sflag:s1] =	ssyncset.done $0x0  }
0x38: {  	s7 =	rddreg [dreg:$0x8];
	[sflag:s1] =	ssyncadd.s32 $0xFFFFEC00  }
0x39: {  	[hbm4b:s7+s2] =	stream.linear.scatter [tilespmem:s25], [sflag:$0x8], $0x1400, $0x38;
	[tilespmem:$0x7780] =	vst v63  }
0x3a: {  	_ =	swait.ge [sflag:s21], $0x1400  }
0x3b: {  	[sflag:s21] =	ssyncset.done $0x0  }
0x3c: {  	s8 =	simm.s32 $0xF0;
	[sflag:s21] =	ssyncadd.s32 $0xFFFFEC00  }
0x3d: {  	[tilespmem:s22], [sflag:$0x3] =	stream.indirect.gather [hbm4b:s3+s18], $0x80, s8, s18, $0xb8;
	[tilespmem:$0x7780] =	vst v63  }
0x3e: {  	_ =	swait.ge [sflag:s23], $0x1400  }
0x3f: {  	s9 =	sshrl.u32 s16, $0x3;
	[sflag:s23] =	ssyncset.done $0x0  }
0x40: {  	s0 =	sadd.s32 s4, s9;
	[sflag:s23] =	ssyncadd.s32 $0xFFFFEC00  }
0x41: {  	[hbm4b:s0+s2] =	stream.linear.scatter [tilespmem:s19], [sflag:$0x5], $0x1400, $0x38;
	[tilespmem:$0x7780] =	vst v63  }
0x42: {  	_ =	swait.ge [sflag:s24], $0x1400  }
0x43: {  	[sflag:s24] =	ssyncset.done $0x0  }
0x44: {  	s11 =	simm.s32 $0x118;
	[sflag:s24] =	ssyncadd.s32 $0xFFFFEC00  }
0x45: {  	[tilespmem:s25], [sflag:$0x4] =	stream.indirect.gather [hbm4b:s3+s18], $0x80, s11, s18, $0xb8;
	[tilespmem:$0x7780] =	vst v63  }
0x46: {  	_ =	swait.ge [sflag:s26], $0x1400  }
0x47: {  	[sflag:s26] =	ssyncset.done $0x0  }
0x48: {  	[sflag:s26] =	ssyncadd.s32 $0xFFFFEC00  }
0x49: {  	[hbm4b:s15+s2] =	stream.linear.scatter [tilespmem:s20], [sflag:$0x6], $0x1400, $0x38;
	[tilespmem:$0x7780] =	vst v63  }
0x4a: {  	_ =	swait.ge [sflag:s28], $0x1400  }
0x4b: {  	[sflag:s28] =	ssyncset.done $0x0  }
0x4c: {  	s12 =	simm.s32 $0x140;
	[sflag:s28] =	ssyncadd.s32 $0xFFFFEC00  }
0x4d: {  	[tilespmem:s19], [sflag:$0x1] =	stream.indirect.gather [hbm4b:s3+s18], $0x80, s12, s18, $0xb8;
	[tilespmem:$0x7780] =	vst v63  }
0x4e: {  	_ =	swait.ge [sflag:s30], $0x1400  }
0x4f: {  	[sflag:s30] =	ssyncset.done $0x0  }
0x50: {  	[sflag:s30] =	ssyncadd.s32 $0xFFFFEC00  }
0x51: {  	[hbm4b:s14+s2] =	stream.linear.scatter [tilespmem:s22], [sflag:$0x7], $0x1400, $0x38;
	[tilespmem:$0x7780] =	vst v63  }
0x52: {  	_ =	swait.ge [sflag:s31], $0x1400  }
0x53: {  	[sflag:s31] =	ssyncset.done $0x0  }
0x54: {  	s13 =	simm.s32 $0x168;
	[sflag:s31] =	ssyncadd.s32 $0xFFFFEC00  }
0x55: {  	[tilespmem:s20], [sflag:$0x2] =	stream.indirect.gather [hbm4b:s3+s18], $0x80, s13, s18, $0xb8;
	[tilespmem:$0x7780] =	vst v63  }
0x56: {  	s9 =	sadd.s32 $0xA00, s14;
	s5 =	sadd.s32 $0xA00, s15;
	_ =	swait.ge [sflag:s1], $0x1400  }
0x57: {  	s7 =	sadd.s32 $0x5000, s16;
	s8 =	sadd.s32 $0xA00, s10;
	[sflag:s1] =	ssyncset.done $0x0  }
0x58: {  	s0 =	simm.s32 $0x280;
	s13 =	smov.u32 s10;
	[sflag:s1] =	ssyncadd.s32 $0xFFFFEC00  }
.LBB2_2:
0x59: {  	[hbm4b:s13+s2] =	stream.linear.scatter [tilespmem:s25], [sflag:$0x8], $0x1400, $0x38;
	[tilespmem:$0x7780] =	vst v63  }
0x5a: {  	s11 =	smov.u32 s0;
	s13 =	smov.u32 s8  }
0x5b: {  	p0 =	sne.s32 s0, $0x9600;
	s0 =	sadd.s32 $0x280, s0;
	_ =	swait.ge [sflag:s21], $0x1400  }
0x5c: {  	s11 =	sshra.s32 s11, $0x2;
	[sflag:s21] =	ssyncset.done $0x0  }
0x5d: {  	s12 =	sadd.s32 $0xF0, s11;
	[sflag:s21] =	ssyncadd.s32 $0xFFFFEC00  }
0x5e: {  	[tilespmem:s22], [sflag:$0x3] =	stream.indirect.gather [hbm4b:s3+s18], $0x80, s12, s18, $0xb8;
	[tilespmem:$0x7780] =	vst v63  }
0x5f: {  	_ =	swait.ge [sflag:s23], $0x1400  }
0x60: {  	s12 =	sshrl.u32 s7, $0x3;
	[sflag:s23] =	ssyncset.done $0x0  }
0x61: {  	s12 =	sadd.s32 s4, s12;
	[sflag:s23] =	ssyncadd.s32 $0xFFFFEC00  }
0x62: {  	[hbm4b:s12+s2] =	stream.linear.scatter [tilespmem:s19], [sflag:$0x5], $0x1400, $0x38;
	[tilespmem:$0x7780] =	vst v63  }
0x63: {  	_ =	swait.ge [sflag:s24], $0x1400  }
0x64: {  	[sflag:s24] =	ssyncset.done $0x0  }
0x65: {  	s12 =	sadd.s32 $0x118, s11;
	[sflag:s24] =	ssyncadd.s32 $0xFFFFEC00  }
0x66: {  	[tilespmem:s25], [sflag:$0x4] =	stream.indirect.gather [hbm4b:s3+s18], $0x80, s12, s18, $0xb8;
	[tilespmem:$0x7780] =	vst v63  }
0x67: {  	_ =	swait.ge [sflag:s26], $0x1400  }
0x68: {  	[sflag:s26] =	ssyncset.done $0x0  }
0x69: {  	[sflag:s26] =	ssyncadd.s32 $0xFFFFEC00  }
0x6a: {  	[hbm4b:s5+s2] =	stream.linear.scatter [tilespmem:s20], [sflag:$0x6], $0x1400, $0x38;
	[tilespmem:$0x7780] =	vst v63  }
0x6b: {  	_ =	swait.ge [sflag:s28], $0x1400  }
0x6c: {  	[sflag:s28] =	ssyncset.done $0x0  }
0x6d: {  	s12 =	sadd.s32 $0x140, s11;
	[sflag:s28] =	ssyncadd.s32 $0xFFFFEC00  }
0x6e: {  	[tilespmem:s19], [sflag:$0x1] =	stream.indirect.gather [hbm4b:s3+s18], $0x80, s12, s18, $0xb8;
	[tilespmem:$0x7780] =	vst v63  }
0x6f: {  	_ =	swait.ge [sflag:s30], $0x1400  }
0x70: {  	[sflag:s30] =	ssyncset.done $0x0  }
0x71: {  	[sflag:s30] =	ssyncadd.s32 $0xFFFFEC00  }
0x72: {  	[hbm4b:s9+s2] =	stream.linear.scatter [tilespmem:s22], [sflag:$0x7], $0x1400, $0x38;
	[tilespmem:$0x7780] =	vst v63  }
0x73: {  	_ =	swait.ge [sflag:s31], $0x1400  }
0x74: {  	[sflag:s31] =	ssyncset.done $0x0  }
.Ltmp0:
0x75: {  	s11 =	sadd.s32 $0x168, s11;
	[sflag:s31] =	ssyncadd.s32 $0xFFFFEC00;
	(pc) =	sbr.rel @p0 .LBB2_2-.Ltmp0, $4  }
0x76: {  	[tilespmem:s20], [sflag:$0x2] =	stream.indirect.gather [hbm4b:s3+s18], $0x80, s11, s18, $0xb8;
	[tilespmem:$0x7780] =	vst v63  }
0x77: {  	_ =	swait.ge [sflag:s1], $0x1400  }
0x78: {  	s7 =	sadd.s32 $0x5000, s7;
	s5 =	sadd.s32 $0xA00, s5;
	[sflag:s1] =	ssyncset.done $0x0  }
0x79: {  	s8 =	sadd.s32 $0xA00, s8;
	s9 =	sadd.s32 $0xA00, s9;
	[sflag:s1] =	ssyncadd.s32 $0xFFFFEC00  }
0x7a: {  	[hbm4b:s13+s2] =	stream.linear.scatter [tilespmem:s25], [sflag:$0x8], $0x1400, $0x38;
	[tilespmem:$0x7780] =	vst v63  }
0x7b: {  	_ =	swait.ge [sflag:s21], $0x1400  }
0x7c: {  	[sflag:s21] =	ssyncset.done $0x0  }
0x7d: {  	[sflag:s21] =	ssyncadd.s32 $0xFFFFEC00  }
0x7e: {  	_ =	swait.ge [sflag:s23], $0x1400  }
0x7f: {  	[sflag:s23] =	ssyncset.done $0x0  }
0x80: {  	s0 =	rddreg [dreg:$0x3];
	[sflag:s23] =	ssyncadd.s32 $0xFFFFEC00  }
0x81: {  	[hbm4b:s0+s2] =	stream.linear.scatter [tilespmem:s19], [sflag:$0x5], $0x1400, $0x38;
	[tilespmem:$0x7780] =	vst v63  }
0x82: {  	_ =	swait.ge [sflag:s24], $0x1400  }
0x83: {  	[sflag:s24] =	ssyncset.done $0x0  }
0x84: {  	[sflag:s24] =	ssyncadd.s32 $0xFFFFEC00  }
0x85: {  	_ =	swait.ge [sflag:s26], $0x1400  }
0x86: {  	[sflag:s26] =	ssyncset.done $0x0  }
0x87: {  	s12 =	rddreg [dreg:$0x4];
	[sflag:s26] =	ssyncadd.s32 $0xFFFFEC00  }
0x88: {  	[hbm4b:s12+s2] =	stream.linear.scatter [tilespmem:s20], [sflag:$0x6], $0x1400, $0x38;
	[tilespmem:$0x7780] =	vst v63  }
0x89: {  	_ =	swait.ge [sflag:s28], $0x1400  }
0x8a: {  	[sflag:s28] =	ssyncset.done $0x0  }
0x8b: {  	[sflag:s28] =	ssyncadd.s32 $0xFFFFEC00  }
0x8c: {  	_ =	swait.ge [sflag:s31], $0x1400  }
0x8d: {  	s29 =	sadd.s32 $0x1, s29;
	s13 =	rddreg [dreg:$0x5]  }
0x8e: {  	p0 =	sne.s32 s29, s13  }
.Ltmp1:
0x8f: {  	_ = 	snop;
	(pc) =	sbr.rel @p0 .LBB2_1-.Ltmp1, $3  }
0x90: {  	_ =	sdelay $0x1  }
0x91: {  	[sflag:s31] =	ssyncset.done $0x0  }
0x92: {  	[sflag:s31] =	ssyncadd.s32 $0xFFFFEC00  }
0x93: {  	_ =	sfence.sel $0x180000  }
0x94: {  	[bflag:$0x0] =	sbarrier.arrive $0xFFFF  }
0x95: {  	_ =	strace $0x90000050  }
0x96: {  	s0 =	stileid.u32;
	[bflag:$0x2] =	sbarrier.arrive $0xFFFF  }
0x97: {  	p0 =	sne.s32 s0, $0x0;
	s0 =	rddreg [dreg:$0x1]  }
0x98: {  	s0 =	sadd.s32 @!p0 $0x100000, s0  }
0x99: {  	[sflag:s0] =	ssyncadd.tile.s32 @!p0 $0x1;
	_ =	shalt  }
.Lfunc_end2:
_tile_overlayer_lowered:
.L_overlay_start_2:
0x9a: {  	(tag) =	ssettag $0x2  }
0x9b: {  	s0 =	rddreg [dreg:$0x0];
	s2 =	stileid.u32  }
0x9c: {  	s1 =	rddreg [dreg:$0x1];
	p0 =	sne.s32 s2, $0x0  }
0x9d: {  	s3 =	rddreg [dreg:$0x2];
	[bflag:$0x3] =	sbarrier.arrive $0xFFFF;
	s2 =	simm.s32 @!p0 $0x1C09  }
0x9e: {  	[timem:s3], [sflag:s2] =	dma.local @!p0 [hbm:s0], s1  }
0x9f: {  	s0 =	simm.s32 @!p0 $0x9  }
0xa0: {  	_ =	swait.ge @!p0 [sflag:s0], s1  }
0xa1: {  	s1 =	ssub.s32 @!p0 $0x0, s1;
	[sflag:s0] =	ssyncset.done @!p0 $0x0  }
0xa2: {  	[sflag:s0] =	ssyncadd.s32 @!p0 s1  }
0xa3: {  	[bflag:$0x3] =	sbarrier.arrive $0xFFFF  }
0xa4: {  	_ =	shalt  }

// kernel: kernel.19.cloned.1.call-start
scs
__scs_entry_jumppad:
0x0: {  	(pc) =	sbr.rel $0x88, $3  }
0x1: {  	(tag) =	ssettag $0x0;
	lr =	simm.s32 $0x1  }
0x2: {  	[smem:$0x3F9A] =	sst lr;
	_ =	strace $0xD0000000  }
0x3: {  	_ = 	snop  }
0x4: {  	_ = 	snop  }
0x5: {  	_ = 	snop  }
0x6: {  	_ = 	snop  }
0x7: {  	_ = 	snop  }
__scs_overlays_trampoline_lowered:
0x8: {  	[smem:$0x3FA9] =	sst s0  }
0x9: {  	[smem:$0x3FAA] =	sst s1  }
0xa: {  	[smem:$0x3FAB] =	sst s2  }
0xb: {  	[smem:$0x3FAC] =	sst s3  }
0xc: {  	[smem:$0x3FAD] =	sst s4  }
0xd: {  	[smem:$0x3FAE] =	sst s5  }
0xe: {  	[smem:$0x3FAF] =	sst s6  }
0xf: {  	[smem:$0x3FB0] =	sst s7  }
0x10: {  	[smem:$0x3FB1] =	sst s8  }
0x11: {  	[smem:$0x3FB2] =	sst s9;
	s0 =	simm.s32 @!p0 $0x0  }
0x12: {  	s1 =	sld [smem:$0x3F98];
	s0 =	simm.s32 @p0 $0x1  }
0x13: {  	[smem:$0x3FB3] =	sst s0;
	s0 =	simm.s32 @!p1 $0x0  }
0x14: {  	s2 =	sld [smem:$0x3F97];
	s0 =	simm.s32 @p1 $0x1  }
0x15: {  	[smem:$0x3FB4] =	sst s0;
	s0 =	simm.s32 @!p2 $0x0  }
0x16: {  	s3 =	sld [smem:$0x3FDB];
	s0 =	simm.s32 @p2 $0x1  }
0x17: {  	s4 =	simm.s32 $0x1BF5;
	[smem:$0x3FB6] =	sst s0  }
0x18: {  	s0 =	sld [smem:$0x3F99];
	_ =	swait.ge [sflag:s4], $0x0  }
0x19: {  	s7 =	sld [smem:$0x3F9A]  }
0x1a: {  	s8 =	sadd.s32 $0xFFFFE003, lr  }
0x1b: {  	s9 =	sadd.s32 $0xFFFFFEF7, lr;
	s5 =	simm.s32 $0xFFFFFFFF;
	p2 =	slt.u32 s8, $0xFFFFF086  }
0x1c: {  	p1 =	slt.u32 s9, $0xF7A;
	s5 =	simm.s32 @!p2 $0x0  }
0x1d: {  	s5 =	simm.s32 @p1 $0x1;
	p0 =	seq.s32 s7, s2  }
0x1e: {  	s7 =	smul.u32 @!p0 $0xF7A, s2;
	p2 =	seq.s32 @!p0 s5, $0x0  }
0x1f: {  	s9 =	smul.u32 $0xF7A, s1;
	s8 =	simm.s32 @!p0 $0x1BF5;
	p2 =	por !p2, p0  }
0x20: {  	[sflag:s8] =	ssyncset.s32 @!p0 $0xFFFFF086;
	s6 =	sadd.s32 @!p0 s3, s7;
	s7 =	simm.s32 @!p0 $0x108  }
0x21: {  	s3 =	sadd.s32 s3, s9;
	s6 =	sadd.s32 @!p0 $0x88, s6;
	s7 =	simm.s32 @p2 $0x1082  }
0x22: {  	[simem:s7], [sflag:s8] =	dma.local @!p0 [hbm:s6], $0xF7A  }
0x23: {  	s9 =	sor.u32 $0xD0000000, s2;
	s6 =	simm.s32 $0x108;
	_ =	swait.ge @!p0 [sflag:s8], $0x0  }
0x24: {  	s3 =	sadd.s32 $0x88, s3;
	s6 =	simm.s32 @!p1 $0x1082;
	[sflag:s4] =	ssyncset.s32 $0xFFFFF086  }
0x25: {  	[simem:s6], [sflag:s4] =	dma.local [hbm:s3], $0xF7A  }
0x26: {  	[smem:$0x3F9A] =	sst s1;
	(tag) =	ssettag s2;
	_ =	strace s9  }
0x27: {  	s1 =	sld [smem:$0x3FAA]  }
0x28: {  	s2 =	sld [smem:$0x3FAB]  }
0x29: {  	s4 =	sld [smem:$0x3FAD]  }
0x2a: {  	p0 =	seq.s32 s5, $0x0;
	s5 =	sld [smem:$0x3FAE]  }
0x2b: {  	s6 =	sld [smem:$0x3FAF]  }
0x2c: {  	s7 =	sld [smem:$0x3FB0]  }
0x2d: {  	s3 =	simm.s32 $0x108;
	s8 =	sld [smem:$0x3FB1]  }
0x2e: {  	s3 =	simm.s32 @!p0 $0x1082;
	s9 =	sld [smem:$0x3FB2]  }
0x2f: {  	lr =	sadd.s32 s0, s3;
	s0 =	sld [smem:$0x3FA9]  }
0x30: {  	s3 =	sld [smem:$0x3FAC]  }
0x31: {  	[smem:$0x3FB5] =	sst s10  }
0x32: {  	s10 =	sld [smem:$0x3FB3];
	_ =	sdelay $0x3  }
0x33: {  	p0 =	seq.s32 s10, $0x1;
	s10 =	sld [smem:$0x3FB5];
	_ =	sdelay $0x3  }
0x34: {  	[smem:$0x3FB5] =	sst s10  }
0x35: {  	s10 =	sld [smem:$0x3FB4];
	_ =	sdelay $0x3  }
0x36: {  	p1 =	seq.s32 s10, $0x1;
	s10 =	sld [smem:$0x3FB5];
	_ =	sdelay $0x3  }
0x37: {  	[smem:$0x3FB5] =	sst s10  }
0x38: {  	s10 =	sld [smem:$0x3FB6]  }
0x39: {  	_ = 	snop;
	(pc) =	sbr.ind lr, $3  }
0x3a: {  	_ = 	snop  }
0x3b: {  	_ = 	snop  }
0x3c: {  	p2 =	seq.s32 s10, $0x1;
	s10 =	sld [smem:$0x3FB5]  }
0x3d: {  	_ =	shalt  }
0x3e: {  	_ =	shalt  }
0x3f: {  	_ =	shalt  }
0x40: {  	_ =	shalt  }
0x41: {  	_ =	shalt  }
0x42: {  	_ =	shalt  }
0x43: {  	_ =	shalt  }
0x44: {  	_ =	shalt  }
0x45: {  	_ =	shalt  }
0x46: {  	_ =	shalt  }
0x47: {  	_ =	shalt  }
0x48: {  	_ =	shalt  }
0x49: {  	_ =	shalt  }
0x4a: {  	_ =	shalt  }
0x4b: {  	_ =	shalt  }
0x4c: {  	_ =	shalt  }
0x4d: {  	_ =	shalt  }
0x4e: {  	_ =	shalt  }
0x4f: {  	_ =	shalt  }
0x50: {  	_ =	shalt  }
0x51: {  	_ =	shalt  }
0x52: {  	_ =	shalt  }
0x53: {  	_ =	shalt  }
0x54: {  	_ =	shalt  }
0x55: {  	_ =	shalt  }
0x56: {  	_ =	shalt  }
0x57: {  	_ =	shalt  }
0x58: {  	_ =	shalt  }
0x59: {  	_ =	shalt  }
0x5a: {  	_ =	shalt  }
0x5b: {  	_ =	shalt  }
0x5c: {  	_ =	shalt  }
0x5d: {  	_ =	shalt  }
0x5e: {  	_ =	shalt  }
0x5f: {  	_ =	shalt  }
0x60: {  	_ =	shalt  }
0x61: {  	_ =	shalt  }
0x62: {  	_ =	shalt  }
0x63: {  	_ =	shalt  }
0x64: {  	_ =	shalt  }
0x65: {  	_ =	shalt  }
0x66: {  	_ =	shalt  }
0x67: {  	_ =	shalt  }
0x68: {  	_ =	shalt  }
0x69: {  	_ =	shalt  }
0x6a: {  	_ =	shalt  }
0x6b: {  	_ =	shalt  }
0x6c: {  	_ =	shalt  }
0x6d: {  	_ =	shalt  }
0x6e: {  	_ =	shalt  }
0x6f: {  	_ =	shalt  }
0x70: {  	_ =	shalt  }
0x71: {  	_ =	shalt  }
0x72: {  	_ =	shalt  }
0x73: {  	_ =	shalt  }
0x74: {  	_ =	shalt  }
0x75: {  	_ =	shalt  }
0x76: {  	_ =	shalt  }
0x77: {  	_ =	shalt  }
0x78: {  	_ =	shalt  }
0x79: {  	_ =	shalt  }
0x7a: {  	_ =	shalt  }
0x7b: {  	_ =	shalt  }
0x7c: {  	_ =	shalt  }
0x7d: {  	_ =	shalt  }
0x7e: {  	_ =	shalt  }
0x7f: {  	_ =	shalt  }
0x80: {  	_ =	shalt  }
0x81: {  	_ =	shalt  }
0x82: {  	_ =	shalt  }
0x83: {  	_ =	shalt  }
0x84: {  	_ =	shalt  }
0x85: {  	_ =	shalt  }
0x86: {  	_ =	shalt  }
0x87: {  	_ =	shalt  }
.Lfunc_end0:
.L_simem_size_0:
called_computation.3_lowered:
.L_overlay_start_0:
0x88: {  	s2 =	sld [smem:$0x3FD9]  }
0x89: {  	s3 =	sld [smem:$0x3FFE];
	_ =	sdelay $0x1  }
0x8a: {  	s1 =	srdreg.scid  }
0x8b: {  	s0 =	sand.u32 $0x1, s1  }
0x8c: {  	s17 =	sshll.u32 s0, $0xA;
	s2 =	sadd.s32 s3, s2  }
0x8d: {  	s2 =	sadd.s32 s2, s17  }
0x8e: {  	[smem:$0x3FC1] =	sst s2  }
0x8f: {  	_ = 	snop  }
0x90: {  	(tm) =	ssettm $0x1  }
0x91: {  	s18 =	sld [smem:$0x3FFB];
	_ =	sdelay $0x3  }
0x92: {  	_ =	strace s18  }
0x93: {  	s2 =	sld [smem:$0x3FFC];
	_ =	sdelay $0x3  }
0x94: {  	_ =	strace s2  }
0x95: {  	s2 =	sld [smem:$0x3FFD];
	_ =	sdelay $0x3  }
0x96: {  	_ =	strace s2  }
0x97: {  	_ =	strace $0x8FFFFFFF  }
0x98: {  	s19 =	sld [smem:$0x3FDB];
	_ =	sdelay $0x1  }
0x99: {  	s20 =	simm.s32 $_scs_section_size  }
0x9a: {  	s4 =	simm.s32 $_size__tile_overlayer_lowered;
	s5 =	simm.s32 $_tile_overlayer_lowered  }
0x9b: {  	s6 =	simm.s32 $0x1BFF;
	s21 =	sshll.u32 s5, $0x1;
	s3 =	sadd.s32 s20, s19  }
0x9c: {  	s22 =	simm.s32 $0x0;
	s4 =	sshll.u32 s4, $0x1;
	s5 =	sadd.s32 s21, s3  }
0x9d: {  	[timem:s22], [sflag:s6] =	dma.local [hbm:s5], s4  }
0x9e: {  	_ =	swait.ge [sflag:s6], s4  }
0x9f: {  	s4 =	ssub.s32 $0x0, s4;
	[sflag:s6] =	ssyncset.done $0x0  }
0xa0: {  	[sflag:s6] =	ssyncadd.s32 s4;
	_ =	sdelay $0x1  }
0xa1: {  	s23 =	simm.s32 $0x1B8B  }
0xa2: {  	_ =	swait.ge [sflag:s23], $0x1  }
0xa3: {  	[sflag:s23] =	ssyncset.done $0x0  }
0xa4: {  	[sflag:s23] =	ssyncadd.s32 $0xFFFFFFFF  }
0xa5: {  	s4 =	sld [smem:$0x0]  }
0xa6: {  	s5 =	sand.u32 $0xFFFFFFFE, s1  }
0xa7: {  	p0 =	sne.s32 s1, s5  }
0xa8: {  	s5 =	sshll.u32 @p0 s5, $0xE  }
0xa9: {  	s5 =	sadd.s32 @p0 $0x11B8D, s5;
	s6 =	sshll.u32 @p0 s4, $0x11  }
0xaa: {  	s5 =	sor.u32 @p0 s6, s5  }
0xab: {  	[sflag:s5] =	ssyncadd.remote.s32 @p0 $0x1;
	_ =	sdelay $0x1  }
0xac: {  	s5 =	simm.s32 @p0 $0x1B8D  }
0xad: {  	_ =	swait.eq @p0 [sflag:s5], $0x1  }
0xae: {  	[sflag:s5] =	ssyncadd.s32 @p0 $0xFFFFFFFF  }
0xaf: {  	s6 =	sshll.u32 @!p0 s1, $0xE  }
0xb0: {  	s6 =	sor.u32 @!p0 $0x4000, s6;
	s5 =	simm.s32 @!p0 $0x1B8D  }
0xb1: {  	s4 =	sshll.u32 @!p0 s4, $0x11;
	s6 =	sadd.s32 @!p0 $0x11B8D, s6;
	_ =	swait.eq @!p0 [sflag:s5], $0x1  }
0xb2: {  	s4 =	sor.u32 @!p0 s4, s6;
	[sflag:s5] =	ssyncadd.s32 @!p0 $0xFFFFFFFF  }
0xb3: {  	s25 =	simm.s32 $0x1B8E;
	s24 =	sld [smem:$0x3FFE];
	[sflag:s4] =	ssyncadd.remote.s32 @!p0 $0x1  }
0xb4: {  	s26 =	simm.s32 $execute0_lowered;
	[smem:$0x3FD2] =	sst s25  }
0xb5: {  	s5 =	sshll.u32 s26, $0x1;
	_ =	strace $0x8000004C;
	[dreg:$0x1] =	wrdreg $0xFFFFFFFF  }
0xb6: {  	s28 =	simm.s32 $_size_execute0_lowered;
	s3 =	sadd.s32 s3, s5;
	[dreg:$0x0] =	wrdreg $0x0  }
0xb7: {  	s5 =	sshll.u32 s28, $0x1;
	[dreg:$0x2] =	wrdreg s3  }
0xb8: {  	[dreg:$0x3] =	wrdreg s5  }
0xb9: {  	[dreg:$0x4] =	wrdreg $0xC0  }
0xba: {  	_ =	task [dreg:s22], $0x5FFFF  }
0xbb: {  	[dreg:$0x1] =	wrdreg $0xFFFFFFFF  }
0xbc: {  	[dreg:$0x0] =	wrdreg $0x60  }
0xbd: {  	[dreg:$0x2] =	wrdreg s24  }
0xbe: {  	[dreg:$0x3] =	wrdreg $0xA  }
0xbf: {  	_ =	task.clear_ibuf [dreg:s22], $0x4FFFF;
	_ =	strace $0x9000004C  }
0xc0: {  	s29 =	simm.s32 $0xA;
	_ =	strace $0x8000004E  }
0xc1: {  	_ =	swait.ge [sflag:s29], $0x1  }
0xc2: {  	[sflag:s29] =	ssyncadd.s32 $0xFFFFFFFF  }
0xc3: {  	_ =	strace $0x9000004E  }
0xc4: {  	_ =	sfence  }
0xc5: {  	s30 =	sld [smem:$0x0];
	_ =	sdelay $0x2  }
0xc6: {  	s31 =	sshll.u32 s1, $0xD;
	s1 =	sshrl.u32 s1, $0x2  }
0xc7: {  	s4 =	sand.u32 $0x4000, s31;
	s1 =	sadd.s32 s1, s30  }
0xc8: {  	s0 =	sor.u32 s4, s0;
	s1 =	sshll.u32 s1, $0x11  }
0xc9: {  	s0 =	sor.u32 s1, s0  }
0xca: {  	s0 =	sadd.s32 $0x8F2B, s0  }
0xcb: {  	[sflag:s0] =	ssyncadd.remote.s32 $0x1  }
0xcc: {  	_ =	sfence.sel $0xFFFF  }
0xcd: {  	[dreg:$0x0] =	wrdreg $0xFFFFFFFF;
	(pc) =	sbr.abs _section_cstart, $3  }
0xce: {  	[dreg:$0x1] =	wrdreg $0xFFFFFFFF  }
0xcf: {  	_ =	task.clear_ibuf [dreg:s22], $0x2FFFF;
	_ =	strace $0x9FFFFFFF  }
0xd0: {  	(tm) =	ssettm $0x7FFFFFFF  }
0xd1: {  	_ =	shalt  }
tec
execute0_lowered:
.L_overlay_start_1:
0x0: {  	(tag) =	ssettag $0x1  }
0x1: {  	s0 =	rddreg [dreg:$0x0]  }
0x2: {  	s1 =	srdreg.scid;
	s8 =	stileid.u32;
	s2 =	simm.s32 $0x0  }
0x3: {  	s28 =	simm.s32 $0x5;
	s30 =	simm.s32 $0x3;
	s1 =	sand.u32 $0x1, s1  }
0x4: {  	s3 =	sshll.u32 s8, $0x1;
	[smem:$0x7FF] =	sst s2;
	s17 =	smul.u32 $0x271000, s8  }
0x5: {  	s4 =	sor.u32 s1, s3;
	s6 =	ssub.s32 $0x2, s1;
	s1 =	smul.u32 $0x138800, s1  }
0x6: {  	s31 =	simm.s32 $0x6;
	_ =	strace $0x8000004D;
	s5 =	smul.u32 $0x4E2, s4  }
0x7: {  	s29 =	simm.s32 $0x0;
	s3 =	sadd.s32 $0xCC00, s0;
	s7 =	smul.u32 $0x138800, s4  }
0x8: {  	s4 =	sadd.s32 $0x9DAA00, s0;
	s15 =	sshrl.u32 s6, $0x1;
	s22 =	sadd.s32 s1, s17  }
0x9: {  	s17 =	simm.s32 $0x9;
	s5 =	sadd.s32 s5, s0;
	s0 =	ssub.s32 s6, s15  }
0xa: {  	s16 =	sshrl.u32 s7, $0x3;
	s24 =	sadd.s32 $0x8C00, s22;
	s25 =	sadd.s32 $0x7800, s22  }
0xb: {  	s7 =	sadd.s32 $0x6400, s22;
	s5 =	sadd.s32 $0x2E00, s5;
	s6 =	sadd.s32 s4, s16  }
0xc: {  	s0 =	smax.u32 s0, $0x1;
	s1 =	sshrl.u32 s24, $0x3;
	s26 =	sshrl.u32 s7, $0x3  }
0xd: {  	s16 =	sadd.s32 $0x5000, s22;
	s22 =	simm.s32 $0x4F80;
	[dreg:$0x2] =	wrdreg s5  }
0xe: {  	s24 =	simm.s32 $0x8;
	s18 =	sadd.s32 $0x26C00, s6;
	[dreg:$0x5] =	wrdreg s0  }
0xf: {  	s19 =	sadd.s32 $0x26E80, s6;
	s20 =	sadd.s32 $0x280, s6;
	[dreg:$0x3] =	wrdreg s18  }
0x10: {  	s21 =	sadd.s32 $0x500, s6;
	s23 =	sadd.s32 $0x780, s6;
	[dreg:$0x4] =	wrdreg s19  }
0x11: {  	s5 =	sshrl.u32 s25, $0x3;
	s10 =	sadd.s32 s1, s4;
	[dreg:$0x6] =	wrdreg s20  }
0x12: {  	s15 =	sadd.s32 s26, s4;
	s25 =	simm.s32 $0x6380;
	[dreg:$0x7] =	wrdreg s21  }
0x13: {  	s26 =	simm.s32 $0x2;
	s1 =	simm.s32 $0x4;
	[dreg:$0x8] =	wrdreg s23  }
0x14: {  	s14 =	sadd.s32 s5, s4;
	s18 =	simm.s32 $0x28;
	s19 =	simm.s32 $0x2780  }
0x15: {  	s20 =	simm.s32 $0x3B80;
	s23 =	simm.s32 $0x1;
	s21 =	simm.s32 $0x7  }
.LBB2_1:
0x16: {  	s0 =	rddreg [dreg:$0x2]  }
0x17: {  	[tilespmem:s2], [sflag:$0x9] =	stream.linear.gather [hbm4b:s0+s2], $0x2710, $0x38;
	[tilespmem:$0x7780] =	vst v63  }
0x18: {  	_ =	swait.ge [sflag:s17], $0x2710  }
0x19: {  	[sflag:s17] =	ssyncset.done $0x0  }
0x1a: {  	[sflag:s17] =	ssyncadd.s32 $0xFFFFD8F0  }
0x1b: {  	[tilespmem:s19], [sflag:$0x1] =	stream.indirect.gather [hbm4b:s3+s18], $0x80, s2, s18, $0xb8;
	[tilespmem:$0x7780] =	vst v63  }
0x1c: {  	_ = 	snop  }
0x1d: {  	[tilespmem:s20], [sflag:$0x2] =	stream.indirect.gather [hbm4b:s3+s18], $0x80, s18, s18, $0xb8;
	[tilespmem:$0x7780] =	vst v63  }
0x1e: {  	s8 =	simm.s32 $0x50  }
0x1f: {  	[tilespmem:s22], [sflag:$0x3] =	stream.indirect.gather [hbm4b:s3+s18], $0x80, s8, s18, $0xb8;
	[tilespmem:$0x7780] =	vst v63  }
0x20: {  	_ =	swait.ge [sflag:s23], $0x1400  }
0x21: {  	[sflag:s23] =	ssyncset.done $0x0  }
0x22: {  	[sflag:s23] =	ssyncadd.s32 $0xFFFFEC00  }
0x23: {  	[hbm4b:s6+s2] =	stream.linear.scatter [tilespmem:s19], [sflag:$0x5], $0x1400, $0x38;
	[tilespmem:$0x7780] =	vst v63  }
0x24: {  	s9 =	simm.s32 $0x78  }
0x25: {  	[tilespmem:s25], [sflag:$0x4] =	stream.indirect.gather [hbm4b:s3+s18], $0x80, s9, s18, $0xb8;
	[tilespmem:$0x7780] =	vst v63  }
0x26: {  	_ =	swait.ge [sflag:s26], $0x1400  }
0x27: {  	[sflag:s26] =	ssyncset.done $0x0  }
0x28: {  	s11 =	rddreg [dreg:$0x6];
	[sflag:s26] =	ssyncadd.s32 $0xFFFFEC00  }
0x29: {  	[hbm4b:s11+s2] =	stream.linear.scatter [tilespmem:s20], [sflag:$0x6], $0x1400, $0x38;
	[tilespmem:$0x7780] =	vst v63  }
0x2a: {  	_ =	swait.ge [sflag:s28], $0x1400  }
0x2b: {  	[sflag:s28] =	ssyncset.done $0x0  }
0x2c: {  	s12 =	simm.s32 $0xA0;
	[sflag:s28] =	ssyncadd.s32 $0xFFFFEC00  }
0x2d: {  	[tilespmem:s19], [sflag:$0x1] =	stream.indirect.gather [hbm4b:s3+s18], $0x80, s12, s18, $0xb8;
	[tilespmem:$0x7780] =	vst v63  }
0x2e: {  	_ =	swait.ge [sflag:s30], $0x1400  }
0x2f: {  	[sflag:s30] =	ssyncset.done $0x0  }
0x30: {  	s13 =	rddreg [dreg:$0x7];
	[sflag:s30] =	ssyncadd.s32 $0xFFFFEC00  }
0x31: {  	[hbm4b:s13+s2] =	stream.linear.scatter [tilespmem:s22], [sflag:$0x7], $0x1400, $0x38;
	[tilespmem:$0x7780] =	vst v63  }
0x32: {  	_ =	swait.ge [sflag:s31], $0x1400  }
0x33: {  	[sflag:s31] =	ssyncset.done $0x0  }
0x34: {  	s5 =	simm.s32 $0xC8;
	[sflag:s31] =	ssyncadd.s32 $0xFFFFEC00  }
0x35: {  	[tilespmem:s20], [sflag:$0x2] =	stream.indirect.gather [hbm4b:s3+s18], $0x80, s5, s18, $0xb8;
	[tilespmem:$0x7780] =	vst v63  }
0x36: {  	_ =	swait.ge [sflag:s1], $0x1400  }
0x37: {  	[sflag:s1] =	ssyncset.done $0x0  }
0x38: {  	s7 =	rddreg [dreg:$0x8];
	[sflag:s1] =	ssyncadd.s32 $0xFFFFEC00  }
0x39: {  	[hbm4b:s7+s2] =	stream.linear.scatter [tilespmem:s25], [sflag:$0x8], $0x1400, $0x38;
	[tilespmem:$0x7780] =	vst v63  }
0x3a: {  	_ =	swait.ge [sflag:s21], $0x1400  }
0x3b: {  	[sflag:s21] =	ssyncset.done $0x0  }
0x3c: {  	s8 =	simm.s32 $0xF0;
	[sflag:s21] =	ssyncadd.s32 $0xFFFFEC00  }
0x3d: {  	[tilespmem:s22], [sflag:$0x3] =	stream.indirect.gather [hbm4b:s3+s18], $0x80, s8, s18, $0xb8;
	[tilespmem:$0x7780] =	vst v63  }
0x3e: {  	_ =	swait.ge [sflag:s23], $0x1400  }
0x3f: {  	s9 =	sshrl.u32 s16, $0x3;
	[sflag:s23] =	ssyncset.done $0x0  }
0x40: {  	s0 =	sadd.s32 s4, s9;
	[sflag:s23] =	ssyncadd.s32 $0xFFFFEC00  }
0x41: {  	[hbm4b:s0+s2] =	stream.linear.scatter [tilespmem:s19], [sflag:$0x5], $0x1400, $0x38;
	[tilespmem:$0x7780] =	vst v63  }
0x42: {  	_ =	swait.ge [sflag:s24], $0x1400  }
0x43: {  	[sflag:s24] =	ssyncset.done $0x0  }
0x44: {  	s11 =	simm.s32 $0x118;
	[sflag:s24] =	ssyncadd.s32 $0xFFFFEC00  }
0x45: {  	[tilespmem:s25], [sflag:$0x4] =	stream.indirect.gather [hbm4b:s3+s18], $0x80, s11, s18, $0xb8;
	[tilespmem:$0x7780] =	vst v63  }
0x46: {  	_ =	swait.ge [sflag:s26], $0x1400  }
0x47: {  	[sflag:s26] =	ssyncset.done $0x0  }
0x48: {  	[sflag:s26] =	ssyncadd.s32 $0xFFFFEC00  }
0x49: {  	[hbm4b:s15+s2] =	stream.linear.scatter [tilespmem:s20], [sflag:$0x6], $0x1400, $0x38;
	[tilespmem:$0x7780] =	vst v63  }
0x4a: {  	_ =	swait.ge [sflag:s28], $0x1400  }
0x4b: {  	[sflag:s28] =	ssyncset.done $0x0  }
0x4c: {  	s12 =	simm.s32 $0x140;
	[sflag:s28] =	ssyncadd.s32 $0xFFFFEC00  }
0x4d: {  	[tilespmem:s19], [sflag:$0x1] =	stream.indirect.gather [hbm4b:s3+s18], $0x80, s12, s18, $0xb8;
	[tilespmem:$0x7780] =	vst v63  }
0x4e: {  	_ =	swait.ge [sflag:s30], $0x1400  }
0x4f: {  	[sflag:s30] =	ssyncset.done $0x0  }
0x50: {  	[sflag:s30] =	ssyncadd.s32 $0xFFFFEC00  }
0x51: {  	[hbm4b:s14+s2] =	stream.linear.scatter [tilespmem:s22], [sflag:$0x7], $0x1400, $0x38;
	[tilespmem:$0x7780] =	vst v63  }
0x52: {  	_ =	swait.ge [sflag:s31], $0x1400  }
0x53: {  	[sflag:s31] =	ssyncset.done $0x0  }
0x54: {  	s13 =	simm.s32 $0x168;
	[sflag:s31] =	ssyncadd.s32 $0xFFFFEC00  }
0x55: {  	[tilespmem:s20], [sflag:$0x2] =	stream.indirect.gather [hbm4b:s3+s18], $0x80, s13, s18, $0xb8;
	[tilespmem:$0x7780] =	vst v63  }
0x56: {  	s9 =	sadd.s32 $0xA00, s14;
	s5 =	sadd.s32 $0xA00, s15;
	_ =	swait.ge [sflag:s1], $0x1400  }
0x57: {  	s7 =	sadd.s32 $0x5000, s16;
	s8 =	sadd.s32 $0xA00, s10;
	[sflag:s1] =	ssyncset.done $0x0  }
0x58: {  	s0 =	simm.s32 $0x280;
	s13 =	smov.u32 s10;
	[sflag:s1] =	ssyncadd.s32 $0xFFFFEC00  }
.LBB2_2:
0x59: {  	[hbm4b:s13+s2] =	stream.linear.scatter [tilespmem:s25], [sflag:$0x8], $0x1400, $0x38;
	[tilespmem:$0x7780] =	vst v63  }
0x5a: {  	s11 =	smov.u32 s0;
	s13 =	smov.u32 s8  }
0x5b: {  	p0 =	sne.s32 s0, $0x9600;
	s0 =	sadd.s32 $0x280, s0;
	_ =	swait.ge [sflag:s21], $0x1400  }
0x5c: {  	s11 =	sshra.s32 s11, $0x2;
	[sflag:s21] =	ssyncset.done $0x0  }
0x5d: {  	s12 =	sadd.s32 $0xF0, s11;
	[sflag:s21] =	ssyncadd.s32 $0xFFFFEC00  }
0x5e: {  	[tilespmem:s22], [sflag:$0x3] =	stream.indirect.gather [hbm4b:s3+s18], $0x80, s12, s18, $0xb8;
	[tilespmem:$0x7780] =	vst v63  }
0x5f: {  	_ =	swait.ge [sflag:s23], $0x1400  }
0x60: {  	s12 =	sshrl.u32 s7, $0x3;
	[sflag:s23] =	ssyncset.done $0x0  }
0x61: {  	s12 =	sadd.s32 s4, s12;
	[sflag:s23] =	ssyncadd.s32 $0xFFFFEC00  }
0x62: {  	[hbm4b:s12+s2] =	stream.linear.scatter [tilespmem:s19], [sflag:$0x5], $0x1400, $0x38;
	[tilespmem:$0x7780] =	vst v63  }
0x63: {  	_ =	swait.ge [sflag:s24], $0x1400  }
0x64: {  	[sflag:s24] =	ssyncset.done $0x0  }
0x65: {  	s12 =	sadd.s32 $0x118, s11;
	[sflag:s24] =	ssyncadd.s32 $0xFFFFEC00  }
0x66: {  	[tilespmem:s25], [sflag:$0x4] =	stream.indirect.gather [hbm4b:s3+s18], $0x80, s12, s18, $0xb8;
	[tilespmem:$0x7780] =	vst v63  }
0x67: {  	_ =	swait.ge [sflag:s26], $0x1400  }
0x68: {  	[sflag:s26] =	ssyncset.done $0x0  }
0x69: {  	[sflag:s26] =	ssyncadd.s32 $0xFFFFEC00  }
0x6a: {  	[hbm4b:s5+s2] =	stream.linear.scatter [tilespmem:s20], [sflag:$0x6], $0x1400, $0x38;
	[tilespmem:$0x7780] =	vst v63  }
0x6b: {  	_ =	swait.ge [sflag:s28], $0x1400  }
0x6c: {  	[sflag:s28] =	ssyncset.done $0x0  }
0x6d: {  	s12 =	sadd.s32 $0x140, s11;
	[sflag:s28] =	ssyncadd.s32 $0xFFFFEC00  }
0x6e: {  	[tilespmem:s19], [sflag:$0x1] =	stream.indirect.gather [hbm4b:s3+s18], $0x80, s12, s18, $0xb8;
	[tilespmem:$0x7780] =	vst v63  }
0x6f: {  	_ =	swait.ge [sflag:s30], $0x1400  }
0x70: {  	[sflag:s30] =	ssyncset.done $0x0  }
0x71: {  	[sflag:s30] =	ssyncadd.s32 $0xFFFFEC00  }
0x72: {  	[hbm4b:s9+s2] =	stream.linear.scatter [tilespmem:s22], [sflag:$0x7], $0x1400, $0x38;
	[tilespmem:$0x7780] =	vst v63  }
0x73: {  	_ =	swait.ge [sflag:s31], $0x1400  }
0x74: {  	[sflag:s31] =	ssyncset.done $0x0  }
.Ltmp0:
0x75: {  	s11 =	sadd.s32 $0x168, s11;
	[sflag:s31] =	ssyncadd.s32 $0xFFFFEC00;
	(pc) =	sbr.rel @p0 .LBB2_2-.Ltmp0, $4  }
0x76: {  	[tilespmem:s20], [sflag:$0x2] =	stream.indirect.gather [hbm4b:s3+s18], $0x80, s11, s18, $0xb8;
	[tilespmem:$0x7780] =	vst v63  }
0x77: {  	_ =	swait.ge [sflag:s1], $0x1400  }
0x78: {  	s7 =	sadd.s32 $0x5000, s7;
	s5 =	sadd.s32 $0xA00, s5;
	[sflag:s1] =	ssyncset.done $0x0  }
0x79: {  	s8 =	sadd.s32 $0xA00, s8;
	s9 =	sadd.s32 $0xA00, s9;
	[sflag:s1] =	ssyncadd.s32 $0xFFFFEC00  }
0x7a: {  	[hbm4b:s13+s2] =	stream.linear.scatter [tilespmem:s25], [sflag:$0x8], $0x1400, $0x38;
	[tilespmem:$0x7780] =	vst v63  }
0x7b: {  	_ =	swait.ge [sflag:s21], $0x1400  }
0x7c: {  	[sflag:s21] =	ssyncset.done $0x0  }
0x7d: {  	[sflag:s21] =	ssyncadd.s32 $0xFFFFEC00  }
0x7e: {  	_ =	swait.ge [sflag:s23], $0x1400  }
0x7f: {  	[sflag:s23] =	ssyncset.done $0x0  }
0x80: {  	s0 =	rddreg [dreg:$0x3];
	[sflag:s23] =	ssyncadd.s32 $0xFFFFEC00  }
0x81: {  	[hbm4b:s0+s2] =	stream.linear.scatter [tilespmem:s19], [sflag:$0x5], $0x1400, $0x38;
	[tilespmem:$0x7780] =	vst v63  }
0x82: {  	_ =	swait.ge [sflag:s24], $0x1400  }
0x83: {  	[sflag:s24] =	ssyncset.done $0x0  }
0x84: {  	[sflag:s24] =	ssyncadd.s32 $0xFFFFEC00  }
0x85: {  	_ =	swait.ge [sflag:s26], $0x1400  }
0x86: {  	[sflag:s26] =	ssyncset.done $0x0  }
0x87: {  	s12 =	rddreg [dreg:$0x4];
	[sflag:s26] =	ssyncadd.s32 $0xFFFFEC00  }
0x88: {  	[hbm4b:s12+s2] =	stream.linear.scatter [tilespmem:s20], [sflag:$0x6], $0x1400, $0x38;
	[tilespmem:$0x7780] =	vst v63  }
0x89: {  	_ =	swait.ge [sflag:s28], $0x1400  }
0x8a: {  	[sflag:s28] =	ssyncset.done $0x0  }
0x8b: {  	[sflag:s28] =	ssyncadd.s32 $0xFFFFEC00  }
0x8c: {  	_ =	swait.ge [sflag:s31], $0x1400  }
0x8d: {  	s29 =	sadd.s32 $0x1, s29;
	s13 =	rddreg [dreg:$0x5]  }
0x8e: {  	p0 =	sne.s32 s29, s13  }
.Ltmp1:
0x8f: {  	_ = 	snop;
	(pc) =	sbr.rel @p0 .LBB2_1-.Ltmp1, $3  }
0x90: {  	_ =	sdelay $0x1  }
0x91: {  	[sflag:s31] =	ssyncset.done $0x0  }
0x92: {  	[sflag:s31] =	ssyncadd.s32 $0xFFFFEC00  }
0x93: {  	_ =	sfence.sel $0x180000  }
0x94: {  	[bflag:$0x0] =	sbarrier.arrive $0xFFFF  }
0x95: {  	_ =	strace $0x9000004D  }
0x96: {  	s0 =	stileid.u32;
	[bflag:$0x2] =	sbarrier.arrive $0xFFFF  }
0x97: {  	p0 =	sne.s32 s0, $0x0;
	s0 =	rddreg [dreg:$0x1]  }
0x98: {  	s0 =	sadd.s32 @!p0 $0x100000, s0  }
0x99: {  	[sflag:s0] =	ssyncadd.tile.s32 @!p0 $0x1;
	_ =	shalt  }
.Lfunc_end2:
_tile_overlayer_lowered:
.L_overlay_start_2:
0x9a: {  	(tag) =	ssettag $0x2  }
0x9b: {  	s0 =	rddreg [dreg:$0x0];
	s2 =	stileid.u32  }
0x9c: {  	s1 =	rddreg [dreg:$0x1];
	p0 =	sne.s32 s2, $0x0  }
0x9d: {  	s3 =	rddreg [dreg:$0x2];
	[bflag:$0x3] =	sbarrier.arrive $0xFFFF;
	s2 =	simm.s32 @!p0 $0x1C09  }
0x9e: {  	[timem:s3], [sflag:s2] =	dma.local @!p0 [hbm:s0], s1  }
0x9f: {  	s0 =	simm.s32 @!p0 $0x9  }
0xa0: {  	_ =	swait.ge @!p0 [sflag:s0], s1  }
0xa1: {  	s1 =	ssub.s32 @!p0 $0x0, s1;
	[sflag:s0] =	ssyncset.done @!p0 $0x0  }
0xa2: {  	[sflag:s0] =	ssyncadd.s32 @!p0 s1  }
0xa3: {  	[bflag:$0x3] =	sbarrier.arrive $0xFFFF  }
0xa4: {  	_ =	shalt  }

</sc_bundles>
